<compile_context>
chip_gen: v7x
topology: tpu7x:2x2x1
jax: 0.10.2.dev20260603
libtpu: 0.0.44.dev20260713+nightly
codegen_flags: <defaults>
</compile_context>

<pallas_src>
import functools

import jax
import jax.numpy as jnp
from jax import lax
from jax.experimental import pallas as pl
from jax.experimental.pallas import tpu as pltpu
from jax.experimental.pallas import tpu_sc as plsc

N = 10000
E = 320000
INC = 128
OUTC = 128
HID = 64
EPS = 1e-5

NC = 2
NS = 16
NW = NC * NS
LANES = 16

EX = 256000
EY = E - EX
GCH = 200
SCH = 640
RPT = OUTC // NS
NP = 10240

PR = 1000
BE = 1280

_SC_MESH = plsc.VectorSubcoreMesh(
    core_axis_name="c", subcore_axis_name="s", num_cores=NC, num_subcores=NS
)


def _prep_body(x_ref, gamma_ref, beta_ref, wd_ref, wb_ref, b1_ref,
               t_ref, scale_ref, shift_ref):
    i = pl.program_id(0)

    @pl.when(i == 0)
    def _():
        xv = x_ref[...]
        mean = jnp.mean(xv, axis=0, keepdims=True)
        var = jnp.mean((xv - mean) ** 2, axis=0, keepdims=True)
        scale = gamma_ref[...] * lax.rsqrt(var + EPS)
        scale_ref[...] = scale
        shift_ref[...] = beta_ref[...] - mean * scale

    rows = x_ref[pl.ds(i * PR, PR), :]
    xb = rows * scale_ref[...] + shift_ref[...]
    a = (jnp.dot(xb, wd_ref[...], preferred_element_type=jnp.float32)
         + b1_ref[...])
    b = jnp.dot(xb, wb_ref[...], preferred_element_type=jnp.float32)
    t_ref[...] = jnp.concatenate([a, b], axis=-1)


def _prep(x, gamma, beta, wdT, wbT, b1):
    return pl.pallas_call(
        _prep_body,
        grid=(N // PR,),
        in_specs=[
            pl.BlockSpec((N, INC), lambda i: (0, 0)),
            pl.BlockSpec((1, INC), lambda i: (0, 0)),
            pl.BlockSpec((1, INC), lambda i: (0, 0)),
            pl.BlockSpec((INC, HID), lambda i: (0, 0)),
            pl.BlockSpec((INC, HID), lambda i: (0, 0)),
            pl.BlockSpec((1, HID), lambda i: (0, 0)),
        ],
        out_specs=pl.BlockSpec((PR, 2 * HID), lambda i: (i, 0)),
        out_shape=jax.ShapeDtypeStruct((N, 2 * HID), jnp.float32),
        scratch_shapes=[
            pltpu.VMEM((1, INC), jnp.float32),
            pltpu.VMEM((1, INC), jnp.float32),
        ],
    )(x, gamma, beta, wdT, wbT, b1)


def _make_gather(ne):
    npairs = ne // 2
    epw = npairs // NW
    nch = epw // GCH
    assert nch * GCH * NW * 2 == ne and (epw % 8) == 0

    @functools.partial(
        pl.kernel,
        out_type=jax.ShapeDtypeStruct((npairs, 2 * HID), jnp.float32),
        mesh=_SC_MESH,
        scratch_types=[
            pltpu.VMEM((GCH,), jnp.int32),
            pltpu.VMEM((GCH,), jnp.int32),
            pltpu.VMEM((GCH,), jnp.int32),
            pltpu.VMEM((GCH,), jnp.int32),
            pltpu.VMEM((GCH, 2 * HID), jnp.float32),
            pltpu.VMEM((GCH, 2 * HID), jnp.float32),
            pltpu.VMEM((GCH, 2 * HID), jnp.float32),
            pltpu.VMEM((GCH, 2 * HID), jnp.float32),
            pltpu.SemaphoreType.DMA,
            pltpu.SemaphoreType.DMA,
            pltpu.SemaphoreType.DMA,
        ],
    )
    def gather(t_hbm, dst_hbm, src_hbm, h_hbm,
               d0, s0, d1, s1, td0, ts0, td1, ts1, semi, semg0, semg1):
        wid = lax.axis_index("s") * NC + lax.axis_index("c")
        base = wid * epw

        def chunk(c, _):
            off = base + c * GCH
            ci0 = pltpu.async_copy(dst_hbm.at[pl.ds(off, GCH)], d0, semi)
            ci1 = pltpu.async_copy(src_hbm.at[pl.ds(off, GCH)], s0, semi)
            ci2 = pltpu.async_copy(dst_hbm.at[pl.ds(off + npairs, GCH)], d1,
                                   semi)
            ci3 = pltpu.async_copy(src_hbm.at[pl.ds(off + npairs, GCH)], s1,
                                   semi)
            ci0.wait()
            ci1.wait()
            ci2.wait()
            ci3.wait()
            g0d = pltpu.async_copy(t_hbm.at[d0], td0, semg0)
            g0s = pltpu.async_copy(t_hbm.at[s0], ts0, semg0)
            g1d = pltpu.async_copy(t_hbm.at[d1], td1, semg1)
            g1s = pltpu.async_copy(t_hbm.at[s1], ts1, semg1)
            g0d.wait()
            g0s.wait()

            def row0(e, _):
                for j in range(HID // LANES):
                    va = td0[e, pl.ds(j * LANES, LANES)]
                    vb = ts0[e, pl.ds(HID + j * LANES, LANES)]
                    td0[e, pl.ds(j * LANES, LANES)] = jnp.maximum(va + vb, 0.0)
                return 0

            lax.fori_loop(0, GCH, row0, 0)
            g1d.wait()
            g1s.wait()

            def row1(e, _):
                for j in range(HID // LANES):
                    va = td1[e, pl.ds(j * LANES, LANES)]
                    vb = ts1[e, pl.ds(HID + j * LANES, LANES)]
                    td0[e, pl.ds(HID + j * LANES, LANES)] = (
                        jnp.maximum(va + vb, 0.0))
                return 0

            lax.fori_loop(0, GCH, row1, 0)
            pltpu.sync_copy(td0, h_hbm.at[pl.ds(off, GCH)])
            return 0

        lax.fori_loop(0, nch, chunk, 0)

    return gather


def _msg_body(h_ref, wc_ref, m_ref):
    m = jnp.dot(h_ref[...], wc_ref[...], preferred_element_type=jnp.float32)
    m_ref[0] = m[:, :OUTC].T
    m_ref[1] = m[:, OUTC:].T


def _msg(h2, wcomb):
    npairs = h2.shape[0]
    return pl.pallas_call(
        _msg_body,
        grid=(npairs // BE,),
        in_specs=[
            pl.BlockSpec((BE, 2 * HID), lambda i: (i, 0)),
            pl.BlockSpec((2 * HID, 2 * OUTC), lambda i: (0, 0)),
        ],
        out_specs=pl.BlockSpec((2, OUTC, BE), lambda i: (0, 0, i)),
        out_shape=jax.ShapeDtypeStruct((2, OUTC, npairs), jnp.float32),
    )(h2, wcomb)


def _make_scatter(ne):
    nsc = ne // 2
    npair2 = nsc // (2 * SCH)
    assert npair2 * 2 * SCH == nsc

    @functools.partial(
        pl.kernel,
        out_type=jax.ShapeDtypeStruct((2, OUTC, NP), jnp.float32),
        mesh=_SC_MESH,
        scratch_types=[
            pltpu.VMEM((RPT, NP), jnp.float32),
            pltpu.VMEM((SCH,), jnp.int32),
            pltpu.VMEM((SCH,), jnp.int32),
            pltpu.VMEM((RPT, SCH), jnp.float32),
            pltpu.VMEM((RPT, SCH), jnp.float32),
            pltpu.SemaphoreType.DMA,
            pltpu.SemaphoreType.DMA,
        ],
        compiler_params=pltpu.CompilerParams(needs_layout_passes=False),
    )
    def scatter(mt_hbm, dst_hbm, out_hbm,
                tab, ibuf0, ibuf1, mbuf0, mbuf1, semA, semB):
        cid = lax.axis_index("c")
        sid = lax.axis_index("s")
        r0 = sid * RPT

        neg_inf = jnp.full((LANES,), -jnp.inf, jnp.float32)

        def initk(k, _):
            for r in range(RPT):
                tab[r, pl.ds(k * LANES, LANES)] = neg_inf
            return 0

        lax.fori_loop(0, NP // LANES, initk, 0)

        ibufs = (ibuf0, ibuf1)
        mbufs = (mbuf0, mbuf1)
        sems = (semA, semB)

        def consume(ibuf, mbuf):
            def group(g, _):
                idx = ibuf[pl.ds(g * LANES, LANES)]
                _, last = plsc.scan_count(idx)
                all_distinct = jnp.all(last)

                def fast():
                    for r in range(RPT):
                        rvec = jnp.full((LANES,), r, jnp.int32)
                        val = mbuf[r, pl.ds(g * LANES, LANES)]
                        cur = plsc.load_gather(tab, [rvec, idx])
                        plsc.store_scatter(tab, [rvec, idx],
                                           jnp.maximum(cur, val))

                def slow():
                    for r in range(RPT):
                        rvec = jnp.full((LANES,), r, jnp.int32)
                        val = mbuf[r, pl.ds(g * LANES, LANES)]

                        def attempt(_):
                            cur = plsc.load_gather(tab, [rvec, idx])
                            need = val > cur
                            plsc.store_scatter(tab, [rvec, idx], val,
                                               mask=need)
                            cur2 = plsc.load_gather(tab, [rvec, idx])
                            return jnp.any(val > cur2)

                        lax.while_loop(lambda p: p, attempt, attempt(True))

                lax.cond(all_distinct, fast, slow)
                return 0

            lax.fori_loop(0, SCH // LANES, group, 0)

        def chunk2(cc, _):
            handles = []
            for sl in range(2):
                off = (2 * cc + sl) * SCH
                handles.append((
                    pltpu.async_copy(
                        dst_hbm.at[pl.ds(cid * nsc + off, SCH)], ibufs[sl],
                        sems[sl]),
                    pltpu.async_copy(
                        mt_hbm.at[cid, pl.ds(r0, RPT), pl.ds(off, SCH)],
                        mbufs[sl], sems[sl]),
                ))
            for sl in range(2):
                handles[sl][0].wait()
                handles[sl][1].wait()
                consume(ibufs[sl], mbufs[sl])
            return 0

        lax.fori_loop(0, npair2, chunk2, 0)
        pltpu.sync_copy(tab, out_hbm.at[cid, pl.ds(r0, RPT), :])

    return scatter


def _finish_body(tx_ref, ty_ref, b2_ref, o_ref):
    agg = jnp.maximum(jnp.maximum(tx_ref[0], tx_ref[1]),
                      jnp.maximum(ty_ref[0], ty_ref[1]))
    o_ref[...] = jnp.maximum(agg.T[:N, :] + b2_ref[...], 0.0)


def _finish(aggX, aggY, b2):
    return pl.pallas_call(
        _finish_body,
        out_shape=jax.ShapeDtypeStruct((N, OUTC), jnp.float32),
    )(aggX, aggY, b2)


_gather_x = _make_gather(EX)
_gather_y = _make_gather(EY)
_scatter_x = _make_scatter(EX)
_scatter_y = _make_scatter(EY)


def kernel(x, edge_index, gamma, beta, W1, b1, W2, b2):
    w1a = W1[:, :INC]
    w1b = W1[:, INC:]
    wdT = (w1a - w1b).T
    wbT = w1b.T
    w2T = W2.T
    zero = jnp.zeros((HID, OUTC), jnp.float32)
    wcomb = jnp.block([[w2T, zero], [zero, w2T]])
    src = edge_index[0]
    dst = edge_index[1]
    dst_x, dst_y = dst[:EX], dst[EX:]
    src_x, src_y = src[:EX], src[EX:]

    t_tab = _prep(x, gamma.reshape(1, -1), beta.reshape(1, -1),
                  wdT, wbT, b1.reshape(1, -1))
    h2x = _gather_x(t_tab, dst_x, src_x)
    mtx = _msg(h2x, wcomb)
    h2y = _gather_y(t_tab, dst_y, src_y)
    aggX = _scatter_x(mtx, dst_x)
    mty = _msg(h2y, wcomb)
    aggY = _scatter_y(mty, dst_y)
    return _finish(aggX, aggY, b2.reshape(1, -1))

# --- scband reference (transcript-rebuilt; emitter-appended) ---
"""Pipeline reference for scband-my-edge-conv-block-19473381720811 (READ-ONLY COPY).

The authoritative reference and input builder live on the scoring server;
editing this copy changes nothing except your own understanding.
"""

import jax, jax.numpy as jnp
import numpy as np

N = 10000
E = 320000
IN_C = 128
OUT_C = 128
HID = 64
BN_EPS = 1e-5


def setup_inputs(seed: int = 0) -> dict:
    key = jax.random.key(seed)
    ks = jax.random.split(key, 8)
    x = jax.random.normal(ks[0], (N, IN_C), dtype=jnp.float32)
    edge_index = jax.random.randint(ks[1], (2, E), 0, N, dtype=jnp.int32)
    # BatchNorm1d affine parameters (PyTorch init: gamma=1, beta=0)
    gamma = jnp.ones((IN_C,), dtype=jnp.float32)
    beta = jnp.zeros((IN_C,), dtype=jnp.float32)
    # EdgeConv MLP: Linear(2*in, hid) -> ReLU -> (dropout, identity at eval) -> Linear(hid, out)
    lim1 = 1.0 / np.sqrt(2 * IN_C)
    W1 = jax.random.uniform(ks[2], (HID, 2 * IN_C), minval=-lim1, maxval=lim1, dtype=jnp.float32)
    b1 = jax.random.uniform(ks[3], (HID,), minval=-lim1, maxval=lim1, dtype=jnp.float32)
    lim2 = 1.0 / np.sqrt(HID)
    W2 = jax.random.uniform(ks[4], (OUT_C, HID), minval=-lim2, maxval=lim2, dtype=jnp.float32)
    b2 = jax.random.uniform(ks[5], (OUT_C,), minval=-lim2, maxval=lim2, dtype=jnp.float32)
    return {"x": x, "edge_index": edge_index, "gamma": gamma, "beta": beta,
            "W1": W1, "b1": b1, "W2": W2, "b2": b2}


def reference(x, edge_index, gamma, beta, W1, b1, W2, b2):
    # BatchNorm1d (training-mode batch statistics, deterministic)
    mean = jnp.mean(x, axis=0)
    var = jnp.var(x, axis=0)
    xh = (x - mean) / jnp.sqrt(var + BN_EPS)
    xb = gamma * xh + beta

    # EdgeConv: message MLP on [x_i, x_j - x_i], max aggregation over incoming edges
    src = edge_index[0]
    dst = edge_index[1]
    x_i = jnp.take(xb, dst, axis=0)          # target node features  [E, IN_C]
    x_j = jnp.take(xb, src, axis=0)          # source node features  [E, IN_C]
    feat = jnp.concatenate([x_i, x_j - x_i], axis=1)  # [E, 2*IN_C]
    h = jax.nn.relu(feat @ W1.T + b1)        # [E, HID]
    msg = h @ W2.T + b2                      # [E, OUT_C]
    agg = jax.ops.segment_max(msg, dst, num_segments=N)  # [N, OUT_C]
    agg = jnp.where(jnp.isfinite(agg), agg, 0.0)  # isolated nodes -> 0

    # final ReLU from the block
    return jax.nn.relu(agg)

if __name__ == "__main__":
    import jax
    _d = setup_inputs()
    print(jax.jit(kernel)(*tuple(_d.values())))

</pallas_src>

<mosaic_0001>
#map = affine_map<(d0, d1) -> (0, 0)>
#map1 = affine_map<(d0, d1) -> (0)>
module attributes {stable_mosaic.version = 14 : i64} {
  func.func @gather(%arg0: i32, %arg1: i32, %arg2: memref<10000x128xf32, #tpu.memory_space<hbm>>, %arg3: memref<256000xi32, #tpu.memory_space<hbm>>, %arg4: memref<256000xi32, #tpu.memory_space<hbm>>, %arg5: memref<128000x128xf32, #tpu.memory_space<hbm>>, %arg6: memref<200xi32, #tpu.memory_space<vmem>>, %arg7: memref<200xi32, #tpu.memory_space<vmem>>, %arg8: memref<200xi32, #tpu.memory_space<vmem>>, %arg9: memref<200xi32, #tpu.memory_space<vmem>>, %arg10: memref<200x128xf32, #tpu.memory_space<vmem>>, %arg11: memref<200x128xf32, #tpu.memory_space<vmem>>, %arg12: memref<200x128xf32, #tpu.memory_space<vmem>>, %arg13: memref<200x128xf32, #tpu.memory_space<vmem>>, %arg14: memref<!tpu.dma_semaphore, #tpu.memory_space<semaphore_mem>>, %arg15: memref<!tpu.dma_semaphore, #tpu.memory_space<semaphore_mem>>, %arg16: memref<!tpu.dma_semaphore, #tpu.memory_space<semaphore_mem>>) attributes {dimension_semantics = [#tpu.dimension_semantics<core_parallel>, #tpu.dimension_semantics<subcore_parallel>], iteration_bounds = array<i64: 2, 16>, scalar_prefetch = 0 : i64, scratch_operands = 11 : i64, tpu.core_type = #tpu.core_type<sc_vector_subcore>, window_params = [{transform_indices = #map}, {transform_indices = #map1}, {transform_indices = #map1}, {transform_indices = #map}]} {
    %mul3A = arith.constant 2 : i32
    %mul3A_0 = arith.muli %arg1, %mul3A : i32
    %add3A = arith.addi %mul3A_0, %arg0 : i32
    %mul3A_1 = arith.constant 4000 : i32
    %mul3A_2 = arith.muli %add3A, %mul3A_1 : i32
    %scan3A = arith.constant 0 : i32
    %scan3A_3 = arith.constant 0 : i32
    %scan3A_4 = arith.constant 20 : i32
    %scan3A_5 = arith.addi %scan3A_3, %scan3A_4 : i32
    %scan3A_6 = arith.constant 1 : i32
    %scan3A_7 = scf.for %scan3A_9 = %scan3A_3 to %scan3A_5 step %scan3A_6 iter_args(%scan3A_10 = %scan3A) -> (i32)  : i32 {
      %mul3A_11 = arith.constant 200 : i32
      %mul3A_12 = arith.muli %scan3A_9, %mul3A_11 : i32
      %add3A_13 = arith.addi %mul3A_2, %mul3A_12 : i32
      %dma_start3A = tpu.memref_slice %arg3[%add3A_13] : memref<256000xi32, #tpu.memory_space<hbm>> -> memref<200xi32, #tpu.memory_space<hbm>>
      %dma_start3A_14 = tpu.memref_slice %arg3[%add3A_13] : memref<256000xi32, #tpu.memory_space<hbm>> -> memref<200xi32, #tpu.memory_space<hbm>>
      tpu.enqueue_dma source(%dma_start3A_14 : memref<200xi32, #tpu.memory_space<hbm>>) target(%arg6 : memref<200xi32, #tpu.memory_space<vmem>>) target_semaphore(%arg14 : memref<!tpu.dma_semaphore, #tpu.memory_space<semaphore_mem>>)
      %dma_start3A_15 = tpu.memref_slice %arg4[%add3A_13] : memref<256000xi32, #tpu.memory_space<hbm>> -> memref<200xi32, #tpu.memory_space<hbm>>
      %dma_start3A_16 = tpu.memref_slice %arg4[%add3A_13] : memref<256000xi32, #tpu.memory_space<hbm>> -> memref<200xi32, #tpu.memory_space<hbm>>
      tpu.enqueue_dma source(%dma_start3A_16 : memref<200xi32, #tpu.memory_space<hbm>>) target(%arg7 : memref<200xi32, #tpu.memory_space<vmem>>) target_semaphore(%arg14 : memref<!tpu.dma_semaphore, #tpu.memory_space<semaphore_mem>>)
      %add3A_17 = arith.constant 128000 : i32
      %add3A_18 = arith.addi %add3A_13, %add3A_17 : i32
      %dma_start3A_19 = tpu.memref_slice %arg3[%add3A_18] : memref<256000xi32, #tpu.memory_space<hbm>> -> memref<200xi32, #tpu.memory_space<hbm>>
      %dma_start3A_20 = tpu.memref_slice %arg3[%add3A_18] : memref<256000xi32, #tpu.memory_space<hbm>> -> memref<200xi32, #tpu.memory_space<hbm>>
      tpu.enqueue_dma source(%dma_start3A_20 : memref<200xi32, #tpu.memory_space<hbm>>) target(%arg8 : memref<200xi32, #tpu.memory_space<vmem>>) target_semaphore(%arg14 : memref<!tpu.dma_semaphore, #tpu.memory_space<semaphore_mem>>)
      %add3A_21 = arith.constant 128000 : i32
      %add3A_22 = arith.addi %add3A_13, %add3A_21 : i32
      %dma_start3A_23 = tpu.memref_slice %arg4[%add3A_22] : memref<256000xi32, #tpu.memory_space<hbm>> -> memref<200xi32, #tpu.memory_space<hbm>>
      %dma_start3A_24 = tpu.memref_slice %arg4[%add3A_22] : memref<256000xi32, #tpu.memory_space<hbm>> -> memref<200xi32, #tpu.memory_space<hbm>>
      tpu.enqueue_dma source(%dma_start3A_24 : memref<200xi32, #tpu.memory_space<hbm>>) target(%arg9 : memref<200xi32, #tpu.memory_space<vmem>>) target_semaphore(%arg14 : memref<!tpu.dma_semaphore, #tpu.memory_space<semaphore_mem>>)
      %dma_wait3A = tpu.memref_slice %arg3[%add3A_13] : memref<256000xi32, #tpu.memory_space<hbm>> -> memref<200xi32, #tpu.memory_space<hbm>>
      %dma_wait3A_25 = tpu.memref_slice %arg3[%add3A_13] : memref<256000xi32, #tpu.memory_space<hbm>> -> memref<200xi32, #tpu.memory_space<hbm>>
      tpu.wait_dma2 semaphore(%arg14 : memref<!tpu.dma_semaphore, #tpu.memory_space<semaphore_mem>>) src(%dma_wait3A_25 : memref<200xi32, #tpu.memory_space<hbm>>) dst(%arg6 : memref<200xi32, #tpu.memory_space<vmem>>)
      %dma_wait3A_26 = tpu.memref_slice %arg4[%add3A_13] : memref<256000xi32, #tpu.memory_space<hbm>> -> memref<200xi32, #tpu.memory_space<hbm>>
      %dma_wait3A_27 = tpu.memref_slice %arg4[%add3A_13] : memref<256000xi32, #tpu.memory_space<hbm>> -> memref<200xi32, #tpu.memory_space<hbm>>
      tpu.wait_dma2 semaphore(%arg14 : memref<!tpu.dma_semaphore, #tpu.memory_space<semaphore_mem>>) src(%dma_wait3A_27 : memref<200xi32, #tpu.memory_space<hbm>>) dst(%arg7 : memref<200xi32, #tpu.memory_space<vmem>>)
      %dma_wait3A_28 = tpu.memref_slice %arg3[%add3A_18] : memref<256000xi32, #tpu.memory_space<hbm>> -> memref<200xi32, #tpu.memory_space<hbm>>
      %dma_wait3A_29 = tpu.memref_slice %arg3[%add3A_18] : memref<256000xi32, #tpu.memory_space<hbm>> -> memref<200xi32, #tpu.memory_space<hbm>>
      tpu.wait_dma2 semaphore(%arg14 : memref<!tpu.dma_semaphore, #tpu.memory_space<semaphore_mem>>) src(%dma_wait3A_29 : memref<200xi32, #tpu.memory_space<hbm>>) dst(%arg8 : memref<200xi32, #tpu.memory_space<vmem>>)
      %dma_wait3A_30 = tpu.memref_slice %arg4[%add3A_22] : memref<256000xi32, #tpu.memory_space<hbm>> -> memref<200xi32, #tpu.memory_space<hbm>>
      %dma_wait3A_31 = tpu.memref_slice %arg4[%add3A_22] : memref<256000xi32, #tpu.memory_space<hbm>> -> memref<200xi32, #tpu.memory_space<hbm>>
      tpu.wait_dma2 semaphore(%arg14 : memref<!tpu.dma_semaphore, #tpu.memory_space<semaphore_mem>>) src(%dma_wait3A_31 : memref<200xi32, #tpu.memory_space<hbm>>) dst(%arg9 : memref<200xi32, #tpu.memory_space<vmem>>)
      %dma_start3A_32 = arith.constant 0 : i32
      %dma_start3A_33 = arith.constant 0 : i32
      %dma_start3A_34 = tpu.memref_slice %arg2[%dma_start3A_32, %dma_start3A_33] : memref<10000x128xf32, #tpu.memory_space<hbm>> -> memref<10000x128xf32, #tpu.memory_space<hbm>>
      tpu.enqueue_indirect_dma source(%dma_start3A_34 : memref<10000x128xf32, #tpu.memory_space<hbm>>) target(%arg10 : memref<200x128xf32, #tpu.memory_space<vmem>>) offsets(%arg6 : memref<200xi32, #tpu.memory_space<vmem>>) semaphore(%arg15 : memref<!tpu.dma_semaphore, #tpu.memory_space<semaphore_mem>>)
      %dma_start3A_35 = arith.constant 0 : i32
      %dma_start3A_36 = arith.constant 0 : i32
      %dma_start3A_37 = tpu.memref_slice %arg2[%dma_start3A_35, %dma_start3A_36] : memref<10000x128xf32, #tpu.memory_space<hbm>> -> memref<10000x128xf32, #tpu.memory_space<hbm>>
      tpu.enqueue_indirect_dma source(%dma_start3A_37 : memref<10000x128xf32, #tpu.memory_space<hbm>>) target(%arg11 : memref<200x128xf32, #tpu.memory_space<vmem>>) offsets(%arg7 : memref<200xi32, #tpu.memory_space<vmem>>) semaphore(%arg15 : memref<!tpu.dma_semaphore, #tpu.memory_space<semaphore_mem>>)
      %dma_start3A_38 = arith.constant 0 : i32
      %dma_start3A_39 = arith.constant 0 : i32
      %dma_start3A_40 = tpu.memref_slice %arg2[%dma_start3A_38, %dma_start3A_39] : memref<10000x128xf32, #tpu.memory_space<hbm>> -> memref<10000x128xf32, #tpu.memory_space<hbm>>
      tpu.enqueue_indirect_dma source(%dma_start3A_40 : memref<10000x128xf32, #tpu.memory_space<hbm>>) target(%arg12 : memref<200x128xf32, #tpu.memory_space<vmem>>) offsets(%arg8 : memref<200xi32, #tpu.memory_space<vmem>>) semaphore(%arg16 : memref<!tpu.dma_semaphore, #tpu.memory_space<semaphore_mem>>)
      %dma_start3A_41 = arith.constant 0 : i32
      %dma_start3A_42 = arith.constant 0 : i32
      %dma_start3A_43 = tpu.memref_slice %arg2[%dma_start3A_41, %dma_start3A_42] : memref<10000x128xf32, #tpu.memory_space<hbm>> -> memref<10000x128xf32, #tpu.memory_space<hbm>>
      tpu.enqueue_indirect_dma source(%dma_start3A_43 : memref<10000x128xf32, #tpu.memory_space<hbm>>) target(%arg13 : memref<200x128xf32, #tpu.memory_space<vmem>>) offsets(%arg9 : memref<200xi32, #tpu.memory_space<vmem>>) semaphore(%arg16 : memref<!tpu.dma_semaphore, #tpu.memory_space<semaphore_mem>>)
      %dma_wait3A_44 = arith.constant 0 : i32
      %dma_wait3A_45 = arith.constant 0 : i32
      %dma_wait3A_46 = tpu.memref_slice %arg2[%dma_wait3A_44, %dma_wait3A_45] : memref<10000x128xf32, #tpu.memory_space<hbm>> -> memref<10000x128xf32, #tpu.memory_space<hbm>>
      tpu.wait_indirect_dma semaphore(%arg15 : memref<!tpu.dma_semaphore, #tpu.memory_space<semaphore_mem>>) src(%dma_wait3A_46 : memref<10000x128xf32, #tpu.memory_space<hbm>>) dst(%arg10 : memref<200x128xf32, #tpu.memory_space<vmem>>)
      %dma_wait3A_47 = arith.constant 0 : i32
      %dma_wait3A_48 = arith.constant 0 : i32
      %dma_wait3A_49 = tpu.memref_slice %arg2[%dma_wait3A_47, %dma_wait3A_48] : memref<10000x128xf32, #tpu.memory_space<hbm>> -> memref<10000x128xf32, #tpu.memory_space<hbm>>
      tpu.wait_indirect_dma semaphore(%arg15 : memref<!tpu.dma_semaphore, #tpu.memory_space<semaphore_mem>>) src(%dma_wait3A_49 : memref<10000x128xf32, #tpu.memory_space<hbm>>) dst(%arg11 : memref<200x128xf32, #tpu.memory_space<vmem>>)
      %scan3A_50 = arith.constant 0 : i32
      %scan3A_51 = arith.constant 0 : i32
      %scan3A_52 = arith.constant 200 : i32
      %scan3A_53 = arith.addi %scan3A_51, %scan3A_52 : i32
      %scan3A_54 = arith.constant 1 : i32
      %scan3A_55 = scf.for %scan3A_71 = %scan3A_51 to %scan3A_53 step %scan3A_54 iter_args(%scan3A_72 = %scan3A_50) -> (i32)  : i32 {
        %get3A = arith.index_cast %scan3A_71 : i32 to index
        %get3A_73 = arith.constant 0 : index
        %get3A_74 = tpu.vector_load %arg10[%get3A, %get3A_73] {strides = array<i32>} : memref<200x128xf32, #tpu.memory_space<vmem>>, vector<1x16xf32>,
        %get3A_75 = vector.shape_cast %get3A_74 : vector<1x16xf32> to vector<16xf32>
        %get3A_76 = arith.index_cast %scan3A_71 : i32 to index
        %get3A_77 = arith.constant 64 : index
        %get3A_78 = tpu.vector_load %arg11[%get3A_76, %get3A_77] {strides = array<i32>} : memref<200x128xf32, #tpu.memory_space<vmem>>, vector<1x16xf32>,
        %get3A_79 = vector.shape_cast %get3A_78 : vector<1x16xf32> to vector<16xf32>
        %add3A_80 = arith.addf %get3A_75, %get3A_79 : vector<16xf32>
        %max3A = arith.constant 0.000000e+00 : f32
        %max3A_81 = vector.broadcast %max3A : f32 to vector<16xf32>
        %max3A_82 = arith.maximumf %add3A_80, %max3A_81 : vector<16xf32>
        %swap3A = arith.index_cast %scan3A_71 : i32 to index
        %swap3A_83 = arith.constant 0 : index
        %swap3A_84 = tpu.vector_load %arg10[%swap3A, %swap3A_83] {strides = array<i32>} : memref<200x128xf32, #tpu.memory_space<vmem>>, vector<1x16xf32>,
        %swap3A_85 = vector.shape_cast %swap3A_84 : vector<1x16xf32> to vector<16xf32>
        %swap3A_86 = vector.shape_cast %max3A_82 : vector<16xf32> to vector<1x16xf32>
        tpu.vector_store %arg10[%swap3A, %swap3A_83], %swap3A_86 {strides = array<i32>} : memref<200x128xf32, #tpu.memory_space<vmem>>, vector<1x16xf32>,
        %get3A_87 = arith.index_cast %scan3A_71 : i32 to index
        %get3A_88 = arith.constant 16 : index
        %get3A_89 = tpu.vector_load %arg10[%get3A_87, %get3A_88] {strides = array<i32>} : memref<200x128xf32, #tpu.memory_space<vmem>>, vector<1x16xf32>,
        %get3A_90 = vector.shape_cast %get3A_89 : vector<1x16xf32> to vector<16xf32>
        %get3A_91 = arith.index_cast %scan3A_71 : i32 to index
        %get3A_92 = arith.constant 80 : index
        %get3A_93 = tpu.vector_load %arg11[%get3A_91, %get3A_92] {strides = array<i32>} : memref<200x128xf32, #tpu.memory_space<vmem>>, vector<1x16xf32>,
        %get3A_94 = vector.shape_cast %get3A_93 : vector<1x16xf32> to vector<16xf32>
        %add3A_95 = arith.addf %get3A_90, %get3A_94 : vector<16xf32>
        %max3A_96 = arith.constant 0.000000e+00 : f32
        %max3A_97 = vector.broadcast %max3A_96 : f32 to vector<16xf32>
        %max3A_98 = arith.maximumf %add3A_95, %max3A_97 : vector<16xf32>
        %swap3A_99 = arith.index_cast %scan3A_71 : i32 to index
        %swap3A_100 = arith.constant 16 : index
        %swap3A_101 = tpu.vector_load %arg10[%swap3A_99, %swap3A_100] {strides = array<i32>} : memref<200x128xf32, #tpu.memory_space<vmem>>, vector<1x16xf32>,
        %swap3A_102 = vector.shape_cast %swap3A_101 : vector<1x16xf32> to vector<16xf32>
        %swap3A_103 = vector.shape_cast %max3A_98 : vector<16xf32> to vector<1x16xf32>
        tpu.vector_store %arg10[%swap3A_99, %swap3A_100], %swap3A_103 {strides = array<i32>} : memref<200x128xf32, #tpu.memory_space<vmem>>, vector<1x16xf32>,
        %get3A_104 = arith.index_cast %scan3A_71 : i32 to index
        %get3A_105 = arith.constant 32 : index
        %get3A_106 = tpu.vector_load %arg10[%get3A_104, %get3A_105] {strides = array<i32>} : memref<200x128xf32, #tpu.memory_space<vmem>>, vector<1x16xf32>,
        %get3A_107 = vector.shape_cast %get3A_106 : vector<1x16xf32> to vector<16xf32>
        %get3A_108 = arith.index_cast %scan3A_71 : i32 to index
        %get3A_109 = arith.constant 96 : index
        %get3A_110 = tpu.vector_load %arg11[%get3A_108, %get3A_109] {strides = array<i32>} : memref<200x128xf32, #tpu.memory_space<vmem>>, vector<1x16xf32>,
        %get3A_111 = vector.shape_cast %get3A_110 : vector<1x16xf32> to vector<16xf32>
        %add3A_112 = arith.addf %get3A_107, %get3A_111 : vector<16xf32>
        %max3A_113 = arith.constant 0.000000e+00 : f32
        %max3A_114 = vector.broadcast %max3A_113 : f32 to vector<16xf32>
        %max3A_115 = arith.maximumf %add3A_112, %max3A_114 : vector<16xf32>
        %swap3A_116 = arith.index_cast %scan3A_71 : i32 to index
        %swap3A_117 = arith.constant 32 : index
        %swap3A_118 = tpu.vector_load %arg10[%swap3A_116, %swap3A_117] {strides = array<i32>} : memref<200x128xf32, #tpu.memory_space<vmem>>, vector<1x16xf32>,
        %swap3A_119 = vector.shape_cast %swap3A_118 : vector<1x16xf32> to vector<16xf32>
        %swap3A_120 = vector.shape_cast %max3A_115 : vector<16xf32> to vector<1x16xf32>
        tpu.vector_store %arg10[%swap3A_116, %swap3A_117], %swap3A_120 {strides = array<i32>} : memref<200x128xf32, #tpu.memory_space<vmem>>, vector<1x16xf32>,
        %get3A_121 = arith.index_cast %scan3A_71 : i32 to index
        %get3A_122 = arith.constant 48 : index
        %get3A_123 = tpu.vector_load %arg10[%get3A_121, %get3A_122] {strides = array<i32>} : memref<200x128xf32, #tpu.memory_space<vmem>>, vector<1x16xf32>,
        %get3A_124 = vector.shape_cast %get3A_123 : vector<1x16xf32> to vector<16xf32>
        %get3A_125 = arith.index_cast %scan3A_71 : i32 to index
        %get3A_126 = arith.constant 112 : index
        %get3A_127 = tpu.vector_load %arg11[%get3A_125, %get3A_126] {strides = array<i32>} : memref<200x128xf32, #tpu.memory_space<vmem>>, vector<1x16xf32>,
        %get3A_128 = vector.shape_cast %get3A_127 : vector<1x16xf32> to vector<16xf32>
        %add3A_129 = arith.addf %get3A_124, %get3A_128 : vector<16xf32>
        %max3A_130 = arith.constant 0.000000e+00 : f32
        %max3A_131 = vector.broadcast %max3A_130 : f32 to vector<16xf32>
        %max3A_132 = arith.maximumf %add3A_129, %max3A_131 : vector<16xf32>
        %swap3A_133 = arith.index_cast %scan3A_71 : i32 to index
        %swap3A_134 = arith.constant 48 : index
        %swap3A_135 = tpu.vector_load %arg10[%swap3A_133, %swap3A_134] {strides = array<i32>} : memref<200x128xf32, #tpu.memory_space<vmem>>, vector<1x16xf32>,
        %swap3A_136 = vector.shape_cast %swap3A_135 : vector<1x16xf32> to vector<16xf32>
        %swap3A_137 = vector.shape_cast %max3A_132 : vector<16xf32> to vector<1x16xf32>
        tpu.vector_store %arg10[%swap3A_133, %swap3A_134], %swap3A_137 {strides = array<i32>} : memref<200x128xf32, #tpu.memory_space<vmem>>, vector<1x16xf32>,
        %scan3A_138 = arith.constant 0 : i32
        scf.yield %scan3A_138 : i32
      }
      %scan3A_56 = arith.constant 200 : i32
      %dma_wait3A_57 = arith.constant 0 : i32
      %dma_wait3A_58 = arith.constant 0 : i32
      %dma_wait3A_59 = tpu.memref_slice %arg2[%dma_wait3A_57, %dma_wait3A_58] : memref<10000x128xf32, #tpu.memory_space<hbm>> -> memref<10000x128xf32, #tpu.memory_space<hbm>>
      tpu.wait_indirect_dma semaphore(%arg16 : memref<!tpu.dma_semaphore, #tpu.memory_space<semaphore_mem>>) src(%dma_wait3A_59 : memref<10000x128xf32, #tpu.memory_space<hbm>>) dst(%arg12 : memref<200x128xf32, #tpu.memory_space<vmem>>)
      %dma_wait3A_60 = arith.constant 0 : i32
      %dma_wait3A_61 = arith.constant 0 : i32
      %dma_wait3A_62 = tpu.memref_slice %arg2[%dma_wait3A_60, %dma_wait3A_61] : memref<10000x128xf32, #tpu.memory_space<hbm>> -> memref<10000x128xf32, #tpu.memory_space<hbm>>
      tpu.wait_indirect_dma semaphore(%arg16 : memref<!tpu.dma_semaphore, #tpu.memory_space<semaphore_mem>>) src(%dma_wait3A_62 : memref<10000x128xf32, #tpu.memory_space<hbm>>) dst(%arg13 : memref<200x128xf32, #tpu.memory_space<vmem>>)
      %scan3A_63 = arith.constant 0 : i32
      %scan3A_64 = arith.constant 0 : i32
      %scan3A_65 = arith.constant 200 : i32
      %scan3A_66 = arith.addi %scan3A_64, %scan3A_65 : i32
      %scan3A_67 = arith.constant 1 : i32
      %scan3A_68 = scf.for %scan3A_71 = %scan3A_64 to %scan3A_66 step %scan3A_67 iter_args(%scan3A_72 = %scan3A_63) -> (i32)  : i32 {
        %get3A = arith.index_cast %scan3A_71 : i32 to index
        %get3A_73 = arith.constant 0 : index
        %get3A_74 = tpu.vector_load %arg12[%get3A, %get3A_73] {strides = array<i32>} : memref<200x128xf32, #tpu.memory_space<vmem>>, vector<1x16xf32>,
        %get3A_75 = vector.shape_cast %get3A_74 : vector<1x16xf32> to vector<16xf32>
        %get3A_76 = arith.index_cast %scan3A_71 : i32 to index
        %get3A_77 = arith.constant 64 : index
        %get3A_78 = tpu.vector_load %arg13[%get3A_76, %get3A_77] {strides = array<i32>} : memref<200x128xf32, #tpu.memory_space<vmem>>, vector<1x16xf32>,
        %get3A_79 = vector.shape_cast %get3A_78 : vector<1x16xf32> to vector<16xf32>
        %add3A_80 = arith.addf %get3A_75, %get3A_79 : vector<16xf32>
        %max3A = arith.constant 0.000000e+00 : f32
        %max3A_81 = vector.broadcast %max3A : f32 to vector<16xf32>
        %max3A_82 = arith.maximumf %add3A_80, %max3A_81 : vector<16xf32>
        %swap3A = arith.index_cast %scan3A_71 : i32 to index
        %swap3A_83 = arith.constant 64 : index
        %swap3A_84 = tpu.vector_load %arg10[%swap3A, %swap3A_83] {strides = array<i32>} : memref<200x128xf32, #tpu.memory_space<vmem>>, vector<1x16xf32>,
        %swap3A_85 = vector.shape_cast %swap3A_84 : vector<1x16xf32> to vector<16xf32>
        %swap3A_86 = vector.shape_cast %max3A_82 : vector<16xf32> to vector<1x16xf32>
        tpu.vector_store %arg10[%swap3A, %swap3A_83], %swap3A_86 {strides = array<i32>} : memref<200x128xf32, #tpu.memory_space<vmem>>, vector<1x16xf32>,
        %get3A_87 = arith.index_cast %scan3A_71 : i32 to index
        %get3A_88 = arith.constant 16 : index
        %get3A_89 = tpu.vector_load %arg12[%get3A_87, %get3A_88] {strides = array<i32>} : memref<200x128xf32, #tpu.memory_space<vmem>>, vector<1x16xf32>,
        %get3A_90 = vector.shape_cast %get3A_89 : vector<1x16xf32> to vector<16xf32>
        %get3A_91 = arith.index_cast %scan3A_71 : i32 to index
        %get3A_92 = arith.constant 80 : index
        %get3A_93 = tpu.vector_load %arg13[%get3A_91, %get3A_92] {strides = array<i32>} : memref<200x128xf32, #tpu.memory_space<vmem>>, vector<1x16xf32>,
        %get3A_94 = vector.shape_cast %get3A_93 : vector<1x16xf32> to vector<16xf32>
        %add3A_95 = arith.addf %get3A_90, %get3A_94 : vector<16xf32>
        %max3A_96 = arith.constant 0.000000e+00 : f32
        %max3A_97 = vector.broadcast %max3A_96 : f32 to vector<16xf32>
        %max3A_98 = arith.maximumf %add3A_95, %max3A_97 : vector<16xf32>
        %swap3A_99 = arith.index_cast %scan3A_71 : i32 to index
        %swap3A_100 = arith.constant 80 : index
        %swap3A_101 = tpu.vector_load %arg10[%swap3A_99, %swap3A_100] {strides = array<i32>} : memref<200x128xf32, #tpu.memory_space<vmem>>, vector<1x16xf32>,
        %swap3A_102 = vector.shape_cast %swap3A_101 : vector<1x16xf32> to vector<16xf32>
        %swap3A_103 = vector.shape_cast %max3A_98 : vector<16xf32> to vector<1x16xf32>
        tpu.vector_store %arg10[%swap3A_99, %swap3A_100], %swap3A_103 {strides = array<i32>} : memref<200x128xf32, #tpu.memory_space<vmem>>, vector<1x16xf32>,
        %get3A_104 = arith.index_cast %scan3A_71 : i32 to index
        %get3A_105 = arith.constant 32 : index
        %get3A_106 = tpu.vector_load %arg12[%get3A_104, %get3A_105] {strides = array<i32>} : memref<200x128xf32, #tpu.memory_space<vmem>>, vector<1x16xf32>,
        %get3A_107 = vector.shape_cast %get3A_106 : vector<1x16xf32> to vector<16xf32>
        %get3A_108 = arith.index_cast %scan3A_71 : i32 to index
        %get3A_109 = arith.constant 96 : index
        %get3A_110 = tpu.vector_load %arg13[%get3A_108, %get3A_109] {strides = array<i32>} : memref<200x128xf32, #tpu.memory_space<vmem>>, vector<1x16xf32>,
        %get3A_111 = vector.shape_cast %get3A_110 : vector<1x16xf32> to vector<16xf32>
        %add3A_112 = arith.addf %get3A_107, %get3A_111 : vector<16xf32>
        %max3A_113 = arith.constant 0.000000e+00 : f32
        %max3A_114 = vector.broadcast %max3A_113 : f32 to vector<16xf32>
        %max3A_115 = arith.maximumf %add3A_112, %max3A_114 : vector<16xf32>
        %swap3A_116 = arith.index_cast %scan3A_71 : i32 to index
        %swap3A_117 = arith.constant 96 : index
        %swap3A_118 = tpu.vector_load %arg10[%swap3A_116, %swap3A_117] {strides = array<i32>} : memref<200x128xf32, #tpu.memory_space<vmem>>, vector<1x16xf32>,
        %swap3A_119 = vector.shape_cast %swap3A_118 : vector<1x16xf32> to vector<16xf32>
        %swap3A_120 = vector.shape_cast %max3A_115 : vector<16xf32> to vector<1x16xf32>
        tpu.vector_store %arg10[%swap3A_116, %swap3A_117], %swap3A_120 {strides = array<i32>} : memref<200x128xf32, #tpu.memory_space<vmem>>, vector<1x16xf32>,
        %get3A_121 = arith.index_cast %scan3A_71 : i32 to index
        %get3A_122 = arith.constant 48 : index
        %get3A_123 = tpu.vector_load %arg12[%get3A_121, %get3A_122] {strides = array<i32>} : memref<200x128xf32, #tpu.memory_space<vmem>>, vector<1x16xf32>,
        %get3A_124 = vector.shape_cast %get3A_123 : vector<1x16xf32> to vector<16xf32>
        %get3A_125 = arith.index_cast %scan3A_71 : i32 to index
        %get3A_126 = arith.constant 112 : index
        %get3A_127 = tpu.vector_load %arg13[%get3A_125, %get3A_126] {strides = array<i32>} : memref<200x128xf32, #tpu.memory_space<vmem>>, vector<1x16xf32>,
        %get3A_128 = vector.shape_cast %get3A_127 : vector<1x16xf32> to vector<16xf32>
        %add3A_129 = arith.addf %get3A_124, %get3A_128 : vector<16xf32>
        %max3A_130 = arith.constant 0.000000e+00 : f32
        %max3A_131 = vector.broadcast %max3A_130 : f32 to vector<16xf32>
        %max3A_132 = arith.maximumf %add3A_129, %max3A_131 : vector<16xf32>
        %swap3A_133 = arith.index_cast %scan3A_71 : i32 to index
        %swap3A_134 = arith.constant 112 : index
        %swap3A_135 = tpu.vector_load %arg10[%swap3A_133, %swap3A_134] {strides = array<i32>} : memref<200x128xf32, #tpu.memory_space<vmem>>, vector<1x16xf32>,
        %swap3A_136 = vector.shape_cast %swap3A_135 : vector<1x16xf32> to vector<16xf32>
        %swap3A_137 = vector.shape_cast %max3A_132 : vector<16xf32> to vector<1x16xf32>
        tpu.vector_store %arg10[%swap3A_133, %swap3A_134], %swap3A_137 {strides = array<i32>} : memref<200x128xf32, #tpu.memory_space<vmem>>, vector<1x16xf32>,
        %scan3A_138 = arith.constant 0 : i32
        scf.yield %scan3A_138 : i32
      }
      %scan3A_69 = arith.constant 200 : i32
      "tpu.region"() ({
        %run_scoped3A = tpu.sem_alloc : memref<!tpu.dma_semaphore, #tpu.memory_space<semaphore_mem>>
        %dma_start3A_71 = arith.constant 0 : i32
        %dma_start3A_72 = tpu.memref_slice %arg5[%add3A_13, %dma_start3A_71] : memref<128000x128xf32, #tpu.memory_space<hbm>> -> memref<200x128xf32, #tpu.memory_space<hbm>>
        %dma_start3A_73 = arith.constant 0 : i32
        %dma_start3A_74 = tpu.memref_slice %arg5[%add3A_13, %dma_start3A_73] : memref<128000x128xf32, #tpu.memory_space<hbm>> -> memref<200x128xf32, #tpu.memory_space<hbm>>
        tpu.enqueue_dma source(%arg10 : memref<200x128xf32, #tpu.memory_space<vmem>>) target(%dma_start3A_74 : memref<200x128xf32, #tpu.memory_space<hbm>>) target_semaphore(%run_scoped3A : memref<!tpu.dma_semaphore, #tpu.memory_space<semaphore_mem>>)
        %dma_wait3A_75 = arith.constant 0 : i32
        %dma_wait3A_76 = tpu.memref_slice %arg5[%add3A_13, %dma_wait3A_75] : memref<128000x128xf32, #tpu.memory_space<hbm>> -> memref<200x128xf32, #tpu.memory_space<hbm>>
        %dma_wait3A_77 = arith.constant 0 : i32
        %dma_wait3A_78 = tpu.memref_slice %arg5[%add3A_13, %dma_wait3A_77] : memref<128000x128xf32, #tpu.memory_space<hbm>> -> memref<200x128xf32, #tpu.memory_space<hbm>>
        tpu.wait_dma2 semaphore(%run_scoped3A : memref<!tpu.dma_semaphore, #tpu.memory_space<semaphore_mem>>) src(%arg10 : memref<200x128xf32, #tpu.memory_space<vmem>>) dst(%dma_wait3A_78 : memref<200x128xf32, #tpu.memory_space<hbm>>)
        tpu.yield
      }) : () -> ()
      %scan3A_70 = arith.constant 0 : i32
      scf.yield %scan3A_70 : i32
    }
    %scan3A_8 = arith.constant 20 : i32
    return
  }
}

#map = affine_map<(d0, d1) -> (0, 0, 0)>
#map1 = affine_map<(d0, d1) -> (0)>
module attributes {stable_mosaic.version = 14 : i64} {
  func.func @scatter(%arg0: i32, %arg1: i32, %arg2: memref<2x128x128000xf32, #tpu.memory_space<hbm>>, %arg3: memref<256000xi32, #tpu.memory_space<hbm>>, %arg4: memref<2x128x10240xf32, #tpu.memory_space<hbm>>, %arg5: memref<8x10240xf32, #tpu.memory_space<vmem>>, %arg6: memref<640xi32, #tpu.memory_space<vmem>>, %arg7: memref<640xi32, #tpu.memory_space<vmem>>, %arg8: memref<8x640xf32, #tpu.memory_space<vmem>>, %arg9: memref<8x640xf32, #tpu.memory_space<vmem>>, %arg10: memref<!tpu.dma_semaphore, #tpu.memory_space<semaphore_mem>>, %arg11: memref<!tpu.dma_semaphore, #tpu.memory_space<semaphore_mem>>) attributes {dimension_semantics = [#tpu.dimension_semantics<core_parallel>, #tpu.dimension_semantics<subcore_parallel>], iteration_bounds = array<i64: 2, 16>, scalar_prefetch = 0 : i64, scratch_operands = 7 : i64, tpu.core_type = #tpu.core_type<sc_vector_subcore>, window_params = [{transform_indices = #map}, {transform_indices = #map1}, {transform_indices = #map}]} {
    %mul3A = arith.constant 8 : i32
    %mul3A_0 = arith.muli %arg1, %mul3A : i32
    %broadcast_in_dim3A = arith.constant 0xFF800000 : f32
    %broadcast_in_dim3A_1 = vector.broadcast %broadcast_in_dim3A : f32 to vector<16xf32>
    %scan3A = arith.constant 0 : i32
    %scan3A_2 = arith.constant 0 : i32
    %scan3A_3 = arith.constant 640 : i32
    %scan3A_4 = arith.addi %scan3A_2, %scan3A_3 : i32
    %scan3A_5 = arith.constant 1 : i32
    %scan3A_6 = scf.for %scan3A_15 = %scan3A_2 to %scan3A_4 step %scan3A_5 iter_args(%scan3A_16 = %scan3A) -> (i32)  : i32 {
      %mul3A_17 = arith.constant 16 : i32
      %mul3A_18 = arith.muli %scan3A_15, %mul3A_17 : i32
      %swap3A = arith.constant 0 : i32
      %swap3A_19 = arith.index_cast %swap3A : i32 to index
      %swap3A_20 = arith.index_cast %mul3A_18 : i32 to index
      %swap3A_21 = tpu.vector_load %arg5[%swap3A_19, %swap3A_20] {strides = array<i32>} : memref<8x10240xf32, #tpu.memory_space<vmem>>, vector<16xf32>,
      tpu.vector_store %arg5[%swap3A_19, %swap3A_20], %broadcast_in_dim3A_1 {strides = array<i32>} : memref<8x10240xf32, #tpu.memory_space<vmem>>, vector<16xf32>,
      %mul3A_22 = arith.constant 16 : i32
      %mul3A_23 = arith.muli %scan3A_15, %mul3A_22 : i32
      %swap3A_24 = arith.constant 1 : i32
      %swap3A_25 = arith.index_cast %swap3A_24 : i32 to index
      %swap3A_26 = arith.index_cast %mul3A_23 : i32 to index
      %swap3A_27 = tpu.vector_load %arg5[%swap3A_25, %swap3A_26] {strides = array<i32>} : memref<8x10240xf32, #tpu.memory_space<vmem>>, vector<16xf32>,
      tpu.vector_store %arg5[%swap3A_25, %swap3A_26], %broadcast_in_dim3A_1 {strides = array<i32>} : memref<8x10240xf32, #tpu.memory_space<vmem>>, vector<16xf32>,
      %mul3A_28 = arith.constant 16 : i32
      %mul3A_29 = arith.muli %scan3A_15, %mul3A_28 : i32
      %swap3A_30 = arith.constant 2 : i32
      %swap3A_31 = arith.index_cast %swap3A_30 : i32 to index
      %swap3A_32 = arith.index_cast %mul3A_29 : i32 to index
      %swap3A_33 = tpu.vector_load %arg5[%swap3A_31, %swap3A_32] {strides = array<i32>} : memref<8x10240xf32, #tpu.memory_space<vmem>>, vector<16xf32>,
      tpu.vector_store %arg5[%swap3A_31, %swap3A_32], %broadcast_in_dim3A_1 {strides = array<i32>} : memref<8x10240xf32, #tpu.memory_space<vmem>>, vector<16xf32>,
      %mul3A_34 = arith.constant 16 : i32
      %mul3A_35 = arith.muli %scan3A_15, %mul3A_34 : i32
      %swap3A_36 = arith.constant 3 : i32
      %swap3A_37 = arith.index_cast %swap3A_36 : i32 to index
      %swap3A_38 = arith.index_cast %mul3A_35 : i32 to index
      %swap3A_39 = tpu.vector_load %arg5[%swap3A_37, %swap3A_38] {strides = array<i32>} : memref<8x10240xf32, #tpu.memory_space<vmem>>, vector<16xf32>,
      tpu.vector_store %arg5[%swap3A_37, %swap3A_38], %broadcast_in_dim3A_1 {strides = array<i32>} : memref<8x10240xf32, #tpu.memory_space<vmem>>, vector<16xf32>,
      %mul3A_40 = arith.constant 16 : i32
      %mul3A_41 = arith.muli %scan3A_15, %mul3A_40 : i32
      %swap3A_42 = arith.constant 4 : i32
      %swap3A_43 = arith.index_cast %swap3A_42 : i32 to index
      %swap3A_44 = arith.index_cast %mul3A_41 : i32 to index
      %swap3A_45 = tpu.vector_load %arg5[%swap3A_43, %swap3A_44] {strides = array<i32>} : memref<8x10240xf32, #tpu.memory_space<vmem>>, vector<16xf32>,
      tpu.vector_store %arg5[%swap3A_43, %swap3A_44], %broadcast_in_dim3A_1 {strides = array<i32>} : memref<8x10240xf32, #tpu.memory_space<vmem>>, vector<16xf32>,
      %mul3A_46 = arith.constant 16 : i32
      %mul3A_47 = arith.muli %scan3A_15, %mul3A_46 : i32
      %swap3A_48 = arith.constant 5 : i32
      %swap3A_49 = arith.index_cast %swap3A_48 : i32 to index
      %swap3A_50 = arith.index_cast %mul3A_47 : i32 to index
      %swap3A_51 = tpu.vector_load %arg5[%swap3A_49, %swap3A_50] {strides = array<i32>} : memref<8x10240xf32, #tpu.memory_space<vmem>>, vector<16xf32>,
      tpu.vector_store %arg5[%swap3A_49, %swap3A_50], %broadcast_in_dim3A_1 {strides = array<i32>} : memref<8x10240xf32, #tpu.memory_space<vmem>>, vector<16xf32>,
      %mul3A_52 = arith.constant 16 : i32
      %mul3A_53 = arith.muli %scan3A_15, %mul3A_52 : i32
      %swap3A_54 = arith.constant 6 : i32
      %swap3A_55 = arith.index_cast %swap3A_54 : i32 to index
      %swap3A_56 = arith.index_cast %mul3A_53 : i32 to index
      %swap3A_57 = tpu.vector_load %arg5[%swap3A_55, %swap3A_56] {strides = array<i32>} : memref<8x10240xf32, #tpu.memory_space<vmem>>, vector<16xf32>,
      tpu.vector_store %arg5[%swap3A_55, %swap3A_56], %broadcast_in_dim3A_1 {strides = array<i32>} : memref<8x10240xf32, #tpu.memory_space<vmem>>, vector<16xf32>,
      %mul3A_58 = arith.constant 16 : i32
      %mul3A_59 = arith.muli %scan3A_15, %mul3A_58 : i32
      %swap3A_60 = arith.constant 7 : i32
      %swap3A_61 = arith.index_cast %swap3A_60 : i32 to index
      %swap3A_62 = arith.index_cast %mul3A_59 : i32 to index
      %swap3A_63 = tpu.vector_load %arg5[%swap3A_61, %swap3A_62] {strides = array<i32>} : memref<8x10240xf32, #tpu.memory_space<vmem>>, vector<16xf32>,
      tpu.vector_store %arg5[%swap3A_61, %swap3A_62], %broadcast_in_dim3A_1 {strides = array<i32>} : memref<8x10240xf32, #tpu.memory_space<vmem>>, vector<16xf32>,
      %scan3A_64 = arith.constant 0 : i32
      scf.yield %scan3A_64 : i32
    }
    %scan3A_7 = arith.constant 640 : i32
    %scan3A_8 = arith.constant 0 : i32
    %scan3A_9 = arith.constant 0 : i32
    %scan3A_10 = arith.constant 100 : i32
    %scan3A_11 = arith.addi %scan3A_9, %scan3A_10 : i32
    %scan3A_12 = arith.constant 1 : i32
    %scan3A_13 = scf.for %scan3A_15 = %scan3A_9 to %scan3A_11 step %scan3A_12 iter_args(%scan3A_16 = %scan3A_8) -> (i32)  : i32 {
      %mul3A_17 = arith.constant 2 : i32
      %mul3A_18 = arith.muli %mul3A_17, %scan3A_15 : i32
      %add3A = arith.constant 0 : i32
      %add3A_19 = arith.addi %mul3A_18, %add3A : i32
      %mul3A_20 = arith.constant 640 : i32
      %mul3A_21 = arith.muli %add3A_19, %mul3A_20 : i32
      %mul3A_22 = arith.constant 128000 : i32
      %mul3A_23 = arith.muli %arg0, %mul3A_22 : i32
      %add3A_24 = arith.addi %mul3A_23, %mul3A_21 : i32
      %dma_start3A = tpu.memref_slice %arg3[%add3A_24] : memref<256000xi32, #tpu.memory_space<hbm>> -> memref<640xi32, #tpu.memory_space<hbm>>
      %dma_start3A_25 = tpu.memref_slice %arg3[%add3A_24] : memref<256000xi32, #tpu.memory_space<hbm>> -> memref<640xi32, #tpu.memory_space<hbm>>
      tpu.enqueue_dma source(%dma_start3A_25 : memref<640xi32, #tpu.memory_space<hbm>>) target(%arg6 : memref<640xi32, #tpu.memory_space<vmem>>) target_semaphore(%arg10 : memref<!tpu.dma_semaphore, #tpu.memory_space<semaphore_mem>>)
      %dma_start3A_26 = tpu.memref_slice %arg2[%arg0, %mul3A_0, %mul3A_21] : memref<2x128x128000xf32, #tpu.memory_space<hbm>> -> memref<1x8x640xf32, #tpu.memory_space<hbm>>
      %dma_start3A_27 = tpu.memref_squeeze %dma_start3A_26 : memref<1x8x640xf32, #tpu.memory_space<hbm>> -> memref<8x640xf32, #tpu.memory_space<hbm>>
      %dma_start3A_28 = tpu.memref_slice %arg2[%arg0, %mul3A_0, %mul3A_21] : memref<2x128x128000xf32, #tpu.memory_space<hbm>> -> memref<1x8x640xf32, #tpu.memory_space<hbm>>
      %dma_start3A_29 = tpu.memref_squeeze %dma_start3A_28 : memref<1x8x640xf32, #tpu.memory_space<hbm>> -> memref<8x640xf32, #tpu.memory_space<hbm>>
      tpu.enqueue_dma source(%dma_start3A_29 : memref<8x640xf32, #tpu.memory_space<hbm>>) target(%arg8 : memref<8x640xf32, #tpu.memory_space<vmem>>) target_semaphore(%arg10 : memref<!tpu.dma_semaphore, #tpu.memory_space<semaphore_mem>>)
      %mul3A_30 = arith.constant 2 : i32
      %mul3A_31 = arith.muli %mul3A_30, %scan3A_15 : i32
      %add3A_32 = arith.constant 1 : i32
      %add3A_33 = arith.addi %mul3A_31, %add3A_32 : i32
      %mul3A_34 = arith.constant 640 : i32
      %mul3A_35 = arith.muli %add3A_33, %mul3A_34 : i32
      %mul3A_36 = arith.constant 128000 : i32
      %mul3A_37 = arith.muli %arg0, %mul3A_36 : i32
      %add3A_38 = arith.addi %mul3A_37, %mul3A_35 : i32
      %dma_start3A_39 = tpu.memref_slice %arg3[%add3A_38] : memref<256000xi32, #tpu.memory_space<hbm>> -> memref<640xi32, #tpu.memory_space<hbm>>
      %dma_start3A_40 = tpu.memref_slice %arg3[%add3A_38] : memref<256000xi32, #tpu.memory_space<hbm>> -> memref<640xi32, #tpu.memory_space<hbm>>
      tpu.enqueue_dma source(%dma_start3A_40 : memref<640xi32, #tpu.memory_space<hbm>>) target(%arg7 : memref<640xi32, #tpu.memory_space<vmem>>) target_semaphore(%arg11 : memref<!tpu.dma_semaphore, #tpu.memory_space<semaphore_mem>>)
      %dma_start3A_41 = tpu.memref_slice %arg2[%arg0, %mul3A_0, %mul3A_35] : memref<2x128x128000xf32, #tpu.memory_space<hbm>> -> memref<1x8x640xf32, #tpu.memory_space<hbm>>
      %dma_start3A_42 = tpu.memref_squeeze %dma_start3A_41 : memref<1x8x640xf32, #tpu.memory_space<hbm>> -> memref<8x640xf32, #tpu.memory_space<hbm>>
      %dma_start3A_43 = tpu.memref_slice %arg2[%arg0, %mul3A_0, %mul3A_35] : memref<2x128x128000xf32, #tpu.memory_space<hbm>> -> memref<1x8x640xf32, #tpu.memory_space<hbm>>
      %dma_start3A_44 = tpu.memref_squeeze %dma_start3A_43 : memref<1x8x640xf32, #tpu.memory_space<hbm>> -> memref<8x640xf32, #tpu.memory_space<hbm>>
      tpu.enqueue_dma source(%dma_start3A_44 : memref<8x640xf32, #tpu.memory_space<hbm>>) target(%arg9 : memref<8x640xf32, #tpu.memory_space<vmem>>) target_semaphore(%arg11 : memref<!tpu.dma_semaphore, #tpu.memory_space<semaphore_mem>>)
      %dma_wait3A = tpu.memref_slice %arg3[%add3A_24] : memref<256000xi32, #tpu.memory_space<hbm>> -> memref<640xi32, #tpu.memory_space<hbm>>
      %dma_wait3A_45 = tpu.memref_slice %arg3[%add3A_24] : memref<256000xi32, #tpu.memory_space<hbm>> -> memref<640xi32, #tpu.memory_space<hbm>>
      tpu.wait_dma2 semaphore(%arg10 : memref<!tpu.dma_semaphore, #tpu.memory_space<semaphore_mem>>) src(%dma_wait3A_45 : memref<640xi32, #tpu.memory_space<hbm>>) dst(%arg6 : memref<640xi32, #tpu.memory_space<vmem>>)
      %dma_wait3A_46 = tpu.memref_slice %arg2[%arg0, %mul3A_0, %mul3A_21] : memref<2x128x128000xf32, #tpu.memory_space<hbm>> -> memref<1x8x640xf32, #tpu.memory_space<hbm>>
      %dma_wait3A_47 = tpu.memref_squeeze %dma_wait3A_46 : memref<1x8x640xf32, #tpu.memory_space<hbm>> -> memref<8x640xf32, #tpu.memory_space<hbm>>
      %dma_wait3A_48 = tpu.memref_slice %arg2[%arg0, %mul3A_0, %mul3A_21] : memref<2x128x128000xf32, #tpu.memory_space<hbm>> -> memref<1x8x640xf32, #tpu.memory_space<hbm>>
      %dma_wait3A_49 = tpu.memref_squeeze %dma_wait3A_48 : memref<1x8x640xf32, #tpu.memory_space<hbm>> -> memref<8x640xf32, #tpu.memory_space<hbm>>
      tpu.wait_dma2 semaphore(%arg10 : memref<!tpu.dma_semaphore, #tpu.memory_space<semaphore_mem>>) src(%dma_wait3A_49 : memref<8x640xf32, #tpu.memory_space<hbm>>) dst(%arg8 : memref<8x640xf32, #tpu.memory_space<vmem>>)
      %scan3A_50 = arith.constant 0 : i32
      %scan3A_51 = arith.constant 0 : i32
      %scan3A_52 = arith.constant 40 : i32
      %scan3A_53 = arith.addi %scan3A_51, %scan3A_52 : i32
      %scan3A_54 = arith.constant 1 : i32
      %scan3A_55 = scf.for %scan3A_71 = %scan3A_51 to %scan3A_53 step %scan3A_54 iter_args(%scan3A_72 = %scan3A_50) -> (i32)  : i32 {
        %mul3A_73 = arith.constant 16 : i32
        %mul3A_74 = arith.muli %scan3A_71, %mul3A_73 : i32
        %get3A = arith.index_cast %mul3A_74 : i32 to index
        %get3A_75 = tpu.vector_load %arg6[%get3A] {strides = array<i32>} : memref<640xi32, #tpu.memory_space<vmem>>, vector<16xi32>,
        %broadcast_in_dim3A_76 = arith.constant true
        %broadcast_in_dim3A_77 = vector.broadcast %broadcast_in_dim3A_76 : i1 to vector<16xi1>
        %unique3A, %unique3A_78 = tpu.scan_count mask(%broadcast_in_dim3A_77 : vector<16xi1>) value(%get3A_75 : vector<16xi32>) : vector<16xi1>, vector<16xi32>
        %reduce_and3A = arith.constant 1.000000e+00 : f32
        %reduce_and3A_79 = arith.constant 0.000000e+00 : f32
        %reduce_and3A_80 = vector.broadcast %reduce_and3A : f32 to vector<16xf32>
        %reduce_and3A_81 = vector.broadcast %reduce_and3A_79 : f32 to vector<16xf32>
        %reduce_and3A_82 = arith.select %unique3A, %reduce_and3A_80, %reduce_and3A_81 : vector<16xi1>, vector<16xf32>
        %reduce_and3A_83 = arith.constant true
        %reduce_and3A_84 = vector.broadcast %reduce_and3A_83 : i1 to vector<16xi1>
        %reduce_and3A_85 = tpu.scan <min>, %reduce_and3A_82 masked %reduce_and3A_84 : vector<16xf32>, vector<16xi1> -> vector<16xf32>
        %reduce_and3A_86 = vector.extract %reduce_and3A_85[15] : f32 from vector<16xf32>
        %reduce_and3A_87 = arith.constant 0.000000e+00 : f32
        %reduce_and3A_88 = arith.cmpf ogt, %reduce_and3A_86, %reduce_and3A_87 : f32
        %convert_element_type3A = arith.extui %reduce_and3A_88 : i1 to i32
        %cond3A = arith.constant 0 : i32
        %cond3A_89 = arith.cmpi ne, %convert_element_type3A, %cond3A : i32
        scf.if %cond3A_89 {
          %broadcast_in_dim3A_91 = arith.constant 0 : i32
          %broadcast_in_dim3A_92 = vector.broadcast %broadcast_in_dim3A_91 : i32 to vector<16xi32>
          %mul3A_93 = arith.constant 16 : i32
          %mul3A_94 = arith.muli %scan3A_71, %mul3A_93 : i32
          %get3A_95 = arith.constant 0 : i32
          %get3A_96 = arith.index_cast %get3A_95 : i32 to index
          %get3A_97 = arith.index_cast %mul3A_94 : i32 to index
          %get3A_98 = tpu.vector_load %arg8[%get3A_96, %get3A_97] {strides = array<i32>} : memref<8x640xf32, #tpu.memory_space<vmem>>, vector<16xf32>,
          %gather3A = tpu.vector_load_idx %arg5[%broadcast_in_dim3A_92, %get3A_75] : memref<8x10240xf32, #tpu.memory_space<vmem>>[vector<16xi32>, vector<16xi32>], vector<16xf32>,
          %max3A = arith.maximumf %gather3A, %get3A_98 : vector<16xf32>
          tpu.vector_store_idx %arg5[%broadcast_in_dim3A_92, %get3A_75], %max3A : memref<8x10240xf32, #tpu.memory_space<vmem>>[vector<16xi32>, vector<16xi32>], vector<16xf32>,
          %broadcast_in_dim3A_99 = arith.constant 1 : i32
          %broadcast_in_dim3A_100 = vector.broadcast %broadcast_in_dim3A_99 : i32 to vector<16xi32>
          %mul3A_101 = arith.constant 16 : i32
          %mul3A_102 = arith.muli %scan3A_71, %mul3A_101 : i32
          %get3A_103 = arith.constant 1 : i32
          %get3A_104 = arith.index_cast %get3A_103 : i32 to index
          %get3A_105 = arith.index_cast %mul3A_102 : i32 to index
          %get3A_106 = tpu.vector_load %arg8[%get3A_104, %get3A_105] {strides = array<i32>} : memref<8x640xf32, #tpu.memory_space<vmem>>, vector<16xf32>,
          %gather3A_107 = tpu.vector_load_idx %arg5[%broadcast_in_dim3A_100, %get3A_75] : memref<8x10240xf32, #tpu.memory_space<vmem>>[vector<16xi32>, vector<16xi32>], vector<16xf32>,
          %max3A_108 = arith.maximumf %gather3A_107, %get3A_106 : vector<16xf32>
          tpu.vector_store_idx %arg5[%broadcast_in_dim3A_100, %get3A_75], %max3A_108 : memref<8x10240xf32, #tpu.memory_space<vmem>>[vector<16xi32>, vector<16xi32>], vector<16xf32>,
          %broadcast_in_dim3A_109 = arith.constant 2 : i32
          %broadcast_in_dim3A_110 = vector.broadcast %broadcast_in_dim3A_109 : i32 to vector<16xi32>
          %mul3A_111 = arith.constant 16 : i32
          %mul3A_112 = arith.muli %scan3A_71, %mul3A_111 : i32
          %get3A_113 = arith.constant 2 : i32
          %get3A_114 = arith.index_cast %get3A_113 : i32 to index
          %get3A_115 = arith.index_cast %mul3A_112 : i32 to index
          %get3A_116 = tpu.vector_load %arg8[%get3A_114, %get3A_115] {strides = array<i32>} : memref<8x640xf32, #tpu.memory_space<vmem>>, vector<16xf32>,
          %gather3A_117 = tpu.vector_load_idx %arg5[%broadcast_in_dim3A_110, %get3A_75] : memref<8x10240xf32, #tpu.memory_space<vmem>>[vector<16xi32>, vector<16xi32>], vector<16xf32>,
          %max3A_118 = arith.maximumf %gather3A_117, %get3A_116 : vector<16xf32>
          tpu.vector_store_idx %arg5[%broadcast_in_dim3A_110, %get3A_75], %max3A_118 : memref<8x10240xf32, #tpu.memory_space<vmem>>[vector<16xi32>, vector<16xi32>], vector<16xf32>,
          %broadcast_in_dim3A_119 = arith.constant 3 : i32
          %broadcast_in_dim3A_120 = vector.broadcast %broadcast_in_dim3A_119 : i32 to vector<16xi32>
          %mul3A_121 = arith.constant 16 : i32
          %mul3A_122 = arith.muli %scan3A_71, %mul3A_121 : i32
          %get3A_123 = arith.constant 3 : i32
          %get3A_124 = arith.index_cast %get3A_123 : i32 to index
          %get3A_125 = arith.index_cast %mul3A_122 : i32 to index
          %get3A_126 = tpu.vector_load %arg8[%get3A_124, %get3A_125] {strides = array<i32>} : memref<8x640xf32, #tpu.memory_space<vmem>>, vector<16xf32>,
          %gather3A_127 = tpu.vector_load_idx %arg5[%broadcast_in_dim3A_120, %get3A_75] : memref<8x10240xf32, #tpu.memory_space<vmem>>[vector<16xi32>, vector<16xi32>], vector<16xf32>,
          %max3A_128 = arith.maximumf %gather3A_127, %get3A_126 : vector<16xf32>
          tpu.vector_store_idx %arg5[%broadcast_in_dim3A_120, %get3A_75], %max3A_128 : memref<8x10240xf32, #tpu.memory_space<vmem>>[vector<16xi32>, vector<16xi32>], vector<16xf32>,
          %broadcast_in_dim3A_129 = arith.constant 4 : i32
          %broadcast_in_dim3A_130 = vector.broadcast %broadcast_in_dim3A_129 : i32 to vector<16xi32>
          %mul3A_131 = arith.constant 16 : i32
          %mul3A_132 = arith.muli %scan3A_71, %mul3A_131 : i32
          %get3A_133 = arith.constant 4 : i32
          %get3A_134 = arith.index_cast %get3A_133 : i32 to index
          %get3A_135 = arith.index_cast %mul3A_132 : i32 to index
          %get3A_136 = tpu.vector_load %arg8[%get3A_134, %get3A_135] {strides = array<i32>} : memref<8x640xf32, #tpu.memory_space<vmem>>, vector<16xf32>,
          %gather3A_137 = tpu.vector_load_idx %arg5[%broadcast_in_dim3A_130, %get3A_75] : memref<8x10240xf32, #tpu.memory_space<vmem>>[vector<16xi32>, vector<16xi32>], vector<16xf32>,
          %max3A_138 = arith.maximumf %gather3A_137, %get3A_136 : vector<16xf32>
          tpu.vector_store_idx %arg5[%broadcast_in_dim3A_130, %get3A_75], %max3A_138 : memref<8x10240xf32, #tpu.memory_space<vmem>>[vector<16xi32>, vector<16xi32>], vector<16xf32>,
          %broadcast_in_dim3A_139 = arith.constant 5 : i32
          %broadcast_in_dim3A_140 = vector.broadcast %broadcast_in_dim3A_139 : i32 to vector<16xi32>
          %mul3A_141 = arith.constant 16 : i32
          %mul3A_142 = arith.muli %scan3A_71, %mul3A_141 : i32
          %get3A_143 = arith.constant 5 : i32
          %get3A_144 = arith.index_cast %get3A_143 : i32 to index
          %get3A_145 = arith.index_cast %mul3A_142 : i32 to index
          %get3A_146 = tpu.vector_load %arg8[%get3A_144, %get3A_145] {strides = array<i32>} : memref<8x640xf32, #tpu.memory_space<vmem>>, vector<16xf32>,
          %gather3A_147 = tpu.vector_load_idx %arg5[%broadcast_in_dim3A_140, %get3A_75] : memref<8x10240xf32, #tpu.memory_space<vmem>>[vector<16xi32>, vector<16xi32>], vector<16xf32>,
          %max3A_148 = arith.maximumf %gather3A_147, %get3A_146 : vector<16xf32>
          tpu.vector_store_idx %arg5[%broadcast_in_dim3A_140, %get3A_75], %max3A_148 : memref<8x10240xf32, #tpu.memory_space<vmem>>[vector<16xi32>, vector<16xi32>], vector<16xf32>,
          %broadcast_in_dim3A_149 = arith.constant 6 : i32
          %broadcast_in_dim3A_150 = vector.broadcast %broadcast_in_dim3A_149 : i32 to vector<16xi32>
          %mul3A_151 = arith.constant 16 : i32
          %mul3A_152 = arith.muli %scan3A_71, %mul3A_151 : i32
          %get3A_153 = arith.constant 6 : i32
          %get3A_154 = arith.index_cast %get3A_153 : i32 to index
          %get3A_155 = arith.index_cast %mul3A_152 : i32 to index
          %get3A_156 = tpu.vector_load %arg8[%get3A_154, %get3A_155] {strides = array<i32>} : memref<8x640xf32, #tpu.memory_space<vmem>>, vector<16xf32>,
          %gather3A_157 = tpu.vector_load_idx %arg5[%broadcast_in_dim3A_150, %get3A_75] : memref<8x10240xf32, #tpu.memory_space<vmem>>[vector<16xi32>, vector<16xi32>], vector<16xf32>,
          %max3A_158 = arith.maximumf %gather3A_157, %get3A_156 : vector<16xf32>
          tpu.vector_store_idx %arg5[%broadcast_in_dim3A_150, %get3A_75], %max3A_158 : memref<8x10240xf32, #tpu.memory_space<vmem>>[vector<16xi32>, vector<16xi32>], vector<16xf32>,
          %broadcast_in_dim3A_159 = arith.constant 7 : i32
          %broadcast_in_dim3A_160 = vector.broadcast %broadcast_in_dim3A_159 : i32 to vector<16xi32>
          %mul3A_161 = arith.constant 16 : i32
          %mul3A_162 = arith.muli %scan3A_71, %mul3A_161 : i32
          %get3A_163 = arith.constant 7 : i32
          %get3A_164 = arith.index_cast %get3A_163 : i32 to index
          %get3A_165 = arith.index_cast %mul3A_162 : i32 to index
          %get3A_166 = tpu.vector_load %arg8[%get3A_164, %get3A_165] {strides = array<i32>} : memref<8x640xf32, #tpu.memory_space<vmem>>, vector<16xf32>,
          %gather3A_167 = tpu.vector_load_idx %arg5[%broadcast_in_dim3A_160, %get3A_75] : memref<8x10240xf32, #tpu.memory_space<vmem>>[vector<16xi32>, vector<16xi32>], vector<16xf32>,
          %max3A_168 = arith.maximumf %gather3A_167, %get3A_166 : vector<16xf32>
          tpu.vector_store_idx %arg5[%broadcast_in_dim3A_160, %get3A_75], %max3A_168 : memref<8x10240xf32, #tpu.memory_space<vmem>>[vector<16xi32>, vector<16xi32>], vector<16xf32>,
        } else {
          %broadcast_in_dim3A_91 = arith.constant 0 : i32
          %broadcast_in_dim3A_92 = vector.broadcast %broadcast_in_dim3A_91 : i32 to vector<16xi32>
          %mul3A_93 = arith.constant 16 : i32
          %mul3A_94 = arith.muli %scan3A_71, %mul3A_93 : i32
          %get3A_95 = arith.constant 0 : i32
          %get3A_96 = arith.index_cast %get3A_95 : i32 to index
          %get3A_97 = arith.index_cast %mul3A_94 : i32 to index
          %get3A_98 = tpu.vector_load %arg8[%get3A_96, %get3A_97] {strides = array<i32>} : memref<8x640xf32, #tpu.memory_space<vmem>>, vector<16xf32>,
          %gather3A = tpu.vector_load_idx %arg5[%broadcast_in_dim3A_92, %get3A_75] : memref<8x10240xf32, #tpu.memory_space<vmem>>[vector<16xi32>, vector<16xi32>], vector<16xf32>,
          %gt3A = arith.cmpf ogt, %get3A_98, %gather3A : vector<16xf32>
          tpu.vector_store_idx %arg5[%broadcast_in_dim3A_92, %get3A_75], %get3A_98 masked %gt3A : memref<8x10240xf32, #tpu.memory_space<vmem>>[vector<16xi32>, vector<16xi32>], vector<16xf32>, vector<16xi1>
          %gather3A_99 = tpu.vector_load_idx %arg5[%broadcast_in_dim3A_92, %get3A_75] : memref<8x10240xf32, #tpu.memory_space<vmem>>[vector<16xi32>, vector<16xi32>], vector<16xf32>,
          %gt3A_100 = arith.cmpf ogt, %get3A_98, %gather3A_99 : vector<16xf32>
          %reduce_or3A = arith.constant 1.000000e+00 : f32
          %reduce_or3A_101 = arith.constant 0.000000e+00 : f32
          %reduce_or3A_102 = vector.broadcast %reduce_or3A : f32 to vector<16xf32>
          %reduce_or3A_103 = vector.broadcast %reduce_or3A_101 : f32 to vector<16xf32>
          %reduce_or3A_104 = arith.select %gt3A_100, %reduce_or3A_102, %reduce_or3A_103 : vector<16xi1>, vector<16xf32>
          %reduce_or3A_105 = arith.constant true
          %reduce_or3A_106 = vector.broadcast %reduce_or3A_105 : i1 to vector<16xi1>
          %reduce_or3A_107 = tpu.scan <max>, %reduce_or3A_104 masked %reduce_or3A_106 : vector<16xf32>, vector<16xi1> -> vector<16xf32>
          %reduce_or3A_108 = vector.extract %reduce_or3A_107[15] : f32 from vector<16xf32>
          %reduce_or3A_109 = arith.constant 0.000000e+00 : f32
          %reduce_or3A_110 = arith.cmpf ogt, %reduce_or3A_108, %reduce_or3A_109 : f32
          %while3A = scf.while (%while3A_279 = %reduce_or3A_110) : (i1) -> i1 {
            scf.condition(%while3A_279) %while3A_279 : i1
          } do {
          ^bb0(%while3A_279: i1):
            %gather3A_280 = tpu.vector_load_idx %arg5[%broadcast_in_dim3A_92, %get3A_75] : memref<8x10240xf32, #tpu.memory_space<vmem>>[vector<16xi32>, vector<16xi32>], vector<16xf32>,
            %gt3A_281 = arith.cmpf ogt, %get3A_98, %gather3A_280 : vector<16xf32>
            tpu.vector_store_idx %arg5[%broadcast_in_dim3A_92, %get3A_75], %get3A_98 masked %gt3A_281 : memref<8x10240xf32, #tpu.memory_space<vmem>>[vector<16xi32>, vector<16xi32>], vector<16xf32>, vector<16xi1>
            %gather3A_282 = tpu.vector_load_idx %arg5[%broadcast_in_dim3A_92, %get3A_75] : memref<8x10240xf32, #tpu.memory_space<vmem>>[vector<16xi32>, vector<16xi32>], vector<16xf32>,
            %gt3A_283 = arith.cmpf ogt, %get3A_98, %gather3A_282 : vector<16xf32>
            %reduce_or3A_284 = arith.constant 1.000000e+00 : f32
            %reduce_or3A_285 = arith.constant 0.000000e+00 : f32
            %reduce_or3A_286 = vector.broadcast %reduce_or3A_284 : f32 to vector<16xf32>
            %reduce_or3A_287 = vector.broadcast %reduce_or3A_285 : f32 to vector<16xf32>
            %reduce_or3A_288 = arith.select %gt3A_283, %reduce_or3A_286, %reduce_or3A_287 : vector<16xi1>, vector<16xf32>
            %reduce_or3A_289 = arith.constant true
            %reduce_or3A_290 = vector.broadcast %reduce_or3A_289 : i1 to vector<16xi1>
            %reduce_or3A_291 = tpu.scan <max>, %reduce_or3A_288 masked %reduce_or3A_290 : vector<16xf32>, vector<16xi1> -> vector<16xf32>
            %reduce_or3A_292 = vector.extract %reduce_or3A_291[15] : f32 from vector<16xf32>
            %reduce_or3A_293 = arith.constant 0.000000e+00 : f32
            %reduce_or3A_294 = arith.cmpf ogt, %reduce_or3A_292, %reduce_or3A_293 : f32
            scf.yield %reduce_or3A_294 : i1
          }
          %broadcast_in_dim3A_111 = arith.constant 1 : i32
          %broadcast_in_dim3A_112 = vector.broadcast %broadcast_in_dim3A_111 : i32 to vector<16xi32>
          %mul3A_113 = arith.constant 16 : i32
          %mul3A_114 = arith.muli %scan3A_71, %mul3A_113 : i32
          %get3A_115 = arith.constant 1 : i32
          %get3A_116 = arith.index_cast %get3A_115 : i32 to index
          %get3A_117 = arith.index_cast %mul3A_114 : i32 to index
          %get3A_118 = tpu.vector_load %arg8[%get3A_116, %get3A_117] {strides = array<i32>} : memref<8x640xf32, #tpu.memory_space<vmem>>, vector<16xf32>,
          %gather3A_119 = tpu.vector_load_idx %arg5[%broadcast_in_dim3A_112, %get3A_75] : memref<8x10240xf32, #tpu.memory_space<vmem>>[vector<16xi32>, vector<16xi32>], vector<16xf32>,
          %gt3A_120 = arith.cmpf ogt, %get3A_118, %gather3A_119 : vector<16xf32>
          tpu.vector_store_idx %arg5[%broadcast_in_dim3A_112, %get3A_75], %get3A_118 masked %gt3A_120 : memref<8x10240xf32, #tpu.memory_space<vmem>>[vector<16xi32>, vector<16xi32>], vector<16xf32>, vector<16xi1>
          %gather3A_121 = tpu.vector_load_idx %arg5[%broadcast_in_dim3A_112, %get3A_75] : memref<8x10240xf32, #tpu.memory_space<vmem>>[vector<16xi32>, vector<16xi32>], vector<16xf32>,
          %gt3A_122 = arith.cmpf ogt, %get3A_118, %gather3A_121 : vector<16xf32>
          %reduce_or3A_123 = arith.constant 1.000000e+00 : f32
          %reduce_or3A_124 = arith.constant 0.000000e+00 : f32
          %reduce_or3A_125 = vector.broadcast %reduce_or3A_123 : f32 to vector<16xf32>
          %reduce_or3A_126 = vector.broadcast %reduce_or3A_124 : f32 to vector<16xf32>
          %reduce_or3A_127 = arith.select %gt3A_122, %reduce_or3A_125, %reduce_or3A_126 : vector<16xi1>, vector<16xf32>
          %reduce_or3A_128 = arith.constant true
          %reduce_or3A_129 = vector.broadcast %reduce_or3A_128 : i1 to vector<16xi1>
          %reduce_or3A_130 = tpu.scan <max>, %reduce_or3A_127 masked %reduce_or3A_129 : vector<16xf32>, vector<16xi1> -> vector<16xf32>
          %reduce_or3A_131 = vector.extract %reduce_or3A_130[15] : f32 from vector<16xf32>
          %reduce_or3A_132 = arith.constant 0.000000e+00 : f32
          %reduce_or3A_133 = arith.cmpf ogt, %reduce_or3A_131, %reduce_or3A_132 : f32
          %while3A_134 = scf.while (%while3A_279 = %reduce_or3A_133) : (i1) -> i1 {
            scf.condition(%while3A_279) %while3A_279 : i1
          } do {
          ^bb0(%while3A_279: i1):
            %gather3A_280 = tpu.vector_load_idx %arg5[%broadcast_in_dim3A_112, %get3A_75] : memref<8x10240xf32, #tpu.memory_space<vmem>>[vector<16xi32>, vector<16xi32>], vector<16xf32>,
            %gt3A_281 = arith.cmpf ogt, %get3A_118, %gather3A_280 : vector<16xf32>
            tpu.vector_store_idx %arg5[%broadcast_in_dim3A_112, %get3A_75], %get3A_118 masked %gt3A_281 : memref<8x10240xf32, #tpu.memory_space<vmem>>[vector<16xi32>, vector<16xi32>], vector<16xf32>, vector<16xi1>
            %gather3A_282 = tpu.vector_load_idx %arg5[%broadcast_in_dim3A_112, %get3A_75] : memref<8x10240xf32, #tpu.memory_space<vmem>>[vector<16xi32>, vector<16xi32>], vector<16xf32>,
            %gt3A_283 = arith.cmpf ogt, %get3A_118, %gather3A_282 : vector<16xf32>
            %reduce_or3A_284 = arith.constant 1.000000e+00 : f32
            %reduce_or3A_285 = arith.constant 0.000000e+00 : f32
            %reduce_or3A_286 = vector.broadcast %reduce_or3A_284 : f32 to vector<16xf32>
            %reduce_or3A_287 = vector.broadcast %reduce_or3A_285 : f32 to vector<16xf32>
            %reduce_or3A_288 = arith.select %gt3A_283, %reduce_or3A_286, %reduce_or3A_287 : vector<16xi1>, vector<16xf32>
            %reduce_or3A_289 = arith.constant true
            %reduce_or3A_290 = vector.broadcast %reduce_or3A_289 : i1 to vector<16xi1>
            %reduce_or3A_291 = tpu.scan <max>, %reduce_or3A_288 masked %reduce_or3A_290 : vector<16xf32>, vector<16xi1> -> vector<16xf32>
            %reduce_or3A_292 = vector.extract %reduce_or3A_291[15] : f32 from vector<16xf32>
            %reduce_or3A_293 = arith.constant 0.000000e+00 : f32
            %reduce_or3A_294 = arith.cmpf ogt, %reduce_or3A_292, %reduce_or3A_293 : f32
            scf.yield %reduce_or3A_294 : i1
          }
          %broadcast_in_dim3A_135 = arith.constant 2 : i32
          %broadcast_in_dim3A_136 = vector.broadcast %broadcast_in_dim3A_135 : i32 to vector<16xi32>
          %mul3A_137 = arith.constant 16 : i32
          %mul3A_138 = arith.muli %scan3A_71, %mul3A_137 : i32
          %get3A_139 = arith.constant 2 : i32
          %get3A_140 = arith.index_cast %get3A_139 : i32 to index
          %get3A_141 = arith.index_cast %mul3A_138 : i32 to index
          %get3A_142 = tpu.vector_load %arg8[%get3A_140, %get3A_141] {strides = array<i32>} : memref<8x640xf32, #tpu.memory_space<vmem>>, vector<16xf32>,
          %gather3A_143 = tpu.vector_load_idx %arg5[%broadcast_in_dim3A_136, %get3A_75] : memref<8x10240xf32, #tpu.memory_space<vmem>>[vector<16xi32>, vector<16xi32>], vector<16xf32>,
          %gt3A_144 = arith.cmpf ogt, %get3A_142, %gather3A_143 : vector<16xf32>
          tpu.vector_store_idx %arg5[%broadcast_in_dim3A_136, %get3A_75], %get3A_142 masked %gt3A_144 : memref<8x10240xf32, #tpu.memory_space<vmem>>[vector<16xi32>, vector<16xi32>], vector<16xf32>, vector<16xi1>
          %gather3A_145 = tpu.vector_load_idx %arg5[%broadcast_in_dim3A_136, %get3A_75] : memref<8x10240xf32, #tpu.memory_space<vmem>>[vector<16xi32>, vector<16xi32>], vector<16xf32>,
          %gt3A_146 = arith.cmpf ogt, %get3A_142, %gather3A_145 : vector<16xf32>
          %reduce_or3A_147 = arith.constant 1.000000e+00 : f32
          %reduce_or3A_148 = arith.constant 0.000000e+00 : f32
          %reduce_or3A_149 = vector.broadcast %reduce_or3A_147 : f32 to vector<16xf32>
          %reduce_or3A_150 = vector.broadcast %reduce_or3A_148 : f32 to vector<16xf32>
          %reduce_or3A_151 = arith.select %gt3A_146, %reduce_or3A_149, %reduce_or3A_150 : vector<16xi1>, vector<16xf32>
          %reduce_or3A_152 = arith.constant true
          %reduce_or3A_153 = vector.broadcast %reduce_or3A_152 : i1 to vector<16xi1>
          %reduce_or3A_154 = tpu.scan <max>, %reduce_or3A_151 masked %reduce_or3A_153 : vector<16xf32>, vector<16xi1> -> vector<16xf32>
          %reduce_or3A_155 = vector.extract %reduce_or3A_154[15] : f32 from vector<16xf32>
          %reduce_or3A_156 = arith.constant 0.000000e+00 : f32
          %reduce_or3A_157 = arith.cmpf ogt, %reduce_or3A_155, %reduce_or3A_156 : f32
          %while3A_158 = scf.while (%while3A_279 = %reduce_or3A_157) : (i1) -> i1 {
            scf.condition(%while3A_279) %while3A_279 : i1
          } do {
          ^bb0(%while3A_279: i1):
            %gather3A_280 = tpu.vector_load_idx %arg5[%broadcast_in_dim3A_136, %get3A_75] : memref<8x10240xf32, #tpu.memory_space<vmem>>[vector<16xi32>, vector<16xi32>], vector<16xf32>,
            %gt3A_281 = arith.cmpf ogt, %get3A_142, %gather3A_280 : vector<16xf32>
            tpu.vector_store_idx %arg5[%broadcast_in_dim3A_136, %get3A_75], %get3A_142 masked %gt3A_281 : memref<8x10240xf32, #tpu.memory_space<vmem>>[vector<16xi32>, vector<16xi32>], vector<16xf32>, vector<16xi1>
            %gather3A_282 = tpu.vector_load_idx %arg5[%broadcast_in_dim3A_136, %get3A_75] : memref<8x10240xf32, #tpu.memory_space<vmem>>[vector<16xi32>, vector<16xi32>], vector<16xf32>,
            %gt3A_283 = arith.cmpf ogt, %get3A_142, %gather3A_282 : vector<16xf32>
            %reduce_or3A_284 = arith.constant 1.000000e+00 : f32
            %reduce_or3A_285 = arith.constant 0.000000e+00 : f32
            %reduce_or3A_286 = vector.broadcast %reduce_or3A_284 : f32 to vector<16xf32>
            %reduce_or3A_287 = vector.broadcast %reduce_or3A_285 : f32 to vector<16xf32>
            %reduce_or3A_288 = arith.select %gt3A_283, %reduce_or3A_286, %reduce_or3A_287 : vector<16xi1>, vector<16xf32>
            %reduce_or3A_289 = arith.constant true
            %reduce_or3A_290 = vector.broadcast %reduce_or3A_289 : i1 to vector<16xi1>
            %reduce_or3A_291 = tpu.scan <max>, %reduce_or3A_288 masked %reduce_or3A_290 : vector<16xf32>, vector<16xi1> -> vector<16xf32>
            %reduce_or3A_292 = vector.extract %reduce_or3A_291[15] : f32 from vector<16xf32>
            %reduce_or3A_293 = arith.constant 0.000000e+00 : f32
            %reduce_or3A_294 = arith.cmpf ogt, %reduce_or3A_292, %reduce_or3A_293 : f32
            scf.yield %reduce_or3A_294 : i1
          }
          %broadcast_in_dim3A_159 = arith.constant 3 : i32
          %broadcast_in_dim3A_160 = vector.broadcast %broadcast_in_dim3A_159 : i32 to vector<16xi32>
          %mul3A_161 = arith.constant 16 : i32
          %mul3A_162 = arith.muli %scan3A_71, %mul3A_161 : i32
          %get3A_163 = arith.constant 3 : i32
          %get3A_164 = arith.index_cast %get3A_163 : i32 to index
          %get3A_165 = arith.index_cast %mul3A_162 : i32 to index
          %get3A_166 = tpu.vector_load %arg8[%get3A_164, %get3A_165] {strides = array<i32>} : memref<8x640xf32, #tpu.memory_space<vmem>>, vector<16xf32>,
          %gather3A_167 = tpu.vector_load_idx %arg5[%broadcast_in_dim3A_160, %get3A_75] : memref<8x10240xf32, #tpu.memory_space<vmem>>[vector<16xi32>, vector<16xi32>], vector<16xf32>,
          %gt3A_168 = arith.cmpf ogt, %get3A_166, %gather3A_167 : vector<16xf32>
          tpu.vector_store_idx %arg5[%broadcast_in_dim3A_160, %get3A_75], %get3A_166 masked %gt3A_168 : memref<8x10240xf32, #tpu.memory_space<vmem>>[vector<16xi32>, vector<16xi32>], vector<16xf32>, vector<16xi1>
          %gather3A_169 = tpu.vector_load_idx %arg5[%broadcast_in_dim3A_160, %get3A_75] : memref<8x10240xf32, #tpu.memory_space<vmem>>[vector<16xi32>, vector<16xi32>], vector<16xf32>,
          %gt3A_170 = arith.cmpf ogt, %get3A_166, %gather3A_169 : vector<16xf32>
          %reduce_or3A_171 = arith.constant 1.000000e+00 : f32
          %reduce_or3A_172 = arith.constant 0.000000e+00 : f32
          %reduce_or3A_173 = vector.broadcast %reduce_or3A_171 : f32 to vector<16xf32>
          %reduce_or3A_174 = vector.broadcast %reduce_or3A_172 : f32 to vector<16xf32>
          %reduce_or3A_175 = arith.select %gt3A_170, %reduce_or3A_173, %reduce_or3A_174 : vector<16xi1>, vector<16xf32>
          %reduce_or3A_176 = arith.constant true
          %reduce_or3A_177 = vector.broadcast %reduce_or3A_176 : i1 to vector<16xi1>
          %reduce_or3A_178 = tpu.scan <max>, %reduce_or3A_175 masked %reduce_or3A_177 : vector<16xf32>, vector<16xi1> -> vector<16xf32>
          %reduce_or3A_179 = vector.extract %reduce_or3A_178[15] : f32 from vector<16xf32>
          %reduce_or3A_180 = arith.constant 0.000000e+00 : f32
          %reduce_or3A_181 = arith.cmpf ogt, %reduce_or3A_179, %reduce_or3A_180 : f32
          %while3A_182 = scf.while (%while3A_279 = %reduce_or3A_181) : (i1) -> i1 {
            scf.condition(%while3A_279) %while3A_279 : i1
          } do {
          ^bb0(%while3A_279: i1):
            %gather3A_280 = tpu.vector_load_idx %arg5[%broadcast_in_dim3A_160, %get3A_75] : memref<8x10240xf32, #tpu.memory_space<vmem>>[vector<16xi32>, vector<16xi32>], vector<16xf32>,
            %gt3A_281 = arith.cmpf ogt, %get3A_166, %gather3A_280 : vector<16xf32>
            tpu.vector_store_idx %arg5[%broadcast_in_dim3A_160, %get3A_75], %get3A_166 masked %gt3A_281 : memref<8x10240xf32, #tpu.memory_space<vmem>>[vector<16xi32>, vector<16xi32>], vector<16xf32>, vector<16xi1>
            %gather3A_282 = tpu.vector_load_idx %arg5[%broadcast_in_dim3A_160, %get3A_75] : memref<8x10240xf32, #tpu.memory_space<vmem>>[vector<16xi32>, vector<16xi32>], vector<16xf32>,
            %gt3A_283 = arith.cmpf ogt, %get3A_166, %gather3A_282 : vector<16xf32>
            %reduce_or3A_284 = arith.constant 1.000000e+00 : f32
            %reduce_or3A_285 = arith.constant 0.000000e+00 : f32
            %reduce_or3A_286 = vector.broadcast %reduce_or3A_284 : f32 to vector<16xf32>
            %reduce_or3A_287 = vector.broadcast %reduce_or3A_285 : f32 to vector<16xf32>
            %reduce_or3A_288 = arith.select %gt3A_283, %reduce_or3A_286, %reduce_or3A_287 : vector<16xi1>, vector<16xf32>
            %reduce_or3A_289 = arith.constant true
            %reduce_or3A_290 = vector.broadcast %reduce_or3A_289 : i1 to vector<16xi1>
            %reduce_or3A_291 = tpu.scan <max>, %reduce_or3A_288 masked %reduce_or3A_290 : vector<16xf32>, vector<16xi1> -> vector<16xf32>
            %reduce_or3A_292 = vector.extract %reduce_or3A_291[15] : f32 from vector<16xf32>
            %reduce_or3A_293 = arith.constant 0.000000e+00 : f32
            %reduce_or3A_294 = arith.cmpf ogt, %reduce_or3A_292, %reduce_or3A_293 : f32
            scf.yield %reduce_or3A_294 : i1
          }
          %broadcast_in_dim3A_183 = arith.constant 4 : i32
          %broadcast_in_dim3A_184 = vector.broadcast %broadcast_in_dim3A_183 : i32 to vector<16xi32>
          %mul3A_185 = arith.constant 16 : i32
          %mul3A_186 = arith.muli %scan3A_71, %mul3A_185 : i32
          %get3A_187 = arith.constant 4 : i32
          %get3A_188 = arith.index_cast %get3A_187 : i32 to index
          %get3A_189 = arith.index_cast %mul3A_186 : i32 to index
          %get3A_190 = tpu.vector_load %arg8[%get3A_188, %get3A_189] {strides = array<i32>} : memref<8x640xf32, #tpu.memory_space<vmem>>, vector<16xf32>,
          %gather3A_191 = tpu.vector_load_idx %arg5[%broadcast_in_dim3A_184, %get3A_75] : memref<8x10240xf32, #tpu.memory_space<vmem>>[vector<16xi32>, vector<16xi32>], vector<16xf32>,
          %gt3A_192 = arith.cmpf ogt, %get3A_190, %gather3A_191 : vector<16xf32>
          tpu.vector_store_idx %arg5[%broadcast_in_dim3A_184, %get3A_75], %get3A_190 masked %gt3A_192 : memref<8x10240xf32, #tpu.memory_space<vmem>>[vector<16xi32>, vector<16xi32>], vector<16xf32>, vector<16xi1>
          %gather3A_193 = tpu.vector_load_idx %arg5[%broadcast_in_dim3A_184, %get3A_75] : memref<8x10240xf32, #tpu.memory_space<vmem>>[vector<16xi32>, vector<16xi32>], vector<16xf32>,
          %gt3A_194 = arith.cmpf ogt, %get3A_190, %gather3A_193 : vector<16xf32>
          %reduce_or3A_195 = arith.constant 1.000000e+00 : f32
          %reduce_or3A_196 = arith.constant 0.000000e+00 : f32
          %reduce_or3A_197 = vector.broadcast %reduce_or3A_195 : f32 to vector<16xf32>
          %reduce_or3A_198 = vector.broadcast %reduce_or3A_196 : f32 to vector<16xf32>
          %reduce_or3A_199 = arith.select %gt3A_194, %reduce_or3A_197, %reduce_or3A_198 : vector<16xi1>, vector<16xf32>
          %reduce_or3A_200 = arith.constant true
          %reduce_or3A_201 = vector.broadcast %reduce_or3A_200 : i1 to vector<16xi1>
          %reduce_or3A_202 = tpu.scan <max>, %reduce_or3A_199 masked %reduce_or3A_201 : vector<16xf32>, vector<16xi1> -> vector<16xf32>
          %reduce_or3A_203 = vector.extract %reduce_or3A_202[15] : f32 from vector<16xf32>
          %reduce_or3A_204 = arith.constant 0.000000e+00 : f32
          %reduce_or3A_205 = arith.cmpf ogt, %reduce_or3A_203, %reduce_or3A_204 : f32
          %while3A_206 = scf.while (%while3A_279 = %reduce_or3A_205) : (i1) -> i1 {
            scf.condition(%while3A_279) %while3A_279 : i1
          } do {
          ^bb0(%while3A_279: i1):
            %gather3A_280 = tpu.vector_load_idx %arg5[%broadcast_in_dim3A_184, %get3A_75] : memref<8x10240xf32, #tpu.memory_space<vmem>>[vector<16xi32>, vector<16xi32>], vector<16xf32>,
            %gt3A_281 = arith.cmpf ogt, %get3A_190, %gather3A_280 : vector<16xf32>
            tpu.vector_store_idx %arg5[%broadcast_in_dim3A_184, %get3A_75], %get3A_190 masked %gt3A_281 : memref<8x10240xf32, #tpu.memory_space<vmem>>[vector<16xi32>, vector<16xi32>], vector<16xf32>, vector<16xi1>
            %gather3A_282 = tpu.vector_load_idx %arg5[%broadcast_in_dim3A_184, %get3A_75] : memref<8x10240xf32, #tpu.memory_space<vmem>>[vector<16xi32>, vector<16xi32>], vector<16xf32>,
            %gt3A_283 = arith.cmpf ogt, %get3A_190, %gather3A_282 : vector<16xf32>
            %reduce_or3A_284 = arith.constant 1.000000e+00 : f32
            %reduce_or3A_285 = arith.constant 0.000000e+00 : f32
            %reduce_or3A_286 = vector.broadcast %reduce_or3A_284 : f32 to vector<16xf32>
            %reduce_or3A_287 = vector.broadcast %reduce_or3A_285 : f32 to vector<16xf32>
            %reduce_or3A_288 = arith.select %gt3A_283, %reduce_or3A_286, %reduce_or3A_287 : vector<16xi1>, vector<16xf32>
            %reduce_or3A_289 = arith.constant true
            %reduce_or3A_290 = vector.broadcast %reduce_or3A_289 : i1 to vector<16xi1>
            %reduce_or3A_291 = tpu.scan <max>, %reduce_or3A_288 masked %reduce_or3A_290 : vector<16xf32>, vector<16xi1> -> vector<16xf32>
            %reduce_or3A_292 = vector.extract %reduce_or3A_291[15] : f32 from vector<16xf32>
            %reduce_or3A_293 = arith.constant 0.000000e+00 : f32
            %reduce_or3A_294 = arith.cmpf ogt, %reduce_or3A_292, %reduce_or3A_293 : f32
            scf.yield %reduce_or3A_294 : i1
          }
          %broadcast_in_dim3A_207 = arith.constant 5 : i32
          %broadcast_in_dim3A_208 = vector.broadcast %broadcast_in_dim3A_207 : i32 to vector<16xi32>
          %mul3A_209 = arith.constant 16 : i32
          %mul3A_210 = arith.muli %scan3A_71, %mul3A_209 : i32
          %get3A_211 = arith.constant 5 : i32
          %get3A_212 = arith.index_cast %get3A_211 : i32 to index
          %get3A_213 = arith.index_cast %mul3A_210 : i32 to index
          %get3A_214 = tpu.vector_load %arg8[%get3A_212, %get3A_213] {strides = array<i32>} : memref<8x640xf32, #tpu.memory_space<vmem>>, vector<16xf32>,
          %gather3A_215 = tpu.vector_load_idx %arg5[%broadcast_in_dim3A_208, %get3A_75] : memref<8x10240xf32, #tpu.memory_space<vmem>>[vector<16xi32>, vector<16xi32>], vector<16xf32>,
          %gt3A_216 = arith.cmpf ogt, %get3A_214, %gather3A_215 : vector<16xf32>
          tpu.vector_store_idx %arg5[%broadcast_in_dim3A_208, %get3A_75], %get3A_214 masked %gt3A_216 : memref<8x10240xf32, #tpu.memory_space<vmem>>[vector<16xi32>, vector<16xi32>], vector<16xf32>, vector<16xi1>
          %gather3A_217 = tpu.vector_load_idx %arg5[%broadcast_in_dim3A_208, %get3A_75] : memref<8x10240xf32, #tpu.memory_space<vmem>>[vector<16xi32>, vector<16xi32>], vector<16xf32>,
          %gt3A_218 = arith.cmpf ogt, %get3A_214, %gather3A_217 : vector<16xf32>
          %reduce_or3A_219 = arith.constant 1.000000e+00 : f32
          %reduce_or3A_220 = arith.constant 0.000000e+00 : f32
          %reduce_or3A_221 = vector.broadcast %reduce_or3A_219 : f32 to vector<16xf32>
          %reduce_or3A_222 = vector.broadcast %reduce_or3A_220 : f32 to vector<16xf32>
          %reduce_or3A_223 = arith.select %gt3A_218, %reduce_or3A_221, %reduce_or3A_222 : vector<16xi1>, vector<16xf32>
          %reduce_or3A_224 = arith.constant true
          %reduce_or3A_225 = vector.broadcast %reduce_or3A_224 : i1 to vector<16xi1>
          %reduce_or3A_226 = tpu.scan <max>, %reduce_or3A_223 masked %reduce_or3A_225 : vector<16xf32>, vector<16xi1> -> vector<16xf32>
          %reduce_or3A_227 = vector.extract %reduce_or3A_226[15] : f32 from vector<16xf32>
          %reduce_or3A_228 = arith.constant 0.000000e+00 : f32
          %reduce_or3A_229 = arith.cmpf ogt, %reduce_or3A_227, %reduce_or3A_228 : f32
          %while3A_230 = scf.while (%while3A_279 = %reduce_or3A_229) : (i1) -> i1 {
            scf.condition(%while3A_279) %while3A_279 : i1
          } do {
          ^bb0(%while3A_279: i1):
            %gather3A_280 = tpu.vector_load_idx %arg5[%broadcast_in_dim3A_208, %get3A_75] : memref<8x10240xf32, #tpu.memory_space<vmem>>[vector<16xi32>, vector<16xi32>], vector<16xf32>,
            %gt3A_281 = arith.cmpf ogt, %get3A_214, %gather3A_280 : vector<16xf32>
            tpu.vector_store_idx %arg5[%broadcast_in_dim3A_208, %get3A_75], %get3A_214 masked %gt3A_281 : memref<8x10240xf32, #tpu.memory_space<vmem>>[vector<16xi32>, vector<16xi32>], vector<16xf32>, vector<16xi1>
            %gather3A_282 = tpu.vector_load_idx %arg5[%broadcast_in_dim3A_208, %get3A_75] : memref<8x10240xf32, #tpu.memory_space<vmem>>[vector<16xi32>, vector<16xi32>], vector<16xf32>,
            %gt3A_283 = arith.cmpf ogt, %get3A_214, %gather3A_282 : vector<16xf32>
            %reduce_or3A_284 = arith.constant 1.000000e+00 : f32
            %reduce_or3A_285 = arith.constant 0.000000e+00 : f32
            %reduce_or3A_286 = vector.broadcast %reduce_or3A_284 : f32 to vector<16xf32>
            %reduce_or3A_287 = vector.broadcast %reduce_or3A_285 : f32 to vector<16xf32>
            %reduce_or3A_288 = arith.select %gt3A_283, %reduce_or3A_286, %reduce_or3A_287 : vector<16xi1>, vector<16xf32>
            %reduce_or3A_289 = arith.constant true
            %reduce_or3A_290 = vector.broadcast %reduce_or3A_289 : i1 to vector<16xi1>
            %reduce_or3A_291 = tpu.scan <max>, %reduce_or3A_288 masked %reduce_or3A_290 : vector<16xf32>, vector<16xi1> -> vector<16xf32>
            %reduce_or3A_292 = vector.extract %reduce_or3A_291[15] : f32 from vector<16xf32>
            %reduce_or3A_293 = arith.constant 0.000000e+00 : f32
            %reduce_or3A_294 = arith.cmpf ogt, %reduce_or3A_292, %reduce_or3A_293 : f32
            scf.yield %reduce_or3A_294 : i1
          }
          %broadcast_in_dim3A_231 = arith.constant 6 : i32
          %broadcast_in_dim3A_232 = vector.broadcast %broadcast_in_dim3A_231 : i32 to vector<16xi32>
          %mul3A_233 = arith.constant 16 : i32
          %mul3A_234 = arith.muli %scan3A_71, %mul3A_233 : i32
          %get3A_235 = arith.constant 6 : i32
          %get3A_236 = arith.index_cast %get3A_235 : i32 to index
          %get3A_237 = arith.index_cast %mul3A_234 : i32 to index
          %get3A_238 = tpu.vector_load %arg8[%get3A_236, %get3A_237] {strides = array<i32>} : memref<8x640xf32, #tpu.memory_space<vmem>>, vector<16xf32>,
          %gather3A_239 = tpu.vector_load_idx %arg5[%broadcast_in_dim3A_232, %get3A_75] : memref<8x10240xf32, #tpu.memory_space<vmem>>[vector<16xi32>, vector<16xi32>], vector<16xf32>,
          %gt3A_240 = arith.cmpf ogt, %get3A_238, %gather3A_239 : vector<16xf32>
          tpu.vector_store_idx %arg5[%broadcast_in_dim3A_232, %get3A_75], %get3A_238 masked %gt3A_240 : memref<8x10240xf32, #tpu.memory_space<vmem>>[vector<16xi32>, vector<16xi32>], vector<16xf32>, vector<16xi1>
          %gather3A_241 = tpu.vector_load_idx %arg5[%broadcast_in_dim3A_232, %get3A_75] : memref<8x10240xf32, #tpu.memory_space<vmem>>[vector<16xi32>, vector<16xi32>], vector<16xf32>,
          %gt3A_242 = arith.cmpf ogt, %get3A_238, %gather3A_241 : vector<16xf32>
          %reduce_or3A_243 = arith.constant 1.000000e+00 : f32
          %reduce_or3A_244 = arith.constant 0.000000e+00 : f32
          %reduce_or3A_245 = vector.broadcast %reduce_or3A_243 : f32 to vector<16xf32>
          %reduce_or3A_246 = vector.broadcast %reduce_or3A_244 : f32 to vector<16xf32>
          %reduce_or3A_247 = arith.select %gt3A_242, %reduce_or3A_245, %reduce_or3A_246 : vector<16xi1>, vector<16xf32>
          %reduce_or3A_248 = arith.constant true
          %reduce_or3A_249 = vector.broadcast %reduce_or3A_248 : i1 to vector<16xi1>
          %reduce_or3A_250 = tpu.scan <max>, %reduce_or3A_247 masked %reduce_or3A_249 : vector<16xf32>, vector<16xi1> -> vector<16xf32>
          %reduce_or3A_251 = vector.extract %reduce_or3A_250[15] : f32 from vector<16xf32>
          %reduce_or3A_252 = arith.constant 0.000000e+00 : f32
          %reduce_or3A_253 = arith.cmpf ogt, %reduce_or3A_251, %reduce_or3A_252 : f32
          %while3A_254 = scf.while (%while3A_279 = %reduce_or3A_253) : (i1) -> i1 {
            scf.condition(%while3A_279) %while3A_279 : i1
          } do {
          ^bb0(%while3A_279: i1):
            %gather3A_280 = tpu.vector_load_idx %arg5[%broadcast_in_dim3A_232, %get3A_75] : memref<8x10240xf32, #tpu.memory_space<vmem>>[vector<16xi32>, vector<16xi32>], vector<16xf32>,
            %gt3A_281 = arith.cmpf ogt, %get3A_238, %gather3A_280 : vector<16xf32>
            tpu.vector_store_idx %arg5[%broadcast_in_dim3A_232, %get3A_75], %get3A_238 masked %gt3A_281 : memref<8x10240xf32, #tpu.memory_space<vmem>>[vector<16xi32>, vector<16xi32>], vector<16xf32>, vector<16xi1>
            %gather3A_282 = tpu.vector_load_idx %arg5[%broadcast_in_dim3A_232, %get3A_75] : memref<8x10240xf32, #tpu.memory_space<vmem>>[vector<16xi32>, vector<16xi32>], vector<16xf32>,
            %gt3A_283 = arith.cmpf ogt, %get3A_238, %gather3A_282 : vector<16xf32>
            %reduce_or3A_284 = arith.constant 1.000000e+00 : f32
            %reduce_or3A_285 = arith.constant 0.000000e+00 : f32
            %reduce_or3A_286 = vector.broadcast %reduce_or3A_284 : f32 to vector<16xf32>
            %reduce_or3A_287 = vector.broadcast %reduce_or3A_285 : f32 to vector<16xf32>
            %reduce_or3A_288 = arith.select %gt3A_283, %reduce_or3A_286, %reduce_or3A_287 : vector<16xi1>, vector<16xf32>
            %reduce_or3A_289 = arith.constant true
            %reduce_or3A_290 = vector.broadcast %reduce_or3A_289 : i1 to vector<16xi1>
            %reduce_or3A_291 = tpu.scan <max>, %reduce_or3A_288 masked %reduce_or3A_290 : vector<16xf32>, vector<16xi1> -> vector<16xf32>
            %reduce_or3A_292 = vector.extract %reduce_or3A_291[15] : f32 from vector<16xf32>
            %reduce_or3A_293 = arith.constant 0.000000e+00 : f32
            %reduce_or3A_294 = arith.cmpf ogt, %reduce_or3A_292, %reduce_or3A_293 : f32
            scf.yield %reduce_or3A_294 : i1
          }
          %broadcast_in_dim3A_255 = arith.constant 7 : i32
          %broadcast_in_dim3A_256 = vector.broadcast %broadcast_in_dim3A_255 : i32 to vector<16xi32>
          %mul3A_257 = arith.constant 16 : i32
          %mul3A_258 = arith.muli %scan3A_71, %mul3A_257 : i32
          %get3A_259 = arith.constant 7 : i32
          %get3A_260 = arith.index_cast %get3A_259 : i32 to index
          %get3A_261 = arith.index_cast %mul3A_258 : i32 to index
          %get3A_262 = tpu.vector_load %arg8[%get3A_260, %get3A_261] {strides = array<i32>} : memref<8x640xf32, #tpu.memory_space<vmem>>, vector<16xf32>,
          %gather3A_263 = tpu.vector_load_idx %arg5[%broadcast_in_dim3A_256, %get3A_75] : memref<8x10240xf32, #tpu.memory_space<vmem>>[vector<16xi32>, vector<16xi32>], vector<16xf32>,
          %gt3A_264 = arith.cmpf ogt, %get3A_262, %gather3A_263 : vector<16xf32>
          tpu.vector_store_idx %arg5[%broadcast_in_dim3A_256, %get3A_75], %get3A_262 masked %gt3A_264 : memref<8x10240xf32, #tpu.memory_space<vmem>>[vector<16xi32>, vector<16xi32>], vector<16xf32>, vector<16xi1>
          %gather3A_265 = tpu.vector_load_idx %arg5[%broadcast_in_dim3A_256, %get3A_75] : memref<8x10240xf32, #tpu.memory_space<vmem>>[vector<16xi32>, vector<16xi32>], vector<16xf32>,
          %gt3A_266 = arith.cmpf ogt, %get3A_262, %gather3A_265 : vector<16xf32>
          %reduce_or3A_267 = arith.constant 1.000000e+00 : f32
          %reduce_or3A_268 = arith.constant 0.000000e+00 : f32
          %reduce_or3A_269 = vector.broadcast %reduce_or3A_267 : f32 to vector<16xf32>
          %reduce_or3A_270 = vector.broadcast %reduce_or3A_268 : f32 to vector<16xf32>
          %reduce_or3A_271 = arith.select %gt3A_266, %reduce_or3A_269, %reduce_or3A_270 : vector<16xi1>, vector<16xf32>
          %reduce_or3A_272 = arith.constant true
          %reduce_or3A_273 = vector.broadcast %reduce_or3A_272 : i1 to vector<16xi1>
          %reduce_or3A_274 = tpu.scan <max>, %reduce_or3A_271 masked %reduce_or3A_273 : vector<16xf32>, vector<16xi1> -> vector<16xf32>
          %reduce_or3A_275 = vector.extract %reduce_or3A_274[15] : f32 from vector<16xf32>
          %reduce_or3A_276 = arith.constant 0.000000e+00 : f32
          %reduce_or3A_277 = arith.cmpf ogt, %reduce_or3A_275, %reduce_or3A_276 : f32
          %while3A_278 = scf.while (%while3A_279 = %reduce_or3A_277) : (i1) -> i1 {
            scf.condition(%while3A_279) %while3A_279 : i1
          } do {
          ^bb0(%while3A_279: i1):
            %gather3A_280 = tpu.vector_load_idx %arg5[%broadcast_in_dim3A_256, %get3A_75] : memref<8x10240xf32, #tpu.memory_space<vmem>>[vector<16xi32>, vector<16xi32>], vector<16xf32>,
            %gt3A_281 = arith.cmpf ogt, %get3A_262, %gather3A_280 : vector<16xf32>
            tpu.vector_store_idx %arg5[%broadcast_in_dim3A_256, %get3A_75], %get3A_262 masked %gt3A_281 : memref<8x10240xf32, #tpu.memory_space<vmem>>[vector<16xi32>, vector<16xi32>], vector<16xf32>, vector<16xi1>
            %gather3A_282 = tpu.vector_load_idx %arg5[%broadcast_in_dim3A_256, %get3A_75] : memref<8x10240xf32, #tpu.memory_space<vmem>>[vector<16xi32>, vector<16xi32>], vector<16xf32>,
            %gt3A_283 = arith.cmpf ogt, %get3A_262, %gather3A_282 : vector<16xf32>
            %reduce_or3A_284 = arith.constant 1.000000e+00 : f32
            %reduce_or3A_285 = arith.constant 0.000000e+00 : f32
            %reduce_or3A_286 = vector.broadcast %reduce_or3A_284 : f32 to vector<16xf32>
            %reduce_or3A_287 = vector.broadcast %reduce_or3A_285 : f32 to vector<16xf32>
            %reduce_or3A_288 = arith.select %gt3A_283, %reduce_or3A_286, %reduce_or3A_287 : vector<16xi1>, vector<16xf32>
            %reduce_or3A_289 = arith.constant true
            %reduce_or3A_290 = vector.broadcast %reduce_or3A_289 : i1 to vector<16xi1>
            %reduce_or3A_291 = tpu.scan <max>, %reduce_or3A_288 masked %reduce_or3A_290 : vector<16xf32>, vector<16xi1> -> vector<16xf32>
            %reduce_or3A_292 = vector.extract %reduce_or3A_291[15] : f32 from vector<16xf32>
            %reduce_or3A_293 = arith.constant 0.000000e+00 : f32
            %reduce_or3A_294 = arith.cmpf ogt, %reduce_or3A_292, %reduce_or3A_293 : f32
            scf.yield %reduce_or3A_294 : i1
          }
        }
        %scan3A_90 = arith.constant 0 : i32
        scf.yield %scan3A_90 : i32
      }
      %scan3A_56 = arith.constant 40 : i32
      %dma_wait3A_57 = tpu.memref_slice %arg3[%add3A_38] : memref<256000xi32, #tpu.memory_space<hbm>> -> memref<640xi32, #tpu.memory_space<hbm>>
      %dma_wait3A_58 = tpu.memref_slice %arg3[%add3A_38] : memref<256000xi32, #tpu.memory_space<hbm>> -> memref<640xi32, #tpu.memory_space<hbm>>
      tpu.wait_dma2 semaphore(%arg11 : memref<!tpu.dma_semaphore, #tpu.memory_space<semaphore_mem>>) src(%dma_wait3A_58 : memref<640xi32, #tpu.memory_space<hbm>>) dst(%arg7 : memref<640xi32, #tpu.memory_space<vmem>>)
      %dma_wait3A_59 = tpu.memref_slice %arg2[%arg0, %mul3A_0, %mul3A_35] : memref<2x128x128000xf32, #tpu.memory_space<hbm>> -> memref<1x8x640xf32, #tpu.memory_space<hbm>>
      %dma_wait3A_60 = tpu.memref_squeeze %dma_wait3A_59 : memref<1x8x640xf32, #tpu.memory_space<hbm>> -> memref<8x640xf32, #tpu.memory_space<hbm>>
      %dma_wait3A_61 = tpu.memref_slice %arg2[%arg0, %mul3A_0, %mul3A_35] : memref<2x128x128000xf32, #tpu.memory_space<hbm>> -> memref<1x8x640xf32, #tpu.memory_space<hbm>>
      %dma_wait3A_62 = tpu.memref_squeeze %dma_wait3A_61 : memref<1x8x640xf32, #tpu.memory_space<hbm>> -> memref<8x640xf32, #tpu.memory_space<hbm>>
      tpu.wait_dma2 semaphore(%arg11 : memref<!tpu.dma_semaphore, #tpu.memory_space<semaphore_mem>>) src(%dma_wait3A_62 : memref<8x640xf32, #tpu.memory_space<hbm>>) dst(%arg9 : memref<8x640xf32, #tpu.memory_space<vmem>>)
      %scan3A_63 = arith.constant 0 : i32
      %scan3A_64 = arith.constant 0 : i32
      %scan3A_65 = arith.constant 40 : i32
      %scan3A_66 = arith.addi %scan3A_64, %scan3A_65 : i32
      %scan3A_67 = arith.constant 1 : i32
      %scan3A_68 = scf.for %scan3A_71 = %scan3A_64 to %scan3A_66 step %scan3A_67 iter_args(%scan3A_72 = %scan3A_63) -> (i32)  : i32 {
        %mul3A_73 = arith.constant 16 : i32
        %mul3A_74 = arith.muli %scan3A_71, %mul3A_73 : i32
        %get3A = arith.index_cast %mul3A_74 : i32 to index
        %get3A_75 = tpu.vector_load %arg7[%get3A] {strides = array<i32>} : memref<640xi32, #tpu.memory_space<vmem>>, vector<16xi32>,
        %broadcast_in_dim3A_76 = arith.constant true
        %broadcast_in_dim3A_77 = vector.broadcast %broadcast_in_dim3A_76 : i1 to vector<16xi1>
        %unique3A, %unique3A_78 = tpu.scan_count mask(%broadcast_in_dim3A_77 : vector<16xi1>) value(%get3A_75 : vector<16xi32>) : vector<16xi1>, vector<16xi32>
        %reduce_and3A = arith.constant 1.000000e+00 : f32
        %reduce_and3A_79 = arith.constant 0.000000e+00 : f32
        %reduce_and3A_80 = vector.broadcast %reduce_and3A : f32 to vector<16xf32>
        %reduce_and3A_81 = vector.broadcast %reduce_and3A_79 : f32 to vector<16xf32>
        %reduce_and3A_82 = arith.select %unique3A, %reduce_and3A_80, %reduce_and3A_81 : vector<16xi1>, vector<16xf32>
        %reduce_and3A_83 = arith.constant true
        %reduce_and3A_84 = vector.broadcast %reduce_and3A_83 : i1 to vector<16xi1>
        %reduce_and3A_85 = tpu.scan <min>, %reduce_and3A_82 masked %reduce_and3A_84 : vector<16xf32>, vector<16xi1> -> vector<16xf32>
        %reduce_and3A_86 = vector.extract %reduce_and3A_85[15] : f32 from vector<16xf32>
        %reduce_and3A_87 = arith.constant 0.000000e+00 : f32
        %reduce_and3A_88 = arith.cmpf ogt, %reduce_and3A_86, %reduce_and3A_87 : f32
        %convert_element_type3A = arith.extui %reduce_and3A_88 : i1 to i32
        %cond3A = arith.constant 0 : i32
        %cond3A_89 = arith.cmpi ne, %convert_element_type3A, %cond3A : i32
        scf.if %cond3A_89 {
          %broadcast_in_dim3A_91 = arith.constant 0 : i32
          %broadcast_in_dim3A_92 = vector.broadcast %broadcast_in_dim3A_91 : i32 to vector<16xi32>
          %mul3A_93 = arith.constant 16 : i32
          %mul3A_94 = arith.muli %scan3A_71, %mul3A_93 : i32
          %get3A_95 = arith.constant 0 : i32
          %get3A_96 = arith.index_cast %get3A_95 : i32 to index
          %get3A_97 = arith.index_cast %mul3A_94 : i32 to index
          %get3A_98 = tpu.vector_load %arg9[%get3A_96, %get3A_97] {strides = array<i32>} : memref<8x640xf32, #tpu.memory_space<vmem>>, vector<16xf32>,
          %gather3A = tpu.vector_load_idx %arg5[%broadcast_in_dim3A_92, %get3A_75] : memref<8x10240xf32, #tpu.memory_space<vmem>>[vector<16xi32>, vector<16xi32>], vector<16xf32>,
          %max3A = arith.maximumf %gather3A, %get3A_98 : vector<16xf32>
          tpu.vector_store_idx %arg5[%broadcast_in_dim3A_92, %get3A_75], %max3A : memref<8x10240xf32, #tpu.memory_space<vmem>>[vector<16xi32>, vector<16xi32>], vector<16xf32>,
          %broadcast_in_dim3A_99 = arith.constant 1 : i32
          %broadcast_in_dim3A_100 = vector.broadcast %broadcast_in_dim3A_99 : i32 to vector<16xi32>
          %mul3A_101 = arith.constant 16 : i32
          %mul3A_102 = arith.muli %scan3A_71, %mul3A_101 : i32
          %get3A_103 = arith.constant 1 : i32
          %get3A_104 = arith.index_cast %get3A_103 : i32 to index
          %get3A_105 = arith.index_cast %mul3A_102 : i32 to index
          %get3A_106 = tpu.vector_load %arg9[%get3A_104, %get3A_105] {strides = array<i32>} : memref<8x640xf32, #tpu.memory_space<vmem>>, vector<16xf32>,
          %gather3A_107 = tpu.vector_load_idx %arg5[%broadcast_in_dim3A_100, %get3A_75] : memref<8x10240xf32, #tpu.memory_space<vmem>>[vector<16xi32>, vector<16xi32>], vector<16xf32>,
          %max3A_108 = arith.maximumf %gather3A_107, %get3A_106 : vector<16xf32>
          tpu.vector_store_idx %arg5[%broadcast_in_dim3A_100, %get3A_75], %max3A_108 : memref<8x10240xf32, #tpu.memory_space<vmem>>[vector<16xi32>, vector<16xi32>], vector<16xf32>,
          %broadcast_in_dim3A_109 = arith.constant 2 : i32
          %broadcast_in_dim3A_110 = vector.broadcast %broadcast_in_dim3A_109 : i32 to vector<16xi32>
          %mul3A_111 = arith.constant 16 : i32
          %mul3A_112 = arith.muli %scan3A_71, %mul3A_111 : i32
          %get3A_113 = arith.constant 2 : i32
          %get3A_114 = arith.index_cast %get3A_113 : i32 to index
          %get3A_115 = arith.index_cast %mul3A_112 : i32 to index
          %get3A_116 = tpu.vector_load %arg9[%get3A_114, %get3A_115] {strides = array<i32>} : memref<8x640xf32, #tpu.memory_space<vmem>>, vector<16xf32>,
          %gather3A_117 = tpu.vector_load_idx %arg5[%broadcast_in_dim3A_110, %get3A_75] : memref<8x10240xf32, #tpu.memory_space<vmem>>[vector<16xi32>, vector<16xi32>], vector<16xf32>,
          %max3A_118 = arith.maximumf %gather3A_117, %get3A_116 : vector<16xf32>
          tpu.vector_store_idx %arg5[%broadcast_in_dim3A_110, %get3A_75], %max3A_118 : memref<8x10240xf32, #tpu.memory_space<vmem>>[vector<16xi32>, vector<16xi32>], vector<16xf32>,
          %broadcast_in_dim3A_119 = arith.constant 3 : i32
          %broadcast_in_dim3A_120 = vector.broadcast %broadcast_in_dim3A_119 : i32 to vector<16xi32>
          %mul3A_121 = arith.constant 16 : i32
          %mul3A_122 = arith.muli %scan3A_71, %mul3A_121 : i32
          %get3A_123 = arith.constant 3 : i32
          %get3A_124 = arith.index_cast %get3A_123 : i32 to index
          %get3A_125 = arith.index_cast %mul3A_122 : i32 to index
          %get3A_126 = tpu.vector_load %arg9[%get3A_124, %get3A_125] {strides = array<i32>} : memref<8x640xf32, #tpu.memory_space<vmem>>, vector<16xf32>,
          %gather3A_127 = tpu.vector_load_idx %arg5[%broadcast_in_dim3A_120, %get3A_75] : memref<8x10240xf32, #tpu.memory_space<vmem>>[vector<16xi32>, vector<16xi32>], vector<16xf32>,
          %max3A_128 = arith.maximumf %gather3A_127, %get3A_126 : vector<16xf32>
          tpu.vector_store_idx %arg5[%broadcast_in_dim3A_120, %get3A_75], %max3A_128 : memref<8x10240xf32, #tpu.memory_space<vmem>>[vector<16xi32>, vector<16xi32>], vector<16xf32>,
          %broadcast_in_dim3A_129 = arith.constant 4 : i32
          %broadcast_in_dim3A_130 = vector.broadcast %broadcast_in_dim3A_129 : i32 to vector<16xi32>
          %mul3A_131 = arith.constant 16 : i32
          %mul3A_132 = arith.muli %scan3A_71, %mul3A_131 : i32
          %get3A_133 = arith.constant 4 : i32
          %get3A_134 = arith.index_cast %get3A_133 : i32 to index
          %get3A_135 = arith.index_cast %mul3A_132 : i32 to index
          %get3A_136 = tpu.vector_load %arg9[%get3A_134, %get3A_135] {strides = array<i32>} : memref<8x640xf32, #tpu.memory_space<vmem>>, vector<16xf32>,
          %gather3A_137 = tpu.vector_load_idx %arg5[%broadcast_in_dim3A_130, %get3A_75] : memref<8x10240xf32, #tpu.memory_space<vmem>>[vector<16xi32>, vector<16xi32>], vector<16xf32>,
          %max3A_138 = arith.maximumf %gather3A_137, %get3A_136 : vector<16xf32>
          tpu.vector_store_idx %arg5[%broadcast_in_dim3A_130, %get3A_75], %max3A_138 : memref<8x10240xf32, #tpu.memory_space<vmem>>[vector<16xi32>, vector<16xi32>], vector<16xf32>,
          %broadcast_in_dim3A_139 = arith.constant 5 : i32
          %broadcast_in_dim3A_140 = vector.broadcast %broadcast_in_dim3A_139 : i32 to vector<16xi32>
          %mul3A_141 = arith.constant 16 : i32
          %mul3A_142 = arith.muli %scan3A_71, %mul3A_141 : i32
          %get3A_143 = arith.constant 5 : i32
          %get3A_144 = arith.index_cast %get3A_143 : i32 to index
          %get3A_145 = arith.index_cast %mul3A_142 : i32 to index
          %get3A_146 = tpu.vector_load %arg9[%get3A_144, %get3A_145] {strides = array<i32>} : memref<8x640xf32, #tpu.memory_space<vmem>>, vector<16xf32>,
          %gather3A_147 = tpu.vector_load_idx %arg5[%broadcast_in_dim3A_140, %get3A_75] : memref<8x10240xf32, #tpu.memory_space<vmem>>[vector<16xi32>, vector<16xi32>], vector<16xf32>,
          %max3A_148 = arith.maximumf %gather3A_147, %get3A_146 : vector<16xf32>
          tpu.vector_store_idx %arg5[%broadcast_in_dim3A_140, %get3A_75], %max3A_148 : memref<8x10240xf32, #tpu.memory_space<vmem>>[vector<16xi32>, vector<16xi32>], vector<16xf32>,
          %broadcast_in_dim3A_149 = arith.constant 6 : i32
          %broadcast_in_dim3A_150 = vector.broadcast %broadcast_in_dim3A_149 : i32 to vector<16xi32>
          %mul3A_151 = arith.constant 16 : i32
          %mul3A_152 = arith.muli %scan3A_71, %mul3A_151 : i32
          %get3A_153 = arith.constant 6 : i32
          %get3A_154 = arith.index_cast %get3A_153 : i32 to index
          %get3A_155 = arith.index_cast %mul3A_152 : i32 to index
          %get3A_156 = tpu.vector_load %arg9[%get3A_154, %get3A_155] {strides = array<i32>} : memref<8x640xf32, #tpu.memory_space<vmem>>, vector<16xf32>,
          %gather3A_157 = tpu.vector_load_idx %arg5[%broadcast_in_dim3A_150, %get3A_75] : memref<8x10240xf32, #tpu.memory_space<vmem>>[vector<16xi32>, vector<16xi32>], vector<16xf32>,
          %max3A_158 = arith.maximumf %gather3A_157, %get3A_156 : vector<16xf32>
          tpu.vector_store_idx %arg5[%broadcast_in_dim3A_150, %get3A_75], %max3A_158 : memref<8x10240xf32, #tpu.memory_space<vmem>>[vector<16xi32>, vector<16xi32>], vector<16xf32>,
          %broadcast_in_dim3A_159 = arith.constant 7 : i32
          %broadcast_in_dim3A_160 = vector.broadcast %broadcast_in_dim3A_159 : i32 to vector<16xi32>
          %mul3A_161 = arith.constant 16 : i32
          %mul3A_162 = arith.muli %scan3A_71, %mul3A_161 : i32
          %get3A_163 = arith.constant 7 : i32
          %get3A_164 = arith.index_cast %get3A_163 : i32 to index
          %get3A_165 = arith.index_cast %mul3A_162 : i32 to index
          %get3A_166 = tpu.vector_load %arg9[%get3A_164, %get3A_165] {strides = array<i32>} : memref<8x640xf32, #tpu.memory_space<vmem>>, vector<16xf32>,
          %gather3A_167 = tpu.vector_load_idx %arg5[%broadcast_in_dim3A_160, %get3A_75] : memref<8x10240xf32, #tpu.memory_space<vmem>>[vector<16xi32>, vector<16xi32>], vector<16xf32>,
          %max3A_168 = arith.maximumf %gather3A_167, %get3A_166 : vector<16xf32>
          tpu.vector_store_idx %arg5[%broadcast_in_dim3A_160, %get3A_75], %max3A_168 : memref<8x10240xf32, #tpu.memory_space<vmem>>[vector<16xi32>, vector<16xi32>], vector<16xf32>,
        } else {
          %broadcast_in_dim3A_91 = arith.constant 0 : i32
          %broadcast_in_dim3A_92 = vector.broadcast %broadcast_in_dim3A_91 : i32 to vector<16xi32>
          %mul3A_93 = arith.constant 16 : i32
          %mul3A_94 = arith.muli %scan3A_71, %mul3A_93 : i32
          %get3A_95 = arith.constant 0 : i32
          %get3A_96 = arith.index_cast %get3A_95 : i32 to index
          %get3A_97 = arith.index_cast %mul3A_94 : i32 to index
          %get3A_98 = tpu.vector_load %arg9[%get3A_96, %get3A_97] {strides = array<i32>} : memref<8x640xf32, #tpu.memory_space<vmem>>, vector<16xf32>,
          %gather3A = tpu.vector_load_idx %arg5[%broadcast_in_dim3A_92, %get3A_75] : memref<8x10240xf32, #tpu.memory_space<vmem>>[vector<16xi32>, vector<16xi32>], vector<16xf32>,
          %gt3A = arith.cmpf ogt, %get3A_98, %gather3A : vector<16xf32>
          tpu.vector_store_idx %arg5[%broadcast_in_dim3A_92, %get3A_75], %get3A_98 masked %gt3A : memref<8x10240xf32, #tpu.memory_space<vmem>>[vector<16xi32>, vector<16xi32>], vector<16xf32>, vector<16xi1>
          %gather3A_99 = tpu.vector_load_idx %arg5[%broadcast_in_dim3A_92, %get3A_75] : memref<8x10240xf32, #tpu.memory_space<vmem>>[vector<16xi32>, vector<16xi32>], vector<16xf32>,
          %gt3A_100 = arith.cmpf ogt, %get3A_98, %gather3A_99 : vector<16xf32>
          %reduce_or3A = arith.constant 1.000000e+00 : f32
          %reduce_or3A_101 = arith.constant 0.000000e+00 : f32
          %reduce_or3A_102 = vector.broadcast %reduce_or3A : f32 to vector<16xf32>
          %reduce_or3A_103 = vector.broadcast %reduce_or3A_101 : f32 to vector<16xf32>
          %reduce_or3A_104 = arith.select %gt3A_100, %reduce_or3A_102, %reduce_or3A_103 : vector<16xi1>, vector<16xf32>
          %reduce_or3A_105 = arith.constant true
          %reduce_or3A_106 = vector.broadcast %reduce_or3A_105 : i1 to vector<16xi1>
          %reduce_or3A_107 = tpu.scan <max>, %reduce_or3A_104 masked %reduce_or3A_106 : vector<16xf32>, vector<16xi1> -> vector<16xf32>
          %reduce_or3A_108 = vector.extract %reduce_or3A_107[15] : f32 from vector<16xf32>
          %reduce_or3A_109 = arith.constant 0.000000e+00 : f32
          %reduce_or3A_110 = arith.cmpf ogt, %reduce_or3A_108, %reduce_or3A_109 : f32
          %while3A = scf.while (%while3A_279 = %reduce_or3A_110) : (i1) -> i1 {
            scf.condition(%while3A_279) %while3A_279 : i1
          } do {
          ^bb0(%while3A_279: i1):
            %gather3A_280 = tpu.vector_load_idx %arg5[%broadcast_in_dim3A_92, %get3A_75] : memref<8x10240xf32, #tpu.memory_space<vmem>>[vector<16xi32>, vector<16xi32>], vector<16xf32>,
            %gt3A_281 = arith.cmpf ogt, %get3A_98, %gather3A_280 : vector<16xf32>
            tpu.vector_store_idx %arg5[%broadcast_in_dim3A_92, %get3A_75], %get3A_98 masked %gt3A_281 : memref<8x10240xf32, #tpu.memory_space<vmem>>[vector<16xi32>, vector<16xi32>], vector<16xf32>, vector<16xi1>
            %gather3A_282 = tpu.vector_load_idx %arg5[%broadcast_in_dim3A_92, %get3A_75] : memref<8x10240xf32, #tpu.memory_space<vmem>>[vector<16xi32>, vector<16xi32>], vector<16xf32>,
            %gt3A_283 = arith.cmpf ogt, %get3A_98, %gather3A_282 : vector<16xf32>
            %reduce_or3A_284 = arith.constant 1.000000e+00 : f32
            %reduce_or3A_285 = arith.constant 0.000000e+00 : f32
            %reduce_or3A_286 = vector.broadcast %reduce_or3A_284 : f32 to vector<16xf32>
            %reduce_or3A_287 = vector.broadcast %reduce_or3A_285 : f32 to vector<16xf32>
            %reduce_or3A_288 = arith.select %gt3A_283, %reduce_or3A_286, %reduce_or3A_287 : vector<16xi1>, vector<16xf32>
            %reduce_or3A_289 = arith.constant true
            %reduce_or3A_290 = vector.broadcast %reduce_or3A_289 : i1 to vector<16xi1>
            %reduce_or3A_291 = tpu.scan <max>, %reduce_or3A_288 masked %reduce_or3A_290 : vector<16xf32>, vector<16xi1> -> vector<16xf32>
            %reduce_or3A_292 = vector.extract %reduce_or3A_291[15] : f32 from vector<16xf32>
            %reduce_or3A_293 = arith.constant 0.000000e+00 : f32
            %reduce_or3A_294 = arith.cmpf ogt, %reduce_or3A_292, %reduce_or3A_293 : f32
            scf.yield %reduce_or3A_294 : i1
          }
          %broadcast_in_dim3A_111 = arith.constant 1 : i32
          %broadcast_in_dim3A_112 = vector.broadcast %broadcast_in_dim3A_111 : i32 to vector<16xi32>
          %mul3A_113 = arith.constant 16 : i32
          %mul3A_114 = arith.muli %scan3A_71, %mul3A_113 : i32
          %get3A_115 = arith.constant 1 : i32
          %get3A_116 = arith.index_cast %get3A_115 : i32 to index
          %get3A_117 = arith.index_cast %mul3A_114 : i32 to index
          %get3A_118 = tpu.vector_load %arg9[%get3A_116, %get3A_117] {strides = array<i32>} : memref<8x640xf32, #tpu.memory_space<vmem>>, vector<16xf32>,
          %gather3A_119 = tpu.vector_load_idx %arg5[%broadcast_in_dim3A_112, %get3A_75] : memref<8x10240xf32, #tpu.memory_space<vmem>>[vector<16xi32>, vector<16xi32>], vector<16xf32>,
          %gt3A_120 = arith.cmpf ogt, %get3A_118, %gather3A_119 : vector<16xf32>
          tpu.vector_store_idx %arg5[%broadcast_in_dim3A_112, %get3A_75], %get3A_118 masked %gt3A_120 : memref<8x10240xf32, #tpu.memory_space<vmem>>[vector<16xi32>, vector<16xi32>], vector<16xf32>, vector<16xi1>
          %gather3A_121 = tpu.vector_load_idx %arg5[%broadcast_in_dim3A_112, %get3A_75] : memref<8x10240xf32, #tpu.memory_space<vmem>>[vector<16xi32>, vector<16xi32>], vector<16xf32>,
          %gt3A_122 = arith.cmpf ogt, %get3A_118, %gather3A_121 : vector<16xf32>
          %reduce_or3A_123 = arith.constant 1.000000e+00 : f32
          %reduce_or3A_124 = arith.constant 0.000000e+00 : f32
          %reduce_or3A_125 = vector.broadcast %reduce_or3A_123 : f32 to vector<16xf32>
          %reduce_or3A_126 = vector.broadcast %reduce_or3A_124 : f32 to vector<16xf32>
          %reduce_or3A_127 = arith.select %gt3A_122, %reduce_or3A_125, %reduce_or3A_126 : vector<16xi1>, vector<16xf32>
          %reduce_or3A_128 = arith.constant true
          %reduce_or3A_129 = vector.broadcast %reduce_or3A_128 : i1 to vector<16xi1>
          %reduce_or3A_130 = tpu.scan <max>, %reduce_or3A_127 masked %reduce_or3A_129 : vector<16xf32>, vector<16xi1> -> vector<16xf32>
          %reduce_or3A_131 = vector.extract %reduce_or3A_130[15] : f32 from vector<16xf32>
          %reduce_or3A_132 = arith.constant 0.000000e+00 : f32
          %reduce_or3A_133 = arith.cmpf ogt, %reduce_or3A_131, %reduce_or3A_132 : f32
          %while3A_134 = scf.while (%while3A_279 = %reduce_or3A_133) : (i1) -> i1 {
            scf.condition(%while3A_279) %while3A_279 : i1
          } do {
          ^bb0(%while3A_279: i1):
            %gather3A_280 = tpu.vector_load_idx %arg5[%broadcast_in_dim3A_112, %get3A_75] : memref<8x10240xf32, #tpu.memory_space<vmem>>[vector<16xi32>, vector<16xi32>], vector<16xf32>,
            %gt3A_281 = arith.cmpf ogt, %get3A_118, %gather3A_280 : vector<16xf32>
            tpu.vector_store_idx %arg5[%broadcast_in_dim3A_112, %get3A_75], %get3A_118 masked %gt3A_281 : memref<8x10240xf32, #tpu.memory_space<vmem>>[vector<16xi32>, vector<16xi32>], vector<16xf32>, vector<16xi1>
            %gather3A_282 = tpu.vector_load_idx %arg5[%broadcast_in_dim3A_112, %get3A_75] : memref<8x10240xf32, #tpu.memory_space<vmem>>[vector<16xi32>, vector<16xi32>], vector<16xf32>,
            %gt3A_283 = arith.cmpf ogt, %get3A_118, %gather3A_282 : vector<16xf32>
            %reduce_or3A_284 = arith.constant 1.000000e+00 : f32
            %reduce_or3A_285 = arith.constant 0.000000e+00 : f32
            %reduce_or3A_286 = vector.broadcast %reduce_or3A_284 : f32 to vector<16xf32>
            %reduce_or3A_287 = vector.broadcast %reduce_or3A_285 : f32 to vector<16xf32>
            %reduce_or3A_288 = arith.select %gt3A_283, %reduce_or3A_286, %reduce_or3A_287 : vector<16xi1>, vector<16xf32>
            %reduce_or3A_289 = arith.constant true
            %reduce_or3A_290 = vector.broadcast %reduce_or3A_289 : i1 to vector<16xi1>
            %reduce_or3A_291 = tpu.scan <max>, %reduce_or3A_288 masked %reduce_or3A_290 : vector<16xf32>, vector<16xi1> -> vector<16xf32>
            %reduce_or3A_292 = vector.extract %reduce_or3A_291[15] : f32 from vector<16xf32>
            %reduce_or3A_293 = arith.constant 0.000000e+00 : f32
            %reduce_or3A_294 = arith.cmpf ogt, %reduce_or3A_292, %reduce_or3A_293 : f32
            scf.yield %reduce_or3A_294 : i1
          }
          %broadcast_in_dim3A_135 = arith.constant 2 : i32
          %broadcast_in_dim3A_136 = vector.broadcast %broadcast_in_dim3A_135 : i32 to vector<16xi32>
          %mul3A_137 = arith.constant 16 : i32
          %mul3A_138 = arith.muli %scan3A_71, %mul3A_137 : i32
          %get3A_139 = arith.constant 2 : i32
          %get3A_140 = arith.index_cast %get3A_139 : i32 to index
          %get3A_141 = arith.index_cast %mul3A_138 : i32 to index
          %get3A_142 = tpu.vector_load %arg9[%get3A_140, %get3A_141] {strides = array<i32>} : memref<8x640xf32, #tpu.memory_space<vmem>>, vector<16xf32>,
          %gather3A_143 = tpu.vector_load_idx %arg5[%broadcast_in_dim3A_136, %get3A_75] : memref<8x10240xf32, #tpu.memory_space<vmem>>[vector<16xi32>, vector<16xi32>], vector<16xf32>,
          %gt3A_144 = arith.cmpf ogt, %get3A_142, %gather3A_143 : vector<16xf32>
          tpu.vector_store_idx %arg5[%broadcast_in_dim3A_136, %get3A_75], %get3A_142 masked %gt3A_144 : memref<8x10240xf32, #tpu.memory_space<vmem>>[vector<16xi32>, vector<16xi32>], vector<16xf32>, vector<16xi1>
          %gather3A_145 = tpu.vector_load_idx %arg5[%broadcast_in_dim3A_136, %get3A_75] : memref<8x10240xf32, #tpu.memory_space<vmem>>[vector<16xi32>, vector<16xi32>], vector<16xf32>,
          %gt3A_146 = arith.cmpf ogt, %get3A_142, %gather3A_145 : vector<16xf32>
          %reduce_or3A_147 = arith.constant 1.000000e+00 : f32
          %reduce_or3A_148 = arith.constant 0.000000e+00 : f32
          %reduce_or3A_149 = vector.broadcast %reduce_or3A_147 : f32 to vector<16xf32>
          %reduce_or3A_150 = vector.broadcast %reduce_or3A_148 : f32 to vector<16xf32>
          %reduce_or3A_151 = arith.select %gt3A_146, %reduce_or3A_149, %reduce_or3A_150 : vector<16xi1>, vector<16xf32>
          %reduce_or3A_152 = arith.constant true
          %reduce_or3A_153 = vector.broadcast %reduce_or3A_152 : i1 to vector<16xi1>
          %reduce_or3A_154 = tpu.scan <max>, %reduce_or3A_151 masked %reduce_or3A_153 : vector<16xf32>, vector<16xi1> -> vector<16xf32>
          %reduce_or3A_155 = vector.extract %reduce_or3A_154[15] : f32 from vector<16xf32>
          %reduce_or3A_156 = arith.constant 0.000000e+00 : f32
          %reduce_or3A_157 = arith.cmpf ogt, %reduce_or3A_155, %reduce_or3A_156 : f32
          %while3A_158 = scf.while (%while3A_279 = %reduce_or3A_157) : (i1) -> i1 {
            scf.condition(%while3A_279) %while3A_279 : i1
          } do {
          ^bb0(%while3A_279: i1):
            %gather3A_280 = tpu.vector_load_idx %arg5[%broadcast_in_dim3A_136, %get3A_75] : memref<8x10240xf32, #tpu.memory_space<vmem>>[vector<16xi32>, vector<16xi32>], vector<16xf32>,
            %gt3A_281 = arith.cmpf ogt, %get3A_142, %gather3A_280 : vector<16xf32>
            tpu.vector_store_idx %arg5[%broadcast_in_dim3A_136, %get3A_75], %get3A_142 masked %gt3A_281 : memref<8x10240xf32, #tpu.memory_space<vmem>>[vector<16xi32>, vector<16xi32>], vector<16xf32>, vector<16xi1>
            %gather3A_282 = tpu.vector_load_idx %arg5[%broadcast_in_dim3A_136, %get3A_75] : memref<8x10240xf32, #tpu.memory_space<vmem>>[vector<16xi32>, vector<16xi32>], vector<16xf32>,
            %gt3A_283 = arith.cmpf ogt, %get3A_142, %gather3A_282 : vector<16xf32>
            %reduce_or3A_284 = arith.constant 1.000000e+00 : f32
            %reduce_or3A_285 = arith.constant 0.000000e+00 : f32
            %reduce_or3A_286 = vector.broadcast %reduce_or3A_284 : f32 to vector<16xf32>
            %reduce_or3A_287 = vector.broadcast %reduce_or3A_285 : f32 to vector<16xf32>
            %reduce_or3A_288 = arith.select %gt3A_283, %reduce_or3A_286, %reduce_or3A_287 : vector<16xi1>, vector<16xf32>
            %reduce_or3A_289 = arith.constant true
            %reduce_or3A_290 = vector.broadcast %reduce_or3A_289 : i1 to vector<16xi1>
            %reduce_or3A_291 = tpu.scan <max>, %reduce_or3A_288 masked %reduce_or3A_290 : vector<16xf32>, vector<16xi1> -> vector<16xf32>
            %reduce_or3A_292 = vector.extract %reduce_or3A_291[15] : f32 from vector<16xf32>
            %reduce_or3A_293 = arith.constant 0.000000e+00 : f32
            %reduce_or3A_294 = arith.cmpf ogt, %reduce_or3A_292, %reduce_or3A_293 : f32
            scf.yield %reduce_or3A_294 : i1
          }
          %broadcast_in_dim3A_159 = arith.constant 3 : i32
          %broadcast_in_dim3A_160 = vector.broadcast %broadcast_in_dim3A_159 : i32 to vector<16xi32>
          %mul3A_161 = arith.constant 16 : i32
          %mul3A_162 = arith.muli %scan3A_71, %mul3A_161 : i32
          %get3A_163 = arith.constant 3 : i32
          %get3A_164 = arith.index_cast %get3A_163 : i32 to index
          %get3A_165 = arith.index_cast %mul3A_162 : i32 to index
          %get3A_166 = tpu.vector_load %arg9[%get3A_164, %get3A_165] {strides = array<i32>} : memref<8x640xf32, #tpu.memory_space<vmem>>, vector<16xf32>,
          %gather3A_167 = tpu.vector_load_idx %arg5[%broadcast_in_dim3A_160, %get3A_75] : memref<8x10240xf32, #tpu.memory_space<vmem>>[vector<16xi32>, vector<16xi32>], vector<16xf32>,
          %gt3A_168 = arith.cmpf ogt, %get3A_166, %gather3A_167 : vector<16xf32>
          tpu.vector_store_idx %arg5[%broadcast_in_dim3A_160, %get3A_75], %get3A_166 masked %gt3A_168 : memref<8x10240xf32, #tpu.memory_space<vmem>>[vector<16xi32>, vector<16xi32>], vector<16xf32>, vector<16xi1>
          %gather3A_169 = tpu.vector_load_idx %arg5[%broadcast_in_dim3A_160, %get3A_75] : memref<8x10240xf32, #tpu.memory_space<vmem>>[vector<16xi32>, vector<16xi32>], vector<16xf32>,
          %gt3A_170 = arith.cmpf ogt, %get3A_166, %gather3A_169 : vector<16xf32>
          %reduce_or3A_171 = arith.constant 1.000000e+00 : f32
          %reduce_or3A_172 = arith.constant 0.000000e+00 : f32
          %reduce_or3A_173 = vector.broadcast %reduce_or3A_171 : f32 to vector<16xf32>
          %reduce_or3A_174 = vector.broadcast %reduce_or3A_172 : f32 to vector<16xf32>
          %reduce_or3A_175 = arith.select %gt3A_170, %reduce_or3A_173, %reduce_or3A_174 : vector<16xi1>, vector<16xf32>
          %reduce_or3A_176 = arith.constant true
          %reduce_or3A_177 = vector.broadcast %reduce_or3A_176 : i1 to vector<16xi1>
          %reduce_or3A_178 = tpu.scan <max>, %reduce_or3A_175 masked %reduce_or3A_177 : vector<16xf32>, vector<16xi1> -> vector<16xf32>
          %reduce_or3A_179 = vector.extract %reduce_or3A_178[15] : f32 from vector<16xf32>
          %reduce_or3A_180 = arith.constant 0.000000e+00 : f32
          %reduce_or3A_181 = arith.cmpf ogt, %reduce_or3A_179, %reduce_or3A_180 : f32
          %while3A_182 = scf.while (%while3A_279 = %reduce_or3A_181) : (i1) -> i1 {
            scf.condition(%while3A_279) %while3A_279 : i1
          } do {
          ^bb0(%while3A_279: i1):
            %gather3A_280 = tpu.vector_load_idx %arg5[%broadcast_in_dim3A_160, %get3A_75] : memref<8x10240xf32, #tpu.memory_space<vmem>>[vector<16xi32>, vector<16xi32>], vector<16xf32>,
            %gt3A_281 = arith.cmpf ogt, %get3A_166, %gather3A_280 : vector<16xf32>
            tpu.vector_store_idx %arg5[%broadcast_in_dim3A_160, %get3A_75], %get3A_166 masked %gt3A_281 : memref<8x10240xf32, #tpu.memory_space<vmem>>[vector<16xi32>, vector<16xi32>], vector<16xf32>, vector<16xi1>
            %gather3A_282 = tpu.vector_load_idx %arg5[%broadcast_in_dim3A_160, %get3A_75] : memref<8x10240xf32, #tpu.memory_space<vmem>>[vector<16xi32>, vector<16xi32>], vector<16xf32>,
            %gt3A_283 = arith.cmpf ogt, %get3A_166, %gather3A_282 : vector<16xf32>
            %reduce_or3A_284 = arith.constant 1.000000e+00 : f32
            %reduce_or3A_285 = arith.constant 0.000000e+00 : f32
            %reduce_or3A_286 = vector.broadcast %reduce_or3A_284 : f32 to vector<16xf32>
            %reduce_or3A_287 = vector.broadcast %reduce_or3A_285 : f32 to vector<16xf32>
            %reduce_or3A_288 = arith.select %gt3A_283, %reduce_or3A_286, %reduce_or3A_287 : vector<16xi1>, vector<16xf32>
            %reduce_or3A_289 = arith.constant true
            %reduce_or3A_290 = vector.broadcast %reduce_or3A_289 : i1 to vector<16xi1>
            %reduce_or3A_291 = tpu.scan <max>, %reduce_or3A_288 masked %reduce_or3A_290 : vector<16xf32>, vector<16xi1> -> vector<16xf32>
            %reduce_or3A_292 = vector.extract %reduce_or3A_291[15] : f32 from vector<16xf32>
            %reduce_or3A_293 = arith.constant 0.000000e+00 : f32
            %reduce_or3A_294 = arith.cmpf ogt, %reduce_or3A_292, %reduce_or3A_293 : f32
            scf.yield %reduce_or3A_294 : i1
          }
          %broadcast_in_dim3A_183 = arith.constant 4 : i32
          %broadcast_in_dim3A_184 = vector.broadcast %broadcast_in_dim3A_183 : i32 to vector<16xi32>
          %mul3A_185 = arith.constant 16 : i32
          %mul3A_186 = arith.muli %scan3A_71, %mul3A_185 : i32
          %get3A_187 = arith.constant 4 : i32
          %get3A_188 = arith.index_cast %get3A_187 : i32 to index
          %get3A_189 = arith.index_cast %mul3A_186 : i32 to index
          %get3A_190 = tpu.vector_load %arg9[%get3A_188, %get3A_189] {strides = array<i32>} : memref<8x640xf32, #tpu.memory_space<vmem>>, vector<16xf32>,
          %gather3A_191 = tpu.vector_load_idx %arg5[%broadcast_in_dim3A_184, %get3A_75] : memref<8x10240xf32, #tpu.memory_space<vmem>>[vector<16xi32>, vector<16xi32>], vector<16xf32>,
          %gt3A_192 = arith.cmpf ogt, %get3A_190, %gather3A_191 : vector<16xf32>
          tpu.vector_store_idx %arg5[%broadcast_in_dim3A_184, %get3A_75], %get3A_190 masked %gt3A_192 : memref<8x10240xf32, #tpu.memory_space<vmem>>[vector<16xi32>, vector<16xi32>], vector<16xf32>, vector<16xi1>
          %gather3A_193 = tpu.vector_load_idx %arg5[%broadcast_in_dim3A_184, %get3A_75] : memref<8x10240xf32, #tpu.memory_space<vmem>>[vector<16xi32>, vector<16xi32>], vector<16xf32>,
          %gt3A_194 = arith.cmpf ogt, %get3A_190, %gather3A_193 : vector<16xf32>
          %reduce_or3A_195 = arith.constant 1.000000e+00 : f32
          %reduce_or3A_196 = arith.constant 0.000000e+00 : f32
          %reduce_or3A_197 = vector.broadcast %reduce_or3A_195 : f32 to vector<16xf32>
          %reduce_or3A_198 = vector.broadcast %reduce_or3A_196 : f32 to vector<16xf32>
          %reduce_or3A_199 = arith.select %gt3A_194, %reduce_or3A_197, %reduce_or3A_198 : vector<16xi1>, vector<16xf32>
          %reduce_or3A_200 = arith.constant true
          %reduce_or3A_201 = vector.broadcast %reduce_or3A_200 : i1 to vector<16xi1>
          %reduce_or3A_202 = tpu.scan <max>, %reduce_or3A_199 masked %reduce_or3A_201 : vector<16xf32>, vector<16xi1> -> vector<16xf32>
          %reduce_or3A_203 = vector.extract %reduce_or3A_202[15] : f32 from vector<16xf32>
          %reduce_or3A_204 = arith.constant 0.000000e+00 : f32
          %reduce_or3A_205 = arith.cmpf ogt, %reduce_or3A_203, %reduce_or3A_204 : f32
          %while3A_206 = scf.while (%while3A_279 = %reduce_or3A_205) : (i1) -> i1 {
            scf.condition(%while3A_279) %while3A_279 : i1
          } do {
          ^bb0(%while3A_279: i1):
            %gather3A_280 = tpu.vector_load_idx %arg5[%broadcast_in_dim3A_184, %get3A_75] : memref<8x10240xf32, #tpu.memory_space<vmem>>[vector<16xi32>, vector<16xi32>], vector<16xf32>,
            %gt3A_281 = arith.cmpf ogt, %get3A_190, %gather3A_280 : vector<16xf32>
            tpu.vector_store_idx %arg5[%broadcast_in_dim3A_184, %get3A_75], %get3A_190 masked %gt3A_281 : memref<8x10240xf32, #tpu.memory_space<vmem>>[vector<16xi32>, vector<16xi32>], vector<16xf32>, vector<16xi1>
            %gather3A_282 = tpu.vector_load_idx %arg5[%broadcast_in_dim3A_184, %get3A_75] : memref<8x10240xf32, #tpu.memory_space<vmem>>[vector<16xi32>, vector<16xi32>], vector<16xf32>,
            %gt3A_283 = arith.cmpf ogt, %get3A_190, %gather3A_282 : vector<16xf32>
            %reduce_or3A_284 = arith.constant 1.000000e+00 : f32
            %reduce_or3A_285 = arith.constant 0.000000e+00 : f32
            %reduce_or3A_286 = vector.broadcast %reduce_or3A_284 : f32 to vector<16xf32>
            %reduce_or3A_287 = vector.broadcast %reduce_or3A_285 : f32 to vector<16xf32>
            %reduce_or3A_288 = arith.select %gt3A_283, %reduce_or3A_286, %reduce_or3A_287 : vector<16xi1>, vector<16xf32>
            %reduce_or3A_289 = arith.constant true
            %reduce_or3A_290 = vector.broadcast %reduce_or3A_289 : i1 to vector<16xi1>
            %reduce_or3A_291 = tpu.scan <max>, %reduce_or3A_288 masked %reduce_or3A_290 : vector<16xf32>, vector<16xi1> -> vector<16xf32>
            %reduce_or3A_292 = vector.extract %reduce_or3A_291[15] : f32 from vector<16xf32>
            %reduce_or3A_293 = arith.constant 0.000000e+00 : f32
            %reduce_or3A_294 = arith.cmpf ogt, %reduce_or3A_292, %reduce_or3A_293 : f32
            scf.yield %reduce_or3A_294 : i1
          }
          %broadcast_in_dim3A_207 = arith.constant 5 : i32
          %broadcast_in_dim3A_208 = vector.broadcast %broadcast_in_dim3A_207 : i32 to vector<16xi32>
          %mul3A_209 = arith.constant 16 : i32
          %mul3A_210 = arith.muli %scan3A_71, %mul3A_209 : i32
          %get3A_211 = arith.constant 5 : i32
          %get3A_212 = arith.index_cast %get3A_211 : i32 to index
          %get3A_213 = arith.index_cast %mul3A_210 : i32 to index
          %get3A_214 = tpu.vector_load %arg9[%get3A_212, %get3A_213] {strides = array<i32>} : memref<8x640xf32, #tpu.memory_space<vmem>>, vector<16xf32>,
          %gather3A_215 = tpu.vector_load_idx %arg5[%broadcast_in_dim3A_208, %get3A_75] : memref<8x10240xf32, #tpu.memory_space<vmem>>[vector<16xi32>, vector<16xi32>], vector<16xf32>,
          %gt3A_216 = arith.cmpf ogt, %get3A_214, %gather3A_215 : vector<16xf32>
          tpu.vector_store_idx %arg5[%broadcast_in_dim3A_208, %get3A_75], %get3A_214 masked %gt3A_216 : memref<8x10240xf32, #tpu.memory_space<vmem>>[vector<16xi32>, vector<16xi32>], vector<16xf32>, vector<16xi1>
          %gather3A_217 = tpu.vector_load_idx %arg5[%broadcast_in_dim3A_208, %get3A_75] : memref<8x10240xf32, #tpu.memory_space<vmem>>[vector<16xi32>, vector<16xi32>], vector<16xf32>,
          %gt3A_218 = arith.cmpf ogt, %get3A_214, %gather3A_217 : vector<16xf32>
          %reduce_or3A_219 = arith.constant 1.000000e+00 : f32
          %reduce_or3A_220 = arith.constant 0.000000e+00 : f32
          %reduce_or3A_221 = vector.broadcast %reduce_or3A_219 : f32 to vector<16xf32>
          %reduce_or3A_222 = vector.broadcast %reduce_or3A_220 : f32 to vector<16xf32>
          %reduce_or3A_223 = arith.select %gt3A_218, %reduce_or3A_221, %reduce_or3A_222 : vector<16xi1>, vector<16xf32>
          %reduce_or3A_224 = arith.constant true
          %reduce_or3A_225 = vector.broadcast %reduce_or3A_224 : i1 to vector<16xi1>
          %reduce_or3A_226 = tpu.scan <max>, %reduce_or3A_223 masked %reduce_or3A_225 : vector<16xf32>, vector<16xi1> -> vector<16xf32>
          %reduce_or3A_227 = vector.extract %reduce_or3A_226[15] : f32 from vector<16xf32>
          %reduce_or3A_228 = arith.constant 0.000000e+00 : f32
          %reduce_or3A_229 = arith.cmpf ogt, %reduce_or3A_227, %reduce_or3A_228 : f32
          %while3A_230 = scf.while (%while3A_279 = %reduce_or3A_229) : (i1) -> i1 {
            scf.condition(%while3A_279) %while3A_279 : i1
          } do {
          ^bb0(%while3A_279: i1):
            %gather3A_280 = tpu.vector_load_idx %arg5[%broadcast_in_dim3A_208, %get3A_75] : memref<8x10240xf32, #tpu.memory_space<vmem>>[vector<16xi32>, vector<16xi32>], vector<16xf32>,
            %gt3A_281 = arith.cmpf ogt, %get3A_214, %gather3A_280 : vector<16xf32>
            tpu.vector_store_idx %arg5[%broadcast_in_dim3A_208, %get3A_75], %get3A_214 masked %gt3A_281 : memref<8x10240xf32, #tpu.memory_space<vmem>>[vector<16xi32>, vector<16xi32>], vector<16xf32>, vector<16xi1>
            %gather3A_282 = tpu.vector_load_idx %arg5[%broadcast_in_dim3A_208, %get3A_75] : memref<8x10240xf32, #tpu.memory_space<vmem>>[vector<16xi32>, vector<16xi32>], vector<16xf32>,
            %gt3A_283 = arith.cmpf ogt, %get3A_214, %gather3A_282 : vector<16xf32>
            %reduce_or3A_284 = arith.constant 1.000000e+00 : f32
            %reduce_or3A_285 = arith.constant 0.000000e+00 : f32
            %reduce_or3A_286 = vector.broadcast %reduce_or3A_284 : f32 to vector<16xf32>
            %reduce_or3A_287 = vector.broadcast %reduce_or3A_285 : f32 to vector<16xf32>
            %reduce_or3A_288 = arith.select %gt3A_283, %reduce_or3A_286, %reduce_or3A_287 : vector<16xi1>, vector<16xf32>
            %reduce_or3A_289 = arith.constant true
            %reduce_or3A_290 = vector.broadcast %reduce_or3A_289 : i1 to vector<16xi1>
            %reduce_or3A_291 = tpu.scan <max>, %reduce_or3A_288 masked %reduce_or3A_290 : vector<16xf32>, vector<16xi1> -> vector<16xf32>
            %reduce_or3A_292 = vector.extract %reduce_or3A_291[15] : f32 from vector<16xf32>
            %reduce_or3A_293 = arith.constant 0.000000e+00 : f32
            %reduce_or3A_294 = arith.cmpf ogt, %reduce_or3A_292, %reduce_or3A_293 : f32
            scf.yield %reduce_or3A_294 : i1
          }
          %broadcast_in_dim3A_231 = arith.constant 6 : i32
          %broadcast_in_dim3A_232 = vector.broadcast %broadcast_in_dim3A_231 : i32 to vector<16xi32>
          %mul3A_233 = arith.constant 16 : i32
          %mul3A_234 = arith.muli %scan3A_71, %mul3A_233 : i32
          %get3A_235 = arith.constant 6 : i32
          %get3A_236 = arith.index_cast %get3A_235 : i32 to index
          %get3A_237 = arith.index_cast %mul3A_234 : i32 to index
          %get3A_238 = tpu.vector_load %arg9[%get3A_236, %get3A_237] {strides = array<i32>} : memref<8x640xf32, #tpu.memory_space<vmem>>, vector<16xf32>,
          %gather3A_239 = tpu.vector_load_idx %arg5[%broadcast_in_dim3A_232, %get3A_75] : memref<8x10240xf32, #tpu.memory_space<vmem>>[vector<16xi32>, vector<16xi32>], vector<16xf32>,
          %gt3A_240 = arith.cmpf ogt, %get3A_238, %gather3A_239 : vector<16xf32>
          tpu.vector_store_idx %arg5[%broadcast_in_dim3A_232, %get3A_75], %get3A_238 masked %gt3A_240 : memref<8x10240xf32, #tpu.memory_space<vmem>>[vector<16xi32>, vector<16xi32>], vector<16xf32>, vector<16xi1>
          %gather3A_241 = tpu.vector_load_idx %arg5[%broadcast_in_dim3A_232, %get3A_75] : memref<8x10240xf32, #tpu.memory_space<vmem>>[vector<16xi32>, vector<16xi32>], vector<16xf32>,
          %gt3A_242 = arith.cmpf ogt, %get3A_238, %gather3A_241 : vector<16xf32>
          %reduce_or3A_243 = arith.constant 1.000000e+00 : f32
          %reduce_or3A_244 = arith.constant 0.000000e+00 : f32
          %reduce_or3A_245 = vector.broadcast %reduce_or3A_243 : f32 to vector<16xf32>
          %reduce_or3A_246 = vector.broadcast %reduce_or3A_244 : f32 to vector<16xf32>
          %reduce_or3A_247 = arith.select %gt3A_242, %reduce_or3A_245, %reduce_or3A_246 : vector<16xi1>, vector<16xf32>
          %reduce_or3A_248 = arith.constant true
          %reduce_or3A_249 = vector.broadcast %reduce_or3A_248 : i1 to vector<16xi1>
          %reduce_or3A_250 = tpu.scan <max>, %reduce_or3A_247 masked %reduce_or3A_249 : vector<16xf32>, vector<16xi1> -> vector<16xf32>
          %reduce_or3A_251 = vector.extract %reduce_or3A_250[15] : f32 from vector<16xf32>
          %reduce_or3A_252 = arith.constant 0.000000e+00 : f32
          %reduce_or3A_253 = arith.cmpf ogt, %reduce_or3A_251, %reduce_or3A_252 : f32
          %while3A_254 = scf.while (%while3A_279 = %reduce_or3A_253) : (i1) -> i1 {
            scf.condition(%while3A_279) %while3A_279 : i1
          } do {
          ^bb0(%while3A_279: i1):
            %gather3A_280 = tpu.vector_load_idx %arg5[%broadcast_in_dim3A_232, %get3A_75] : memref<8x10240xf32, #tpu.memory_space<vmem>>[vector<16xi32>, vector<16xi32>], vector<16xf32>,
            %gt3A_281 = arith.cmpf ogt, %get3A_238, %gather3A_280 : vector<16xf32>
            tpu.vector_store_idx %arg5[%broadcast_in_dim3A_232, %get3A_75], %get3A_238 masked %gt3A_281 : memref<8x10240xf32, #tpu.memory_space<vmem>>[vector<16xi32>, vector<16xi32>], vector<16xf32>, vector<16xi1>
            %gather3A_282 = tpu.vector_load_idx %arg5[%broadcast_in_dim3A_232, %get3A_75] : memref<8x10240xf32, #tpu.memory_space<vmem>>[vector<16xi32>, vector<16xi32>], vector<16xf32>,
            %gt3A_283 = arith.cmpf ogt, %get3A_238, %gather3A_282 : vector<16xf32>
            %reduce_or3A_284 = arith.constant 1.000000e+00 : f32
            %reduce_or3A_285 = arith.constant 0.000000e+00 : f32
            %reduce_or3A_286 = vector.broadcast %reduce_or3A_284 : f32 to vector<16xf32>
            %reduce_or3A_287 = vector.broadcast %reduce_or3A_285 : f32 to vector<16xf32>
            %reduce_or3A_288 = arith.select %gt3A_283, %reduce_or3A_286, %reduce_or3A_287 : vector<16xi1>, vector<16xf32>
            %reduce_or3A_289 = arith.constant true
            %reduce_or3A_290 = vector.broadcast %reduce_or3A_289 : i1 to vector<16xi1>
            %reduce_or3A_291 = tpu.scan <max>, %reduce_or3A_288 masked %reduce_or3A_290 : vector<16xf32>, vector<16xi1> -> vector<16xf32>
            %reduce_or3A_292 = vector.extract %reduce_or3A_291[15] : f32 from vector<16xf32>
            %reduce_or3A_293 = arith.constant 0.000000e+00 : f32
            %reduce_or3A_294 = arith.cmpf ogt, %reduce_or3A_292, %reduce_or3A_293 : f32
            scf.yield %reduce_or3A_294 : i1
          }
          %broadcast_in_dim3A_255 = arith.constant 7 : i32
          %broadcast_in_dim3A_256 = vector.broadcast %broadcast_in_dim3A_255 : i32 to vector<16xi32>
          %mul3A_257 = arith.constant 16 : i32
          %mul3A_258 = arith.muli %scan3A_71, %mul3A_257 : i32
          %get3A_259 = arith.constant 7 : i32
          %get3A_260 = arith.index_cast %get3A_259 : i32 to index
          %get3A_261 = arith.index_cast %mul3A_258 : i32 to index
          %get3A_262 = tpu.vector_load %arg9[%get3A_260, %get3A_261] {strides = array<i32>} : memref<8x640xf32, #tpu.memory_space<vmem>>, vector<16xf32>,
          %gather3A_263 = tpu.vector_load_idx %arg5[%broadcast_in_dim3A_256, %get3A_75] : memref<8x10240xf32, #tpu.memory_space<vmem>>[vector<16xi32>, vector<16xi32>], vector<16xf32>,
          %gt3A_264 = arith.cmpf ogt, %get3A_262, %gather3A_263 : vector<16xf32>
          tpu.vector_store_idx %arg5[%broadcast_in_dim3A_256, %get3A_75], %get3A_262 masked %gt3A_264 : memref<8x10240xf32, #tpu.memory_space<vmem>>[vector<16xi32>, vector<16xi32>], vector<16xf32>, vector<16xi1>
          %gather3A_265 = tpu.vector_load_idx %arg5[%broadcast_in_dim3A_256, %get3A_75] : memref<8x10240xf32, #tpu.memory_space<vmem>>[vector<16xi32>, vector<16xi32>], vector<16xf32>,
          %gt3A_266 = arith.cmpf ogt, %get3A_262, %gather3A_265 : vector<16xf32>
          %reduce_or3A_267 = arith.constant 1.000000e+00 : f32
          %reduce_or3A_268 = arith.constant 0.000000e+00 : f32
          %reduce_or3A_269 = vector.broadcast %reduce_or3A_267 : f32 to vector<16xf32>
          %reduce_or3A_270 = vector.broadcast %reduce_or3A_268 : f32 to vector<16xf32>
          %reduce_or3A_271 = arith.select %gt3A_266, %reduce_or3A_269, %reduce_or3A_270 : vector<16xi1>, vector<16xf32>
          %reduce_or3A_272 = arith.constant true
          %reduce_or3A_273 = vector.broadcast %reduce_or3A_272 : i1 to vector<16xi1>
          %reduce_or3A_274 = tpu.scan <max>, %reduce_or3A_271 masked %reduce_or3A_273 : vector<16xf32>, vector<16xi1> -> vector<16xf32>
          %reduce_or3A_275 = vector.extract %reduce_or3A_274[15] : f32 from vector<16xf32>
          %reduce_or3A_276 = arith.constant 0.000000e+00 : f32
          %reduce_or3A_277 = arith.cmpf ogt, %reduce_or3A_275, %reduce_or3A_276 : f32
          %while3A_278 = scf.while (%while3A_279 = %reduce_or3A_277) : (i1) -> i1 {
            scf.condition(%while3A_279) %while3A_279 : i1
          } do {
          ^bb0(%while3A_279: i1):
            %gather3A_280 = tpu.vector_load_idx %arg5[%broadcast_in_dim3A_256, %get3A_75] : memref<8x10240xf32, #tpu.memory_space<vmem>>[vector<16xi32>, vector<16xi32>], vector<16xf32>,
            %gt3A_281 = arith.cmpf ogt, %get3A_262, %gather3A_280 : vector<16xf32>
            tpu.vector_store_idx %arg5[%broadcast_in_dim3A_256, %get3A_75], %get3A_262 masked %gt3A_281 : memref<8x10240xf32, #tpu.memory_space<vmem>>[vector<16xi32>, vector<16xi32>], vector<16xf32>, vector<16xi1>
            %gather3A_282 = tpu.vector_load_idx %arg5[%broadcast_in_dim3A_256, %get3A_75] : memref<8x10240xf32, #tpu.memory_space<vmem>>[vector<16xi32>, vector<16xi32>], vector<16xf32>,
            %gt3A_283 = arith.cmpf ogt, %get3A_262, %gather3A_282 : vector<16xf32>
            %reduce_or3A_284 = arith.constant 1.000000e+00 : f32
            %reduce_or3A_285 = arith.constant 0.000000e+00 : f32
            %reduce_or3A_286 = vector.broadcast %reduce_or3A_284 : f32 to vector<16xf32>
            %reduce_or3A_287 = vector.broadcast %reduce_or3A_285 : f32 to vector<16xf32>
            %reduce_or3A_288 = arith.select %gt3A_283, %reduce_or3A_286, %reduce_or3A_287 : vector<16xi1>, vector<16xf32>
            %reduce_or3A_289 = arith.constant true
            %reduce_or3A_290 = vector.broadcast %reduce_or3A_289 : i1 to vector<16xi1>
            %reduce_or3A_291 = tpu.scan <max>, %reduce_or3A_288 masked %reduce_or3A_290 : vector<16xf32>, vector<16xi1> -> vector<16xf32>
            %reduce_or3A_292 = vector.extract %reduce_or3A_291[15] : f32 from vector<16xf32>
            %reduce_or3A_293 = arith.constant 0.000000e+00 : f32
            %reduce_or3A_294 = arith.cmpf ogt, %reduce_or3A_292, %reduce_or3A_293 : f32
            scf.yield %reduce_or3A_294 : i1
          }
        }
        %scan3A_90 = arith.constant 0 : i32
        scf.yield %scan3A_90 : i32
      }
      %scan3A_69 = arith.constant 40 : i32
      %scan3A_70 = arith.constant 0 : i32
      scf.yield %scan3A_70 : i32
    }
    %scan3A_14 = arith.constant 100 : i32
    "tpu.region"() ({
      %run_scoped3A = tpu.sem_alloc : memref<!tpu.dma_semaphore, #tpu.memory_space<semaphore_mem>>
      %dma_start3A = arith.constant 0 : i32
      %dma_start3A_15 = tpu.memref_slice %arg4[%arg0, %mul3A_0, %dma_start3A] : memref<2x128x10240xf32, #tpu.memory_space<hbm>> -> memref<1x8x10240xf32, #tpu.memory_space<hbm>>
      %dma_start3A_16 = tpu.memref_squeeze %dma_start3A_15 : memref<1x8x10240xf32, #tpu.memory_space<hbm>> -> memref<8x10240xf32, #tpu.memory_space<hbm>>
      %dma_start3A_17 = arith.constant 0 : i32
      %dma_start3A_18 = tpu.memref_slice %arg4[%arg0, %mul3A_0, %dma_start3A_17] : memref<2x128x10240xf32, #tpu.memory_space<hbm>> -> memref<1x8x10240xf32, #tpu.memory_space<hbm>>
      %dma_start3A_19 = tpu.memref_squeeze %dma_start3A_18 : memref<1x8x10240xf32, #tpu.memory_space<hbm>> -> memref<8x10240xf32, #tpu.memory_space<hbm>>
      tpu.enqueue_dma source(%arg5 : memref<8x10240xf32, #tpu.memory_space<vmem>>) target(%dma_start3A_19 : memref<8x10240xf32, #tpu.memory_space<hbm>>) target_semaphore(%run_scoped3A : memref<!tpu.dma_semaphore, #tpu.memory_space<semaphore_mem>>)
      %dma_wait3A = arith.constant 0 : i32
      %dma_wait3A_20 = tpu.memref_slice %arg4[%arg0, %mul3A_0, %dma_wait3A] : memref<2x128x10240xf32, #tpu.memory_space<hbm>> -> memref<1x8x10240xf32, #tpu.memory_space<hbm>>
      %dma_wait3A_21 = tpu.memref_squeeze %dma_wait3A_20 : memref<1x8x10240xf32, #tpu.memory_space<hbm>> -> memref<8x10240xf32, #tpu.memory_space<hbm>>
      %dma_wait3A_22 = arith.constant 0 : i32
      %dma_wait3A_23 = tpu.memref_slice %arg4[%arg0, %mul3A_0, %dma_wait3A_22] : memref<2x128x10240xf32, #tpu.memory_space<hbm>> -> memref<1x8x10240xf32, #tpu.memory_space<hbm>>
      %dma_wait3A_24 = tpu.memref_squeeze %dma_wait3A_23 : memref<1x8x10240xf32, #tpu.memory_space<hbm>> -> memref<8x10240xf32, #tpu.memory_space<hbm>>
      tpu.wait_dma2 semaphore(%run_scoped3A : memref<!tpu.dma_semaphore, #tpu.memory_space<semaphore_mem>>) src(%arg5 : memref<8x10240xf32, #tpu.memory_space<vmem>>) dst(%dma_wait3A_24 : memref<8x10240xf32, #tpu.memory_space<hbm>>)
      tpu.yield
    }) : () -> ()
    return
  }
}

#map = affine_map<(d0, d1) -> (0, 0)>
#map1 = affine_map<(d0, d1) -> (0)>
module attributes {stable_mosaic.version = 14 : i64} {
  func.func @gather(%arg0: i32, %arg1: i32, %arg2: memref<10000x128xf32, #tpu.memory_space<hbm>>, %arg3: memref<64000xi32, #tpu.memory_space<hbm>>, %arg4: memref<64000xi32, #tpu.memory_space<hbm>>, %arg5: memref<32000x128xf32, #tpu.memory_space<hbm>>, %arg6: memref<200xi32, #tpu.memory_space<vmem>>, %arg7: memref<200xi32, #tpu.memory_space<vmem>>, %arg8: memref<200xi32, #tpu.memory_space<vmem>>, %arg9: memref<200xi32, #tpu.memory_space<vmem>>, %arg10: memref<200x128xf32, #tpu.memory_space<vmem>>, %arg11: memref<200x128xf32, #tpu.memory_space<vmem>>, %arg12: memref<200x128xf32, #tpu.memory_space<vmem>>, %arg13: memref<200x128xf32, #tpu.memory_space<vmem>>, %arg14: memref<!tpu.dma_semaphore, #tpu.memory_space<semaphore_mem>>, %arg15: memref<!tpu.dma_semaphore, #tpu.memory_space<semaphore_mem>>, %arg16: memref<!tpu.dma_semaphore, #tpu.memory_space<semaphore_mem>>) attributes {dimension_semantics = [#tpu.dimension_semantics<core_parallel>, #tpu.dimension_semantics<subcore_parallel>], iteration_bounds = array<i64: 2, 16>, scalar_prefetch = 0 : i64, scratch_operands = 11 : i64, tpu.core_type = #tpu.core_type<sc_vector_subcore>, window_params = [{transform_indices = #map}, {transform_indices = #map1}, {transform_indices = #map1}, {transform_indices = #map}]} {
    %mul3A = arith.constant 2 : i32
    %mul3A_0 = arith.muli %arg1, %mul3A : i32
    %add3A = arith.addi %mul3A_0, %arg0 : i32
    %mul3A_1 = arith.constant 1000 : i32
    %mul3A_2 = arith.muli %add3A, %mul3A_1 : i32
    %scan3A = arith.constant 0 : i32
    %scan3A_3 = arith.constant 0 : i32
    %scan3A_4 = arith.constant 5 : i32
    %scan3A_5 = arith.addi %scan3A_3, %scan3A_4 : i32
    %scan3A_6 = arith.constant 1 : i32
    %scan3A_7 = scf.for %scan3A_9 = %scan3A_3 to %scan3A_5 step %scan3A_6 iter_args(%scan3A_10 = %scan3A) -> (i32)  : i32 {
      %mul3A_11 = arith.constant 200 : i32
      %mul3A_12 = arith.muli %scan3A_9, %mul3A_11 : i32
      %add3A_13 = arith.addi %mul3A_2, %mul3A_12 : i32
      %dma_start3A = tpu.memref_slice %arg3[%add3A_13] : memref<64000xi32, #tpu.memory_space<hbm>> -> memref<200xi32, #tpu.memory_space<hbm>>
      %dma_start3A_14 = tpu.memref_slice %arg3[%add3A_13] : memref<64000xi32, #tpu.memory_space<hbm>> -> memref<200xi32, #tpu.memory_space<hbm>>
      tpu.enqueue_dma source(%dma_start3A_14 : memref<200xi32, #tpu.memory_space<hbm>>) target(%arg6 : memref<200xi32, #tpu.memory_space<vmem>>) target_semaphore(%arg14 : memref<!tpu.dma_semaphore, #tpu.memory_space<semaphore_mem>>)
      %dma_start3A_15 = tpu.memref_slice %arg4[%add3A_13] : memref<64000xi32, #tpu.memory_space<hbm>> -> memref<200xi32, #tpu.memory_space<hbm>>
      %dma_start3A_16 = tpu.memref_slice %arg4[%add3A_13] : memref<64000xi32, #tpu.memory_space<hbm>> -> memref<200xi32, #tpu.memory_space<hbm>>
      tpu.enqueue_dma source(%dma_start3A_16 : memref<200xi32, #tpu.memory_space<hbm>>) target(%arg7 : memref<200xi32, #tpu.memory_space<vmem>>) target_semaphore(%arg14 : memref<!tpu.dma_semaphore, #tpu.memory_space<semaphore_mem>>)
      %add3A_17 = arith.constant 32000 : i32
      %add3A_18 = arith.addi %add3A_13, %add3A_17 : i32
      %dma_start3A_19 = tpu.memref_slice %arg3[%add3A_18] : memref<64000xi32, #tpu.memory_space<hbm>> -> memref<200xi32, #tpu.memory_space<hbm>>
      %dma_start3A_20 = tpu.memref_slice %arg3[%add3A_18] : memref<64000xi32, #tpu.memory_space<hbm>> -> memref<200xi32, #tpu.memory_space<hbm>>
      tpu.enqueue_dma source(%dma_start3A_20 : memref<200xi32, #tpu.memory_space<hbm>>) target(%arg8 : memref<200xi32, #tpu.memory_space<vmem>>) target_semaphore(%arg14 : memref<!tpu.dma_semaphore, #tpu.memory_space<semaphore_mem>>)
      %add3A_21 = arith.constant 32000 : i32
      %add3A_22 = arith.addi %add3A_13, %add3A_21 : i32
      %dma_start3A_23 = tpu.memref_slice %arg4[%add3A_22] : memref<64000xi32, #tpu.memory_space<hbm>> -> memref<200xi32, #tpu.memory_space<hbm>>
      %dma_start3A_24 = tpu.memref_slice %arg4[%add3A_22] : memref<64000xi32, #tpu.memory_space<hbm>> -> memref<200xi32, #tpu.memory_space<hbm>>
      tpu.enqueue_dma source(%dma_start3A_24 : memref<200xi32, #tpu.memory_space<hbm>>) target(%arg9 : memref<200xi32, #tpu.memory_space<vmem>>) target_semaphore(%arg14 : memref<!tpu.dma_semaphore, #tpu.memory_space<semaphore_mem>>)
      %dma_wait3A = tpu.memref_slice %arg3[%add3A_13] : memref<64000xi32, #tpu.memory_space<hbm>> -> memref<200xi32, #tpu.memory_space<hbm>>
      %dma_wait3A_25 = tpu.memref_slice %arg3[%add3A_13] : memref<64000xi32, #tpu.memory_space<hbm>> -> memref<200xi32, #tpu.memory_space<hbm>>
      tpu.wait_dma2 semaphore(%arg14 : memref<!tpu.dma_semaphore, #tpu.memory_space<semaphore_mem>>) src(%dma_wait3A_25 : memref<200xi32, #tpu.memory_space<hbm>>) dst(%arg6 : memref<200xi32, #tpu.memory_space<vmem>>)
      %dma_wait3A_26 = tpu.memref_slice %arg4[%add3A_13] : memref<64000xi32, #tpu.memory_space<hbm>> -> memref<200xi32, #tpu.memory_space<hbm>>
      %dma_wait3A_27 = tpu.memref_slice %arg4[%add3A_13] : memref<64000xi32, #tpu.memory_space<hbm>> -> memref<200xi32, #tpu.memory_space<hbm>>
      tpu.wait_dma2 semaphore(%arg14 : memref<!tpu.dma_semaphore, #tpu.memory_space<semaphore_mem>>) src(%dma_wait3A_27 : memref<200xi32, #tpu.memory_space<hbm>>) dst(%arg7 : memref<200xi32, #tpu.memory_space<vmem>>)
      %dma_wait3A_28 = tpu.memref_slice %arg3[%add3A_18] : memref<64000xi32, #tpu.memory_space<hbm>> -> memref<200xi32, #tpu.memory_space<hbm>>
      %dma_wait3A_29 = tpu.memref_slice %arg3[%add3A_18] : memref<64000xi32, #tpu.memory_space<hbm>> -> memref<200xi32, #tpu.memory_space<hbm>>
      tpu.wait_dma2 semaphore(%arg14 : memref<!tpu.dma_semaphore, #tpu.memory_space<semaphore_mem>>) src(%dma_wait3A_29 : memref<200xi32, #tpu.memory_space<hbm>>) dst(%arg8 : memref<200xi32, #tpu.memory_space<vmem>>)
      %dma_wait3A_30 = tpu.memref_slice %arg4[%add3A_22] : memref<64000xi32, #tpu.memory_space<hbm>> -> memref<200xi32, #tpu.memory_space<hbm>>
      %dma_wait3A_31 = tpu.memref_slice %arg4[%add3A_22] : memref<64000xi32, #tpu.memory_space<hbm>> -> memref<200xi32, #tpu.memory_space<hbm>>
      tpu.wait_dma2 semaphore(%arg14 : memref<!tpu.dma_semaphore, #tpu.memory_space<semaphore_mem>>) src(%dma_wait3A_31 : memref<200xi32, #tpu.memory_space<hbm>>) dst(%arg9 : memref<200xi32, #tpu.memory_space<vmem>>)
      %dma_start3A_32 = arith.constant 0 : i32
      %dma_start3A_33 = arith.constant 0 : i32
      %dma_start3A_34 = tpu.memref_slice %arg2[%dma_start3A_32, %dma_start3A_33] : memref<10000x128xf32, #tpu.memory_space<hbm>> -> memref<10000x128xf32, #tpu.memory_space<hbm>>
      tpu.enqueue_indirect_dma source(%dma_start3A_34 : memref<10000x128xf32, #tpu.memory_space<hbm>>) target(%arg10 : memref<200x128xf32, #tpu.memory_space<vmem>>) offsets(%arg6 : memref<200xi32, #tpu.memory_space<vmem>>) semaphore(%arg15 : memref<!tpu.dma_semaphore, #tpu.memory_space<semaphore_mem>>)
      %dma_start3A_35 = arith.constant 0 : i32
      %dma_start3A_36 = arith.constant 0 : i32
      %dma_start3A_37 = tpu.memref_slice %arg2[%dma_start3A_35, %dma_start3A_36] : memref<10000x128xf32, #tpu.memory_space<hbm>> -> memref<10000x128xf32, #tpu.memory_space<hbm>>
      tpu.enqueue_indirect_dma source(%dma_start3A_37 : memref<10000x128xf32, #tpu.memory_space<hbm>>) target(%arg11 : memref<200x128xf32, #tpu.memory_space<vmem>>) offsets(%arg7 : memref<200xi32, #tpu.memory_space<vmem>>) semaphore(%arg15 : memref<!tpu.dma_semaphore, #tpu.memory_space<semaphore_mem>>)
      %dma_start3A_38 = arith.constant 0 : i32
      %dma_start3A_39 = arith.constant 0 : i32
      %dma_start3A_40 = tpu.memref_slice %arg2[%dma_start3A_38, %dma_start3A_39] : memref<10000x128xf32, #tpu.memory_space<hbm>> -> memref<10000x128xf32, #tpu.memory_space<hbm>>
      tpu.enqueue_indirect_dma source(%dma_start3A_40 : memref<10000x128xf32, #tpu.memory_space<hbm>>) target(%arg12 : memref<200x128xf32, #tpu.memory_space<vmem>>) offsets(%arg8 : memref<200xi32, #tpu.memory_space<vmem>>) semaphore(%arg16 : memref<!tpu.dma_semaphore, #tpu.memory_space<semaphore_mem>>)
      %dma_start3A_41 = arith.constant 0 : i32
      %dma_start3A_42 = arith.constant 0 : i32
      %dma_start3A_43 = tpu.memref_slice %arg2[%dma_start3A_41, %dma_start3A_42] : memref<10000x128xf32, #tpu.memory_space<hbm>> -> memref<10000x128xf32, #tpu.memory_space<hbm>>
      tpu.enqueue_indirect_dma source(%dma_start3A_43 : memref<10000x128xf32, #tpu.memory_space<hbm>>) target(%arg13 : memref<200x128xf32, #tpu.memory_space<vmem>>) offsets(%arg9 : memref<200xi32, #tpu.memory_space<vmem>>) semaphore(%arg16 : memref<!tpu.dma_semaphore, #tpu.memory_space<semaphore_mem>>)
      %dma_wait3A_44 = arith.constant 0 : i32
      %dma_wait3A_45 = arith.constant 0 : i32
      %dma_wait3A_46 = tpu.memref_slice %arg2[%dma_wait3A_44, %dma_wait3A_45] : memref<10000x128xf32, #tpu.memory_space<hbm>> -> memref<10000x128xf32, #tpu.memory_space<hbm>>
      tpu.wait_indirect_dma semaphore(%arg15 : memref<!tpu.dma_semaphore, #tpu.memory_space<semaphore_mem>>) src(%dma_wait3A_46 : memref<10000x128xf32, #tpu.memory_space<hbm>>) dst(%arg10 : memref<200x128xf32, #tpu.memory_space<vmem>>)
      %dma_wait3A_47 = arith.constant 0 : i32
      %dma_wait3A_48 = arith.constant 0 : i32
      %dma_wait3A_49 = tpu.memref_slice %arg2[%dma_wait3A_47, %dma_wait3A_48] : memref<10000x128xf32, #tpu.memory_space<hbm>> -> memref<10000x128xf32, #tpu.memory_space<hbm>>
      tpu.wait_indirect_dma semaphore(%arg15 : memref<!tpu.dma_semaphore, #tpu.memory_space<semaphore_mem>>) src(%dma_wait3A_49 : memref<10000x128xf32, #tpu.memory_space<hbm>>) dst(%arg11 : memref<200x128xf32, #tpu.memory_space<vmem>>)
      %scan3A_50 = arith.constant 0 : i32
      %scan3A_51 = arith.constant 0 : i32
      %scan3A_52 = arith.constant 200 : i32
      %scan3A_53 = arith.addi %scan3A_51, %scan3A_52 : i32
      %scan3A_54 = arith.constant 1 : i32
      %scan3A_55 = scf.for %scan3A_71 = %scan3A_51 to %scan3A_53 step %scan3A_54 iter_args(%scan3A_72 = %scan3A_50) -> (i32)  : i32 {
        %get3A = arith.index_cast %scan3A_71 : i32 to index
        %get3A_73 = arith.constant 0 : index
        %get3A_74 = tpu.vector_load %arg10[%get3A, %get3A_73] {strides = array<i32>} : memref<200x128xf32, #tpu.memory_space<vmem>>, vector<1x16xf32>,
        %get3A_75 = vector.shape_cast %get3A_74 : vector<1x16xf32> to vector<16xf32>
        %get3A_76 = arith.index_cast %scan3A_71 : i32 to index
        %get3A_77 = arith.constant 64 : index
        %get3A_78 = tpu.vector_load %arg11[%get3A_76, %get3A_77] {strides = array<i32>} : memref<200x128xf32, #tpu.memory_space<vmem>>, vector<1x16xf32>,
        %get3A_79 = vector.shape_cast %get3A_78 : vector<1x16xf32> to vector<16xf32>
        %add3A_80 = arith.addf %get3A_75, %get3A_79 : vector<16xf32>
        %max3A = arith.constant 0.000000e+00 : f32
        %max3A_81 = vector.broadcast %max3A : f32 to vector<16xf32>
        %max3A_82 = arith.maximumf %add3A_80, %max3A_81 : vector<16xf32>
        %swap3A = arith.index_cast %scan3A_71 : i32 to index
        %swap3A_83 = arith.constant 0 : index
        %swap3A_84 = tpu.vector_load %arg10[%swap3A, %swap3A_83] {strides = array<i32>} : memref<200x128xf32, #tpu.memory_space<vmem>>, vector<1x16xf32>,
        %swap3A_85 = vector.shape_cast %swap3A_84 : vector<1x16xf32> to vector<16xf32>
        %swap3A_86 = vector.shape_cast %max3A_82 : vector<16xf32> to vector<1x16xf32>
        tpu.vector_store %arg10[%swap3A, %swap3A_83], %swap3A_86 {strides = array<i32>} : memref<200x128xf32, #tpu.memory_space<vmem>>, vector<1x16xf32>,
        %get3A_87 = arith.index_cast %scan3A_71 : i32 to index
        %get3A_88 = arith.constant 16 : index
        %get3A_89 = tpu.vector_load %arg10[%get3A_87, %get3A_88] {strides = array<i32>} : memref<200x128xf32, #tpu.memory_space<vmem>>, vector<1x16xf32>,
        %get3A_90 = vector.shape_cast %get3A_89 : vector<1x16xf32> to vector<16xf32>
        %get3A_91 = arith.index_cast %scan3A_71 : i32 to index
        %get3A_92 = arith.constant 80 : index
        %get3A_93 = tpu.vector_load %arg11[%get3A_91, %get3A_92] {strides = array<i32>} : memref<200x128xf32, #tpu.memory_space<vmem>>, vector<1x16xf32>,
        %get3A_94 = vector.shape_cast %get3A_93 : vector<1x16xf32> to vector<16xf32>
        %add3A_95 = arith.addf %get3A_90, %get3A_94 : vector<16xf32>
        %max3A_96 = arith.constant 0.000000e+00 : f32
        %max3A_97 = vector.broadcast %max3A_96 : f32 to vector<16xf32>
        %max3A_98 = arith.maximumf %add3A_95, %max3A_97 : vector<16xf32>
        %swap3A_99 = arith.index_cast %scan3A_71 : i32 to index
        %swap3A_100 = arith.constant 16 : index
        %swap3A_101 = tpu.vector_load %arg10[%swap3A_99, %swap3A_100] {strides = array<i32>} : memref<200x128xf32, #tpu.memory_space<vmem>>, vector<1x16xf32>,
        %swap3A_102 = vector.shape_cast %swap3A_101 : vector<1x16xf32> to vector<16xf32>
        %swap3A_103 = vector.shape_cast %max3A_98 : vector<16xf32> to vector<1x16xf32>
        tpu.vector_store %arg10[%swap3A_99, %swap3A_100], %swap3A_103 {strides = array<i32>} : memref<200x128xf32, #tpu.memory_space<vmem>>, vector<1x16xf32>,
        %get3A_104 = arith.index_cast %scan3A_71 : i32 to index
        %get3A_105 = arith.constant 32 : index
        %get3A_106 = tpu.vector_load %arg10[%get3A_104, %get3A_105] {strides = array<i32>} : memref<200x128xf32, #tpu.memory_space<vmem>>, vector<1x16xf32>,
        %get3A_107 = vector.shape_cast %get3A_106 : vector<1x16xf32> to vector<16xf32>
        %get3A_108 = arith.index_cast %scan3A_71 : i32 to index
        %get3A_109 = arith.constant 96 : index
        %get3A_110 = tpu.vector_load %arg11[%get3A_108, %get3A_109] {strides = array<i32>} : memref<200x128xf32, #tpu.memory_space<vmem>>, vector<1x16xf32>,
        %get3A_111 = vector.shape_cast %get3A_110 : vector<1x16xf32> to vector<16xf32>
        %add3A_112 = arith.addf %get3A_107, %get3A_111 : vector<16xf32>
        %max3A_113 = arith.constant 0.000000e+00 : f32
        %max3A_114 = vector.broadcast %max3A_113 : f32 to vector<16xf32>
        %max3A_115 = arith.maximumf %add3A_112, %max3A_114 : vector<16xf32>
        %swap3A_116 = arith.index_cast %scan3A_71 : i32 to index
        %swap3A_117 = arith.constant 32 : index
        %swap3A_118 = tpu.vector_load %arg10[%swap3A_116, %swap3A_117] {strides = array<i32>} : memref<200x128xf32, #tpu.memory_space<vmem>>, vector<1x16xf32>,
        %swap3A_119 = vector.shape_cast %swap3A_118 : vector<1x16xf32> to vector<16xf32>
        %swap3A_120 = vector.shape_cast %max3A_115 : vector<16xf32> to vector<1x16xf32>
        tpu.vector_store %arg10[%swap3A_116, %swap3A_117], %swap3A_120 {strides = array<i32>} : memref<200x128xf32, #tpu.memory_space<vmem>>, vector<1x16xf32>,
        %get3A_121 = arith.index_cast %scan3A_71 : i32 to index
        %get3A_122 = arith.constant 48 : index
        %get3A_123 = tpu.vector_load %arg10[%get3A_121, %get3A_122] {strides = array<i32>} : memref<200x128xf32, #tpu.memory_space<vmem>>, vector<1x16xf32>,
        %get3A_124 = vector.shape_cast %get3A_123 : vector<1x16xf32> to vector<16xf32>
        %get3A_125 = arith.index_cast %scan3A_71 : i32 to index
        %get3A_126 = arith.constant 112 : index
        %get3A_127 = tpu.vector_load %arg11[%get3A_125, %get3A_126] {strides = array<i32>} : memref<200x128xf32, #tpu.memory_space<vmem>>, vector<1x16xf32>,
        %get3A_128 = vector.shape_cast %get3A_127 : vector<1x16xf32> to vector<16xf32>
        %add3A_129 = arith.addf %get3A_124, %get3A_128 : vector<16xf32>
        %max3A_130 = arith.constant 0.000000e+00 : f32
        %max3A_131 = vector.broadcast %max3A_130 : f32 to vector<16xf32>
        %max3A_132 = arith.maximumf %add3A_129, %max3A_131 : vector<16xf32>
        %swap3A_133 = arith.index_cast %scan3A_71 : i32 to index
        %swap3A_134 = arith.constant 48 : index
        %swap3A_135 = tpu.vector_load %arg10[%swap3A_133, %swap3A_134] {strides = array<i32>} : memref<200x128xf32, #tpu.memory_space<vmem>>, vector<1x16xf32>,
        %swap3A_136 = vector.shape_cast %swap3A_135 : vector<1x16xf32> to vector<16xf32>
        %swap3A_137 = vector.shape_cast %max3A_132 : vector<16xf32> to vector<1x16xf32>
        tpu.vector_store %arg10[%swap3A_133, %swap3A_134], %swap3A_137 {strides = array<i32>} : memref<200x128xf32, #tpu.memory_space<vmem>>, vector<1x16xf32>,
        %scan3A_138 = arith.constant 0 : i32
        scf.yield %scan3A_138 : i32
      }
      %scan3A_56 = arith.constant 200 : i32
      %dma_wait3A_57 = arith.constant 0 : i32
      %dma_wait3A_58 = arith.constant 0 : i32
      %dma_wait3A_59 = tpu.memref_slice %arg2[%dma_wait3A_57, %dma_wait3A_58] : memref<10000x128xf32, #tpu.memory_space<hbm>> -> memref<10000x128xf32, #tpu.memory_space<hbm>>
      tpu.wait_indirect_dma semaphore(%arg16 : memref<!tpu.dma_semaphore, #tpu.memory_space<semaphore_mem>>) src(%dma_wait3A_59 : memref<10000x128xf32, #tpu.memory_space<hbm>>) dst(%arg12 : memref<200x128xf32, #tpu.memory_space<vmem>>)
      %dma_wait3A_60 = arith.constant 0 : i32
      %dma_wait3A_61 = arith.constant 0 : i32
      %dma_wait3A_62 = tpu.memref_slice %arg2[%dma_wait3A_60, %dma_wait3A_61] : memref<10000x128xf32, #tpu.memory_space<hbm>> -> memref<10000x128xf32, #tpu.memory_space<hbm>>
      tpu.wait_indirect_dma semaphore(%arg16 : memref<!tpu.dma_semaphore, #tpu.memory_space<semaphore_mem>>) src(%dma_wait3A_62 : memref<10000x128xf32, #tpu.memory_space<hbm>>) dst(%arg13 : memref<200x128xf32, #tpu.memory_space<vmem>>)
      %scan3A_63 = arith.constant 0 : i32
      %scan3A_64 = arith.constant 0 : i32
      %scan3A_65 = arith.constant 200 : i32
      %scan3A_66 = arith.addi %scan3A_64, %scan3A_65 : i32
      %scan3A_67 = arith.constant 1 : i32
      %scan3A_68 = scf.for %scan3A_71 = %scan3A_64 to %scan3A_66 step %scan3A_67 iter_args(%scan3A_72 = %scan3A_63) -> (i32)  : i32 {
        %get3A = arith.index_cast %scan3A_71 : i32 to index
        %get3A_73 = arith.constant 0 : index
        %get3A_74 = tpu.vector_load %arg12[%get3A, %get3A_73] {strides = array<i32>} : memref<200x128xf32, #tpu.memory_space<vmem>>, vector<1x16xf32>,
        %get3A_75 = vector.shape_cast %get3A_74 : vector<1x16xf32> to vector<16xf32>
        %get3A_76 = arith.index_cast %scan3A_71 : i32 to index
        %get3A_77 = arith.constant 64 : index
        %get3A_78 = tpu.vector_load %arg13[%get3A_76, %get3A_77] {strides = array<i32>} : memref<200x128xf32, #tpu.memory_space<vmem>>, vector<1x16xf32>,
        %get3A_79 = vector.shape_cast %get3A_78 : vector<1x16xf32> to vector<16xf32>
        %add3A_80 = arith.addf %get3A_75, %get3A_79 : vector<16xf32>
        %max3A = arith.constant 0.000000e+00 : f32
        %max3A_81 = vector.broadcast %max3A : f32 to vector<16xf32>
        %max3A_82 = arith.maximumf %add3A_80, %max3A_81 : vector<16xf32>
        %swap3A = arith.index_cast %scan3A_71 : i32 to index
        %swap3A_83 = arith.constant 64 : index
        %swap3A_84 = tpu.vector_load %arg10[%swap3A, %swap3A_83] {strides = array<i32>} : memref<200x128xf32, #tpu.memory_space<vmem>>, vector<1x16xf32>,
        %swap3A_85 = vector.shape_cast %swap3A_84 : vector<1x16xf32> to vector<16xf32>
        %swap3A_86 = vector.shape_cast %max3A_82 : vector<16xf32> to vector<1x16xf32>
        tpu.vector_store %arg10[%swap3A, %swap3A_83], %swap3A_86 {strides = array<i32>} : memref<200x128xf32, #tpu.memory_space<vmem>>, vector<1x16xf32>,
        %get3A_87 = arith.index_cast %scan3A_71 : i32 to index
        %get3A_88 = arith.constant 16 : index
        %get3A_89 = tpu.vector_load %arg12[%get3A_87, %get3A_88] {strides = array<i32>} : memref<200x128xf32, #tpu.memory_space<vmem>>, vector<1x16xf32>,
        %get3A_90 = vector.shape_cast %get3A_89 : vector<1x16xf32> to vector<16xf32>
        %get3A_91 = arith.index_cast %scan3A_71 : i32 to index
        %get3A_92 = arith.constant 80 : index
        %get3A_93 = tpu.vector_load %arg13[%get3A_91, %get3A_92] {strides = array<i32>} : memref<200x128xf32, #tpu.memory_space<vmem>>, vector<1x16xf32>,
        %get3A_94 = vector.shape_cast %get3A_93 : vector<1x16xf32> to vector<16xf32>
        %add3A_95 = arith.addf %get3A_90, %get3A_94 : vector<16xf32>
        %max3A_96 = arith.constant 0.000000e+00 : f32
        %max3A_97 = vector.broadcast %max3A_96 : f32 to vector<16xf32>
        %max3A_98 = arith.maximumf %add3A_95, %max3A_97 : vector<16xf32>
        %swap3A_99 = arith.index_cast %scan3A_71 : i32 to index
        %swap3A_100 = arith.constant 80 : index
        %swap3A_101 = tpu.vector_load %arg10[%swap3A_99, %swap3A_100] {strides = array<i32>} : memref<200x128xf32, #tpu.memory_space<vmem>>, vector<1x16xf32>,
        %swap3A_102 = vector.shape_cast %swap3A_101 : vector<1x16xf32> to vector<16xf32>
        %swap3A_103 = vector.shape_cast %max3A_98 : vector<16xf32> to vector<1x16xf32>
        tpu.vector_store %arg10[%swap3A_99, %swap3A_100], %swap3A_103 {strides = array<i32>} : memref<200x128xf32, #tpu.memory_space<vmem>>, vector<1x16xf32>,
        %get3A_104 = arith.index_cast %scan3A_71 : i32 to index
        %get3A_105 = arith.constant 32 : index
        %get3A_106 = tpu.vector_load %arg12[%get3A_104, %get3A_105] {strides = array<i32>} : memref<200x128xf32, #tpu.memory_space<vmem>>, vector<1x16xf32>,
        %get3A_107 = vector.shape_cast %get3A_106 : vector<1x16xf32> to vector<16xf32>
        %get3A_108 = arith.index_cast %scan3A_71 : i32 to index
        %get3A_109 = arith.constant 96 : index
        %get3A_110 = tpu.vector_load %arg13[%get3A_108, %get3A_109] {strides = array<i32>} : memref<200x128xf32, #tpu.memory_space<vmem>>, vector<1x16xf32>,
        %get3A_111 = vector.shape_cast %get3A_110 : vector<1x16xf32> to vector<16xf32>
        %add3A_112 = arith.addf %get3A_107, %get3A_111 : vector<16xf32>
        %max3A_113 = arith.constant 0.000000e+00 : f32
        %max3A_114 = vector.broadcast %max3A_113 : f32 to vector<16xf32>
        %max3A_115 = arith.maximumf %add3A_112, %max3A_114 : vector<16xf32>
        %swap3A_116 = arith.index_cast %scan3A_71 : i32 to index
        %swap3A_117 = arith.constant 96 : index
        %swap3A_118 = tpu.vector_load %arg10[%swap3A_116, %swap3A_117] {strides = array<i32>} : memref<200x128xf32, #tpu.memory_space<vmem>>, vector<1x16xf32>,
        %swap3A_119 = vector.shape_cast %swap3A_118 : vector<1x16xf32> to vector<16xf32>
        %swap3A_120 = vector.shape_cast %max3A_115 : vector<16xf32> to vector<1x16xf32>
        tpu.vector_store %arg10[%swap3A_116, %swap3A_117], %swap3A_120 {strides = array<i32>} : memref<200x128xf32, #tpu.memory_space<vmem>>, vector<1x16xf32>,
        %get3A_121 = arith.index_cast %scan3A_71 : i32 to index
        %get3A_122 = arith.constant 48 : index
        %get3A_123 = tpu.vector_load %arg12[%get3A_121, %get3A_122] {strides = array<i32>} : memref<200x128xf32, #tpu.memory_space<vmem>>, vector<1x16xf32>,
        %get3A_124 = vector.shape_cast %get3A_123 : vector<1x16xf32> to vector<16xf32>
        %get3A_125 = arith.index_cast %scan3A_71 : i32 to index
        %get3A_126 = arith.constant 112 : index
        %get3A_127 = tpu.vector_load %arg13[%get3A_125, %get3A_126] {strides = array<i32>} : memref<200x128xf32, #tpu.memory_space<vmem>>, vector<1x16xf32>,
        %get3A_128 = vector.shape_cast %get3A_127 : vector<1x16xf32> to vector<16xf32>
        %add3A_129 = arith.addf %get3A_124, %get3A_128 : vector<16xf32>
        %max3A_130 = arith.constant 0.000000e+00 : f32
        %max3A_131 = vector.broadcast %max3A_130 : f32 to vector<16xf32>
        %max3A_132 = arith.maximumf %add3A_129, %max3A_131 : vector<16xf32>
        %swap3A_133 = arith.index_cast %scan3A_71 : i32 to index
        %swap3A_134 = arith.constant 112 : index
        %swap3A_135 = tpu.vector_load %arg10[%swap3A_133, %swap3A_134] {strides = array<i32>} : memref<200x128xf32, #tpu.memory_space<vmem>>, vector<1x16xf32>,
        %swap3A_136 = vector.shape_cast %swap3A_135 : vector<1x16xf32> to vector<16xf32>
        %swap3A_137 = vector.shape_cast %max3A_132 : vector<16xf32> to vector<1x16xf32>
        tpu.vector_store %arg10[%swap3A_133, %swap3A_134], %swap3A_137 {strides = array<i32>} : memref<200x128xf32, #tpu.memory_space<vmem>>, vector<1x16xf32>,
        %scan3A_138 = arith.constant 0 : i32
        scf.yield %scan3A_138 : i32
      }
      %scan3A_69 = arith.constant 200 : i32
      "tpu.region"() ({
        %run_scoped3A = tpu.sem_alloc : memref<!tpu.dma_semaphore, #tpu.memory_space<semaphore_mem>>
        %dma_start3A_71 = arith.constant 0 : i32
        %dma_start3A_72 = tpu.memref_slice %arg5[%add3A_13, %dma_start3A_71] : memref<32000x128xf32, #tpu.memory_space<hbm>> -> memref<200x128xf32, #tpu.memory_space<hbm>>
        %dma_start3A_73 = arith.constant 0 : i32
        %dma_start3A_74 = tpu.memref_slice %arg5[%add3A_13, %dma_start3A_73] : memref<32000x128xf32, #tpu.memory_space<hbm>> -> memref<200x128xf32, #tpu.memory_space<hbm>>
        tpu.enqueue_dma source(%arg10 : memref<200x128xf32, #tpu.memory_space<vmem>>) target(%dma_start3A_74 : memref<200x128xf32, #tpu.memory_space<hbm>>) target_semaphore(%run_scoped3A : memref<!tpu.dma_semaphore, #tpu.memory_space<semaphore_mem>>)
        %dma_wait3A_75 = arith.constant 0 : i32
        %dma_wait3A_76 = tpu.memref_slice %arg5[%add3A_13, %dma_wait3A_75] : memref<32000x128xf32, #tpu.memory_space<hbm>> -> memref<200x128xf32, #tpu.memory_space<hbm>>
        %dma_wait3A_77 = arith.constant 0 : i32
        %dma_wait3A_78 = tpu.memref_slice %arg5[%add3A_13, %dma_wait3A_77] : memref<32000x128xf32, #tpu.memory_space<hbm>> -> memref<200x128xf32, #tpu.memory_space<hbm>>
        tpu.wait_dma2 semaphore(%run_scoped3A : memref<!tpu.dma_semaphore, #tpu.memory_space<semaphore_mem>>) src(%arg10 : memref<200x128xf32, #tpu.memory_space<vmem>>) dst(%dma_wait3A_78 : memref<200x128xf32, #tpu.memory_space<hbm>>)
        tpu.yield
      }) : () -> ()
      %scan3A_70 = arith.constant 0 : i32
      scf.yield %scan3A_70 : i32
    }
    %scan3A_8 = arith.constant 5 : i32
    return
  }
}

#map = affine_map<(d0, d1) -> (0, 0, 0)>
#map1 = affine_map<(d0, d1) -> (0)>
module attributes {stable_mosaic.version = 14 : i64} {
  func.func @scatter(%arg0: i32, %arg1: i32, %arg2: memref<2x128x32000xf32, #tpu.memory_space<hbm>>, %arg3: memref<64000xi32, #tpu.memory_space<hbm>>, %arg4: memref<2x128x10240xf32, #tpu.memory_space<hbm>>, %arg5: memref<8x10240xf32, #tpu.memory_space<vmem>>, %arg6: memref<640xi32, #tpu.memory_space<vmem>>, %arg7: memref<640xi32, #tpu.memory_space<vmem>>, %arg8: memref<8x640xf32, #tpu.memory_space<vmem>>, %arg9: memref<8x640xf32, #tpu.memory_space<vmem>>, %arg10: memref<!tpu.dma_semaphore, #tpu.memory_space<semaphore_mem>>, %arg11: memref<!tpu.dma_semaphore, #tpu.memory_space<semaphore_mem>>) attributes {dimension_semantics = [#tpu.dimension_semantics<core_parallel>, #tpu.dimension_semantics<subcore_parallel>], iteration_bounds = array<i64: 2, 16>, scalar_prefetch = 0 : i64, scratch_operands = 7 : i64, tpu.core_type = #tpu.core_type<sc_vector_subcore>, window_params = [{transform_indices = #map}, {transform_indices = #map1}, {transform_indices = #map}]} {
    %mul3A = arith.constant 8 : i32
    %mul3A_0 = arith.muli %arg1, %mul3A : i32
    %broadcast_in_dim3A = arith.constant 0xFF800000 : f32
    %broadcast_in_dim3A_1 = vector.broadcast %broadcast_in_dim3A : f32 to vector<16xf32>
    %scan3A = arith.constant 0 : i32
    %scan3A_2 = arith.constant 0 : i32
    %scan3A_3 = arith.constant 640 : i32
    %scan3A_4 = arith.addi %scan3A_2, %scan3A_3 : i32
    %scan3A_5 = arith.constant 1 : i32
    %scan3A_6 = scf.for %scan3A_15 = %scan3A_2 to %scan3A_4 step %scan3A_5 iter_args(%scan3A_16 = %scan3A) -> (i32)  : i32 {
      %mul3A_17 = arith.constant 16 : i32
      %mul3A_18 = arith.muli %scan3A_15, %mul3A_17 : i32
      %swap3A = arith.constant 0 : i32
      %swap3A_19 = arith.index_cast %swap3A : i32 to index
      %swap3A_20 = arith.index_cast %mul3A_18 : i32 to index
      %swap3A_21 = tpu.vector_load %arg5[%swap3A_19, %swap3A_20] {strides = array<i32>} : memref<8x10240xf32, #tpu.memory_space<vmem>>, vector<16xf32>,
      tpu.vector_store %arg5[%swap3A_19, %swap3A_20], %broadcast_in_dim3A_1 {strides = array<i32>} : memref<8x10240xf32, #tpu.memory_space<vmem>>, vector<16xf32>,
      %mul3A_22 = arith.constant 16 : i32
      %mul3A_23 = arith.muli %scan3A_15, %mul3A_22 : i32
      %swap3A_24 = arith.constant 1 : i32
      %swap3A_25 = arith.index_cast %swap3A_24 : i32 to index
      %swap3A_26 = arith.index_cast %mul3A_23 : i32 to index
      %swap3A_27 = tpu.vector_load %arg5[%swap3A_25, %swap3A_26] {strides = array<i32>} : memref<8x10240xf32, #tpu.memory_space<vmem>>, vector<16xf32>,
      tpu.vector_store %arg5[%swap3A_25, %swap3A_26], %broadcast_in_dim3A_1 {strides = array<i32>} : memref<8x10240xf32, #tpu.memory_space<vmem>>, vector<16xf32>,
      %mul3A_28 = arith.constant 16 : i32
      %mul3A_29 = arith.muli %scan3A_15, %mul3A_28 : i32
      %swap3A_30 = arith.constant 2 : i32
      %swap3A_31 = arith.index_cast %swap3A_30 : i32 to index
      %swap3A_32 = arith.index_cast %mul3A_29 : i32 to index
      %swap3A_33 = tpu.vector_load %arg5[%swap3A_31, %swap3A_32] {strides = array<i32>} : memref<8x10240xf32, #tpu.memory_space<vmem>>, vector<16xf32>,
      tpu.vector_store %arg5[%swap3A_31, %swap3A_32], %broadcast_in_dim3A_1 {strides = array<i32>} : memref<8x10240xf32, #tpu.memory_space<vmem>>, vector<16xf32>,
      %mul3A_34 = arith.constant 16 : i32
      %mul3A_35 = arith.muli %scan3A_15, %mul3A_34 : i32
      %swap3A_36 = arith.constant 3 : i32
      %swap3A_37 = arith.index_cast %swap3A_36 : i32 to index
      %swap3A_38 = arith.index_cast %mul3A_35 : i32 to index
      %swap3A_39 = tpu.vector_load %arg5[%swap3A_37, %swap3A_38] {strides = array<i32>} : memref<8x10240xf32, #tpu.memory_space<vmem>>, vector<16xf32>,
      tpu.vector_store %arg5[%swap3A_37, %swap3A_38], %broadcast_in_dim3A_1 {strides = array<i32>} : memref<8x10240xf32, #tpu.memory_space<vmem>>, vector<16xf32>,
      %mul3A_40 = arith.constant 16 : i32
      %mul3A_41 = arith.muli %scan3A_15, %mul3A_40 : i32
      %swap3A_42 = arith.constant 4 : i32
      %swap3A_43 = arith.index_cast %swap3A_42 : i32 to index
      %swap3A_44 = arith.index_cast %mul3A_41 : i32 to index
      %swap3A_45 = tpu.vector_load %arg5[%swap3A_43, %swap3A_44] {strides = array<i32>} : memref<8x10240xf32, #tpu.memory_space<vmem>>, vector<16xf32>,
      tpu.vector_store %arg5[%swap3A_43, %swap3A_44], %broadcast_in_dim3A_1 {strides = array<i32>} : memref<8x10240xf32, #tpu.memory_space<vmem>>, vector<16xf32>,
      %mul3A_46 = arith.constant 16 : i32
      %mul3A_47 = arith.muli %scan3A_15, %mul3A_46 : i32
      %swap3A_48 = arith.constant 5 : i32
      %swap3A_49 = arith.index_cast %swap3A_48 : i32 to index
      %swap3A_50 = arith.index_cast %mul3A_47 : i32 to index
      %swap3A_51 = tpu.vector_load %arg5[%swap3A_49, %swap3A_50] {strides = array<i32>} : memref<8x10240xf32, #tpu.memory_space<vmem>>, vector<16xf32>,
      tpu.vector_store %arg5[%swap3A_49, %swap3A_50], %broadcast_in_dim3A_1 {strides = array<i32>} : memref<8x10240xf32, #tpu.memory_space<vmem>>, vector<16xf32>,
      %mul3A_52 = arith.constant 16 : i32
      %mul3A_53 = arith.muli %scan3A_15, %mul3A_52 : i32
      %swap3A_54 = arith.constant 6 : i32
      %swap3A_55 = arith.index_cast %swap3A_54 : i32 to index
      %swap3A_56 = arith.index_cast %mul3A_53 : i32 to index
      %swap3A_57 = tpu.vector_load %arg5[%swap3A_55, %swap3A_56] {strides = array<i32>} : memref<8x10240xf32, #tpu.memory_space<vmem>>, vector<16xf32>,
      tpu.vector_store %arg5[%swap3A_55, %swap3A_56], %broadcast_in_dim3A_1 {strides = array<i32>} : memref<8x10240xf32, #tpu.memory_space<vmem>>, vector<16xf32>,
      %mul3A_58 = arith.constant 16 : i32
      %mul3A_59 = arith.muli %scan3A_15, %mul3A_58 : i32
      %swap3A_60 = arith.constant 7 : i32
      %swap3A_61 = arith.index_cast %swap3A_60 : i32 to index
      %swap3A_62 = arith.index_cast %mul3A_59 : i32 to index
      %swap3A_63 = tpu.vector_load %arg5[%swap3A_61, %swap3A_62] {strides = array<i32>} : memref<8x10240xf32, #tpu.memory_space<vmem>>, vector<16xf32>,
      tpu.vector_store %arg5[%swap3A_61, %swap3A_62], %broadcast_in_dim3A_1 {strides = array<i32>} : memref<8x10240xf32, #tpu.memory_space<vmem>>, vector<16xf32>,
      %scan3A_64 = arith.constant 0 : i32
      scf.yield %scan3A_64 : i32
    }
    %scan3A_7 = arith.constant 640 : i32
    %scan3A_8 = arith.constant 0 : i32
    %scan3A_9 = arith.constant 0 : i32
    %scan3A_10 = arith.constant 25 : i32
    %scan3A_11 = arith.addi %scan3A_9, %scan3A_10 : i32
    %scan3A_12 = arith.constant 1 : i32
    %scan3A_13 = scf.for %scan3A_15 = %scan3A_9 to %scan3A_11 step %scan3A_12 iter_args(%scan3A_16 = %scan3A_8) -> (i32)  : i32 {
      %mul3A_17 = arith.constant 2 : i32
      %mul3A_18 = arith.muli %mul3A_17, %scan3A_15 : i32
      %add3A = arith.constant 0 : i32
      %add3A_19 = arith.addi %mul3A_18, %add3A : i32
      %mul3A_20 = arith.constant 640 : i32
      %mul3A_21 = arith.muli %add3A_19, %mul3A_20 : i32
      %mul3A_22 = arith.constant 32000 : i32
      %mul3A_23 = arith.muli %arg0, %mul3A_22 : i32
      %add3A_24 = arith.addi %mul3A_23, %mul3A_21 : i32
      %dma_start3A = tpu.memref_slice %arg3[%add3A_24] : memref<64000xi32, #tpu.memory_space<hbm>> -> memref<640xi32, #tpu.memory_space<hbm>>
      %dma_start3A_25 = tpu.memref_slice %arg3[%add3A_24] : memref<64000xi32, #tpu.memory_space<hbm>> -> memref<640xi32, #tpu.memory_space<hbm>>
      tpu.enqueue_dma source(%dma_start3A_25 : memref<640xi32, #tpu.memory_space<hbm>>) target(%arg6 : memref<640xi32, #tpu.memory_space<vmem>>) target_semaphore(%arg10 : memref<!tpu.dma_semaphore, #tpu.memory_space<semaphore_mem>>)
      %dma_start3A_26 = tpu.memref_slice %arg2[%arg0, %mul3A_0, %mul3A_21] : memref<2x128x32000xf32, #tpu.memory_space<hbm>> -> memref<1x8x640xf32, #tpu.memory_space<hbm>>
      %dma_start3A_27 = tpu.memref_squeeze %dma_start3A_26 : memref<1x8x640xf32, #tpu.memory_space<hbm>> -> memref<8x640xf32, #tpu.memory_space<hbm>>
      %dma_start3A_28 = tpu.memref_slice %arg2[%arg0, %mul3A_0, %mul3A_21] : memref<2x128x32000xf32, #tpu.memory_space<hbm>> -> memref<1x8x640xf32, #tpu.memory_space<hbm>>
      %dma_start3A_29 = tpu.memref_squeeze %dma_start3A_28 : memref<1x8x640xf32, #tpu.memory_space<hbm>> -> memref<8x640xf32, #tpu.memory_space<hbm>>
      tpu.enqueue_dma source(%dma_start3A_29 : memref<8x640xf32, #tpu.memory_space<hbm>>) target(%arg8 : memref<8x640xf32, #tpu.memory_space<vmem>>) target_semaphore(%arg10 : memref<!tpu.dma_semaphore, #tpu.memory_space<semaphore_mem>>)
      %mul3A_30 = arith.constant 2 : i32
      %mul3A_31 = arith.muli %mul3A_30, %scan3A_15 : i32
      %add3A_32 = arith.constant 1 : i32
      %add3A_33 = arith.addi %mul3A_31, %add3A_32 : i32
      %mul3A_34 = arith.constant 640 : i32
      %mul3A_35 = arith.muli %add3A_33, %mul3A_34 : i32
      %mul3A_36 = arith.constant 32000 : i32
      %mul3A_37 = arith.muli %arg0, %mul3A_36 : i32
      %add3A_38 = arith.addi %mul3A_37, %mul3A_35 : i32
      %dma_start3A_39 = tpu.memref_slice %arg3[%add3A_38] : memref<64000xi32, #tpu.memory_space<hbm>> -> memref<640xi32, #tpu.memory_space<hbm>>
      %dma_start3A_40 = tpu.memref_slice %arg3[%add3A_38] : memref<64000xi32, #tpu.memory_space<hbm>> -> memref<640xi32, #tpu.memory_space<hbm>>
      tpu.enqueue_dma source(%dma_start3A_40 : memref<640xi32, #tpu.memory_space<hbm>>) target(%arg7 : memref<640xi32, #tpu.memory_space<vmem>>) target_semaphore(%arg11 : memref<!tpu.dma_semaphore, #tpu.memory_space<semaphore_mem>>)
      %dma_start3A_41 = tpu.memref_slice %arg2[%arg0, %mul3A_0, %mul3A_35] : memref<2x128x32000xf32, #tpu.memory_space<hbm>> -> memref<1x8x640xf32, #tpu.memory_space<hbm>>
      %dma_start3A_42 = tpu.memref_squeeze %dma_start3A_41 : memref<1x8x640xf32, #tpu.memory_space<hbm>> -> memref<8x640xf32, #tpu.memory_space<hbm>>
      %dma_start3A_43 = tpu.memref_slice %arg2[%arg0, %mul3A_0, %mul3A_35] : memref<2x128x32000xf32, #tpu.memory_space<hbm>> -> memref<1x8x640xf32, #tpu.memory_space<hbm>>
      %dma_start3A_44 = tpu.memref_squeeze %dma_start3A_43 : memref<1x8x640xf32, #tpu.memory_space<hbm>> -> memref<8x640xf32, #tpu.memory_space<hbm>>
      tpu.enqueue_dma source(%dma_start3A_44 : memref<8x640xf32, #tpu.memory_space<hbm>>) target(%arg9 : memref<8x640xf32, #tpu.memory_space<vmem>>) target_semaphore(%arg11 : memref<!tpu.dma_semaphore, #tpu.memory_space<semaphore_mem>>)
      %dma_wait3A = tpu.memref_slice %arg3[%add3A_24] : memref<64000xi32, #tpu.memory_space<hbm>> -> memref<640xi32, #tpu.memory_space<hbm>>
      %dma_wait3A_45 = tpu.memref_slice %arg3[%add3A_24] : memref<64000xi32, #tpu.memory_space<hbm>> -> memref<640xi32, #tpu.memory_space<hbm>>
      tpu.wait_dma2 semaphore(%arg10 : memref<!tpu.dma_semaphore, #tpu.memory_space<semaphore_mem>>) src(%dma_wait3A_45 : memref<640xi32, #tpu.memory_space<hbm>>) dst(%arg6 : memref<640xi32, #tpu.memory_space<vmem>>)
      %dma_wait3A_46 = tpu.memref_slice %arg2[%arg0, %mul3A_0, %mul3A_21] : memref<2x128x32000xf32, #tpu.memory_space<hbm>> -> memref<1x8x640xf32, #tpu.memory_space<hbm>>
      %dma_wait3A_47 = tpu.memref_squeeze %dma_wait3A_46 : memref<1x8x640xf32, #tpu.memory_space<hbm>> -> memref<8x640xf32, #tpu.memory_space<hbm>>
      %dma_wait3A_48 = tpu.memref_slice %arg2[%arg0, %mul3A_0, %mul3A_21] : memref<2x128x32000xf32, #tpu.memory_space<hbm>> -> memref<1x8x640xf32, #tpu.memory_space<hbm>>
      %dma_wait3A_49 = tpu.memref_squeeze %dma_wait3A_48 : memref<1x8x640xf32, #tpu.memory_space<hbm>> -> memref<8x640xf32, #tpu.memory_space<hbm>>
      tpu.wait_dma2 semaphore(%arg10 : memref<!tpu.dma_semaphore, #tpu.memory_space<semaphore_mem>>) src(%dma_wait3A_49 : memref<8x640xf32, #tpu.memory_space<hbm>>) dst(%arg8 : memref<8x640xf32, #tpu.memory_space<vmem>>)
      %scan3A_50 = arith.constant 0 : i32
      %scan3A_51 = arith.constant 0 : i32
      %scan3A_52 = arith.constant 40 : i32
      %scan3A_53 = arith.addi %scan3A_51, %scan3A_52 : i32
      %scan3A_54 = arith.constant 1 : i32
      %scan3A_55 = scf.for %scan3A_71 = %scan3A_51 to %scan3A_53 step %scan3A_54 iter_args(%scan3A_72 = %scan3A_50) -> (i32)  : i32 {
        %mul3A_73 = arith.constant 16 : i32
        %mul3A_74 = arith.muli %scan3A_71, %mul3A_73 : i32
        %get3A = arith.index_cast %mul3A_74 : i32 to index
        %get3A_75 = tpu.vector_load %arg6[%get3A] {strides = array<i32>} : memref<640xi32, #tpu.memory_space<vmem>>, vector<16xi32>,
        %broadcast_in_dim3A_76 = arith.constant true
        %broadcast_in_dim3A_77 = vector.broadcast %broadcast_in_dim3A_76 : i1 to vector<16xi1>
        %unique3A, %unique3A_78 = tpu.scan_count mask(%broadcast_in_dim3A_77 : vector<16xi1>) value(%get3A_75 : vector<16xi32>) : vector<16xi1>, vector<16xi32>
        %reduce_and3A = arith.constant 1.000000e+00 : f32
        %reduce_and3A_79 = arith.constant 0.000000e+00 : f32
        %reduce_and3A_80 = vector.broadcast %reduce_and3A : f32 to vector<16xf32>
        %reduce_and3A_81 = vector.broadcast %reduce_and3A_79 : f32 to vector<16xf32>
        %reduce_and3A_82 = arith.select %unique3A, %reduce_and3A_80, %reduce_and3A_81 : vector<16xi1>, vector<16xf32>
        %reduce_and3A_83 = arith.constant true
        %reduce_and3A_84 = vector.broadcast %reduce_and3A_83 : i1 to vector<16xi1>
        %reduce_and3A_85 = tpu.scan <min>, %reduce_and3A_82 masked %reduce_and3A_84 : vector<16xf32>, vector<16xi1> -> vector<16xf32>
        %reduce_and3A_86 = vector.extract %reduce_and3A_85[15] : f32 from vector<16xf32>
        %reduce_and3A_87 = arith.constant 0.000000e+00 : f32
        %reduce_and3A_88 = arith.cmpf ogt, %reduce_and3A_86, %reduce_and3A_87 : f32
        %convert_element_type3A = arith.extui %reduce_and3A_88 : i1 to i32
        %cond3A = arith.constant 0 : i32
        %cond3A_89 = arith.cmpi ne, %convert_element_type3A, %cond3A : i32
        scf.if %cond3A_89 {
          %broadcast_in_dim3A_91 = arith.constant 0 : i32
          %broadcast_in_dim3A_92 = vector.broadcast %broadcast_in_dim3A_91 : i32 to vector<16xi32>
          %mul3A_93 = arith.constant 16 : i32
          %mul3A_94 = arith.muli %scan3A_71, %mul3A_93 : i32
          %get3A_95 = arith.constant 0 : i32
          %get3A_96 = arith.index_cast %get3A_95 : i32 to index
          %get3A_97 = arith.index_cast %mul3A_94 : i32 to index
          %get3A_98 = tpu.vector_load %arg8[%get3A_96, %get3A_97] {strides = array<i32>} : memref<8x640xf32, #tpu.memory_space<vmem>>, vector<16xf32>,
          %gather3A = tpu.vector_load_idx %arg5[%broadcast_in_dim3A_92, %get3A_75] : memref<8x10240xf32, #tpu.memory_space<vmem>>[vector<16xi32>, vector<16xi32>], vector<16xf32>,
          %max3A = arith.maximumf %gather3A, %get3A_98 : vector<16xf32>
          tpu.vector_store_idx %arg5[%broadcast_in_dim3A_92, %get3A_75], %max3A : memref<8x10240xf32, #tpu.memory_space<vmem>>[vector<16xi32>, vector<16xi32>], vector<16xf32>,
          %broadcast_in_dim3A_99 = arith.constant 1 : i32
          %broadcast_in_dim3A_100 = vector.broadcast %broadcast_in_dim3A_99 : i32 to vector<16xi32>
          %mul3A_101 = arith.constant 16 : i32
          %mul3A_102 = arith.muli %scan3A_71, %mul3A_101 : i32
          %get3A_103 = arith.constant 1 : i32
          %get3A_104 = arith.index_cast %get3A_103 : i32 to index
          %get3A_105 = arith.index_cast %mul3A_102 : i32 to index
          %get3A_106 = tpu.vector_load %arg8[%get3A_104, %get3A_105] {strides = array<i32>} : memref<8x640xf32, #tpu.memory_space<vmem>>, vector<16xf32>,
          %gather3A_107 = tpu.vector_load_idx %arg5[%broadcast_in_dim3A_100, %get3A_75] : memref<8x10240xf32, #tpu.memory_space<vmem>>[vector<16xi32>, vector<16xi32>], vector<16xf32>,
          %max3A_108 = arith.maximumf %gather3A_107, %get3A_106 : vector<16xf32>
          tpu.vector_store_idx %arg5[%broadcast_in_dim3A_100, %get3A_75], %max3A_108 : memref<8x10240xf32, #tpu.memory_space<vmem>>[vector<16xi32>, vector<16xi32>], vector<16xf32>,
          %broadcast_in_dim3A_109 = arith.constant 2 : i32
          %broadcast_in_dim3A_110 = vector.broadcast %broadcast_in_dim3A_109 : i32 to vector<16xi32>
          %mul3A_111 = arith.constant 16 : i32
          %mul3A_112 = arith.muli %scan3A_71, %mul3A_111 : i32
          %get3A_113 = arith.constant 2 : i32
          %get3A_114 = arith.index_cast %get3A_113 : i32 to index
          %get3A_115 = arith.index_cast %mul3A_112 : i32 to index
          %get3A_116 = tpu.vector_load %arg8[%get3A_114, %get3A_115] {strides = array<i32>} : memref<8x640xf32, #tpu.memory_space<vmem>>, vector<16xf32>,
          %gather3A_117 = tpu.vector_load_idx %arg5[%broadcast_in_dim3A_110, %get3A_75] : memref<8x10240xf32, #tpu.memory_space<vmem>>[vector<16xi32>, vector<16xi32>], vector<16xf32>,
          %max3A_118 = arith.maximumf %gather3A_117, %get3A_116 : vector<16xf32>
          tpu.vector_store_idx %arg5[%broadcast_in_dim3A_110, %get3A_75], %max3A_118 : memref<8x10240xf32, #tpu.memory_space<vmem>>[vector<16xi32>, vector<16xi32>], vector<16xf32>,
          %broadcast_in_dim3A_119 = arith.constant 3 : i32
          %broadcast_in_dim3A_120 = vector.broadcast %broadcast_in_dim3A_119 : i32 to vector<16xi32>
          %mul3A_121 = arith.constant 16 : i32
          %mul3A_122 = arith.muli %scan3A_71, %mul3A_121 : i32
          %get3A_123 = arith.constant 3 : i32
          %get3A_124 = arith.index_cast %get3A_123 : i32 to index
          %get3A_125 = arith.index_cast %mul3A_122 : i32 to index
          %get3A_126 = tpu.vector_load %arg8[%get3A_124, %get3A_125] {strides = array<i32>} : memref<8x640xf32, #tpu.memory_space<vmem>>, vector<16xf32>,
          %gather3A_127 = tpu.vector_load_idx %arg5[%broadcast_in_dim3A_120, %get3A_75] : memref<8x10240xf32, #tpu.memory_space<vmem>>[vector<16xi32>, vector<16xi32>], vector<16xf32>,
          %max3A_128 = arith.maximumf %gather3A_127, %get3A_126 : vector<16xf32>
          tpu.vector_store_idx %arg5[%broadcast_in_dim3A_120, %get3A_75], %max3A_128 : memref<8x10240xf32, #tpu.memory_space<vmem>>[vector<16xi32>, vector<16xi32>], vector<16xf32>,
          %broadcast_in_dim3A_129 = arith.constant 4 : i32
          %broadcast_in_dim3A_130 = vector.broadcast %broadcast_in_dim3A_129 : i32 to vector<16xi32>
          %mul3A_131 = arith.constant 16 : i32
          %mul3A_132 = arith.muli %scan3A_71, %mul3A_131 : i32
          %get3A_133 = arith.constant 4 : i32
          %get3A_134 = arith.index_cast %get3A_133 : i32 to index
          %get3A_135 = arith.index_cast %mul3A_132 : i32 to index
          %get3A_136 = tpu.vector_load %arg8[%get3A_134, %get3A_135] {strides = array<i32>} : memref<8x640xf32, #tpu.memory_space<vmem>>, vector<16xf32>,
          %gather3A_137 = tpu.vector_load_idx %arg5[%broadcast_in_dim3A_130, %get3A_75] : memref<8x10240xf32, #tpu.memory_space<vmem>>[vector<16xi32>, vector<16xi32>], vector<16xf32>,
          %max3A_138 = arith.maximumf %gather3A_137, %get3A_136 : vector<16xf32>
          tpu.vector_store_idx %arg5[%broadcast_in_dim3A_130, %get3A_75], %max3A_138 : memref<8x10240xf32, #tpu.memory_space<vmem>>[vector<16xi32>, vector<16xi32>], vector<16xf32>,
          %broadcast_in_dim3A_139 = arith.constant 5 : i32
          %broadcast_in_dim3A_140 = vector.broadcast %broadcast_in_dim3A_139 : i32 to vector<16xi32>
          %mul3A_141 = arith.constant 16 : i32
          %mul3A_142 = arith.muli %scan3A_71, %mul3A_141 : i32
          %get3A_143 = arith.constant 5 : i32
          %get3A_144 = arith.index_cast %get3A_143 : i32 to index
          %get3A_145 = arith.index_cast %mul3A_142 : i32 to index
          %get3A_146 = tpu.vector_load %arg8[%get3A_144, %get3A_145] {strides = array<i32>} : memref<8x640xf32, #tpu.memory_space<vmem>>, vector<16xf32>,
          %gather3A_147 = tpu.vector_load_idx %arg5[%broadcast_in_dim3A_140, %get3A_75] : memref<8x10240xf32, #tpu.memory_space<vmem>>[vector<16xi32>, vector<16xi32>], vector<16xf32>,
          %max3A_148 = arith.maximumf %gather3A_147, %get3A_146 : vector<16xf32>
          tpu.vector_store_idx %arg5[%broadcast_in_dim3A_140, %get3A_75], %max3A_148 : memref<8x10240xf32, #tpu.memory_space<vmem>>[vector<16xi32>, vector<16xi32>], vector<16xf32>,
          %broadcast_in_dim3A_149 = arith.constant 6 : i32
          %broadcast_in_dim3A_150 = vector.broadcast %broadcast_in_dim3A_149 : i32 to vector<16xi32>
          %mul3A_151 = arith.constant 16 : i32
          %mul3A_152 = arith.muli %scan3A_71, %mul3A_151 : i32
          %get3A_153 = arith.constant 6 : i32
          %get3A_154 = arith.index_cast %get3A_153 : i32 to index
          %get3A_155 = arith.index_cast %mul3A_152 : i32 to index
          %get3A_156 = tpu.vector_load %arg8[%get3A_154, %get3A_155] {strides = array<i32>} : memref<8x640xf32, #tpu.memory_space<vmem>>, vector<16xf32>,
          %gather3A_157 = tpu.vector_load_idx %arg5[%broadcast_in_dim3A_150, %get3A_75] : memref<8x10240xf32, #tpu.memory_space<vmem>>[vector<16xi32>, vector<16xi32>], vector<16xf32>,
          %max3A_158 = arith.maximumf %gather3A_157, %get3A_156 : vector<16xf32>
          tpu.vector_store_idx %arg5[%broadcast_in_dim3A_150, %get3A_75], %max3A_158 : memref<8x10240xf32, #tpu.memory_space<vmem>>[vector<16xi32>, vector<16xi32>], vector<16xf32>,
          %broadcast_in_dim3A_159 = arith.constant 7 : i32
          %broadcast_in_dim3A_160 = vector.broadcast %broadcast_in_dim3A_159 : i32 to vector<16xi32>
          %mul3A_161 = arith.constant 16 : i32
          %mul3A_162 = arith.muli %scan3A_71, %mul3A_161 : i32
          %get3A_163 = arith.constant 7 : i32
          %get3A_164 = arith.index_cast %get3A_163 : i32 to index
          %get3A_165 = arith.index_cast %mul3A_162 : i32 to index
          %get3A_166 = tpu.vector_load %arg8[%get3A_164, %get3A_165] {strides = array<i32>} : memref<8x640xf32, #tpu.memory_space<vmem>>, vector<16xf32>,
          %gather3A_167 = tpu.vector_load_idx %arg5[%broadcast_in_dim3A_160, %get3A_75] : memref<8x10240xf32, #tpu.memory_space<vmem>>[vector<16xi32>, vector<16xi32>], vector<16xf32>,
          %max3A_168 = arith.maximumf %gather3A_167, %get3A_166 : vector<16xf32>
          tpu.vector_store_idx %arg5[%broadcast_in_dim3A_160, %get3A_75], %max3A_168 : memref<8x10240xf32, #tpu.memory_space<vmem>>[vector<16xi32>, vector<16xi32>], vector<16xf32>,
        } else {
          %broadcast_in_dim3A_91 = arith.constant 0 : i32
          %broadcast_in_dim3A_92 = vector.broadcast %broadcast_in_dim3A_91 : i32 to vector<16xi32>
          %mul3A_93 = arith.constant 16 : i32
          %mul3A_94 = arith.muli %scan3A_71, %mul3A_93 : i32
          %get3A_95 = arith.constant 0 : i32
          %get3A_96 = arith.index_cast %get3A_95 : i32 to index
          %get3A_97 = arith.index_cast %mul3A_94 : i32 to index
          %get3A_98 = tpu.vector_load %arg8[%get3A_96, %get3A_97] {strides = array<i32>} : memref<8x640xf32, #tpu.memory_space<vmem>>, vector<16xf32>,
          %gather3A = tpu.vector_load_idx %arg5[%broadcast_in_dim3A_92, %get3A_75] : memref<8x10240xf32, #tpu.memory_space<vmem>>[vector<16xi32>, vector<16xi32>], vector<16xf32>,
          %gt3A = arith.cmpf ogt, %get3A_98, %gather3A : vector<16xf32>
          tpu.vector_store_idx %arg5[%broadcast_in_dim3A_92, %get3A_75], %get3A_98 masked %gt3A : memref<8x10240xf32, #tpu.memory_space<vmem>>[vector<16xi32>, vector<16xi32>], vector<16xf32>, vector<16xi1>
          %gather3A_99 = tpu.vector_load_idx %arg5[%broadcast_in_dim3A_92, %get3A_75] : memref<8x10240xf32, #tpu.memory_space<vmem>>[vector<16xi32>, vector<16xi32>], vector<16xf32>,
          %gt3A_100 = arith.cmpf ogt, %get3A_98, %gather3A_99 : vector<16xf32>
          %reduce_or3A = arith.constant 1.000000e+00 : f32
          %reduce_or3A_101 = arith.constant 0.000000e+00 : f32
          %reduce_or3A_102 = vector.broadcast %reduce_or3A : f32 to vector<16xf32>
          %reduce_or3A_103 = vector.broadcast %reduce_or3A_101 : f32 to vector<16xf32>
          %reduce_or3A_104 = arith.select %gt3A_100, %reduce_or3A_102, %reduce_or3A_103 : vector<16xi1>, vector<16xf32>
          %reduce_or3A_105 = arith.constant true
          %reduce_or3A_106 = vector.broadcast %reduce_or3A_105 : i1 to vector<16xi1>
          %reduce_or3A_107 = tpu.scan <max>, %reduce_or3A_104 masked %reduce_or3A_106 : vector<16xf32>, vector<16xi1> -> vector<16xf32>
          %reduce_or3A_108 = vector.extract %reduce_or3A_107[15] : f32 from vector<16xf32>
          %reduce_or3A_109 = arith.constant 0.000000e+00 : f32
          %reduce_or3A_110 = arith.cmpf ogt, %reduce_or3A_108, %reduce_or3A_109 : f32
          %while3A = scf.while (%while3A_279 = %reduce_or3A_110) : (i1) -> i1 {
            scf.condition(%while3A_279) %while3A_279 : i1
          } do {
          ^bb0(%while3A_279: i1):
            %gather3A_280 = tpu.vector_load_idx %arg5[%broadcast_in_dim3A_92, %get3A_75] : memref<8x10240xf32, #tpu.memory_space<vmem>>[vector<16xi32>, vector<16xi32>], vector<16xf32>,
            %gt3A_281 = arith.cmpf ogt, %get3A_98, %gather3A_280 : vector<16xf32>
            tpu.vector_store_idx %arg5[%broadcast_in_dim3A_92, %get3A_75], %get3A_98 masked %gt3A_281 : memref<8x10240xf32, #tpu.memory_space<vmem>>[vector<16xi32>, vector<16xi32>], vector<16xf32>, vector<16xi1>
            %gather3A_282 = tpu.vector_load_idx %arg5[%broadcast_in_dim3A_92, %get3A_75] : memref<8x10240xf32, #tpu.memory_space<vmem>>[vector<16xi32>, vector<16xi32>], vector<16xf32>,
            %gt3A_283 = arith.cmpf ogt, %get3A_98, %gather3A_282 : vector<16xf32>
            %reduce_or3A_284 = arith.constant 1.000000e+00 : f32
            %reduce_or3A_285 = arith.constant 0.000000e+00 : f32
            %reduce_or3A_286 = vector.broadcast %reduce_or3A_284 : f32 to vector<16xf32>
            %reduce_or3A_287 = vector.broadcast %reduce_or3A_285 : f32 to vector<16xf32>
            %reduce_or3A_288 = arith.select %gt3A_283, %reduce_or3A_286, %reduce_or3A_287 : vector<16xi1>, vector<16xf32>
            %reduce_or3A_289 = arith.constant true
            %reduce_or3A_290 = vector.broadcast %reduce_or3A_289 : i1 to vector<16xi1>
            %reduce_or3A_291 = tpu.scan <max>, %reduce_or3A_288 masked %reduce_or3A_290 : vector<16xf32>, vector<16xi1> -> vector<16xf32>
            %reduce_or3A_292 = vector.extract %reduce_or3A_291[15] : f32 from vector<16xf32>
            %reduce_or3A_293 = arith.constant 0.000000e+00 : f32
            %reduce_or3A_294 = arith.cmpf ogt, %reduce_or3A_292, %reduce_or3A_293 : f32
            scf.yield %reduce_or3A_294 : i1
          }
          %broadcast_in_dim3A_111 = arith.constant 1 : i32
          %broadcast_in_dim3A_112 = vector.broadcast %broadcast_in_dim3A_111 : i32 to vector<16xi32>
          %mul3A_113 = arith.constant 16 : i32
          %mul3A_114 = arith.muli %scan3A_71, %mul3A_113 : i32
          %get3A_115 = arith.constant 1 : i32
          %get3A_116 = arith.index_cast %get3A_115 : i32 to index
          %get3A_117 = arith.index_cast %mul3A_114 : i32 to index
          %get3A_118 = tpu.vector_load %arg8[%get3A_116, %get3A_117] {strides = array<i32>} : memref<8x640xf32, #tpu.memory_space<vmem>>, vector<16xf32>,
          %gather3A_119 = tpu.vector_load_idx %arg5[%broadcast_in_dim3A_112, %get3A_75] : memref<8x10240xf32, #tpu.memory_space<vmem>>[vector<16xi32>, vector<16xi32>], vector<16xf32>,
          %gt3A_120 = arith.cmpf ogt, %get3A_118, %gather3A_119 : vector<16xf32>
          tpu.vector_store_idx %arg5[%broadcast_in_dim3A_112, %get3A_75], %get3A_118 masked %gt3A_120 : memref<8x10240xf32, #tpu.memory_space<vmem>>[vector<16xi32>, vector<16xi32>], vector<16xf32>, vector<16xi1>
          %gather3A_121 = tpu.vector_load_idx %arg5[%broadcast_in_dim3A_112, %get3A_75] : memref<8x10240xf32, #tpu.memory_space<vmem>>[vector<16xi32>, vector<16xi32>], vector<16xf32>,
          %gt3A_122 = arith.cmpf ogt, %get3A_118, %gather3A_121 : vector<16xf32>
          %reduce_or3A_123 = arith.constant 1.000000e+00 : f32
          %reduce_or3A_124 = arith.constant 0.000000e+00 : f32
          %reduce_or3A_125 = vector.broadcast %reduce_or3A_123 : f32 to vector<16xf32>
          %reduce_or3A_126 = vector.broadcast %reduce_or3A_124 : f32 to vector<16xf32>
          %reduce_or3A_127 = arith.select %gt3A_122, %reduce_or3A_125, %reduce_or3A_126 : vector<16xi1>, vector<16xf32>
          %reduce_or3A_128 = arith.constant true
          %reduce_or3A_129 = vector.broadcast %reduce_or3A_128 : i1 to vector<16xi1>
          %reduce_or3A_130 = tpu.scan <max>, %reduce_or3A_127 masked %reduce_or3A_129 : vector<16xf32>, vector<16xi1> -> vector<16xf32>
          %reduce_or3A_131 = vector.extract %reduce_or3A_130[15] : f32 from vector<16xf32>
          %reduce_or3A_132 = arith.constant 0.000000e+00 : f32
          %reduce_or3A_133 = arith.cmpf ogt, %reduce_or3A_131, %reduce_or3A_132 : f32
          %while3A_134 = scf.while (%while3A_279 = %reduce_or3A_133) : (i1) -> i1 {
            scf.condition(%while3A_279) %while3A_279 : i1
          } do {
          ^bb0(%while3A_279: i1):
            %gather3A_280 = tpu.vector_load_idx %arg5[%broadcast_in_dim3A_112, %get3A_75] : memref<8x10240xf32, #tpu.memory_space<vmem>>[vector<16xi32>, vector<16xi32>], vector<16xf32>,
            %gt3A_281 = arith.cmpf ogt, %get3A_118, %gather3A_280 : vector<16xf32>
            tpu.vector_store_idx %arg5[%broadcast_in_dim3A_112, %get3A_75], %get3A_118 masked %gt3A_281 : memref<8x10240xf32, #tpu.memory_space<vmem>>[vector<16xi32>, vector<16xi32>], vector<16xf32>, vector<16xi1>
            %gather3A_282 = tpu.vector_load_idx %arg5[%broadcast_in_dim3A_112, %get3A_75] : memref<8x10240xf32, #tpu.memory_space<vmem>>[vector<16xi32>, vector<16xi32>], vector<16xf32>,
            %gt3A_283 = arith.cmpf ogt, %get3A_118, %gather3A_282 : vector<16xf32>
            %reduce_or3A_284 = arith.constant 1.000000e+00 : f32
            %reduce_or3A_285 = arith.constant 0.000000e+00 : f32
            %reduce_or3A_286 = vector.broadcast %reduce_or3A_284 : f32 to vector<16xf32>
            %reduce_or3A_287 = vector.broadcast %reduce_or3A_285 : f32 to vector<16xf32>
            %reduce_or3A_288 = arith.select %gt3A_283, %reduce_or3A_286, %reduce_or3A_287 : vector<16xi1>, vector<16xf32>
            %reduce_or3A_289 = arith.constant true
            %reduce_or3A_290 = vector.broadcast %reduce_or3A_289 : i1 to vector<16xi1>
            %reduce_or3A_291 = tpu.scan <max>, %reduce_or3A_288 masked %reduce_or3A_290 : vector<16xf32>, vector<16xi1> -> vector<16xf32>
            %reduce_or3A_292 = vector.extract %reduce_or3A_291[15] : f32 from vector<16xf32>
            %reduce_or3A_293 = arith.constant 0.000000e+00 : f32
            %reduce_or3A_294 = arith.cmpf ogt, %reduce_or3A_292, %reduce_or3A_293 : f32
            scf.yield %reduce_or3A_294 : i1
          }
          %broadcast_in_dim3A_135 = arith.constant 2 : i32
          %broadcast_in_dim3A_136 = vector.broadcast %broadcast_in_dim3A_135 : i32 to vector<16xi32>
          %mul3A_137 = arith.constant 16 : i32
          %mul3A_138 = arith.muli %scan3A_71, %mul3A_137 : i32
          %get3A_139 = arith.constant 2 : i32
          %get3A_140 = arith.index_cast %get3A_139 : i32 to index
          %get3A_141 = arith.index_cast %mul3A_138 : i32 to index
          %get3A_142 = tpu.vector_load %arg8[%get3A_140, %get3A_141] {strides = array<i32>} : memref<8x640xf32, #tpu.memory_space<vmem>>, vector<16xf32>,
          %gather3A_143 = tpu.vector_load_idx %arg5[%broadcast_in_dim3A_136, %get3A_75] : memref<8x10240xf32, #tpu.memory_space<vmem>>[vector<16xi32>, vector<16xi32>], vector<16xf32>,
          %gt3A_144 = arith.cmpf ogt, %get3A_142, %gather3A_143 : vector<16xf32>
          tpu.vector_store_idx %arg5[%broadcast_in_dim3A_136, %get3A_75], %get3A_142 masked %gt3A_144 : memref<8x10240xf32, #tpu.memory_space<vmem>>[vector<16xi32>, vector<16xi32>], vector<16xf32>, vector<16xi1>
          %gather3A_145 = tpu.vector_load_idx %arg5[%broadcast_in_dim3A_136, %get3A_75] : memref<8x10240xf32, #tpu.memory_space<vmem>>[vector<16xi32>, vector<16xi32>], vector<16xf32>,
          %gt3A_146 = arith.cmpf ogt, %get3A_142, %gather3A_145 : vector<16xf32>
          %reduce_or3A_147 = arith.constant 1.000000e+00 : f32
          %reduce_or3A_148 = arith.constant 0.000000e+00 : f32
          %reduce_or3A_149 = vector.broadcast %reduce_or3A_147 : f32 to vector<16xf32>
          %reduce_or3A_150 = vector.broadcast %reduce_or3A_148 : f32 to vector<16xf32>
          %reduce_or3A_151 = arith.select %gt3A_146, %reduce_or3A_149, %reduce_or3A_150 : vector<16xi1>, vector<16xf32>
          %reduce_or3A_152 = arith.constant true
          %reduce_or3A_153 = vector.broadcast %reduce_or3A_152 : i1 to vector<16xi1>
          %reduce_or3A_154 = tpu.scan <max>, %reduce_or3A_151 masked %reduce_or3A_153 : vector<16xf32>, vector<16xi1> -> vector<16xf32>
          %reduce_or3A_155 = vector.extract %reduce_or3A_154[15] : f32 from vector<16xf32>
          %reduce_or3A_156 = arith.constant 0.000000e+00 : f32
          %reduce_or3A_157 = arith.cmpf ogt, %reduce_or3A_155, %reduce_or3A_156 : f32
          %while3A_158 = scf.while (%while3A_279 = %reduce_or3A_157) : (i1) -> i1 {
            scf.condition(%while3A_279) %while3A_279 : i1
          } do {
          ^bb0(%while3A_279: i1):
            %gather3A_280 = tpu.vector_load_idx %arg5[%broadcast_in_dim3A_136, %get3A_75] : memref<8x10240xf32, #tpu.memory_space<vmem>>[vector<16xi32>, vector<16xi32>], vector<16xf32>,
            %gt3A_281 = arith.cmpf ogt, %get3A_142, %gather3A_280 : vector<16xf32>
            tpu.vector_store_idx %arg5[%broadcast_in_dim3A_136, %get3A_75], %get3A_142 masked %gt3A_281 : memref<8x10240xf32, #tpu.memory_space<vmem>>[vector<16xi32>, vector<16xi32>], vector<16xf32>, vector<16xi1>
            %gather3A_282 = tpu.vector_load_idx %arg5[%broadcast_in_dim3A_136, %get3A_75] : memref<8x10240xf32, #tpu.memory_space<vmem>>[vector<16xi32>, vector<16xi32>], vector<16xf32>,
            %gt3A_283 = arith.cmpf ogt, %get3A_142, %gather3A_282 : vector<16xf32>
            %reduce_or3A_284 = arith.constant 1.000000e+00 : f32
            %reduce_or3A_285 = arith.constant 0.000000e+00 : f32
            %reduce_or3A_286 = vector.broadcast %reduce_or3A_284 : f32 to vector<16xf32>
            %reduce_or3A_287 = vector.broadcast %reduce_or3A_285 : f32 to vector<16xf32>
            %reduce_or3A_288 = arith.select %gt3A_283, %reduce_or3A_286, %reduce_or3A_287 : vector<16xi1>, vector<16xf32>
            %reduce_or3A_289 = arith.constant true
            %reduce_or3A_290 = vector.broadcast %reduce_or3A_289 : i1 to vector<16xi1>
            %reduce_or3A_291 = tpu.scan <max>, %reduce_or3A_288 masked %reduce_or3A_290 : vector<16xf32>, vector<16xi1> -> vector<16xf32>
            %reduce_or3A_292 = vector.extract %reduce_or3A_291[15] : f32 from vector<16xf32>
            %reduce_or3A_293 = arith.constant 0.000000e+00 : f32
            %reduce_or3A_294 = arith.cmpf ogt, %reduce_or3A_292, %reduce_or3A_293 : f32
            scf.yield %reduce_or3A_294 : i1
          }
          %broadcast_in_dim3A_159 = arith.constant 3 : i32
          %broadcast_in_dim3A_160 = vector.broadcast %broadcast_in_dim3A_159 : i32 to vector<16xi32>
          %mul3A_161 = arith.constant 16 : i32
          %mul3A_162 = arith.muli %scan3A_71, %mul3A_161 : i32
          %get3A_163 = arith.constant 3 : i32
          %get3A_164 = arith.index_cast %get3A_163 : i32 to index
          %get3A_165 = arith.index_cast %mul3A_162 : i32 to index
          %get3A_166 = tpu.vector_load %arg8[%get3A_164, %get3A_165] {strides = array<i32>} : memref<8x640xf32, #tpu.memory_space<vmem>>, vector<16xf32>,
          %gather3A_167 = tpu.vector_load_idx %arg5[%broadcast_in_dim3A_160, %get3A_75] : memref<8x10240xf32, #tpu.memory_space<vmem>>[vector<16xi32>, vector<16xi32>], vector<16xf32>,
          %gt3A_168 = arith.cmpf ogt, %get3A_166, %gather3A_167 : vector<16xf32>
          tpu.vector_store_idx %arg5[%broadcast_in_dim3A_160, %get3A_75], %get3A_166 masked %gt3A_168 : memref<8x10240xf32, #tpu.memory_space<vmem>>[vector<16xi32>, vector<16xi32>], vector<16xf32>, vector<16xi1>
          %gather3A_169 = tpu.vector_load_idx %arg5[%broadcast_in_dim3A_160, %get3A_75] : memref<8x10240xf32, #tpu.memory_space<vmem>>[vector<16xi32>, vector<16xi32>], vector<16xf32>,
          %gt3A_170 = arith.cmpf ogt, %get3A_166, %gather3A_169 : vector<16xf32>
          %reduce_or3A_171 = arith.constant 1.000000e+00 : f32
          %reduce_or3A_172 = arith.constant 0.000000e+00 : f32
          %reduce_or3A_173 = vector.broadcast %reduce_or3A_171 : f32 to vector<16xf32>
          %reduce_or3A_174 = vector.broadcast %reduce_or3A_172 : f32 to vector<16xf32>
          %reduce_or3A_175 = arith.select %gt3A_170, %reduce_or3A_173, %reduce_or3A_174 : vector<16xi1>, vector<16xf32>
          %reduce_or3A_176 = arith.constant true
          %reduce_or3A_177 = vector.broadcast %reduce_or3A_176 : i1 to vector<16xi1>
          %reduce_or3A_178 = tpu.scan <max>, %reduce_or3A_175 masked %reduce_or3A_177 : vector<16xf32>, vector<16xi1> -> vector<16xf32>
          %reduce_or3A_179 = vector.extract %reduce_or3A_178[15] : f32 from vector<16xf32>
          %reduce_or3A_180 = arith.constant 0.000000e+00 : f32
          %reduce_or3A_181 = arith.cmpf ogt, %reduce_or3A_179, %reduce_or3A_180 : f32
          %while3A_182 = scf.while (%while3A_279 = %reduce_or3A_181) : (i1) -> i1 {
            scf.condition(%while3A_279) %while3A_279 : i1
          } do {
          ^bb0(%while3A_279: i1):
            %gather3A_280 = tpu.vector_load_idx %arg5[%broadcast_in_dim3A_160, %get3A_75] : memref<8x10240xf32, #tpu.memory_space<vmem>>[vector<16xi32>, vector<16xi32>], vector<16xf32>,
            %gt3A_281 = arith.cmpf ogt, %get3A_166, %gather3A_280 : vector<16xf32>
            tpu.vector_store_idx %arg5[%broadcast_in_dim3A_160, %get3A_75], %get3A_166 masked %gt3A_281 : memref<8x10240xf32, #tpu.memory_space<vmem>>[vector<16xi32>, vector<16xi32>], vector<16xf32>, vector<16xi1>
            %gather3A_282 = tpu.vector_load_idx %arg5[%broadcast_in_dim3A_160, %get3A_75] : memref<8x10240xf32, #tpu.memory_space<vmem>>[vector<16xi32>, vector<16xi32>], vector<16xf32>,
            %gt3A_283 = arith.cmpf ogt, %get3A_166, %gather3A_282 : vector<16xf32>
            %reduce_or3A_284 = arith.constant 1.000000e+00 : f32
            %reduce_or3A_285 = arith.constant 0.000000e+00 : f32
            %reduce_or3A_286 = vector.broadcast %reduce_or3A_284 : f32 to vector<16xf32>
            %reduce_or3A_287 = vector.broadcast %reduce_or3A_285 : f32 to vector<16xf32>
            %reduce_or3A_288 = arith.select %gt3A_283, %reduce_or3A_286, %reduce_or3A_287 : vector<16xi1>, vector<16xf32>
            %reduce_or3A_289 = arith.constant true
            %reduce_or3A_290 = vector.broadcast %reduce_or3A_289 : i1 to vector<16xi1>
            %reduce_or3A_291 = tpu.scan <max>, %reduce_or3A_288 masked %reduce_or3A_290 : vector<16xf32>, vector<16xi1> -> vector<16xf32>
            %reduce_or3A_292 = vector.extract %reduce_or3A_291[15] : f32 from vector<16xf32>
            %reduce_or3A_293 = arith.constant 0.000000e+00 : f32
            %reduce_or3A_294 = arith.cmpf ogt, %reduce_or3A_292, %reduce_or3A_293 : f32
            scf.yield %reduce_or3A_294 : i1
          }
          %broadcast_in_dim3A_183 = arith.constant 4 : i32
          %broadcast_in_dim3A_184 = vector.broadcast %broadcast_in_dim3A_183 : i32 to vector<16xi32>
          %mul3A_185 = arith.constant 16 : i32
          %mul3A_186 = arith.muli %scan3A_71, %mul3A_185 : i32
          %get3A_187 = arith.constant 4 : i32
          %get3A_188 = arith.index_cast %get3A_187 : i32 to index
          %get3A_189 = arith.index_cast %mul3A_186 : i32 to index
          %get3A_190 = tpu.vector_load %arg8[%get3A_188, %get3A_189] {strides = array<i32>} : memref<8x640xf32, #tpu.memory_space<vmem>>, vector<16xf32>,
          %gather3A_191 = tpu.vector_load_idx %arg5[%broadcast_in_dim3A_184, %get3A_75] : memref<8x10240xf32, #tpu.memory_space<vmem>>[vector<16xi32>, vector<16xi32>], vector<16xf32>,
          %gt3A_192 = arith.cmpf ogt, %get3A_190, %gather3A_191 : vector<16xf32>
          tpu.vector_store_idx %arg5[%broadcast_in_dim3A_184, %get3A_75], %get3A_190 masked %gt3A_192 : memref<8x10240xf32, #tpu.memory_space<vmem>>[vector<16xi32>, vector<16xi32>], vector<16xf32>, vector<16xi1>
          %gather3A_193 = tpu.vector_load_idx %arg5[%broadcast_in_dim3A_184, %get3A_75] : memref<8x10240xf32, #tpu.memory_space<vmem>>[vector<16xi32>, vector<16xi32>], vector<16xf32>,
          %gt3A_194 = arith.cmpf ogt, %get3A_190, %gather3A_193 : vector<16xf32>
          %reduce_or3A_195 = arith.constant 1.000000e+00 : f32
          %reduce_or3A_196 = arith.constant 0.000000e+00 : f32
          %reduce_or3A_197 = vector.broadcast %reduce_or3A_195 : f32 to vector<16xf32>
          %reduce_or3A_198 = vector.broadcast %reduce_or3A_196 : f32 to vector<16xf32>
          %reduce_or3A_199 = arith.select %gt3A_194, %reduce_or3A_197, %reduce_or3A_198 : vector<16xi1>, vector<16xf32>
          %reduce_or3A_200 = arith.constant true
          %reduce_or3A_201 = vector.broadcast %reduce_or3A_200 : i1 to vector<16xi1>
          %reduce_or3A_202 = tpu.scan <max>, %reduce_or3A_199 masked %reduce_or3A_201 : vector<16xf32>, vector<16xi1> -> vector<16xf32>
          %reduce_or3A_203 = vector.extract %reduce_or3A_202[15] : f32 from vector<16xf32>
          %reduce_or3A_204 = arith.constant 0.000000e+00 : f32
          %reduce_or3A_205 = arith.cmpf ogt, %reduce_or3A_203, %reduce_or3A_204 : f32
          %while3A_206 = scf.while (%while3A_279 = %reduce_or3A_205) : (i1) -> i1 {
            scf.condition(%while3A_279) %while3A_279 : i1
          } do {
          ^bb0(%while3A_279: i1):
            %gather3A_280 = tpu.vector_load_idx %arg5[%broadcast_in_dim3A_184, %get3A_75] : memref<8x10240xf32, #tpu.memory_space<vmem>>[vector<16xi32>, vector<16xi32>], vector<16xf32>,
            %gt3A_281 = arith.cmpf ogt, %get3A_190, %gather3A_280 : vector<16xf32>
            tpu.vector_store_idx %arg5[%broadcast_in_dim3A_184, %get3A_75], %get3A_190 masked %gt3A_281 : memref<8x10240xf32, #tpu.memory_space<vmem>>[vector<16xi32>, vector<16xi32>], vector<16xf32>, vector<16xi1>
            %gather3A_282 = tpu.vector_load_idx %arg5[%broadcast_in_dim3A_184, %get3A_75] : memref<8x10240xf32, #tpu.memory_space<vmem>>[vector<16xi32>, vector<16xi32>], vector<16xf32>,
            %gt3A_283 = arith.cmpf ogt, %get3A_190, %gather3A_282 : vector<16xf32>
            %reduce_or3A_284 = arith.constant 1.000000e+00 : f32
            %reduce_or3A_285 = arith.constant 0.000000e+00 : f32
            %reduce_or3A_286 = vector.broadcast %reduce_or3A_284 : f32 to vector<16xf32>
            %reduce_or3A_287 = vector.broadcast %reduce_or3A_285 : f32 to vector<16xf32>
            %reduce_or3A_288 = arith.select %gt3A_283, %reduce_or3A_286, %reduce_or3A_287 : vector<16xi1>, vector<16xf32>
            %reduce_or3A_289 = arith.constant true
            %reduce_or3A_290 = vector.broadcast %reduce_or3A_289 : i1 to vector<16xi1>
            %reduce_or3A_291 = tpu.scan <max>, %reduce_or3A_288 masked %reduce_or3A_290 : vector<16xf32>, vector<16xi1> -> vector<16xf32>
            %reduce_or3A_292 = vector.extract %reduce_or3A_291[15] : f32 from vector<16xf32>
            %reduce_or3A_293 = arith.constant 0.000000e+00 : f32
            %reduce_or3A_294 = arith.cmpf ogt, %reduce_or3A_292, %reduce_or3A_293 : f32
            scf.yield %reduce_or3A_294 : i1
          }
          %broadcast_in_dim3A_207 = arith.constant 5 : i32
          %broadcast_in_dim3A_208 = vector.broadcast %broadcast_in_dim3A_207 : i32 to vector<16xi32>
          %mul3A_209 = arith.constant 16 : i32
          %mul3A_210 = arith.muli %scan3A_71, %mul3A_209 : i32
          %get3A_211 = arith.constant 5 : i32
          %get3A_212 = arith.index_cast %get3A_211 : i32 to index
          %get3A_213 = arith.index_cast %mul3A_210 : i32 to index
          %get3A_214 = tpu.vector_load %arg8[%get3A_212, %get3A_213] {strides = array<i32>} : memref<8x640xf32, #tpu.memory_space<vmem>>, vector<16xf32>,
          %gather3A_215 = tpu.vector_load_idx %arg5[%broadcast_in_dim3A_208, %get3A_75] : memref<8x10240xf32, #tpu.memory_space<vmem>>[vector<16xi32>, vector<16xi32>], vector<16xf32>,
          %gt3A_216 = arith.cmpf ogt, %get3A_214, %gather3A_215 : vector<16xf32>
          tpu.vector_store_idx %arg5[%broadcast_in_dim3A_208, %get3A_75], %get3A_214 masked %gt3A_216 : memref<8x10240xf32, #tpu.memory_space<vmem>>[vector<16xi32>, vector<16xi32>], vector<16xf32>, vector<16xi1>
          %gather3A_217 = tpu.vector_load_idx %arg5[%broadcast_in_dim3A_208, %get3A_75] : memref<8x10240xf32, #tpu.memory_space<vmem>>[vector<16xi32>, vector<16xi32>], vector<16xf32>,
          %gt3A_218 = arith.cmpf ogt, %get3A_214, %gather3A_217 : vector<16xf32>
          %reduce_or3A_219 = arith.constant 1.000000e+00 : f32
          %reduce_or3A_220 = arith.constant 0.000000e+00 : f32
          %reduce_or3A_221 = vector.broadcast %reduce_or3A_219 : f32 to vector<16xf32>
          %reduce_or3A_222 = vector.broadcast %reduce_or3A_220 : f32 to vector<16xf32>
          %reduce_or3A_223 = arith.select %gt3A_218, %reduce_or3A_221, %reduce_or3A_222 : vector<16xi1>, vector<16xf32>
          %reduce_or3A_224 = arith.constant true
          %reduce_or3A_225 = vector.broadcast %reduce_or3A_224 : i1 to vector<16xi1>
          %reduce_or3A_226 = tpu.scan <max>, %reduce_or3A_223 masked %reduce_or3A_225 : vector<16xf32>, vector<16xi1> -> vector<16xf32>
          %reduce_or3A_227 = vector.extract %reduce_or3A_226[15] : f32 from vector<16xf32>
          %reduce_or3A_228 = arith.constant 0.000000e+00 : f32
          %reduce_or3A_229 = arith.cmpf ogt, %reduce_or3A_227, %reduce_or3A_228 : f32
          %while3A_230 = scf.while (%while3A_279 = %reduce_or3A_229) : (i1) -> i1 {
            scf.condition(%while3A_279) %while3A_279 : i1
          } do {
          ^bb0(%while3A_279: i1):
            %gather3A_280 = tpu.vector_load_idx %arg5[%broadcast_in_dim3A_208, %get3A_75] : memref<8x10240xf32, #tpu.memory_space<vmem>>[vector<16xi32>, vector<16xi32>], vector<16xf32>,
            %gt3A_281 = arith.cmpf ogt, %get3A_214, %gather3A_280 : vector<16xf32>
            tpu.vector_store_idx %arg5[%broadcast_in_dim3A_208, %get3A_75], %get3A_214 masked %gt3A_281 : memref<8x10240xf32, #tpu.memory_space<vmem>>[vector<16xi32>, vector<16xi32>], vector<16xf32>, vector<16xi1>
            %gather3A_282 = tpu.vector_load_idx %arg5[%broadcast_in_dim3A_208, %get3A_75] : memref<8x10240xf32, #tpu.memory_space<vmem>>[vector<16xi32>, vector<16xi32>], vector<16xf32>,
            %gt3A_283 = arith.cmpf ogt, %get3A_214, %gather3A_282 : vector<16xf32>
            %reduce_or3A_284 = arith.constant 1.000000e+00 : f32
            %reduce_or3A_285 = arith.constant 0.000000e+00 : f32
            %reduce_or3A_286 = vector.broadcast %reduce_or3A_284 : f32 to vector<16xf32>
            %reduce_or3A_287 = vector.broadcast %reduce_or3A_285 : f32 to vector<16xf32>
            %reduce_or3A_288 = arith.select %gt3A_283, %reduce_or3A_286, %reduce_or3A_287 : vector<16xi1>, vector<16xf32>
            %reduce_or3A_289 = arith.constant true
            %reduce_or3A_290 = vector.broadcast %reduce_or3A_289 : i1 to vector<16xi1>
            %reduce_or3A_291 = tpu.scan <max>, %reduce_or3A_288 masked %reduce_or3A_290 : vector<16xf32>, vector<16xi1> -> vector<16xf32>
            %reduce_or3A_292 = vector.extract %reduce_or3A_291[15] : f32 from vector<16xf32>
            %reduce_or3A_293 = arith.constant 0.000000e+00 : f32
            %reduce_or3A_294 = arith.cmpf ogt, %reduce_or3A_292, %reduce_or3A_293 : f32
            scf.yield %reduce_or3A_294 : i1
          }
          %broadcast_in_dim3A_231 = arith.constant 6 : i32
          %broadcast_in_dim3A_232 = vector.broadcast %broadcast_in_dim3A_231 : i32 to vector<16xi32>
          %mul3A_233 = arith.constant 16 : i32
          %mul3A_234 = arith.muli %scan3A_71, %mul3A_233 : i32
          %get3A_235 = arith.constant 6 : i32
          %get3A_236 = arith.index_cast %get3A_235 : i32 to index
          %get3A_237 = arith.index_cast %mul3A_234 : i32 to index
          %get3A_238 = tpu.vector_load %arg8[%get3A_236, %get3A_237] {strides = array<i32>} : memref<8x640xf32, #tpu.memory_space<vmem>>, vector<16xf32>,
          %gather3A_239 = tpu.vector_load_idx %arg5[%broadcast_in_dim3A_232, %get3A_75] : memref<8x10240xf32, #tpu.memory_space<vmem>>[vector<16xi32>, vector<16xi32>], vector<16xf32>,
          %gt3A_240 = arith.cmpf ogt, %get3A_238, %gather3A_239 : vector<16xf32>
          tpu.vector_store_idx %arg5[%broadcast_in_dim3A_232, %get3A_75], %get3A_238 masked %gt3A_240 : memref<8x10240xf32, #tpu.memory_space<vmem>>[vector<16xi32>, vector<16xi32>], vector<16xf32>, vector<16xi1>
          %gather3A_241 = tpu.vector_load_idx %arg5[%broadcast_in_dim3A_232, %get3A_75] : memref<8x10240xf32, #tpu.memory_space<vmem>>[vector<16xi32>, vector<16xi32>], vector<16xf32>,
          %gt3A_242 = arith.cmpf ogt, %get3A_238, %gather3A_241 : vector<16xf32>
          %reduce_or3A_243 = arith.constant 1.000000e+00 : f32
          %reduce_or3A_244 = arith.constant 0.000000e+00 : f32
          %reduce_or3A_245 = vector.broadcast %reduce_or3A_243 : f32 to vector<16xf32>
          %reduce_or3A_246 = vector.broadcast %reduce_or3A_244 : f32 to vector<16xf32>
          %reduce_or3A_247 = arith.select %gt3A_242, %reduce_or3A_245, %reduce_or3A_246 : vector<16xi1>, vector<16xf32>
          %reduce_or3A_248 = arith.constant true
          %reduce_or3A_249 = vector.broadcast %reduce_or3A_248 : i1 to vector<16xi1>
          %reduce_or3A_250 = tpu.scan <max>, %reduce_or3A_247 masked %reduce_or3A_249 : vector<16xf32>, vector<16xi1> -> vector<16xf32>
          %reduce_or3A_251 = vector.extract %reduce_or3A_250[15] : f32 from vector<16xf32>
          %reduce_or3A_252 = arith.constant 0.000000e+00 : f32
          %reduce_or3A_253 = arith.cmpf ogt, %reduce_or3A_251, %reduce_or3A_252 : f32
          %while3A_254 = scf.while (%while3A_279 = %reduce_or3A_253) : (i1) -> i1 {
            scf.condition(%while3A_279) %while3A_279 : i1
          } do {
          ^bb0(%while3A_279: i1):
            %gather3A_280 = tpu.vector_load_idx %arg5[%broadcast_in_dim3A_232, %get3A_75] : memref<8x10240xf32, #tpu.memory_space<vmem>>[vector<16xi32>, vector<16xi32>], vector<16xf32>,
            %gt3A_281 = arith.cmpf ogt, %get3A_238, %gather3A_280 : vector<16xf32>
            tpu.vector_store_idx %arg5[%broadcast_in_dim3A_232, %get3A_75], %get3A_238 masked %gt3A_281 : memref<8x10240xf32, #tpu.memory_space<vmem>>[vector<16xi32>, vector<16xi32>], vector<16xf32>, vector<16xi1>
            %gather3A_282 = tpu.vector_load_idx %arg5[%broadcast_in_dim3A_232, %get3A_75] : memref<8x10240xf32, #tpu.memory_space<vmem>>[vector<16xi32>, vector<16xi32>], vector<16xf32>,
            %gt3A_283 = arith.cmpf ogt, %get3A_238, %gather3A_282 : vector<16xf32>
            %reduce_or3A_284 = arith.constant 1.000000e+00 : f32
            %reduce_or3A_285 = arith.constant 0.000000e+00 : f32
            %reduce_or3A_286 = vector.broadcast %reduce_or3A_284 : f32 to vector<16xf32>
            %reduce_or3A_287 = vector.broadcast %reduce_or3A_285 : f32 to vector<16xf32>
            %reduce_or3A_288 = arith.select %gt3A_283, %reduce_or3A_286, %reduce_or3A_287 : vector<16xi1>, vector<16xf32>
            %reduce_or3A_289 = arith.constant true
            %reduce_or3A_290 = vector.broadcast %reduce_or3A_289 : i1 to vector<16xi1>
            %reduce_or3A_291 = tpu.scan <max>, %reduce_or3A_288 masked %reduce_or3A_290 : vector<16xf32>, vector<16xi1> -> vector<16xf32>
            %reduce_or3A_292 = vector.extract %reduce_or3A_291[15] : f32 from vector<16xf32>
            %reduce_or3A_293 = arith.constant 0.000000e+00 : f32
            %reduce_or3A_294 = arith.cmpf ogt, %reduce_or3A_292, %reduce_or3A_293 : f32
            scf.yield %reduce_or3A_294 : i1
          }
          %broadcast_in_dim3A_255 = arith.constant 7 : i32
          %broadcast_in_dim3A_256 = vector.broadcast %broadcast_in_dim3A_255 : i32 to vector<16xi32>
          %mul3A_257 = arith.constant 16 : i32
          %mul3A_258 = arith.muli %scan3A_71, %mul3A_257 : i32
          %get3A_259 = arith.constant 7 : i32
          %get3A_260 = arith.index_cast %get3A_259 : i32 to index
          %get3A_261 = arith.index_cast %mul3A_258 : i32 to index
          %get3A_262 = tpu.vector_load %arg8[%get3A_260, %get3A_261] {strides = array<i32>} : memref<8x640xf32, #tpu.memory_space<vmem>>, vector<16xf32>,
          %gather3A_263 = tpu.vector_load_idx %arg5[%broadcast_in_dim3A_256, %get3A_75] : memref<8x10240xf32, #tpu.memory_space<vmem>>[vector<16xi32>, vector<16xi32>], vector<16xf32>,
          %gt3A_264 = arith.cmpf ogt, %get3A_262, %gather3A_263 : vector<16xf32>
          tpu.vector_store_idx %arg5[%broadcast_in_dim3A_256, %get3A_75], %get3A_262 masked %gt3A_264 : memref<8x10240xf32, #tpu.memory_space<vmem>>[vector<16xi32>, vector<16xi32>], vector<16xf32>, vector<16xi1>
          %gather3A_265 = tpu.vector_load_idx %arg5[%broadcast_in_dim3A_256, %get3A_75] : memref<8x10240xf32, #tpu.memory_space<vmem>>[vector<16xi32>, vector<16xi32>], vector<16xf32>,
          %gt3A_266 = arith.cmpf ogt, %get3A_262, %gather3A_265 : vector<16xf32>
          %reduce_or3A_267 = arith.constant 1.000000e+00 : f32
          %reduce_or3A_268 = arith.constant 0.000000e+00 : f32
          %reduce_or3A_269 = vector.broadcast %reduce_or3A_267 : f32 to vector<16xf32>
          %reduce_or3A_270 = vector.broadcast %reduce_or3A_268 : f32 to vector<16xf32>
          %reduce_or3A_271 = arith.select %gt3A_266, %reduce_or3A_269, %reduce_or3A_270 : vector<16xi1>, vector<16xf32>
          %reduce_or3A_272 = arith.constant true
          %reduce_or3A_273 = vector.broadcast %reduce_or3A_272 : i1 to vector<16xi1>
          %reduce_or3A_274 = tpu.scan <max>, %reduce_or3A_271 masked %reduce_or3A_273 : vector<16xf32>, vector<16xi1> -> vector<16xf32>
          %reduce_or3A_275 = vector.extract %reduce_or3A_274[15] : f32 from vector<16xf32>
          %reduce_or3A_276 = arith.constant 0.000000e+00 : f32
          %reduce_or3A_277 = arith.cmpf ogt, %reduce_or3A_275, %reduce_or3A_276 : f32
          %while3A_278 = scf.while (%while3A_279 = %reduce_or3A_277) : (i1) -> i1 {
            scf.condition(%while3A_279) %while3A_279 : i1
          } do {
          ^bb0(%while3A_279: i1):
            %gather3A_280 = tpu.vector_load_idx %arg5[%broadcast_in_dim3A_256, %get3A_75] : memref<8x10240xf32, #tpu.memory_space<vmem>>[vector<16xi32>, vector<16xi32>], vector<16xf32>,
            %gt3A_281 = arith.cmpf ogt, %get3A_262, %gather3A_280 : vector<16xf32>
            tpu.vector_store_idx %arg5[%broadcast_in_dim3A_256, %get3A_75], %get3A_262 masked %gt3A_281 : memref<8x10240xf32, #tpu.memory_space<vmem>>[vector<16xi32>, vector<16xi32>], vector<16xf32>, vector<16xi1>
            %gather3A_282 = tpu.vector_load_idx %arg5[%broadcast_in_dim3A_256, %get3A_75] : memref<8x10240xf32, #tpu.memory_space<vmem>>[vector<16xi32>, vector<16xi32>], vector<16xf32>,
            %gt3A_283 = arith.cmpf ogt, %get3A_262, %gather3A_282 : vector<16xf32>
            %reduce_or3A_284 = arith.constant 1.000000e+00 : f32
            %reduce_or3A_285 = arith.constant 0.000000e+00 : f32
            %reduce_or3A_286 = vector.broadcast %reduce_or3A_284 : f32 to vector<16xf32>
            %reduce_or3A_287 = vector.broadcast %reduce_or3A_285 : f32 to vector<16xf32>
            %reduce_or3A_288 = arith.select %gt3A_283, %reduce_or3A_286, %reduce_or3A_287 : vector<16xi1>, vector<16xf32>
            %reduce_or3A_289 = arith.constant true
            %reduce_or3A_290 = vector.broadcast %reduce_or3A_289 : i1 to vector<16xi1>
            %reduce_or3A_291 = tpu.scan <max>, %reduce_or3A_288 masked %reduce_or3A_290 : vector<16xf32>, vector<16xi1> -> vector<16xf32>
            %reduce_or3A_292 = vector.extract %reduce_or3A_291[15] : f32 from vector<16xf32>
            %reduce_or3A_293 = arith.constant 0.000000e+00 : f32
            %reduce_or3A_294 = arith.cmpf ogt, %reduce_or3A_292, %reduce_or3A_293 : f32
            scf.yield %reduce_or3A_294 : i1
          }
        }
        %scan3A_90 = arith.constant 0 : i32
        scf.yield %scan3A_90 : i32
      }
      %scan3A_56 = arith.constant 40 : i32
      %dma_wait3A_57 = tpu.memref_slice %arg3[%add3A_38] : memref<64000xi32, #tpu.memory_space<hbm>> -> memref<640xi32, #tpu.memory_space<hbm>>
      %dma_wait3A_58 = tpu.memref_slice %arg3[%add3A_38] : memref<64000xi32, #tpu.memory_space<hbm>> -> memref<640xi32, #tpu.memory_space<hbm>>
      tpu.wait_dma2 semaphore(%arg11 : memref<!tpu.dma_semaphore, #tpu.memory_space<semaphore_mem>>) src(%dma_wait3A_58 : memref<640xi32, #tpu.memory_space<hbm>>) dst(%arg7 : memref<640xi32, #tpu.memory_space<vmem>>)
      %dma_wait3A_59 = tpu.memref_slice %arg2[%arg0, %mul3A_0, %mul3A_35] : memref<2x128x32000xf32, #tpu.memory_space<hbm>> -> memref<1x8x640xf32, #tpu.memory_space<hbm>>
      %dma_wait3A_60 = tpu.memref_squeeze %dma_wait3A_59 : memref<1x8x640xf32, #tpu.memory_space<hbm>> -> memref<8x640xf32, #tpu.memory_space<hbm>>
      %dma_wait3A_61 = tpu.memref_slice %arg2[%arg0, %mul3A_0, %mul3A_35] : memref<2x128x32000xf32, #tpu.memory_space<hbm>> -> memref<1x8x640xf32, #tpu.memory_space<hbm>>
      %dma_wait3A_62 = tpu.memref_squeeze %dma_wait3A_61 : memref<1x8x640xf32, #tpu.memory_space<hbm>> -> memref<8x640xf32, #tpu.memory_space<hbm>>
      tpu.wait_dma2 semaphore(%arg11 : memref<!tpu.dma_semaphore, #tpu.memory_space<semaphore_mem>>) src(%dma_wait3A_62 : memref<8x640xf32, #tpu.memory_space<hbm>>) dst(%arg9 : memref<8x640xf32, #tpu.memory_space<vmem>>)
      %scan3A_63 = arith.constant 0 : i32
      %scan3A_64 = arith.constant 0 : i32
      %scan3A_65 = arith.constant 40 : i32
      %scan3A_66 = arith.addi %scan3A_64, %scan3A_65 : i32
      %scan3A_67 = arith.constant 1 : i32
      %scan3A_68 = scf.for %scan3A_71 = %scan3A_64 to %scan3A_66 step %scan3A_67 iter_args(%scan3A_72 = %scan3A_63) -> (i32)  : i32 {
        %mul3A_73 = arith.constant 16 : i32
        %mul3A_74 = arith.muli %scan3A_71, %mul3A_73 : i32
        %get3A = arith.index_cast %mul3A_74 : i32 to index
        %get3A_75 = tpu.vector_load %arg7[%get3A] {strides = array<i32>} : memref<640xi32, #tpu.memory_space<vmem>>, vector<16xi32>,
        %broadcast_in_dim3A_76 = arith.constant true
        %broadcast_in_dim3A_77 = vector.broadcast %broadcast_in_dim3A_76 : i1 to vector<16xi1>
        %unique3A, %unique3A_78 = tpu.scan_count mask(%broadcast_in_dim3A_77 : vector<16xi1>) value(%get3A_75 : vector<16xi32>) : vector<16xi1>, vector<16xi32>
        %reduce_and3A = arith.constant 1.000000e+00 : f32
        %reduce_and3A_79 = arith.constant 0.000000e+00 : f32
        %reduce_and3A_80 = vector.broadcast %reduce_and3A : f32 to vector<16xf32>
        %reduce_and3A_81 = vector.broadcast %reduce_and3A_79 : f32 to vector<16xf32>
        %reduce_and3A_82 = arith.select %unique3A, %reduce_and3A_80, %reduce_and3A_81 : vector<16xi1>, vector<16xf32>
        %reduce_and3A_83 = arith.constant true
        %reduce_and3A_84 = vector.broadcast %reduce_and3A_83 : i1 to vector<16xi1>
        %reduce_and3A_85 = tpu.scan <min>, %reduce_and3A_82 masked %reduce_and3A_84 : vector<16xf32>, vector<16xi1> -> vector<16xf32>
        %reduce_and3A_86 = vector.extract %reduce_and3A_85[15] : f32 from vector<16xf32>
        %reduce_and3A_87 = arith.constant 0.000000e+00 : f32
        %reduce_and3A_88 = arith.cmpf ogt, %reduce_and3A_86, %reduce_and3A_87 : f32
        %convert_element_type3A = arith.extui %reduce_and3A_88 : i1 to i32
        %cond3A = arith.constant 0 : i32
        %cond3A_89 = arith.cmpi ne, %convert_element_type3A, %cond3A : i32
        scf.if %cond3A_89 {
          %broadcast_in_dim3A_91 = arith.constant 0 : i32
          %broadcast_in_dim3A_92 = vector.broadcast %broadcast_in_dim3A_91 : i32 to vector<16xi32>
          %mul3A_93 = arith.constant 16 : i32
          %mul3A_94 = arith.muli %scan3A_71, %mul3A_93 : i32
          %get3A_95 = arith.constant 0 : i32
          %get3A_96 = arith.index_cast %get3A_95 : i32 to index
          %get3A_97 = arith.index_cast %mul3A_94 : i32 to index
          %get3A_98 = tpu.vector_load %arg9[%get3A_96, %get3A_97] {strides = array<i32>} : memref<8x640xf32, #tpu.memory_space<vmem>>, vector<16xf32>,
          %gather3A = tpu.vector_load_idx %arg5[%broadcast_in_dim3A_92, %get3A_75] : memref<8x10240xf32, #tpu.memory_space<vmem>>[vector<16xi32>, vector<16xi32>], vector<16xf32>,
          %max3A = arith.maximumf %gather3A, %get3A_98 : vector<16xf32>
          tpu.vector_store_idx %arg5[%broadcast_in_dim3A_92, %get3A_75], %max3A : memref<8x10240xf32, #tpu.memory_space<vmem>>[vector<16xi32>, vector<16xi32>], vector<16xf32>,
          %broadcast_in_dim3A_99 = arith.constant 1 : i32
          %broadcast_in_dim3A_100 = vector.broadcast %broadcast_in_dim3A_99 : i32 to vector<16xi32>
          %mul3A_101 = arith.constant 16 : i32
          %mul3A_102 = arith.muli %scan3A_71, %mul3A_101 : i32
          %get3A_103 = arith.constant 1 : i32
          %get3A_104 = arith.index_cast %get3A_103 : i32 to index
          %get3A_105 = arith.index_cast %mul3A_102 : i32 to index
          %get3A_106 = tpu.vector_load %arg9[%get3A_104, %get3A_105] {strides = array<i32>} : memref<8x640xf32, #tpu.memory_space<vmem>>, vector<16xf32>,
          %gather3A_107 = tpu.vector_load_idx %arg5[%broadcast_in_dim3A_100, %get3A_75] : memref<8x10240xf32, #tpu.memory_space<vmem>>[vector<16xi32>, vector<16xi32>], vector<16xf32>,
          %max3A_108 = arith.maximumf %gather3A_107, %get3A_106 : vector<16xf32>
          tpu.vector_store_idx %arg5[%broadcast_in_dim3A_100, %get3A_75], %max3A_108 : memref<8x10240xf32, #tpu.memory_space<vmem>>[vector<16xi32>, vector<16xi32>], vector<16xf32>,
          %broadcast_in_dim3A_109 = arith.constant 2 : i32
          %broadcast_in_dim3A_110 = vector.broadcast %broadcast_in_dim3A_109 : i32 to vector<16xi32>
          %mul3A_111 = arith.constant 16 : i32
          %mul3A_112 = arith.muli %scan3A_71, %mul3A_111 : i32
          %get3A_113 = arith.constant 2 : i32
          %get3A_114 = arith.index_cast %get3A_113 : i32 to index
          %get3A_115 = arith.index_cast %mul3A_112 : i32 to index
          %get3A_116 = tpu.vector_load %arg9[%get3A_114, %get3A_115] {strides = array<i32>} : memref<8x640xf32, #tpu.memory_space<vmem>>, vector<16xf32>,
          %gather3A_117 = tpu.vector_load_idx %arg5[%broadcast_in_dim3A_110, %get3A_75] : memref<8x10240xf32, #tpu.memory_space<vmem>>[vector<16xi32>, vector<16xi32>], vector<16xf32>,
          %max3A_118 = arith.maximumf %gather3A_117, %get3A_116 : vector<16xf32>
          tpu.vector_store_idx %arg5[%broadcast_in_dim3A_110, %get3A_75], %max3A_118 : memref<8x10240xf32, #tpu.memory_space<vmem>>[vector<16xi32>, vector<16xi32>], vector<16xf32>,
          %broadcast_in_dim3A_119 = arith.constant 3 : i32
          %broadcast_in_dim3A_120 = vector.broadcast %broadcast_in_dim3A_119 : i32 to vector<16xi32>
          %mul3A_121 = arith.constant 16 : i32
          %mul3A_122 = arith.muli %scan3A_71, %mul3A_121 : i32
          %get3A_123 = arith.constant 3 : i32
          %get3A_124 = arith.index_cast %get3A_123 : i32 to index
          %get3A_125 = arith.index_cast %mul3A_122 : i32 to index
          %get3A_126 = tpu.vector_load %arg9[%get3A_124, %get3A_125] {strides = array<i32>} : memref<8x640xf32, #tpu.memory_space<vmem>>, vector<16xf32>,
          %gather3A_127 = tpu.vector_load_idx %arg5[%broadcast_in_dim3A_120, %get3A_75] : memref<8x10240xf32, #tpu.memory_space<vmem>>[vector<16xi32>, vector<16xi32>], vector<16xf32>,
          %max3A_128 = arith.maximumf %gather3A_127, %get3A_126 : vector<16xf32>
          tpu.vector_store_idx %arg5[%broadcast_in_dim3A_120, %get3A_75], %max3A_128 : memref<8x10240xf32, #tpu.memory_space<vmem>>[vector<16xi32>, vector<16xi32>], vector<16xf32>,
          %broadcast_in_dim3A_129 = arith.constant 4 : i32
          %broadcast_in_dim3A_130 = vector.broadcast %broadcast_in_dim3A_129 : i32 to vector<16xi32>
          %mul3A_131 = arith.constant 16 : i32
          %mul3A_132 = arith.muli %scan3A_71, %mul3A_131 : i32
          %get3A_133 = arith.constant 4 : i32
          %get3A_134 = arith.index_cast %get3A_133 : i32 to index
          %get3A_135 = arith.index_cast %mul3A_132 : i32 to index
          %get3A_136 = tpu.vector_load %arg9[%get3A_134, %get3A_135] {strides = array<i32>} : memref<8x640xf32, #tpu.memory_space<vmem>>, vector<16xf32>,
          %gather3A_137 = tpu.vector_load_idx %arg5[%broadcast_in_dim3A_130, %get3A_75] : memref<8x10240xf32, #tpu.memory_space<vmem>>[vector<16xi32>, vector<16xi32>], vector<16xf32>,
          %max3A_138 = arith.maximumf %gather3A_137, %get3A_136 : vector<16xf32>
          tpu.vector_store_idx %arg5[%broadcast_in_dim3A_130, %get3A_75], %max3A_138 : memref<8x10240xf32, #tpu.memory_space<vmem>>[vector<16xi32>, vector<16xi32>], vector<16xf32>,
          %broadcast_in_dim3A_139 = arith.constant 5 : i32
          %broadcast_in_dim3A_140 = vector.broadcast %broadcast_in_dim3A_139 : i32 to vector<16xi32>
          %mul3A_141 = arith.constant 16 : i32
          %mul3A_142 = arith.muli %scan3A_71, %mul3A_141 : i32
          %get3A_143 = arith.constant 5 : i32
          %get3A_144 = arith.index_cast %get3A_143 : i32 to index
          %get3A_145 = arith.index_cast %mul3A_142 : i32 to index
          %get3A_146 = tpu.vector_load %arg9[%get3A_144, %get3A_145] {strides = array<i32>} : memref<8x640xf32, #tpu.memory_space<vmem>>, vector<16xf32>,
          %gather3A_147 = tpu.vector_load_idx %arg5[%broadcast_in_dim3A_140, %get3A_75] : memref<8x10240xf32, #tpu.memory_space<vmem>>[vector<16xi32>, vector<16xi32>], vector<16xf32>,
          %max3A_148 = arith.maximumf %gather3A_147, %get3A_146 : vector<16xf32>
          tpu.vector_store_idx %arg5[%broadcast_in_dim3A_140, %get3A_75], %max3A_148 : memref<8x10240xf32, #tpu.memory_space<vmem>>[vector<16xi32>, vector<16xi32>], vector<16xf32>,
          %broadcast_in_dim3A_149 = arith.constant 6 : i32
          %broadcast_in_dim3A_150 = vector.broadcast %broadcast_in_dim3A_149 : i32 to vector<16xi32>
          %mul3A_151 = arith.constant 16 : i32
          %mul3A_152 = arith.muli %scan3A_71, %mul3A_151 : i32
          %get3A_153 = arith.constant 6 : i32
          %get3A_154 = arith.index_cast %get3A_153 : i32 to index
          %get3A_155 = arith.index_cast %mul3A_152 : i32 to index
          %get3A_156 = tpu.vector_load %arg9[%get3A_154, %get3A_155] {strides = array<i32>} : memref<8x640xf32, #tpu.memory_space<vmem>>, vector<16xf32>,
          %gather3A_157 = tpu.vector_load_idx %arg5[%broadcast_in_dim3A_150, %get3A_75] : memref<8x10240xf32, #tpu.memory_space<vmem>>[vector<16xi32>, vector<16xi32>], vector<16xf32>,
          %max3A_158 = arith.maximumf %gather3A_157, %get3A_156 : vector<16xf32>
          tpu.vector_store_idx %arg5[%broadcast_in_dim3A_150, %get3A_75], %max3A_158 : memref<8x10240xf32, #tpu.memory_space<vmem>>[vector<16xi32>, vector<16xi32>], vector<16xf32>,
          %broadcast_in_dim3A_159 = arith.constant 7 : i32
          %broadcast_in_dim3A_160 = vector.broadcast %broadcast_in_dim3A_159 : i32 to vector<16xi32>
          %mul3A_161 = arith.constant 16 : i32
          %mul3A_162 = arith.muli %scan3A_71, %mul3A_161 : i32
          %get3A_163 = arith.constant 7 : i32
          %get3A_164 = arith.index_cast %get3A_163 : i32 to index
          %get3A_165 = arith.index_cast %mul3A_162 : i32 to index
          %get3A_166 = tpu.vector_load %arg9[%get3A_164, %get3A_165] {strides = array<i32>} : memref<8x640xf32, #tpu.memory_space<vmem>>, vector<16xf32>,
          %gather3A_167 = tpu.vector_load_idx %arg5[%broadcast_in_dim3A_160, %get3A_75] : memref<8x10240xf32, #tpu.memory_space<vmem>>[vector<16xi32>, vector<16xi32>], vector<16xf32>,
          %max3A_168 = arith.maximumf %gather3A_167, %get3A_166 : vector<16xf32>
          tpu.vector_store_idx %arg5[%broadcast_in_dim3A_160, %get3A_75], %max3A_168 : memref<8x10240xf32, #tpu.memory_space<vmem>>[vector<16xi32>, vector<16xi32>], vector<16xf32>,
        } else {
          %broadcast_in_dim3A_91 = arith.constant 0 : i32
          %broadcast_in_dim3A_92 = vector.broadcast %broadcast_in_dim3A_91 : i32 to vector<16xi32>
          %mul3A_93 = arith.constant 16 : i32
          %mul3A_94 = arith.muli %scan3A_71, %mul3A_93 : i32
          %get3A_95 = arith.constant 0 : i32
          %get3A_96 = arith.index_cast %get3A_95 : i32 to index
          %get3A_97 = arith.index_cast %mul3A_94 : i32 to index
          %get3A_98 = tpu.vector_load %arg9[%get3A_96, %get3A_97] {strides = array<i32>} : memref<8x640xf32, #tpu.memory_space<vmem>>, vector<16xf32>,
          %gather3A = tpu.vector_load_idx %arg5[%broadcast_in_dim3A_92, %get3A_75] : memref<8x10240xf32, #tpu.memory_space<vmem>>[vector<16xi32>, vector<16xi32>], vector<16xf32>,
          %gt3A = arith.cmpf ogt, %get3A_98, %gather3A : vector<16xf32>
          tpu.vector_store_idx %arg5[%broadcast_in_dim3A_92, %get3A_75], %get3A_98 masked %gt3A : memref<8x10240xf32, #tpu.memory_space<vmem>>[vector<16xi32>, vector<16xi32>], vector<16xf32>, vector<16xi1>
          %gather3A_99 = tpu.vector_load_idx %arg5[%broadcast_in_dim3A_92, %get3A_75] : memref<8x10240xf32, #tpu.memory_space<vmem>>[vector<16xi32>, vector<16xi32>], vector<16xf32>,
          %gt3A_100 = arith.cmpf ogt, %get3A_98, %gather3A_99 : vector<16xf32>
          %reduce_or3A = arith.constant 1.000000e+00 : f32
          %reduce_or3A_101 = arith.constant 0.000000e+00 : f32
          %reduce_or3A_102 = vector.broadcast %reduce_or3A : f32 to vector<16xf32>
          %reduce_or3A_103 = vector.broadcast %reduce_or3A_101 : f32 to vector<16xf32>
          %reduce_or3A_104 = arith.select %gt3A_100, %reduce_or3A_102, %reduce_or3A_103 : vector<16xi1>, vector<16xf32>
          %reduce_or3A_105 = arith.constant true
          %reduce_or3A_106 = vector.broadcast %reduce_or3A_105 : i1 to vector<16xi1>
          %reduce_or3A_107 = tpu.scan <max>, %reduce_or3A_104 masked %reduce_or3A_106 : vector<16xf32>, vector<16xi1> -> vector<16xf32>
          %reduce_or3A_108 = vector.extract %reduce_or3A_107[15] : f32 from vector<16xf32>
          %reduce_or3A_109 = arith.constant 0.000000e+00 : f32
          %reduce_or3A_110 = arith.cmpf ogt, %reduce_or3A_108, %reduce_or3A_109 : f32
          %while3A = scf.while (%while3A_279 = %reduce_or3A_110) : (i1) -> i1 {
            scf.condition(%while3A_279) %while3A_279 : i1
          } do {
          ^bb0(%while3A_279: i1):
            %gather3A_280 = tpu.vector_load_idx %arg5[%broadcast_in_dim3A_92, %get3A_75] : memref<8x10240xf32, #tpu.memory_space<vmem>>[vector<16xi32>, vector<16xi32>], vector<16xf32>,
            %gt3A_281 = arith.cmpf ogt, %get3A_98, %gather3A_280 : vector<16xf32>
            tpu.vector_store_idx %arg5[%broadcast_in_dim3A_92, %get3A_75], %get3A_98 masked %gt3A_281 : memref<8x10240xf32, #tpu.memory_space<vmem>>[vector<16xi32>, vector<16xi32>], vector<16xf32>, vector<16xi1>
            %gather3A_282 = tpu.vector_load_idx %arg5[%broadcast_in_dim3A_92, %get3A_75] : memref<8x10240xf32, #tpu.memory_space<vmem>>[vector<16xi32>, vector<16xi32>], vector<16xf32>,
            %gt3A_283 = arith.cmpf ogt, %get3A_98, %gather3A_282 : vector<16xf32>
            %reduce_or3A_284 = arith.constant 1.000000e+00 : f32
            %reduce_or3A_285 = arith.constant 0.000000e+00 : f32
            %reduce_or3A_286 = vector.broadcast %reduce_or3A_284 : f32 to vector<16xf32>
            %reduce_or3A_287 = vector.broadcast %reduce_or3A_285 : f32 to vector<16xf32>
            %reduce_or3A_288 = arith.select %gt3A_283, %reduce_or3A_286, %reduce_or3A_287 : vector<16xi1>, vector<16xf32>
            %reduce_or3A_289 = arith.constant true
            %reduce_or3A_290 = vector.broadcast %reduce_or3A_289 : i1 to vector<16xi1>
            %reduce_or3A_291 = tpu.scan <max>, %reduce_or3A_288 masked %reduce_or3A_290 : vector<16xf32>, vector<16xi1> -> vector<16xf32>
            %reduce_or3A_292 = vector.extract %reduce_or3A_291[15] : f32 from vector<16xf32>
            %reduce_or3A_293 = arith.constant 0.000000e+00 : f32
            %reduce_or3A_294 = arith.cmpf ogt, %reduce_or3A_292, %reduce_or3A_293 : f32
            scf.yield %reduce_or3A_294 : i1
          }
          %broadcast_in_dim3A_111 = arith.constant 1 : i32
          %broadcast_in_dim3A_112 = vector.broadcast %broadcast_in_dim3A_111 : i32 to vector<16xi32>
          %mul3A_113 = arith.constant 16 : i32
          %mul3A_114 = arith.muli %scan3A_71, %mul3A_113 : i32
          %get3A_115 = arith.constant 1 : i32
          %get3A_116 = arith.index_cast %get3A_115 : i32 to index
          %get3A_117 = arith.index_cast %mul3A_114 : i32 to index
          %get3A_118 = tpu.vector_load %arg9[%get3A_116, %get3A_117] {strides = array<i32>} : memref<8x640xf32, #tpu.memory_space<vmem>>, vector<16xf32>,
          %gather3A_119 = tpu.vector_load_idx %arg5[%broadcast_in_dim3A_112, %get3A_75] : memref<8x10240xf32, #tpu.memory_space<vmem>>[vector<16xi32>, vector<16xi32>], vector<16xf32>,
          %gt3A_120 = arith.cmpf ogt, %get3A_118, %gather3A_119 : vector<16xf32>
          tpu.vector_store_idx %arg5[%broadcast_in_dim3A_112, %get3A_75], %get3A_118 masked %gt3A_120 : memref<8x10240xf32, #tpu.memory_space<vmem>>[vector<16xi32>, vector<16xi32>], vector<16xf32>, vector<16xi1>
          %gather3A_121 = tpu.vector_load_idx %arg5[%broadcast_in_dim3A_112, %get3A_75] : memref<8x10240xf32, #tpu.memory_space<vmem>>[vector<16xi32>, vector<16xi32>], vector<16xf32>,
          %gt3A_122 = arith.cmpf ogt, %get3A_118, %gather3A_121 : vector<16xf32>
          %reduce_or3A_123 = arith.constant 1.000000e+00 : f32
          %reduce_or3A_124 = arith.constant 0.000000e+00 : f32
          %reduce_or3A_125 = vector.broadcast %reduce_or3A_123 : f32 to vector<16xf32>
          %reduce_or3A_126 = vector.broadcast %reduce_or3A_124 : f32 to vector<16xf32>
          %reduce_or3A_127 = arith.select %gt3A_122, %reduce_or3A_125, %reduce_or3A_126 : vector<16xi1>, vector<16xf32>
          %reduce_or3A_128 = arith.constant true
          %reduce_or3A_129 = vector.broadcast %reduce_or3A_128 : i1 to vector<16xi1>
          %reduce_or3A_130 = tpu.scan <max>, %reduce_or3A_127 masked %reduce_or3A_129 : vector<16xf32>, vector<16xi1> -> vector<16xf32>
          %reduce_or3A_131 = vector.extract %reduce_or3A_130[15] : f32 from vector<16xf32>
          %reduce_or3A_132 = arith.constant 0.000000e+00 : f32
          %reduce_or3A_133 = arith.cmpf ogt, %reduce_or3A_131, %reduce_or3A_132 : f32
          %while3A_134 = scf.while (%while3A_279 = %reduce_or3A_133) : (i1) -> i1 {
            scf.condition(%while3A_279) %while3A_279 : i1
          } do {
          ^bb0(%while3A_279: i1):
            %gather3A_280 = tpu.vector_load_idx %arg5[%broadcast_in_dim3A_112, %get3A_75] : memref<8x10240xf32, #tpu.memory_space<vmem>>[vector<16xi32>, vector<16xi32>], vector<16xf32>,
            %gt3A_281 = arith.cmpf ogt, %get3A_118, %gather3A_280 : vector<16xf32>
            tpu.vector_store_idx %arg5[%broadcast_in_dim3A_112, %get3A_75], %get3A_118 masked %gt3A_281 : memref<8x10240xf32, #tpu.memory_space<vmem>>[vector<16xi32>, vector<16xi32>], vector<16xf32>, vector<16xi1>
            %gather3A_282 = tpu.vector_load_idx %arg5[%broadcast_in_dim3A_112, %get3A_75] : memref<8x10240xf32, #tpu.memory_space<vmem>>[vector<16xi32>, vector<16xi32>], vector<16xf32>,
            %gt3A_283 = arith.cmpf ogt, %get3A_118, %gather3A_282 : vector<16xf32>
            %reduce_or3A_284 = arith.constant 1.000000e+00 : f32
            %reduce_or3A_285 = arith.constant 0.000000e+00 : f32
            %reduce_or3A_286 = vector.broadcast %reduce_or3A_284 : f32 to vector<16xf32>
            %reduce_or3A_287 = vector.broadcast %reduce_or3A_285 : f32 to vector<16xf32>
            %reduce_or3A_288 = arith.select %gt3A_283, %reduce_or3A_286, %reduce_or3A_287 : vector<16xi1>, vector<16xf32>
            %reduce_or3A_289 = arith.constant true
            %reduce_or3A_290 = vector.broadcast %reduce_or3A_289 : i1 to vector<16xi1>
            %reduce_or3A_291 = tpu.scan <max>, %reduce_or3A_288 masked %reduce_or3A_290 : vector<16xf32>, vector<16xi1> -> vector<16xf32>
            %reduce_or3A_292 = vector.extract %reduce_or3A_291[15] : f32 from vector<16xf32>
            %reduce_or3A_293 = arith.constant 0.000000e+00 : f32
            %reduce_or3A_294 = arith.cmpf ogt, %reduce_or3A_292, %reduce_or3A_293 : f32
            scf.yield %reduce_or3A_294 : i1
          }
          %broadcast_in_dim3A_135 = arith.constant 2 : i32
          %broadcast_in_dim3A_136 = vector.broadcast %broadcast_in_dim3A_135 : i32 to vector<16xi32>
          %mul3A_137 = arith.constant 16 : i32
          %mul3A_138 = arith.muli %scan3A_71, %mul3A_137 : i32
          %get3A_139 = arith.constant 2 : i32
          %get3A_140 = arith.index_cast %get3A_139 : i32 to index
          %get3A_141 = arith.index_cast %mul3A_138 : i32 to index
          %get3A_142 = tpu.vector_load %arg9[%get3A_140, %get3A_141] {strides = array<i32>} : memref<8x640xf32, #tpu.memory_space<vmem>>, vector<16xf32>,
          %gather3A_143 = tpu.vector_load_idx %arg5[%broadcast_in_dim3A_136, %get3A_75] : memref<8x10240xf32, #tpu.memory_space<vmem>>[vector<16xi32>, vector<16xi32>], vector<16xf32>,
          %gt3A_144 = arith.cmpf ogt, %get3A_142, %gather3A_143 : vector<16xf32>
          tpu.vector_store_idx %arg5[%broadcast_in_dim3A_136, %get3A_75], %get3A_142 masked %gt3A_144 : memref<8x10240xf32, #tpu.memory_space<vmem>>[vector<16xi32>, vector<16xi32>], vector<16xf32>, vector<16xi1>
          %gather3A_145 = tpu.vector_load_idx %arg5[%broadcast_in_dim3A_136, %get3A_75] : memref<8x10240xf32, #tpu.memory_space<vmem>>[vector<16xi32>, vector<16xi32>], vector<16xf32>,
          %gt3A_146 = arith.cmpf ogt, %get3A_142, %gather3A_145 : vector<16xf32>
          %reduce_or3A_147 = arith.constant 1.000000e+00 : f32
          %reduce_or3A_148 = arith.constant 0.000000e+00 : f32
          %reduce_or3A_149 = vector.broadcast %reduce_or3A_147 : f32 to vector<16xf32>
          %reduce_or3A_150 = vector.broadcast %reduce_or3A_148 : f32 to vector<16xf32>
          %reduce_or3A_151 = arith.select %gt3A_146, %reduce_or3A_149, %reduce_or3A_150 : vector<16xi1>, vector<16xf32>
          %reduce_or3A_152 = arith.constant true
          %reduce_or3A_153 = vector.broadcast %reduce_or3A_152 : i1 to vector<16xi1>
          %reduce_or3A_154 = tpu.scan <max>, %reduce_or3A_151 masked %reduce_or3A_153 : vector<16xf32>, vector<16xi1> -> vector<16xf32>
          %reduce_or3A_155 = vector.extract %reduce_or3A_154[15] : f32 from vector<16xf32>
          %reduce_or3A_156 = arith.constant 0.000000e+00 : f32
          %reduce_or3A_157 = arith.cmpf ogt, %reduce_or3A_155, %reduce_or3A_156 : f32
          %while3A_158 = scf.while (%while3A_279 = %reduce_or3A_157) : (i1) -> i1 {
            scf.condition(%while3A_279) %while3A_279 : i1
          } do {
          ^bb0(%while3A_279: i1):
            %gather3A_280 = tpu.vector_load_idx %arg5[%broadcast_in_dim3A_136, %get3A_75] : memref<8x10240xf32, #tpu.memory_space<vmem>>[vector<16xi32>, vector<16xi32>], vector<16xf32>,
            %gt3A_281 = arith.cmpf ogt, %get3A_142, %gather3A_280 : vector<16xf32>
            tpu.vector_store_idx %arg5[%broadcast_in_dim3A_136, %get3A_75], %get3A_142 masked %gt3A_281 : memref<8x10240xf32, #tpu.memory_space<vmem>>[vector<16xi32>, vector<16xi32>], vector<16xf32>, vector<16xi1>
            %gather3A_282 = tpu.vector_load_idx %arg5[%broadcast_in_dim3A_136, %get3A_75] : memref<8x10240xf32, #tpu.memory_space<vmem>>[vector<16xi32>, vector<16xi32>], vector<16xf32>,
            %gt3A_283 = arith.cmpf ogt, %get3A_142, %gather3A_282 : vector<16xf32>
            %reduce_or3A_284 = arith.constant 1.000000e+00 : f32
            %reduce_or3A_285 = arith.constant 0.000000e+00 : f32
            %reduce_or3A_286 = vector.broadcast %reduce_or3A_284 : f32 to vector<16xf32>
            %reduce_or3A_287 = vector.broadcast %reduce_or3A_285 : f32 to vector<16xf32>
            %reduce_or3A_288 = arith.select %gt3A_283, %reduce_or3A_286, %reduce_or3A_287 : vector<16xi1>, vector<16xf32>
            %reduce_or3A_289 = arith.constant true
            %reduce_or3A_290 = vector.broadcast %reduce_or3A_289 : i1 to vector<16xi1>
            %reduce_or3A_291 = tpu.scan <max>, %reduce_or3A_288 masked %reduce_or3A_290 : vector<16xf32>, vector<16xi1> -> vector<16xf32>
            %reduce_or3A_292 = vector.extract %reduce_or3A_291[15] : f32 from vector<16xf32>
            %reduce_or3A_293 = arith.constant 0.000000e+00 : f32
            %reduce_or3A_294 = arith.cmpf ogt, %reduce_or3A_292, %reduce_or3A_293 : f32
            scf.yield %reduce_or3A_294 : i1
          }
          %broadcast_in_dim3A_159 = arith.constant 3 : i32
          %broadcast_in_dim3A_160 = vector.broadcast %broadcast_in_dim3A_159 : i32 to vector<16xi32>
          %mul3A_161 = arith.constant 16 : i32
          %mul3A_162 = arith.muli %scan3A_71, %mul3A_161 : i32
          %get3A_163 = arith.constant 3 : i32
          %get3A_164 = arith.index_cast %get3A_163 : i32 to index
          %get3A_165 = arith.index_cast %mul3A_162 : i32 to index
          %get3A_166 = tpu.vector_load %arg9[%get3A_164, %get3A_165] {strides = array<i32>} : memref<8x640xf32, #tpu.memory_space<vmem>>, vector<16xf32>,
          %gather3A_167 = tpu.vector_load_idx %arg5[%broadcast_in_dim3A_160, %get3A_75] : memref<8x10240xf32, #tpu.memory_space<vmem>>[vector<16xi32>, vector<16xi32>], vector<16xf32>,
          %gt3A_168 = arith.cmpf ogt, %get3A_166, %gather3A_167 : vector<16xf32>
          tpu.vector_store_idx %arg5[%broadcast_in_dim3A_160, %get3A_75], %get3A_166 masked %gt3A_168 : memref<8x10240xf32, #tpu.memory_space<vmem>>[vector<16xi32>, vector<16xi32>], vector<16xf32>, vector<16xi1>
          %gather3A_169 = tpu.vector_load_idx %arg5[%broadcast_in_dim3A_160, %get3A_75] : memref<8x10240xf32, #tpu.memory_space<vmem>>[vector<16xi32>, vector<16xi32>], vector<16xf32>,
          %gt3A_170 = arith.cmpf ogt, %get3A_166, %gather3A_169 : vector<16xf32>
          %reduce_or3A_171 = arith.constant 1.000000e+00 : f32
          %reduce_or3A_172 = arith.constant 0.000000e+00 : f32
          %reduce_or3A_173 = vector.broadcast %reduce_or3A_171 : f32 to vector<16xf32>
          %reduce_or3A_174 = vector.broadcast %reduce_or3A_172 : f32 to vector<16xf32>
          %reduce_or3A_175 = arith.select %gt3A_170, %reduce_or3A_173, %reduce_or3A_174 : vector<16xi1>, vector<16xf32>
          %reduce_or3A_176 = arith.constant true
          %reduce_or3A_177 = vector.broadcast %reduce_or3A_176 : i1 to vector<16xi1>
          %reduce_or3A_178 = tpu.scan <max>, %reduce_or3A_175 masked %reduce_or3A_177 : vector<16xf32>, vector<16xi1> -> vector<16xf32>
          %reduce_or3A_179 = vector.extract %reduce_or3A_178[15] : f32 from vector<16xf32>
          %reduce_or3A_180 = arith.constant 0.000000e+00 : f32
          %reduce_or3A_181 = arith.cmpf ogt, %reduce_or3A_179, %reduce_or3A_180 : f32
          %while3A_182 = scf.while (%while3A_279 = %reduce_or3A_181) : (i1) -> i1 {
            scf.condition(%while3A_279) %while3A_279 : i1
          } do {
          ^bb0(%while3A_279: i1):
            %gather3A_280 = tpu.vector_load_idx %arg5[%broadcast_in_dim3A_160, %get3A_75] : memref<8x10240xf32, #tpu.memory_space<vmem>>[vector<16xi32>, vector<16xi32>], vector<16xf32>,
            %gt3A_281 = arith.cmpf ogt, %get3A_166, %gather3A_280 : vector<16xf32>
            tpu.vector_store_idx %arg5[%broadcast_in_dim3A_160, %get3A_75], %get3A_166 masked %gt3A_281 : memref<8x10240xf32, #tpu.memory_space<vmem>>[vector<16xi32>, vector<16xi32>], vector<16xf32>, vector<16xi1>
            %gather3A_282 = tpu.vector_load_idx %arg5[%broadcast_in_dim3A_160, %get3A_75] : memref<8x10240xf32, #tpu.memory_space<vmem>>[vector<16xi32>, vector<16xi32>], vector<16xf32>,
            %gt3A_283 = arith.cmpf ogt, %get3A_166, %gather3A_282 : vector<16xf32>
            %reduce_or3A_284 = arith.constant 1.000000e+00 : f32
            %reduce_or3A_285 = arith.constant 0.000000e+00 : f32
            %reduce_or3A_286 = vector.broadcast %reduce_or3A_284 : f32 to vector<16xf32>
            %reduce_or3A_287 = vector.broadcast %reduce_or3A_285 : f32 to vector<16xf32>
            %reduce_or3A_288 = arith.select %gt3A_283, %reduce_or3A_286, %reduce_or3A_287 : vector<16xi1>, vector<16xf32>
            %reduce_or3A_289 = arith.constant true
            %reduce_or3A_290 = vector.broadcast %reduce_or3A_289 : i1 to vector<16xi1>
            %reduce_or3A_291 = tpu.scan <max>, %reduce_or3A_288 masked %reduce_or3A_290 : vector<16xf32>, vector<16xi1> -> vector<16xf32>
            %reduce_or3A_292 = vector.extract %reduce_or3A_291[15] : f32 from vector<16xf32>
            %reduce_or3A_293 = arith.constant 0.000000e+00 : f32
            %reduce_or3A_294 = arith.cmpf ogt, %reduce_or3A_292, %reduce_or3A_293 : f32
            scf.yield %reduce_or3A_294 : i1
          }
          %broadcast_in_dim3A_183 = arith.constant 4 : i32
          %broadcast_in_dim3A_184 = vector.broadcast %broadcast_in_dim3A_183 : i32 to vector<16xi32>
          %mul3A_185 = arith.constant 16 : i32
          %mul3A_186 = arith.muli %scan3A_71, %mul3A_185 : i32
          %get3A_187 = arith.constant 4 : i32
          %get3A_188 = arith.index_cast %get3A_187 : i32 to index
          %get3A_189 = arith.index_cast %mul3A_186 : i32 to index
          %get3A_190 = tpu.vector_load %arg9[%get3A_188, %get3A_189] {strides = array<i32>} : memref<8x640xf32, #tpu.memory_space<vmem>>, vector<16xf32>,
          %gather3A_191 = tpu.vector_load_idx %arg5[%broadcast_in_dim3A_184, %get3A_75] : memref<8x10240xf32, #tpu.memory_space<vmem>>[vector<16xi32>, vector<16xi32>], vector<16xf32>,
          %gt3A_192 = arith.cmpf ogt, %get3A_190, %gather3A_191 : vector<16xf32>
          tpu.vector_store_idx %arg5[%broadcast_in_dim3A_184, %get3A_75], %get3A_190 masked %gt3A_192 : memref<8x10240xf32, #tpu.memory_space<vmem>>[vector<16xi32>, vector<16xi32>], vector<16xf32>, vector<16xi1>
          %gather3A_193 = tpu.vector_load_idx %arg5[%broadcast_in_dim3A_184, %get3A_75] : memref<8x10240xf32, #tpu.memory_space<vmem>>[vector<16xi32>, vector<16xi32>], vector<16xf32>,
          %gt3A_194 = arith.cmpf ogt, %get3A_190, %gather3A_193 : vector<16xf32>
          %reduce_or3A_195 = arith.constant 1.000000e+00 : f32
          %reduce_or3A_196 = arith.constant 0.000000e+00 : f32
          %reduce_or3A_197 = vector.broadcast %reduce_or3A_195 : f32 to vector<16xf32>
          %reduce_or3A_198 = vector.broadcast %reduce_or3A_196 : f32 to vector<16xf32>
          %reduce_or3A_199 = arith.select %gt3A_194, %reduce_or3A_197, %reduce_or3A_198 : vector<16xi1>, vector<16xf32>
          %reduce_or3A_200 = arith.constant true
          %reduce_or3A_201 = vector.broadcast %reduce_or3A_200 : i1 to vector<16xi1>
          %reduce_or3A_202 = tpu.scan <max>, %reduce_or3A_199 masked %reduce_or3A_201 : vector<16xf32>, vector<16xi1> -> vector<16xf32>
          %reduce_or3A_203 = vector.extract %reduce_or3A_202[15] : f32 from vector<16xf32>
          %reduce_or3A_204 = arith.constant 0.000000e+00 : f32
          %reduce_or3A_205 = arith.cmpf ogt, %reduce_or3A_203, %reduce_or3A_204 : f32
          %while3A_206 = scf.while (%while3A_279 = %reduce_or3A_205) : (i1) -> i1 {
            scf.condition(%while3A_279) %while3A_279 : i1
          } do {
          ^bb0(%while3A_279: i1):
            %gather3A_280 = tpu.vector_load_idx %arg5[%broadcast_in_dim3A_184, %get3A_75] : memref<8x10240xf32, #tpu.memory_space<vmem>>[vector<16xi32>, vector<16xi32>], vector<16xf32>,
            %gt3A_281 = arith.cmpf ogt, %get3A_190, %gather3A_280 : vector<16xf32>
            tpu.vector_store_idx %arg5[%broadcast_in_dim3A_184, %get3A_75], %get3A_190 masked %gt3A_281 : memref<8x10240xf32, #tpu.memory_space<vmem>>[vector<16xi32>, vector<16xi32>], vector<16xf32>, vector<16xi1>
            %gather3A_282 = tpu.vector_load_idx %arg5[%broadcast_in_dim3A_184, %get3A_75] : memref<8x10240xf32, #tpu.memory_space<vmem>>[vector<16xi32>, vector<16xi32>], vector<16xf32>,
            %gt3A_283 = arith.cmpf ogt, %get3A_190, %gather3A_282 : vector<16xf32>
            %reduce_or3A_284 = arith.constant 1.000000e+00 : f32
            %reduce_or3A_285 = arith.constant 0.000000e+00 : f32
            %reduce_or3A_286 = vector.broadcast %reduce_or3A_284 : f32 to vector<16xf32>
            %reduce_or3A_287 = vector.broadcast %reduce_or3A_285 : f32 to vector<16xf32>
            %reduce_or3A_288 = arith.select %gt3A_283, %reduce_or3A_286, %reduce_or3A_287 : vector<16xi1>, vector<16xf32>
            %reduce_or3A_289 = arith.constant true
            %reduce_or3A_290 = vector.broadcast %reduce_or3A_289 : i1 to vector<16xi1>
            %reduce_or3A_291 = tpu.scan <max>, %reduce_or3A_288 masked %reduce_or3A_290 : vector<16xf32>, vector<16xi1> -> vector<16xf32>
            %reduce_or3A_292 = vector.extract %reduce_or3A_291[15] : f32 from vector<16xf32>
            %reduce_or3A_293 = arith.constant 0.000000e+00 : f32
            %reduce_or3A_294 = arith.cmpf ogt, %reduce_or3A_292, %reduce_or3A_293 : f32
            scf.yield %reduce_or3A_294 : i1
          }
          %broadcast_in_dim3A_207 = arith.constant 5 : i32
          %broadcast_in_dim3A_208 = vector.broadcast %broadcast_in_dim3A_207 : i32 to vector<16xi32>
          %mul3A_209 = arith.constant 16 : i32
          %mul3A_210 = arith.muli %scan3A_71, %mul3A_209 : i32
          %get3A_211 = arith.constant 5 : i32
          %get3A_212 = arith.index_cast %get3A_211 : i32 to index
          %get3A_213 = arith.index_cast %mul3A_210 : i32 to index
          %get3A_214 = tpu.vector_load %arg9[%get3A_212, %get3A_213] {strides = array<i32>} : memref<8x640xf32, #tpu.memory_space<vmem>>, vector<16xf32>,
          %gather3A_215 = tpu.vector_load_idx %arg5[%broadcast_in_dim3A_208, %get3A_75] : memref<8x10240xf32, #tpu.memory_space<vmem>>[vector<16xi32>, vector<16xi32>], vector<16xf32>,
          %gt3A_216 = arith.cmpf ogt, %get3A_214, %gather3A_215 : vector<16xf32>
          tpu.vector_store_idx %arg5[%broadcast_in_dim3A_208, %get3A_75], %get3A_214 masked %gt3A_216 : memref<8x10240xf32, #tpu.memory_space<vmem>>[vector<16xi32>, vector<16xi32>], vector<16xf32>, vector<16xi1>
          %gather3A_217 = tpu.vector_load_idx %arg5[%broadcast_in_dim3A_208, %get3A_75] : memref<8x10240xf32, #tpu.memory_space<vmem>>[vector<16xi32>, vector<16xi32>], vector<16xf32>,
          %gt3A_218 = arith.cmpf ogt, %get3A_214, %gather3A_217 : vector<16xf32>
          %reduce_or3A_219 = arith.constant 1.000000e+00 : f32
          %reduce_or3A_220 = arith.constant 0.000000e+00 : f32
          %reduce_or3A_221 = vector.broadcast %reduce_or3A_219 : f32 to vector<16xf32>
          %reduce_or3A_222 = vector.broadcast %reduce_or3A_220 : f32 to vector<16xf32>
          %reduce_or3A_223 = arith.select %gt3A_218, %reduce_or3A_221, %reduce_or3A_222 : vector<16xi1>, vector<16xf32>
          %reduce_or3A_224 = arith.constant true
          %reduce_or3A_225 = vector.broadcast %reduce_or3A_224 : i1 to vector<16xi1>
          %reduce_or3A_226 = tpu.scan <max>, %reduce_or3A_223 masked %reduce_or3A_225 : vector<16xf32>, vector<16xi1> -> vector<16xf32>
          %reduce_or3A_227 = vector.extract %reduce_or3A_226[15] : f32 from vector<16xf32>
          %reduce_or3A_228 = arith.constant 0.000000e+00 : f32
          %reduce_or3A_229 = arith.cmpf ogt, %reduce_or3A_227, %reduce_or3A_228 : f32
          %while3A_230 = scf.while (%while3A_279 = %reduce_or3A_229) : (i1) -> i1 {
            scf.condition(%while3A_279) %while3A_279 : i1
          } do {
          ^bb0(%while3A_279: i1):
            %gather3A_280 = tpu.vector_load_idx %arg5[%broadcast_in_dim3A_208, %get3A_75] : memref<8x10240xf32, #tpu.memory_space<vmem>>[vector<16xi32>, vector<16xi32>], vector<16xf32>,
            %gt3A_281 = arith.cmpf ogt, %get3A_214, %gather3A_280 : vector<16xf32>
            tpu.vector_store_idx %arg5[%broadcast_in_dim3A_208, %get3A_75], %get3A_214 masked %gt3A_281 : memref<8x10240xf32, #tpu.memory_space<vmem>>[vector<16xi32>, vector<16xi32>], vector<16xf32>, vector<16xi1>
            %gather3A_282 = tpu.vector_load_idx %arg5[%broadcast_in_dim3A_208, %get3A_75] : memref<8x10240xf32, #tpu.memory_space<vmem>>[vector<16xi32>, vector<16xi32>], vector<16xf32>,
            %gt3A_283 = arith.cmpf ogt, %get3A_214, %gather3A_282 : vector<16xf32>
            %reduce_or3A_284 = arith.constant 1.000000e+00 : f32
            %reduce_or3A_285 = arith.constant 0.000000e+00 : f32
            %reduce_or3A_286 = vector.broadcast %reduce_or3A_284 : f32 to vector<16xf32>
            %reduce_or3A_287 = vector.broadcast %reduce_or3A_285 : f32 to vector<16xf32>
            %reduce_or3A_288 = arith.select %gt3A_283, %reduce_or3A_286, %reduce_or3A_287 : vector<16xi1>, vector<16xf32>
            %reduce_or3A_289 = arith.constant true
            %reduce_or3A_290 = vector.broadcast %reduce_or3A_289 : i1 to vector<16xi1>
            %reduce_or3A_291 = tpu.scan <max>, %reduce_or3A_288 masked %reduce_or3A_290 : vector<16xf32>, vector<16xi1> -> vector<16xf32>
            %reduce_or3A_292 = vector.extract %reduce_or3A_291[15] : f32 from vector<16xf32>
            %reduce_or3A_293 = arith.constant 0.000000e+00 : f32
            %reduce_or3A_294 = arith.cmpf ogt, %reduce_or3A_292, %reduce_or3A_293 : f32
            scf.yield %reduce_or3A_294 : i1
          }
          %broadcast_in_dim3A_231 = arith.constant 6 : i32
          %broadcast_in_dim3A_232 = vector.broadcast %broadcast_in_dim3A_231 : i32 to vector<16xi32>
          %mul3A_233 = arith.constant 16 : i32
          %mul3A_234 = arith.muli %scan3A_71, %mul3A_233 : i32
          %get3A_235 = arith.constant 6 : i32
          %get3A_236 = arith.index_cast %get3A_235 : i32 to index
          %get3A_237 = arith.index_cast %mul3A_234 : i32 to index
          %get3A_238 = tpu.vector_load %arg9[%get3A_236, %get3A_237] {strides = array<i32>} : memref<8x640xf32, #tpu.memory_space<vmem>>, vector<16xf32>,
          %gather3A_239 = tpu.vector_load_idx %arg5[%broadcast_in_dim3A_232, %get3A_75] : memref<8x10240xf32, #tpu.memory_space<vmem>>[vector<16xi32>, vector<16xi32>], vector<16xf32>,
          %gt3A_240 = arith.cmpf ogt, %get3A_238, %gather3A_239 : vector<16xf32>
          tpu.vector_store_idx %arg5[%broadcast_in_dim3A_232, %get3A_75], %get3A_238 masked %gt3A_240 : memref<8x10240xf32, #tpu.memory_space<vmem>>[vector<16xi32>, vector<16xi32>], vector<16xf32>, vector<16xi1>
          %gather3A_241 = tpu.vector_load_idx %arg5[%broadcast_in_dim3A_232, %get3A_75] : memref<8x10240xf32, #tpu.memory_space<vmem>>[vector<16xi32>, vector<16xi32>], vector<16xf32>,
          %gt3A_242 = arith.cmpf ogt, %get3A_238, %gather3A_241 : vector<16xf32>
          %reduce_or3A_243 = arith.constant 1.000000e+00 : f32
          %reduce_or3A_244 = arith.constant 0.000000e+00 : f32
          %reduce_or3A_245 = vector.broadcast %reduce_or3A_243 : f32 to vector<16xf32>
          %reduce_or3A_246 = vector.broadcast %reduce_or3A_244 : f32 to vector<16xf32>
          %reduce_or3A_247 = arith.select %gt3A_242, %reduce_or3A_245, %reduce_or3A_246 : vector<16xi1>, vector<16xf32>
          %reduce_or3A_248 = arith.constant true
          %reduce_or3A_249 = vector.broadcast %reduce_or3A_248 : i1 to vector<16xi1>
          %reduce_or3A_250 = tpu.scan <max>, %reduce_or3A_247 masked %reduce_or3A_249 : vector<16xf32>, vector<16xi1> -> vector<16xf32>
          %reduce_or3A_251 = vector.extract %reduce_or3A_250[15] : f32 from vector<16xf32>
          %reduce_or3A_252 = arith.constant 0.000000e+00 : f32
          %reduce_or3A_253 = arith.cmpf ogt, %reduce_or3A_251, %reduce_or3A_252 : f32
          %while3A_254 = scf.while (%while3A_279 = %reduce_or3A_253) : (i1) -> i1 {
            scf.condition(%while3A_279) %while3A_279 : i1
          } do {
          ^bb0(%while3A_279: i1):
            %gather3A_280 = tpu.vector_load_idx %arg5[%broadcast_in_dim3A_232, %get3A_75] : memref<8x10240xf32, #tpu.memory_space<vmem>>[vector<16xi32>, vector<16xi32>], vector<16xf32>,
            %gt3A_281 = arith.cmpf ogt, %get3A_238, %gather3A_280 : vector<16xf32>
            tpu.vector_store_idx %arg5[%broadcast_in_dim3A_232, %get3A_75], %get3A_238 masked %gt3A_281 : memref<8x10240xf32, #tpu.memory_space<vmem>>[vector<16xi32>, vector<16xi32>], vector<16xf32>, vector<16xi1>
            %gather3A_282 = tpu.vector_load_idx %arg5[%broadcast_in_dim3A_232, %get3A_75] : memref<8x10240xf32, #tpu.memory_space<vmem>>[vector<16xi32>, vector<16xi32>], vector<16xf32>,
            %gt3A_283 = arith.cmpf ogt, %get3A_238, %gather3A_282 : vector<16xf32>
            %reduce_or3A_284 = arith.constant 1.000000e+00 : f32
            %reduce_or3A_285 = arith.constant 0.000000e+00 : f32
            %reduce_or3A_286 = vector.broadcast %reduce_or3A_284 : f32 to vector<16xf32>
            %reduce_or3A_287 = vector.broadcast %reduce_or3A_285 : f32 to vector<16xf32>
            %reduce_or3A_288 = arith.select %gt3A_283, %reduce_or3A_286, %reduce_or3A_287 : vector<16xi1>, vector<16xf32>
            %reduce_or3A_289 = arith.constant true
            %reduce_or3A_290 = vector.broadcast %reduce_or3A_289 : i1 to vector<16xi1>
            %reduce_or3A_291 = tpu.scan <max>, %reduce_or3A_288 masked %reduce_or3A_290 : vector<16xf32>, vector<16xi1> -> vector<16xf32>
            %reduce_or3A_292 = vector.extract %reduce_or3A_291[15] : f32 from vector<16xf32>
            %reduce_or3A_293 = arith.constant 0.000000e+00 : f32
            %reduce_or3A_294 = arith.cmpf ogt, %reduce_or3A_292, %reduce_or3A_293 : f32
            scf.yield %reduce_or3A_294 : i1
          }
          %broadcast_in_dim3A_255 = arith.constant 7 : i32
          %broadcast_in_dim3A_256 = vector.broadcast %broadcast_in_dim3A_255 : i32 to vector<16xi32>
          %mul3A_257 = arith.constant 16 : i32
          %mul3A_258 = arith.muli %scan3A_71, %mul3A_257 : i32
          %get3A_259 = arith.constant 7 : i32
          %get3A_260 = arith.index_cast %get3A_259 : i32 to index
          %get3A_261 = arith.index_cast %mul3A_258 : i32 to index
          %get3A_262 = tpu.vector_load %arg9[%get3A_260, %get3A_261] {strides = array<i32>} : memref<8x640xf32, #tpu.memory_space<vmem>>, vector<16xf32>,
          %gather3A_263 = tpu.vector_load_idx %arg5[%broadcast_in_dim3A_256, %get3A_75] : memref<8x10240xf32, #tpu.memory_space<vmem>>[vector<16xi32>, vector<16xi32>], vector<16xf32>,
          %gt3A_264 = arith.cmpf ogt, %get3A_262, %gather3A_263 : vector<16xf32>
          tpu.vector_store_idx %arg5[%broadcast_in_dim3A_256, %get3A_75], %get3A_262 masked %gt3A_264 : memref<8x10240xf32, #tpu.memory_space<vmem>>[vector<16xi32>, vector<16xi32>], vector<16xf32>, vector<16xi1>
          %gather3A_265 = tpu.vector_load_idx %arg5[%broadcast_in_dim3A_256, %get3A_75] : memref<8x10240xf32, #tpu.memory_space<vmem>>[vector<16xi32>, vector<16xi32>], vector<16xf32>,
          %gt3A_266 = arith.cmpf ogt, %get3A_262, %gather3A_265 : vector<16xf32>
          %reduce_or3A_267 = arith.constant 1.000000e+00 : f32
          %reduce_or3A_268 = arith.constant 0.000000e+00 : f32
          %reduce_or3A_269 = vector.broadcast %reduce_or3A_267 : f32 to vector<16xf32>
          %reduce_or3A_270 = vector.broadcast %reduce_or3A_268 : f32 to vector<16xf32>
          %reduce_or3A_271 = arith.select %gt3A_266, %reduce_or3A_269, %reduce_or3A_270 : vector<16xi1>, vector<16xf32>
          %reduce_or3A_272 = arith.constant true
          %reduce_or3A_273 = vector.broadcast %reduce_or3A_272 : i1 to vector<16xi1>
          %reduce_or3A_274 = tpu.scan <max>, %reduce_or3A_271 masked %reduce_or3A_273 : vector<16xf32>, vector<16xi1> -> vector<16xf32>
          %reduce_or3A_275 = vector.extract %reduce_or3A_274[15] : f32 from vector<16xf32>
          %reduce_or3A_276 = arith.constant 0.000000e+00 : f32
          %reduce_or3A_277 = arith.cmpf ogt, %reduce_or3A_275, %reduce_or3A_276 : f32
          %while3A_278 = scf.while (%while3A_279 = %reduce_or3A_277) : (i1) -> i1 {
            scf.condition(%while3A_279) %while3A_279 : i1
          } do {
          ^bb0(%while3A_279: i1):
            %gather3A_280 = tpu.vector_load_idx %arg5[%broadcast_in_dim3A_256, %get3A_75] : memref<8x10240xf32, #tpu.memory_space<vmem>>[vector<16xi32>, vector<16xi32>], vector<16xf32>,
            %gt3A_281 = arith.cmpf ogt, %get3A_262, %gather3A_280 : vector<16xf32>
            tpu.vector_store_idx %arg5[%broadcast_in_dim3A_256, %get3A_75], %get3A_262 masked %gt3A_281 : memref<8x10240xf32, #tpu.memory_space<vmem>>[vector<16xi32>, vector<16xi32>], vector<16xf32>, vector<16xi1>
            %gather3A_282 = tpu.vector_load_idx %arg5[%broadcast_in_dim3A_256, %get3A_75] : memref<8x10240xf32, #tpu.memory_space<vmem>>[vector<16xi32>, vector<16xi32>], vector<16xf32>,
            %gt3A_283 = arith.cmpf ogt, %get3A_262, %gather3A_282 : vector<16xf32>
            %reduce_or3A_284 = arith.constant 1.000000e+00 : f32
            %reduce_or3A_285 = arith.constant 0.000000e+00 : f32
            %reduce_or3A_286 = vector.broadcast %reduce_or3A_284 : f32 to vector<16xf32>
            %reduce_or3A_287 = vector.broadcast %reduce_or3A_285 : f32 to vector<16xf32>
            %reduce_or3A_288 = arith.select %gt3A_283, %reduce_or3A_286, %reduce_or3A_287 : vector<16xi1>, vector<16xf32>
            %reduce_or3A_289 = arith.constant true
            %reduce_or3A_290 = vector.broadcast %reduce_or3A_289 : i1 to vector<16xi1>
            %reduce_or3A_291 = tpu.scan <max>, %reduce_or3A_288 masked %reduce_or3A_290 : vector<16xf32>, vector<16xi1> -> vector<16xf32>
            %reduce_or3A_292 = vector.extract %reduce_or3A_291[15] : f32 from vector<16xf32>
            %reduce_or3A_293 = arith.constant 0.000000e+00 : f32
            %reduce_or3A_294 = arith.cmpf ogt, %reduce_or3A_292, %reduce_or3A_293 : f32
            scf.yield %reduce_or3A_294 : i1
          }
        }
        %scan3A_90 = arith.constant 0 : i32
        scf.yield %scan3A_90 : i32
      }
      %scan3A_69 = arith.constant 40 : i32
      %scan3A_70 = arith.constant 0 : i32
      scf.yield %scan3A_70 : i32
    }
    %scan3A_14 = arith.constant 25 : i32
    "tpu.region"() ({
      %run_scoped3A = tpu.sem_alloc : memref<!tpu.dma_semaphore, #tpu.memory_space<semaphore_mem>>
      %dma_start3A = arith.constant 0 : i32
      %dma_start3A_15 = tpu.memref_slice %arg4[%arg0, %mul3A_0, %dma_start3A] : memref<2x128x10240xf32, #tpu.memory_space<hbm>> -> memref<1x8x10240xf32, #tpu.memory_space<hbm>>
      %dma_start3A_16 = tpu.memref_squeeze %dma_start3A_15 : memref<1x8x10240xf32, #tpu.memory_space<hbm>> -> memref<8x10240xf32, #tpu.memory_space<hbm>>
      %dma_start3A_17 = arith.constant 0 : i32
      %dma_start3A_18 = tpu.memref_slice %arg4[%arg0, %mul3A_0, %dma_start3A_17] : memref<2x128x10240xf32, #tpu.memory_space<hbm>> -> memref<1x8x10240xf32, #tpu.memory_space<hbm>>
      %dma_start3A_19 = tpu.memref_squeeze %dma_start3A_18 : memref<1x8x10240xf32, #tpu.memory_space<hbm>> -> memref<8x10240xf32, #tpu.memory_space<hbm>>
      tpu.enqueue_dma source(%arg5 : memref<8x10240xf32, #tpu.memory_space<vmem>>) target(%dma_start3A_19 : memref<8x10240xf32, #tpu.memory_space<hbm>>) target_semaphore(%run_scoped3A : memref<!tpu.dma_semaphore, #tpu.memory_space<semaphore_mem>>)
      %dma_wait3A = arith.constant 0 : i32
      %dma_wait3A_20 = tpu.memref_slice %arg4[%arg0, %mul3A_0, %dma_wait3A] : memref<2x128x10240xf32, #tpu.memory_space<hbm>> -> memref<1x8x10240xf32, #tpu.memory_space<hbm>>
      %dma_wait3A_21 = tpu.memref_squeeze %dma_wait3A_20 : memref<1x8x10240xf32, #tpu.memory_space<hbm>> -> memref<8x10240xf32, #tpu.memory_space<hbm>>
      %dma_wait3A_22 = arith.constant 0 : i32
      %dma_wait3A_23 = tpu.memref_slice %arg4[%arg0, %mul3A_0, %dma_wait3A_22] : memref<2x128x10240xf32, #tpu.memory_space<hbm>> -> memref<1x8x10240xf32, #tpu.memory_space<hbm>>
      %dma_wait3A_24 = tpu.memref_squeeze %dma_wait3A_23 : memref<1x8x10240xf32, #tpu.memory_space<hbm>> -> memref<8x10240xf32, #tpu.memory_space<hbm>>
      tpu.wait_dma2 semaphore(%run_scoped3A : memref<!tpu.dma_semaphore, #tpu.memory_space<semaphore_mem>>) src(%arg5 : memref<8x10240xf32, #tpu.memory_space<vmem>>) dst(%dma_wait3A_24 : memref<8x10240xf32, #tpu.memory_space<hbm>>)
      tpu.yield
    }) : () -> ()
    return
  }
}

module attributes {stable_mosaic.version = 14 : i64} {
  func.func @_prep_body(%arg0: i32, %arg1: memref<10000x128xf32, #tpu.memory_space<vmem>>, %arg2: memref<1x128xf32, #tpu.memory_space<vmem>>, %arg3: memref<1x128xf32, #tpu.memory_space<vmem>>, %arg4: memref<128x64xf32, #tpu.memory_space<vmem>>, %arg5: memref<128x64xf32, #tpu.memory_space<vmem>>, %arg6: memref<1x64xf32, #tpu.memory_space<vmem>>, %arg7: memref<1000x128xf32, #tpu.memory_space<vmem>>, %arg8: memref<1x128xf32, #tpu.memory_space<vmem>>, %arg9: memref<1x128xf32, #tpu.memory_space<vmem>>) attributes {dimension_semantics = [#tpu.dimension_semantics<arbitrary>], iteration_bounds = array<i64: 10>, scalar_prefetch = 0 : i64, scratch_operands = 2 : i64, tpu.core_type = #tpu.core_type<tc>, window_params = [{pipeline_mode = #tpu.pipeline_mode<synchronous>, transform_indices = @transform_0, window_bounds = array<i64: 10000, 128>}, {pipeline_mode = #tpu.pipeline_mode<synchronous>, transform_indices = @transform_1, window_bounds = array<i64: 1, 128>}, {pipeline_mode = #tpu.pipeline_mode<synchronous>, transform_indices = @transform_2, window_bounds = array<i64: 1, 128>}, {pipeline_mode = #tpu.pipeline_mode<synchronous>, transform_indices = @transform_3, window_bounds = array<i64: 128, 64>}, {pipeline_mode = #tpu.pipeline_mode<synchronous>, transform_indices = @transform_4, window_bounds = array<i64: 128, 64>}, {pipeline_mode = #tpu.pipeline_mode<synchronous>, transform_indices = @transform_5, window_bounds = array<i64: 1, 64>}, {transform_indices = @transform_6, window_bounds = array<i64: 1000, 128>}]} {
    %eq3A = arith.constant 0 : i32
    %eq3A_0 = arith.cmpi eq, %arg0, %eq3A : i32
    %convert_element_type3A = arith.extui %eq3A_0 : i1 to i32
    %cond3A = arith.constant 0 : i32
    %cond3A_1 = arith.cmpi ne, %convert_element_type3A, %cond3A : i32
    scf.if %cond3A_1 {
      %get3A_30 = arith.constant 0 : index
      %get3A_31 = arith.constant 0 : index
      %get3A_32 = vector.load %arg1[%get3A_30, %get3A_31] : memref<10000x128xf32, #tpu.memory_space<vmem>>, vector<10000x128xf32>
      %reduce_sum3A = arith.constant dense<0.000000e+00> : vector<128xf32>
      %reduce_sum3A_33 = vector.multi_reduction <add>, %get3A_32, %reduce_sum3A [0] : vector<10000x128xf32> to vector<128xf32>
      %broadcast_in_dim3A = vector.shape_cast %reduce_sum3A_33 : vector<128xf32> to vector<1x128xf32>
      %div3A = arith.constant 1.000000e+04 : f32
      %div3A_34 = vector.broadcast %div3A : f32 to vector<1x128xf32>
      %div3A_35 = arith.divf %broadcast_in_dim3A, %div3A_34 : vector<1x128xf32>
      %sub3A = vector.broadcast %div3A_35 : vector<1x128xf32> to vector<10000x128xf32>
      %sub3A_36 = arith.subf %get3A_32, %sub3A : vector<10000x128xf32>
      %integer_pow3A = arith.mulf %sub3A_36, %sub3A_36 : vector<10000x128xf32>
      %reduce_sum3A_37 = arith.constant dense<0.000000e+00> : vector<128xf32>
      %reduce_sum3A_38 = vector.multi_reduction <add>, %integer_pow3A, %reduce_sum3A_37 [0] : vector<10000x128xf32> to vector<128xf32>
      %broadcast_in_dim3A_39 = vector.shape_cast %reduce_sum3A_38 : vector<128xf32> to vector<1x128xf32>
      %div3A_40 = arith.constant 1.000000e+04 : f32
      %div3A_41 = vector.broadcast %div3A_40 : f32 to vector<1x128xf32>
      %div3A_42 = arith.divf %broadcast_in_dim3A_39, %div3A_41 : vector<1x128xf32>
      %get3A_43 = arith.constant 0 : index
      %get3A_44 = arith.constant 0 : index
      %get3A_45 = vector.load %arg2[%get3A_43, %get3A_44] : memref<1x128xf32, #tpu.memory_space<vmem>>, vector<1x128xf32>
      %add3A_46 = arith.constant 9.99999974E-6 : f32
      %add3A_47 = vector.broadcast %add3A_46 : f32 to vector<1x128xf32>
      %add3A_48 = arith.addf %div3A_42, %add3A_47 : vector<1x128xf32>
      %rsqrt3A = math.rsqrt %add3A_48 : vector<1x128xf32>
      %mul3A_49 = arith.mulf %get3A_45, %rsqrt3A : vector<1x128xf32>
      %swap3A_50 = arith.constant 0 : index
      %swap3A_51 = arith.constant 0 : index
      %swap3A_52 = vector.load %arg8[%swap3A_50, %swap3A_51] : memref<1x128xf32, #tpu.memory_space<vmem>>, vector<1x128xf32>
      tpu.vector_store %arg8[%swap3A_50, %swap3A_51], %mul3A_49 {strides = array<i32>} : memref<1x128xf32, #tpu.memory_space<vmem>>, vector<1x128xf32>,
      %get3A_53 = arith.constant 0 : index
      %get3A_54 = arith.constant 0 : index
      %get3A_55 = vector.load %arg3[%get3A_53, %get3A_54] : memref<1x128xf32, #tpu.memory_space<vmem>>, vector<1x128xf32>
      %mul3A_56 = arith.mulf %div3A_35, %mul3A_49 : vector<1x128xf32>
      %sub3A_57 = arith.subf %get3A_55, %mul3A_56 : vector<1x128xf32>
      %swap3A_58 = arith.constant 0 : index
      %swap3A_59 = arith.constant 0 : index
      %swap3A_60 = vector.load %arg9[%swap3A_58, %swap3A_59] : memref<1x128xf32, #tpu.memory_space<vmem>>, vector<1x128xf32>
      tpu.vector_store %arg9[%swap3A_58, %swap3A_59], %sub3A_57 {strides = array<i32>} : memref<1x128xf32, #tpu.memory_space<vmem>>, vector<1x128xf32>,
    } else {
    }
    %mul3A = arith.constant 1000 : i32
    %mul3A_2 = arith.muli %arg0, %mul3A : i32
    %get3A = arith.index_cast %mul3A_2 : i32 to index
    %get3A_3 = arith.constant 0 : index
    %get3A_4 = vector.load %arg1[%get3A, %get3A_3] : memref<10000x128xf32, #tpu.memory_space<vmem>>, vector<1000x128xf32>
    %get3A_5 = arith.constant 0 : index
    %get3A_6 = arith.constant 0 : index
    %get3A_7 = vector.load %arg8[%get3A_5, %get3A_6] : memref<1x128xf32, #tpu.memory_space<vmem>>, vector<1x128xf32>
    %mul3A_8 = vector.broadcast %get3A_7 : vector<1x128xf32> to vector<1000x128xf32>
    %mul3A_9 = arith.mulf %get3A_4, %mul3A_8 : vector<1000x128xf32>
    %get3A_10 = arith.constant 0 : index
    %get3A_11 = arith.constant 0 : index
    %get3A_12 = vector.load %arg9[%get3A_10, %get3A_11] : memref<1x128xf32, #tpu.memory_space<vmem>>, vector<1x128xf32>
    %add3A = vector.broadcast %get3A_12 : vector<1x128xf32> to vector<1000x128xf32>
    %add3A_13 = arith.addf %mul3A_9, %add3A : vector<1000x128xf32>
    %get3A_14 = arith.constant 0 : index
    %get3A_15 = arith.constant 0 : index
    %get3A_16 = vector.load %arg4[%get3A_14, %get3A_15] : memref<128x64xf32, #tpu.memory_space<vmem>>, vector<128x64xf32>
    %dot_general3A = arith.constant dense<0.000000e+00> : vector<1000x64xf32>
    %dot_general3A_17 = tpu.matmul %add3A_13, %get3A_16, %dot_general3A {dimension_numbers = #tpu.dot_dimension_numbers<[1], [0], [0], [1], [0, 0, 1, 1], [], []>, transpose_lhs_hint = false} : vector<1000x128xf32>, vector<128x64xf32>, vector<1000x64xf32> -> vector<1000x64xf32>
    %get3A_18 = arith.constant 0 : index
    %get3A_19 = arith.constant 0 : index
    %get3A_20 = vector.load %arg6[%get3A_18, %get3A_19] : memref<1x64xf32, #tpu.memory_space<vmem>>, vector<1x64xf32>
    %add3A_21 = vector.broadcast %get3A_20 : vector<1x64xf32> to vector<1000x64xf32>
    %add3A_22 = arith.addf %dot_general3A_17, %add3A_21 : vector<1000x64xf32>
    %get3A_23 = arith.constant 0 : index
    %get3A_24 = arith.constant 0 : index
    %get3A_25 = vector.load %arg5[%get3A_23, %get3A_24] : memref<128x64xf32, #tpu.memory_space<vmem>>, vector<128x64xf32>
    %dot_general3A_26 = arith.constant dense<0.000000e+00> : vector<1000x64xf32>
    %dot_general3A_27 = tpu.matmul %add3A_13, %get3A_25, %dot_general3A_26 {dimension_numbers = #tpu.dot_dimension_numbers<[1], [0], [0], [1], [0, 0, 1, 1], [], []>, transpose_lhs_hint = false} : vector<1000x128xf32>, vector<128x64xf32>, vector<1000x64xf32> -> vector<1000x64xf32>
    %concatenate3A = tpu.concatenate %add3A_22, %dot_general3A_27 in 1 : vector<1000x64xf32>, vector<1000x64xf32> -> vector<1000x128xf32>
    %swap3A = arith.constant 0 : index
    %swap3A_28 = arith.constant 0 : index
    %swap3A_29 = vector.load %arg7[%swap3A, %swap3A_28] : memref<1000x128xf32, #tpu.memory_space<vmem>>, vector<1000x128xf32>
    tpu.vector_store %arg7[%swap3A, %swap3A_28], %concatenate3A {strides = array<i32>} : memref<1000x128xf32, #tpu.memory_space<vmem>>, vector<1000x128xf32>,
    return
  }
  func.func @transform_0(%arg0: i32) -> (i32, i32) {
    %c0_i32 = arith.constant 0 : i32
    %c0_i32_0 = arith.constant 0 : i32
    %c0_i32_1 = arith.constant 0 : i32
    return %c0_i32, %c0_i32_0 : i32, i32
  }
  func.func @transform_1(%arg0: i32) -> (i32, i32) {
    %c0_i32 = arith.constant 0 : i32
    %c0_i32_0 = arith.constant 0 : i32
    %c0_i32_1 = arith.constant 0 : i32
    return %c0_i32, %c0_i32_0 : i32, i32
  }
  func.func @transform_2(%arg0: i32) -> (i32, i32) {
    %c0_i32 = arith.constant 0 : i32
    %c0_i32_0 = arith.constant 0 : i32
    %c0_i32_1 = arith.constant 0 : i32
    return %c0_i32, %c0_i32_0 : i32, i32
  }
  func.func @transform_3(%arg0: i32) -> (i32, i32) {
    %c0_i32 = arith.constant 0 : i32
    %c0_i32_0 = arith.constant 0 : i32
    %c0_i32_1 = arith.constant 0 : i32
    return %c0_i32, %c0_i32_0 : i32, i32
  }
  func.func @transform_4(%arg0: i32) -> (i32, i32) {
    %c0_i32 = arith.constant 0 : i32
    %c0_i32_0 = arith.constant 0 : i32
    %c0_i32_1 = arith.constant 0 : i32
    return %c0_i32, %c0_i32_0 : i32, i32
  }
  func.func @transform_5(%arg0: i32) -> (i32, i32) {
    %c0_i32 = arith.constant 0 : i32
    %c0_i32_0 = arith.constant 0 : i32
    %c0_i32_1 = arith.constant 0 : i32
    return %c0_i32, %c0_i32_0 : i32, i32
  }
  func.func @transform_6(%arg0: i32) -> (i32, i32) {
    %c0_i32 = arith.constant 0 : i32
    %c0_i32_0 = arith.constant 0 : i32
    return %arg0, %c0_i32 : i32, i32
  }
}

module attributes {stable_mosaic.version = 14 : i64} {
  func.func @_msg_body(%arg0: i32, %arg1: memref<1280x128xf32, #tpu.memory_space<vmem>>, %arg2: memref<128x256xf32, #tpu.memory_space<vmem>>, %arg3: memref<2x128x1280xf32, #tpu.memory_space<vmem>>) attributes {dimension_semantics = [#tpu.dimension_semantics<arbitrary>], iteration_bounds = array<i64: 100>, scalar_prefetch = 0 : i64, scratch_operands = 0 : i64, tpu.core_type = #tpu.core_type<tc>, window_params = [{transform_indices = @transform_0, window_bounds = array<i64: 1280, 128>}, {pipeline_mode = #tpu.pipeline_mode<synchronous>, transform_indices = @transform_1, window_bounds = array<i64: 128, 256>}, {transform_indices = @transform_2, window_bounds = array<i64: 2, 128, 1280>}]} {
    %get3A = arith.constant 0 : index
    %get3A_0 = arith.constant 0 : index
    %get3A_1 = vector.load %arg1[%get3A, %get3A_0] : memref<1280x128xf32, #tpu.memory_space<vmem>>, vector<1280x128xf32>
    %get3A_2 = arith.constant 0 : index
    %get3A_3 = arith.constant 0 : index
    %get3A_4 = vector.load %arg2[%get3A_2, %get3A_3] : memref<128x256xf32, #tpu.memory_space<vmem>>, vector<128x256xf32>
    %dot_general3A = arith.constant dense<0.000000e+00> : vector<1280x256xf32>
    %dot_general3A_5 = tpu.matmul %get3A_1, %get3A_4, %dot_general3A {dimension_numbers = #tpu.dot_dimension_numbers<[1], [0], [0], [1], [0, 0, 1, 1], [], []>, transpose_lhs_hint = false} : vector<1280x128xf32>, vector<128x256xf32>, vector<1280x256xf32> -> vector<1280x256xf32>
    %slice3A = vector.extract_strided_slice %dot_general3A_5 {offsets = [0, 0], sizes = [1280, 128], strides = [1, 1]} : vector<1280x256xf32> to vector<1280x128xf32>
    %transpose3A = tpu.transpose %slice3A, [1, 0] : vector<1280x128xf32> -> vector<128x1280xf32>
    %swap3A = arith.constant 0 : index
    %swap3A_6 = arith.constant 0 : index
    %swap3A_7 = arith.constant 0 : index
    %swap3A_8 = vector.load %arg3[%swap3A, %swap3A_6, %swap3A_7] : memref<2x128x1280xf32, #tpu.memory_space<vmem>>, vector<1x128x1280xf32>
    %swap3A_9 = vector.shape_cast %swap3A_8 : vector<1x128x1280xf32> to vector<128x1280xf32>
    %swap3A_10 = vector.shape_cast %transpose3A : vector<128x1280xf32> to vector<1x128x1280xf32>
    tpu.vector_store %arg3[%swap3A, %swap3A_6, %swap3A_7], %swap3A_10 {strides = array<i32>} : memref<2x128x1280xf32, #tpu.memory_space<vmem>>, vector<1x128x1280xf32>,
    %slice3A_11 = vector.extract_strided_slice %dot_general3A_5 {offsets = [0, 128], sizes = [1280, 128], strides = [1, 1]} : vector<1280x256xf32> to vector<1280x128xf32>
    %transpose3A_12 = tpu.transpose %slice3A_11, [1, 0] : vector<1280x128xf32> -> vector<128x1280xf32>
    %swap3A_13 = arith.constant 1 : index
    %swap3A_14 = arith.constant 0 : index
    %swap3A_15 = arith.constant 0 : index
    %swap3A_16 = vector.load %arg3[%swap3A_13, %swap3A_14, %swap3A_15] : memref<2x128x1280xf32, #tpu.memory_space<vmem>>, vector<1x128x1280xf32>
    %swap3A_17 = vector.shape_cast %swap3A_16 : vector<1x128x1280xf32> to vector<128x1280xf32>
    %swap3A_18 = vector.shape_cast %transpose3A_12 : vector<128x1280xf32> to vector<1x128x1280xf32>
    tpu.vector_store %arg3[%swap3A_13, %swap3A_14, %swap3A_15], %swap3A_18 {strides = array<i32>} : memref<2x128x1280xf32, #tpu.memory_space<vmem>>, vector<1x128x1280xf32>,
    return
  }
  func.func @transform_0(%arg0: i32) -> (i32, i32) {
    %c0_i32 = arith.constant 0 : i32
    %c0_i32_0 = arith.constant 0 : i32
    return %arg0, %c0_i32 : i32, i32
  }
  func.func @transform_1(%arg0: i32) -> (i32, i32) {
    %c0_i32 = arith.constant 0 : i32
    %c0_i32_0 = arith.constant 0 : i32
    %c0_i32_1 = arith.constant 0 : i32
    return %c0_i32, %c0_i32_0 : i32, i32
  }
  func.func @transform_2(%arg0: i32) -> (i32, i32, i32) {
    %c0_i32 = arith.constant 0 : i32
    %c0_i32_0 = arith.constant 0 : i32
    %c0_i32_1 = arith.constant 0 : i32
    return %c0_i32, %c0_i32_0, %arg0 : i32, i32, i32
  }
}

module attributes {stable_mosaic.version = 14 : i64} {
  func.func @_msg_body(%arg0: i32, %arg1: memref<1280x128xf32, #tpu.memory_space<vmem>>, %arg2: memref<128x256xf32, #tpu.memory_space<vmem>>, %arg3: memref<2x128x1280xf32, #tpu.memory_space<vmem>>) attributes {dimension_semantics = [#tpu.dimension_semantics<arbitrary>], iteration_bounds = array<i64: 25>, scalar_prefetch = 0 : i64, scratch_operands = 0 : i64, tpu.core_type = #tpu.core_type<tc>, window_params = [{transform_indices = @transform_0, window_bounds = array<i64: 1280, 128>}, {pipeline_mode = #tpu.pipeline_mode<synchronous>, transform_indices = @transform_1, window_bounds = array<i64: 128, 256>}, {transform_indices = @transform_2, window_bounds = array<i64: 2, 128, 1280>}]} {
    %get3A = arith.constant 0 : index
    %get3A_0 = arith.constant 0 : index
    %get3A_1 = vector.load %arg1[%get3A, %get3A_0] : memref<1280x128xf32, #tpu.memory_space<vmem>>, vector<1280x128xf32>
    %get3A_2 = arith.constant 0 : index
    %get3A_3 = arith.constant 0 : index
    %get3A_4 = vector.load %arg2[%get3A_2, %get3A_3] : memref<128x256xf32, #tpu.memory_space<vmem>>, vector<128x256xf32>
    %dot_general3A = arith.constant dense<0.000000e+00> : vector<1280x256xf32>
    %dot_general3A_5 = tpu.matmul %get3A_1, %get3A_4, %dot_general3A {dimension_numbers = #tpu.dot_dimension_numbers<[1], [0], [0], [1], [0, 0, 1, 1], [], []>, transpose_lhs_hint = false} : vector<1280x128xf32>, vector<128x256xf32>, vector<1280x256xf32> -> vector<1280x256xf32>
    %slice3A = vector.extract_strided_slice %dot_general3A_5 {offsets = [0, 0], sizes = [1280, 128], strides = [1, 1]} : vector<1280x256xf32> to vector<1280x128xf32>
    %transpose3A = tpu.transpose %slice3A, [1, 0] : vector<1280x128xf32> -> vector<128x1280xf32>
    %swap3A = arith.constant 0 : index
    %swap3A_6 = arith.constant 0 : index
    %swap3A_7 = arith.constant 0 : index
    %swap3A_8 = vector.load %arg3[%swap3A, %swap3A_6, %swap3A_7] : memref<2x128x1280xf32, #tpu.memory_space<vmem>>, vector<1x128x1280xf32>
    %swap3A_9 = vector.shape_cast %swap3A_8 : vector<1x128x1280xf32> to vector<128x1280xf32>
    %swap3A_10 = vector.shape_cast %transpose3A : vector<128x1280xf32> to vector<1x128x1280xf32>
    tpu.vector_store %arg3[%swap3A, %swap3A_6, %swap3A_7], %swap3A_10 {strides = array<i32>} : memref<2x128x1280xf32, #tpu.memory_space<vmem>>, vector<1x128x1280xf32>,
    %slice3A_11 = vector.extract_strided_slice %dot_general3A_5 {offsets = [0, 128], sizes = [1280, 128], strides = [1, 1]} : vector<1280x256xf32> to vector<1280x128xf32>
    %transpose3A_12 = tpu.transpose %slice3A_11, [1, 0] : vector<1280x128xf32> -> vector<128x1280xf32>
    %swap3A_13 = arith.constant 1 : index
    %swap3A_14 = arith.constant 0 : index
    %swap3A_15 = arith.constant 0 : index
    %swap3A_16 = vector.load %arg3[%swap3A_13, %swap3A_14, %swap3A_15] : memref<2x128x1280xf32, #tpu.memory_space<vmem>>, vector<1x128x1280xf32>
    %swap3A_17 = vector.shape_cast %swap3A_16 : vector<1x128x1280xf32> to vector<128x1280xf32>
    %swap3A_18 = vector.shape_cast %transpose3A_12 : vector<128x1280xf32> to vector<1x128x1280xf32>
    tpu.vector_store %arg3[%swap3A_13, %swap3A_14, %swap3A_15], %swap3A_18 {strides = array<i32>} : memref<2x128x1280xf32, #tpu.memory_space<vmem>>, vector<1x128x1280xf32>,
    return
  }
  func.func @transform_0(%arg0: i32) -> (i32, i32) {
    %c0_i32 = arith.constant 0 : i32
    %c0_i32_0 = arith.constant 0 : i32
    return %arg0, %c0_i32 : i32, i32
  }
  func.func @transform_1(%arg0: i32) -> (i32, i32) {
    %c0_i32 = arith.constant 0 : i32
    %c0_i32_0 = arith.constant 0 : i32
    %c0_i32_1 = arith.constant 0 : i32
    return %c0_i32, %c0_i32_0 : i32, i32
  }
  func.func @transform_2(%arg0: i32) -> (i32, i32, i32) {
    %c0_i32 = arith.constant 0 : i32
    %c0_i32_0 = arith.constant 0 : i32
    %c0_i32_1 = arith.constant 0 : i32
    return %c0_i32, %c0_i32_0, %arg0 : i32, i32, i32
  }
}

module attributes {stable_mosaic.version = 14 : i64} {
  func.func @_finish_body(%arg0: memref<2x128x10240xf32, #tpu.memory_space<vmem>>, %arg1: memref<2x128x10240xf32, #tpu.memory_space<vmem>>, %arg2: memref<1x128xf32, #tpu.memory_space<vmem>>, %arg3: memref<10000x128xf32, #tpu.memory_space<vmem>>) attributes {dimension_semantics = [], scalar_prefetch = 0 : i64, scratch_operands = 0 : i64, tpu.core_type = #tpu.core_type<tc>} {
    %get3A = arith.constant 0 : index
    %get3A_0 = arith.constant 0 : index
    %get3A_1 = arith.constant 0 : index
    %get3A_2 = vector.load %arg0[%get3A, %get3A_0, %get3A_1] : memref<2x128x10240xf32, #tpu.memory_space<vmem>>, vector<1x128x10240xf32>
    %get3A_3 = vector.shape_cast %get3A_2 : vector<1x128x10240xf32> to vector<128x10240xf32>
    %get3A_4 = arith.constant 1 : index
    %get3A_5 = arith.constant 0 : index
    %get3A_6 = arith.constant 0 : index
    %get3A_7 = vector.load %arg0[%get3A_4, %get3A_5, %get3A_6] : memref<2x128x10240xf32, #tpu.memory_space<vmem>>, vector<1x128x10240xf32>
    %get3A_8 = vector.shape_cast %get3A_7 : vector<1x128x10240xf32> to vector<128x10240xf32>
    %max3A = arith.maximumf %get3A_3, %get3A_8 : vector<128x10240xf32>
    %get3A_9 = arith.constant 0 : index
    %get3A_10 = arith.constant 0 : index
    %get3A_11 = arith.constant 0 : index
    %get3A_12 = vector.load %arg1[%get3A_9, %get3A_10, %get3A_11] : memref<2x128x10240xf32, #tpu.memory_space<vmem>>, vector<1x128x10240xf32>
    %get3A_13 = vector.shape_cast %get3A_12 : vector<1x128x10240xf32> to vector<128x10240xf32>
    %get3A_14 = arith.constant 1 : index
    %get3A_15 = arith.constant 0 : index
    %get3A_16 = arith.constant 0 : index
    %get3A_17 = vector.load %arg1[%get3A_14, %get3A_15, %get3A_16] : memref<2x128x10240xf32, #tpu.memory_space<vmem>>, vector<1x128x10240xf32>
    %get3A_18 = vector.shape_cast %get3A_17 : vector<1x128x10240xf32> to vector<128x10240xf32>
    %max3A_19 = arith.maximumf %get3A_13, %get3A_18 : vector<128x10240xf32>
    %max3A_20 = arith.maximumf %max3A, %max3A_19 : vector<128x10240xf32>
    %transpose3A = tpu.transpose %max3A_20, [1, 0] : vector<128x10240xf32> -> vector<10240x128xf32>
    %slice3A = vector.extract_strided_slice %transpose3A {offsets = [0, 0], sizes = [10000, 128], strides = [1, 1]} : vector<10240x128xf32> to vector<10000x128xf32>
    %get3A_21 = arith.constant 0 : index
    %get3A_22 = arith.constant 0 : index
    %get3A_23 = vector.load %arg2[%get3A_21, %get3A_22] : memref<1x128xf32, #tpu.memory_space<vmem>>, vector<1x128xf32>
    %add3A = vector.broadcast %get3A_23 : vector<1x128xf32> to vector<10000x128xf32>
    %add3A_24 = arith.addf %slice3A, %add3A : vector<10000x128xf32>
    %max3A_25 = arith.constant 0.000000e+00 : f32
    %max3A_26 = vector.broadcast %max3A_25 : f32 to vector<10000x128xf32>
    %max3A_27 = arith.maximumf %add3A_24, %max3A_26 : vector<10000x128xf32>
    %swap3A = arith.constant 0 : index
    %swap3A_28 = arith.constant 0 : index
    %swap3A_29 = vector.load %arg3[%swap3A, %swap3A_28] : memref<10000x128xf32, #tpu.memory_space<vmem>>, vector<10000x128xf32>
    tpu.vector_store %arg3[%swap3A, %swap3A_28], %max3A_27 {strides = array<i32>} : memref<10000x128xf32, #tpu.memory_space<vmem>>, vector<10000x128xf32>,
    return
  }
}

</mosaic_0001>

<sc_bundles>
// kernel: kernel.10.cloned.1.call-start
scs
__scs_entry_jumppad:
0x0: {  	(pc) =	sbr.rel $0x88, $3  }
0x1: {  	(tag) =	ssettag $0x0;
	lr =	simm.s32 $0x1  }
0x2: {  	[smem:$0x3F99] =	sst lr;
	_ =	strace $0xD0000000  }
0x3: {  	_ = 	snop  }
0x4: {  	_ = 	snop  }
0x5: {  	_ = 	snop  }
0x6: {  	_ = 	snop  }
0x7: {  	_ = 	snop  }
__scs_overlays_trampoline_lowered:
0x8: {  	[smem:$0x3FA8] =	sst s0  }
0x9: {  	[smem:$0x3FA9] =	sst s1  }
0xa: {  	[smem:$0x3FAA] =	sst s2  }
0xb: {  	[smem:$0x3FAB] =	sst s3  }
0xc: {  	[smem:$0x3FAC] =	sst s4  }
0xd: {  	[smem:$0x3FAD] =	sst s5  }
0xe: {  	[smem:$0x3FAE] =	sst s6  }
0xf: {  	[smem:$0x3FAF] =	sst s7  }
0x10: {  	[smem:$0x3FB0] =	sst s8  }
0x11: {  	[smem:$0x3FB1] =	sst s9;
	s0 =	simm.s32 @!p0 $0x0  }
0x12: {  	s1 =	sld [smem:$0x3F97];
	s0 =	simm.s32 @p0 $0x1  }
0x13: {  	[smem:$0x3FB2] =	sst s0;
	s0 =	simm.s32 @!p1 $0x0  }
0x14: {  	s2 =	sld [smem:$0x3F96];
	s0 =	simm.s32 @p1 $0x1  }
0x15: {  	[smem:$0x3FB3] =	sst s0;
	s0 =	simm.s32 @!p2 $0x0  }
0x16: {  	s3 =	sld [smem:$0x3FDB];
	s0 =	simm.s32 @p2 $0x1  }
0x17: {  	s4 =	simm.s32 $0x1BF5;
	[smem:$0x3FB5] =	sst s0  }
0x18: {  	s0 =	sld [smem:$0x3F98];
	_ =	swait.ge [sflag:s4], $0x0  }
0x19: {  	s7 =	sld [smem:$0x3F99]  }
0x1a: {  	s8 =	sadd.s32 $0xFFFFE003, lr  }
0x1b: {  	s9 =	sadd.s32 $0xFFFFFEF7, lr;
	s5 =	simm.s32 $0xFFFFFFFF;
	p2 =	slt.u32 s8, $0xFFFFF086  }
0x1c: {  	p1 =	slt.u32 s9, $0xF7A;
	s5 =	simm.s32 @!p2 $0x0  }
0x1d: {  	s5 =	simm.s32 @p1 $0x1;
	p0 =	seq.s32 s7, s2  }
0x1e: {  	s7 =	smul.u32 @!p0 $0xF7A, s2;
	p2 =	seq.s32 @!p0 s5, $0x0  }
0x1f: {  	s9 =	smul.u32 $0xF7A, s1;
	s8 =	simm.s32 @!p0 $0x1BF5;
	p2 =	por !p2, p0  }
0x20: {  	[sflag:s8] =	ssyncset.s32 @!p0 $0xFFFFF086;
	s6 =	sadd.s32 @!p0 s3, s7;
	s7 =	simm.s32 @!p0 $0x108  }
0x21: {  	s3 =	sadd.s32 s3, s9;
	s6 =	sadd.s32 @!p0 $0x88, s6;
	s7 =	simm.s32 @p2 $0x1082  }
0x22: {  	[simem:s7], [sflag:s8] =	dma.local @!p0 [hbm:s6], $0xF7A  }
0x23: {  	s9 =	sor.u32 $0xD0000000, s2;
	s6 =	simm.s32 $0x108;
	_ =	swait.ge @!p0 [sflag:s8], $0x0  }
0x24: {  	s3 =	sadd.s32 $0x88, s3;
	s6 =	simm.s32 @!p1 $0x1082;
	[sflag:s4] =	ssyncset.s32 $0xFFFFF086  }
0x25: {  	[simem:s6], [sflag:s4] =	dma.local [hbm:s3], $0xF7A  }
0x26: {  	[smem:$0x3F99] =	sst s1;
	(tag) =	ssettag s2;
	_ =	strace s9  }
0x27: {  	s1 =	sld [smem:$0x3FA9]  }
0x28: {  	s2 =	sld [smem:$0x3FAA]  }
0x29: {  	s4 =	sld [smem:$0x3FAC]  }
0x2a: {  	p0 =	seq.s32 s5, $0x0;
	s5 =	sld [smem:$0x3FAD]  }
0x2b: {  	s6 =	sld [smem:$0x3FAE]  }
0x2c: {  	s7 =	sld [smem:$0x3FAF]  }
0x2d: {  	s3 =	simm.s32 $0x108;
	s8 =	sld [smem:$0x3FB0]  }
0x2e: {  	s3 =	simm.s32 @!p0 $0x1082;
	s9 =	sld [smem:$0x3FB1]  }
0x2f: {  	lr =	sadd.s32 s0, s3;
	s0 =	sld [smem:$0x3FA8]  }
0x30: {  	s3 =	sld [smem:$0x3FAB]  }
0x31: {  	[smem:$0x3FB4] =	sst s10  }
0x32: {  	s10 =	sld [smem:$0x3FB2];
	_ =	sdelay $0x3  }
0x33: {  	p0 =	seq.s32 s10, $0x1;
	s10 =	sld [smem:$0x3FB4];
	_ =	sdelay $0x3  }
0x34: {  	[smem:$0x3FB4] =	sst s10  }
0x35: {  	s10 =	sld [smem:$0x3FB3];
	_ =	sdelay $0x3  }
0x36: {  	p1 =	seq.s32 s10, $0x1;
	s10 =	sld [smem:$0x3FB4];
	_ =	sdelay $0x3  }
0x37: {  	[smem:$0x3FB4] =	sst s10  }
0x38: {  	s10 =	sld [smem:$0x3FB5]  }
0x39: {  	_ = 	snop;
	(pc) =	sbr.ind lr, $3  }
0x3a: {  	_ = 	snop  }
0x3b: {  	_ = 	snop  }
0x3c: {  	p2 =	seq.s32 s10, $0x1;
	s10 =	sld [smem:$0x3FB4]  }
0x3d: {  	_ =	shalt  }
0x3e: {  	_ =	shalt  }
0x3f: {  	_ =	shalt  }
0x40: {  	_ =	shalt  }
0x41: {  	_ =	shalt  }
0x42: {  	_ =	shalt  }
0x43: {  	_ =	shalt  }
0x44: {  	_ =	shalt  }
0x45: {  	_ =	shalt  }
0x46: {  	_ =	shalt  }
0x47: {  	_ =	shalt  }
0x48: {  	_ =	shalt  }
0x49: {  	_ =	shalt  }
0x4a: {  	_ =	shalt  }
0x4b: {  	_ =	shalt  }
0x4c: {  	_ =	shalt  }
0x4d: {  	_ =	shalt  }
0x4e: {  	_ =	shalt  }
0x4f: {  	_ =	shalt  }
0x50: {  	_ =	shalt  }
0x51: {  	_ =	shalt  }
0x52: {  	_ =	shalt  }
0x53: {  	_ =	shalt  }
0x54: {  	_ =	shalt  }
0x55: {  	_ =	shalt  }
0x56: {  	_ =	shalt  }
0x57: {  	_ =	shalt  }
0x58: {  	_ =	shalt  }
0x59: {  	_ =	shalt  }
0x5a: {  	_ =	shalt  }
0x5b: {  	_ =	shalt  }
0x5c: {  	_ =	shalt  }
0x5d: {  	_ =	shalt  }
0x5e: {  	_ =	shalt  }
0x5f: {  	_ =	shalt  }
0x60: {  	_ =	shalt  }
0x61: {  	_ =	shalt  }
0x62: {  	_ =	shalt  }
0x63: {  	_ =	shalt  }
0x64: {  	_ =	shalt  }
0x65: {  	_ =	shalt  }
0x66: {  	_ =	shalt  }
0x67: {  	_ =	shalt  }
0x68: {  	_ =	shalt  }
0x69: {  	_ =	shalt  }
0x6a: {  	_ =	shalt  }
0x6b: {  	_ =	shalt  }
0x6c: {  	_ =	shalt  }
0x6d: {  	_ =	shalt  }
0x6e: {  	_ =	shalt  }
0x6f: {  	_ =	shalt  }
0x70: {  	_ =	shalt  }
0x71: {  	_ =	shalt  }
0x72: {  	_ =	shalt  }
0x73: {  	_ =	shalt  }
0x74: {  	_ =	shalt  }
0x75: {  	_ =	shalt  }
0x76: {  	_ =	shalt  }
0x77: {  	_ =	shalt  }
0x78: {  	_ =	shalt  }
0x79: {  	_ =	shalt  }
0x7a: {  	_ =	shalt  }
0x7b: {  	_ =	shalt  }
0x7c: {  	_ =	shalt  }
0x7d: {  	_ =	shalt  }
0x7e: {  	_ =	shalt  }
0x7f: {  	_ =	shalt  }
0x80: {  	_ =	shalt  }
0x81: {  	_ =	shalt  }
0x82: {  	_ =	shalt  }
0x83: {  	_ =	shalt  }
0x84: {  	_ =	shalt  }
0x85: {  	_ =	shalt  }
0x86: {  	_ =	shalt  }
0x87: {  	_ =	shalt  }
.Lfunc_end0:
.L_simem_size_0:
called_computation_lowered:
.L_overlay_start_0:
0x88: {  	s2 =	sld [smem:$0x3FD9]  }
0x89: {  	s3 =	sld [smem:$0x3FFE];
	_ =	sdelay $0x1  }
0x8a: {  	s1 =	srdreg.scid  }
0x8b: {  	s0 =	sand.u32 $0x1, s1  }
0x8c: {  	s17 =	sshll.u32 s0, $0xA;
	s2 =	sadd.s32 s3, s2  }
0x8d: {  	s2 =	sadd.s32 s2, s17  }
0x8e: {  	[smem:$0x3FC0] =	sst s2  }
0x8f: {  	_ = 	snop  }
0x90: {  	s2 =	sld [smem:$0x3FD0];
	(tm) =	ssettm $0x1  }
0x91: {  	s18 =	sld [smem:$0x3FFB];
	_ =	sdelay $0x3  }
0x92: {  	_ =	strace s18  }
0x93: {  	s3 =	sld [smem:$0x3FFC];
	_ =	sdelay $0x3  }
0x94: {  	_ =	strace s3  }
0x95: {  	s3 =	sld [smem:$0x3FFD];
	_ =	sdelay $0x3  }
0x96: {  	_ =	strace s3  }
0x97: {  	_ =	strace $0x8FFFFFFF  }
0x98: {  	s19 =	sld [smem:$0x3FDB];
	_ =	sdelay $0x1  }
0x99: {  	s4 =	simm.s32 $_scs_section_size  }
0x9a: {  	s5 =	simm.s32 $_size__tile_overlayer_lowered;
	s6 =	simm.s32 $_tile_overlayer_lowered  }
0x9b: {  	s22 =	simm.s32 $0x1BFF;
	s21 =	sshll.u32 s6, $0x1;
	s3 =	sadd.s32 s4, s19  }
0x9c: {  	s7 =	simm.s32 $0x0;
	s20 =	sshll.u32 s5, $0x1;
	s5 =	sadd.s32 s21, s3  }
0x9d: {  	[timem:s7], [sflag:s22] =	dma.local [hbm:s5], s20  }
0x9e: {  	_ =	swait.ge [sflag:s22], s20  }
0x9f: {  	s4 =	ssub.s32 $0x0, s20;
	[sflag:s22] =	ssyncset.done $0x0  }
0xa0: {  	[sflag:s22] =	ssyncadd.s32 s4;
	_ =	sdelay $0x1  }
0xa1: {  	s23 =	simm.s32 $0x1B8B  }
0xa2: {  	_ =	swait.ge [sflag:s23], $0x1  }
0xa3: {  	[sflag:s23] =	ssyncset.done $0x0  }
0xa4: {  	s25 =	simm.s32 $0x1B8E;
	s24 =	sld [smem:$0x3FFE];
	[sflag:s23] =	ssyncadd.s32 $0xFFFFFFFF  }
0xa5: {  	s26 =	simm.s32 $execute0_lowered;
	[smem:$0x3FD2] =	sst s25  }
0xa6: {  	s5 =	sshll.u32 s26, $0x1;
	_ =	strace $0x80000046;
	[dreg:$0x1] =	wrdreg $0xFFFFFFFF  }
0xa7: {  	s28 =	simm.s32 $_size_execute0_lowered;
	s3 =	sadd.s32 s3, s5;
	[dreg:$0x0] =	wrdreg $0x0  }
0xa8: {  	s5 =	sshll.u32 s28, $0x1;
	[dreg:$0x2] =	wrdreg s3  }
0xa9: {  	[dreg:$0x3] =	wrdreg s5  }
0xaa: {  	[dreg:$0x4] =	wrdreg $0xC0  }
0xab: {  	_ =	task [dreg:s7], $0x5FFFF  }
0xac: {  	[dreg:$0x1] =	wrdreg $0xFFFFFFFF  }
0xad: {  	[dreg:$0x0] =	wrdreg $0x60  }
0xae: {  	[dreg:$0x2] =	wrdreg s2  }
0xaf: {  	[dreg:$0x3] =	wrdreg s24  }
0xb0: {  	[dreg:$0x4] =	wrdreg $0xA  }
0xb1: {  	_ =	task.clear_ibuf [dreg:s7], $0x5FFFF;
	_ =	strace $0x90000046  }
0xb2: {  	s29 =	simm.s32 $0xA;
	_ =	strace $0x80000048  }
0xb3: {  	_ =	swait.ge [sflag:s29], $0x1  }
0xb4: {  	[sflag:s29] =	ssyncadd.s32 $0xFFFFFFFF  }
0xb5: {  	_ =	strace $0x90000048  }
0xb6: {  	_ =	sfence  }
0xb7: {  	s30 =	sld [smem:$0x0];
	_ =	sdelay $0x2  }
0xb8: {  	s31 =	sshll.u32 s1, $0xD;
	s1 =	sshrl.u32 s1, $0x2  }
0xb9: {  	s3 =	sand.u32 $0x4000, s31;
	s1 =	sadd.s32 s1, s30  }
0xba: {  	s0 =	sor.u32 s3, s0;
	s1 =	sshll.u32 s1, $0x11  }
0xbb: {  	s0 =	sor.u32 s1, s0  }
0xbc: {  	s0 =	sadd.s32 $0x8F2B, s0  }
0xbd: {  	[sflag:s0] =	ssyncadd.remote.s32 $0x1  }
0xbe: {  	_ =	sfence.sel $0xFFFF  }
0xbf: {  	[dreg:$0x0] =	wrdreg $0xFFFFFFFF;
	(pc) =	sbr.abs _section_cstart, $3  }
0xc0: {  	[dreg:$0x1] =	wrdreg $0xFFFFFFFF  }
0xc1: {  	_ =	task.clear_ibuf [dreg:s7], $0x2FFFF;
	_ =	strace $0x9FFFFFFF  }
0xc2: {  	(tm) =	ssettm $0x7FFFFFFF  }
0xc3: {  	_ =	shalt  }
tec
execute0_lowered:
.L_overlay_start_1:
0x0: {  	(tag) =	ssettag $0x1  }
0x1: {  	s1 =	rddreg [dreg:$0x0]  }
0x2: {  	s6 =	rddreg [dreg:$0x1]  }
0x3: {  	s0 =	rddreg [dreg:$0x2];
	s2 =	simm.s32 $0x0;
	s3 =	srdreg.scid  }
0x4: {  	s11 =	simm.s32 $0x300;
	s12 =	simm.s32 $0x1;
	s13 =	simm.s32 $0xC8  }
0x5: {  	s14 =	simm.s32 $0x400;
	s15 =	simm.s32 $0x6800;
	s16 =	simm.s32 $0xCC00  }
0x6: {  	s17 =	simm.s32 $0x13000;
	s18 =	simm.s32 $0x2;
	s19 =	simm.s32 $0x3  }
0x7: {  	s20 =	simm.s32 $0x4;
	s21 =	simm.s32 $0x0;
	[smem:$0x7FF] =	sst s2  }
0x8: {  	s7 =	sand.u32 $0x1, s3;
	s4 =	sadd.s32 $0xA000, s6;
	s3 =	stileid.u32  }
0x9: {  	s5 =	sadd.s32 $0x2200, s6;
	s6 =	sadd.s32 $0x11E00, s6;
	s8 =	ssub.s32 $0x2, s7  }
0xa: {  	_ =	strace $0x80000047;
	s10 =	sshll.u32 s3, $0x1;
	s9 =	sshrl.u32 s8, $0x1  }
0xb: {  	s7 =	sor.u32 s7, s10;
	s10 =	simm.s32 $0x200;
	s8 =	ssub.s32 s8, s9  }
0xc: {  	s7 =	smul.u32 $0xFA0, s7;
	s9 =	simm.s32 $0x100;
	s8 =	smax.u32 s8, $0x1  }
.LBB2_1:
0xd: {  	s22 =	simm.s32 $0x0  }
.LBB2_2:
0xe: {  	s23 =	smul.u32 $0xC8, s22;
	_ =	sdelay $0x1  }
0xf: {  	s23 =	sadd.s32 s7, s23  }
0x10: {  	s24 =	sshrl.u32 s23, $0x3  }
0x11: {  	s26 =	simm.s32 $0x0;
	s25 =	sadd.s32 s4, s24  }
0x12: {  	[tilespmem:s26], [sflag:$0x1] =	stream.linear.gather [hbm4b:s25+s26], $0xC8, $0x38;
	[tilespmem:$0x19400] =	vst v63  }
0x13: {  	s30 =	sadd.s32 s5, s24;
	s24 =	sadd.s32 $0x3E80, s24  }
0x14: {  	[tilespmem:s9], [sflag:$0x1] =	stream.linear.gather [hbm4b:s30+s26], $0xC8, $0x38;
	[tilespmem:$0x19400] =	vst v63  }
0x15: {  	s31 =	sadd.s32 s4, s24  }
0x16: {  	[tilespmem:s10], [sflag:$0x1] =	stream.linear.gather [hbm4b:s31+s26], $0xC8, $0x38;
	[tilespmem:$0x19400] =	vst v63  }
0x17: {  	s24 =	sadd.s32 s5, s24  }
0x18: {  	[tilespmem:s11], [sflag:$0x1] =	stream.linear.gather [hbm4b:s24+s26], $0xC8, $0x38;
	[tilespmem:$0x19400] =	vst v63  }
0x19: {  	_ =	swait.ge [sflag:s12], $0xC8  }
0x1a: {  	[sflag:s12] =	ssyncset.done $0x0  }
0x1b: {  	[sflag:s12] =	ssyncadd.s32 $0xFFFFFF38  }
0x1c: {  	_ =	swait.ge [sflag:s12], $0xC8  }
0x1d: {  	[sflag:s12] =	ssyncset.done $0x0  }
0x1e: {  	[sflag:s12] =	ssyncadd.s32 $0xFFFFFF38  }
0x1f: {  	_ =	swait.ge [sflag:s12], $0xC8  }
0x20: {  	[sflag:s12] =	ssyncset.done $0x0  }
0x21: {  	[sflag:s12] =	ssyncadd.s32 $0xFFFFFF38  }
0x22: {  	_ =	swait.ge [sflag:s12], $0xC8  }
0x23: {  	[sflag:s12] =	ssyncset.done $0x0  }
0x24: {  	[sflag:s12] =	ssyncadd.s32 $0xFFFFFF38  }
0x25: {  	[tilespmem:s14], [sflag:$0x2] =	stream.indirect.gather [hbm4b:s1+s13], $0x80, s26, s13, $0xb8;
	[tilespmem:$0x19400] =	vst v63  }
0x26: {  	_ = 	snop  }
0x27: {  	[tilespmem:s15], [sflag:$0x2] =	stream.indirect.gather [hbm4b:s1+s13], $0x80, s9, s13, $0xb8;
	[tilespmem:$0x19400] =	vst v63  }
0x28: {  	_ = 	snop  }
0x29: {  	[tilespmem:s16], [sflag:$0x3] =	stream.indirect.gather [hbm4b:s1+s13], $0x80, s10, s13, $0xb8;
	[tilespmem:$0x19400] =	vst v63  }
0x2a: {  	_ = 	snop  }
0x2b: {  	[tilespmem:s17], [sflag:$0x3] =	stream.indirect.gather [hbm4b:s1+s13], $0x80, s11, s13, $0xb8;
	[tilespmem:$0x19400] =	vst v63  }
0x2c: {  	_ =	swait.ge [sflag:s18], $0x6400  }
0x2d: {  	[sflag:s18] =	ssyncset.done $0x0  }
0x2e: {  	[sflag:s18] =	ssyncadd.s32 $0xFFFF9C00  }
0x2f: {  	_ =	swait.ge [sflag:s18], $0x6400  }
0x30: {  	[sflag:s18] =	ssyncset.done $0x0  }
0x31: {  	s24 =	simm.s32 $0x0;
	[sflag:s18] =	ssyncadd.s32 $0xFFFF9C00  }
0x32: {  	v2 =	vld [tilespmem:s24+$0x6840]  }
0x33: {  	v3 =	vld [tilespmem:s24+$0x6850]  }
0x34: {  	v1 =	vld [tilespmem:s24+$0x6860]  }
0x35: {  	v0 =	vld [tilespmem:s24+$0x6870]  }
0x36: {  	v4 =	vld [tilespmem:s24+$0x400]  }
0x37: {  	v6 =	vld [tilespmem:s24+$0x410]  }
0x38: {  	s25 =	simm.s32 $0x200;
	v5 =	vld [tilespmem:s24+$0x420]  }
.LBB2_3:
0x39: {  	p0 =	sne.s32 s25, $0x18E00;
	v7 =	vld [tilespmem:s24+$0x430]  }
0x3a: {  	s26 =	sshra.s32 s25, $0x2  }
0x3b: {  	v4 =	vadd.f32 v2, v4;
	v2 =	vld [tilespmem:s26+$0x6840]  }
0x3c: {  	v6 =	vadd.f32 v3, v6;
	v3 =	vld [tilespmem:s26+$0x6850]  }
.Ltmp0:
0x3d: {  	v4 =	vmax.f32 v4, $0.0e+00;
	v5 =	vadd.f32 v1, v5;
	v1 =	vld [tilespmem:s26+$0x6860];
	(pc) =	sbr.rel @p0 .LBB2_3-.Ltmp0, $4  }
0x3e: {  	[tilespmem:s24+$0x400] =	vst v4;
	v6 =	vmax.f32 v6, $0.0e+00;
	v7 =	vadd.f32 v0, v7;
	v0 =	vld [tilespmem:s26+$0x6870]  }
0x3f: {  	v4 =	vld [tilespmem:s26+$0x400];
	[tilespmem:s24+$0x410] =	vst v6;
	v5 =	vmax.f32 v5, $0.0e+00  }
0x40: {  	v6 =	vld [tilespmem:s26+$0x410];
	[tilespmem:s24+$0x420] =	vst v5;
	v7 =	vmax.f32 v7, $0.0e+00  }
0x41: {  	s25 =	sadd.s32 $0x200, s25;
	v5 =	vld [tilespmem:s26+$0x420];
	[tilespmem:s24+$0x430] =	vst v7;
	s24 =	smov.u32 s26  }
0x42: {  	v7 =	vld [tilespmem:s24+$0x430];
	_ =	sdelay $0x1  }
0x43: {  	v2 =	vadd.f32 v2, v4  }
0x44: {  	v3 =	vadd.f32 v3, v6  }
0x45: {  	v2 =	vmax.f32 v2, $0.0e+00;
	v1 =	vadd.f32 v1, v5  }
0x46: {  	[tilespmem:s24+$0x400] =	vst v2;
	v2 =	vmax.f32 v3, $0.0e+00;
	v0 =	vadd.f32 v0, v7  }
0x47: {  	[tilespmem:s24+$0x410] =	vst v2;
	v1 =	vmax.f32 v1, $0.0e+00  }
0x48: {  	[tilespmem:s24+$0x420] =	vst v1;
	v0 =	vmax.f32 v0, $0.0e+00  }
0x49: {  	[tilespmem:s24+$0x430] =	vst v0  }
0x4a: {  	_ =	swait.ge [sflag:s19], $0x6400  }
0x4b: {  	[sflag:s19] =	ssyncset.done $0x0  }
0x4c: {  	[sflag:s19] =	ssyncadd.s32 $0xFFFF9C00  }
0x4d: {  	_ =	swait.ge [sflag:s19], $0x6400  }
0x4e: {  	[sflag:s19] =	ssyncset.done $0x0  }
0x4f: {  	s25 =	simm.s32 $0x0;
	[sflag:s19] =	ssyncadd.s32 $0xFFFF9C00  }
0x50: {  	v2 =	vld [tilespmem:s25+$0xCC30]  }
0x51: {  	v3 =	vld [tilespmem:s25+$0x13070]  }
0x52: {  	v5 =	vld [tilespmem:s25+$0xCC00]  }
0x53: {  	v6 =	vld [tilespmem:s25+$0x13040]  }
0x54: {  	v1 =	vld [tilespmem:s25+$0xCC10]  }
0x55: {  	v4 =	vld [tilespmem:s25+$0x13050]  }
0x56: {  	v0 =	vld [tilespmem:s25+$0xCC20];
	v7 =	vadd.f32 v3, v2  }
0x57: {  	s24 =	simm.s32 $0x80;
	v3 =	vld [tilespmem:s25+$0x13060]  }
0x58: {  	s26 =	simm.s32 $0x400;
	v2 =	vld [tilespmem:s24+$0xCC30];
	v5 =	vadd.f32 v6, v5;
	v6 =	vmax.f32 v7, $0.0e+00  }
.LBB2_5:
0x59: {  	p0 =	sne.s32 s26, $0x18E00;
	v7 =	vld [tilespmem:s24+$0x13070];
	[tilespmem:s25+$0x470] =	vst v6  }
0x5a: {  	v6 =	vld [tilespmem:s24+$0xCC00];
	v5 =	vmax.f32 v5, $0.0e+00;
	v4 =	vadd.f32 v4, v1  }
0x5b: {  	v8 =	vld [tilespmem:s24+$0x13040];
	[tilespmem:s25+$0x440] =	vst v5  }
.Ltmp1:
0x5c: {  	v1 =	vld [tilespmem:s24+$0xCC10];
	v5 =	vmax.f32 v4, $0.0e+00;
	v3 =	vadd.f32 v3, v0;
	(pc) =	sbr.rel @p0 .LBB2_5-.Ltmp1, $4  }
0x5d: {  	v4 =	vld [tilespmem:s24+$0x13050];
	[tilespmem:s25+$0x450] =	vst v5  }
0x5e: {  	v0 =	vld [tilespmem:s24+$0xCC20];
	v7 =	vadd.f32 v7, v2;
	v2 =	vmax.f32 v3, $0.0e+00  }
0x5f: {  	v3 =	vld [tilespmem:s24+$0x13060];
	[tilespmem:s25+$0x460] =	vst v2;
	s25 =	smov.u32 s24;
	s24 =	sshra.s32 s26, $0x2  }
0x60: {  	s26 =	sadd.s32 $0x200, s26;
	v2 =	vld [tilespmem:s24+$0xCC30];
	v5 =	vadd.f32 v8, v6;
	v6 =	vmax.f32 v7, $0.0e+00  }
0x61: {  	v7 =	vld [tilespmem:s24+$0x13070];
	[tilespmem:s25+$0x470] =	vst v6  }
0x62: {  	v6 =	vld [tilespmem:s24+$0xCC00];
	v5 =	vmax.f32 v5, $0.0e+00;
	v1 =	vadd.f32 v4, v1  }
0x63: {  	v8 =	vld [tilespmem:s24+$0x13040];
	[tilespmem:s25+$0x440] =	vst v5  }
0x64: {  	v57 =	vld [tilespmem:s24+$0xCC10];
	v1 =	vmax.f32 v1, $0.0e+00  }
0x65: {  	v5 =	vld [tilespmem:s24+$0x13050];
	[tilespmem:s25+$0x450] =	vst v1  }
0x66: {  	v1 =	vld [tilespmem:s24+$0xCC20]  }
0x67: {  	v9 =	vld [tilespmem:s24+$0x13060]  }
0x68: {  	v0 =	vadd.f32 v3, v0  }
0x69: {  	v2 =	vadd.f32 v7, v2  }
0x6a: {  	v0 =	vmax.f32 v0, $0.0e+00;
	v58 =	vadd.f32 v8, v6  }
0x6b: {  	[tilespmem:s25+$0x460] =	vst v0;
	v59 =	vmax.f32 v2, $0.0e+00;
	v60 =	vadd.f32 v5, v57  }
0x6c: {  	[tilespmem:s24+$0x470] =	vst v59;
	v61 =	vmax.f32 v58, $0.0e+00;
	v1 =	vadd.f32 v9, v1  }
0x6d: {  	s22 =	sadd.s32 $0x1, s22;
	[tilespmem:s24+$0x440] =	vst v61;
	v62 =	vmax.f32 v60, $0.0e+00  }
0x6e: {  	s23 =	sshll.u32 s23, $0x4;
	p0 =	sne.s32 s22, $0x14;
	[tilespmem:s24+$0x450] =	vst v62;
	v63 =	vmax.f32 v1, $0.0e+00  }
.Ltmp2:
0x6f: {  	s23 =	sadd.s32 s6, s23;
	[tilespmem:s24+$0x460] =	vst v63;
	(pc) =	sbr.rel @p0 .LBB2_2-.Ltmp2, $4  }
0x70: {  	[hbm4b:s23+s2] =	stream.linear.scatter [tilespmem:s14], [sflag:$0x4], $0x6400, $0x38;
	[tilespmem:$0x19400] =	vst v63  }
0x71: {  	_ =	swait.ge [sflag:s20], $0x6400  }
0x72: {  	[sflag:s20] =	ssyncset.done $0x0  }
0x73: {  	[sflag:s20] =	ssyncadd.s32 $0xFFFF9C00  }
0x74: {  	s21 =	sadd.s32 $0x1, s21  }
0x75: {  	p0 =	sne.s32 s21, s8  }
.Ltmp3:
0x76: {  	_ = 	snop;
	(pc) =	sbr.rel @p0 .LBB2_1-.Ltmp3, $1  }
0x77: {  	_ =	sdelay $0x3  }
0x78: {  	_ =	sfence.sel $0x180000  }
0x79: {  	[bflag:$0x0] =	sbarrier.arrive $0xFFFF  }
0x7a: {  	p0 =	sne.s32 s3, $0x0;
	_ =	strace $0x90000047  }
0x7b: {  	s0 =	sadd.s32 @!p0 $0x100000, s0;
	[bflag:$0x2] =	sbarrier.arrive $0xFFFF  }
0x7c: {  	[sflag:s0] =	ssyncadd.tile.s32 @!p0 $0x1;
	_ =	shalt  }
.Lfunc_end2:
_tile_overlayer_lowered:
.L_overlay_start_2:
0x7d: {  	(tag) =	ssettag $0x2  }
0x7e: {  	s0 =	rddreg [dreg:$0x0];
	s2 =	stileid.u32  }
0x7f: {  	s1 =	rddreg [dreg:$0x1];
	p0 =	sne.s32 s2, $0x0  }
0x80: {  	s3 =	rddreg [dreg:$0x2];
	[bflag:$0x3] =	sbarrier.arrive $0xFFFF;
	s2 =	simm.s32 @!p0 $0x1C04  }
0x81: {  	[timem:s3], [sflag:s2] =	dma.local @!p0 [hbm:s0], s1  }
0x82: {  	s0 =	simm.s32 @!p0 $0x4  }
0x83: {  	_ =	swait.ge @!p0 [sflag:s0], s1  }
0x84: {  	s1 =	ssub.s32 @!p0 $0x0, s1;
	[sflag:s0] =	ssyncset.done @!p0 $0x0  }
0x85: {  	[sflag:s0] =	ssyncadd.s32 @!p0 s1  }
0x86: {  	[bflag:$0x3] =	sbarrier.arrive $0xFFFF  }
0x87: {  	_ =	shalt  }

// kernel: kernel.13.cloned.1.call-start
scs
__scs_entry_jumppad:
0x0: {  	(pc) =	sbr.rel $0x88, $3  }
0x1: {  	(tag) =	ssettag $0x0;
	lr =	simm.s32 $0x1  }
0x2: {  	[smem:$0x3F99] =	sst lr;
	_ =	strace $0xD0000000  }
0x3: {  	_ = 	snop  }
0x4: {  	_ = 	snop  }
0x5: {  	_ = 	snop  }
0x6: {  	_ = 	snop  }
0x7: {  	_ = 	snop  }
__scs_overlays_trampoline_lowered:
0x8: {  	[smem:$0x3FA8] =	sst s0  }
0x9: {  	[smem:$0x3FA9] =	sst s1  }
0xa: {  	[smem:$0x3FAA] =	sst s2  }
0xb: {  	[smem:$0x3FAB] =	sst s3  }
0xc: {  	[smem:$0x3FAC] =	sst s4  }
0xd: {  	[smem:$0x3FAD] =	sst s5  }
0xe: {  	[smem:$0x3FAE] =	sst s6  }
0xf: {  	[smem:$0x3FAF] =	sst s7  }
0x10: {  	[smem:$0x3FB0] =	sst s8  }
0x11: {  	[smem:$0x3FB1] =	sst s9;
	s0 =	simm.s32 @!p0 $0x0  }
0x12: {  	s1 =	sld [smem:$0x3F97];
	s0 =	simm.s32 @p0 $0x1  }
0x13: {  	[smem:$0x3FB2] =	sst s0;
	s0 =	simm.s32 @!p1 $0x0  }
0x14: {  	s2 =	sld [smem:$0x3F96];
	s0 =	simm.s32 @p1 $0x1  }
0x15: {  	[smem:$0x3FB3] =	sst s0;
	s0 =	simm.s32 @!p2 $0x0  }
0x16: {  	s3 =	sld [smem:$0x3FDB];
	s0 =	simm.s32 @p2 $0x1  }
0x17: {  	s4 =	simm.s32 $0x1BF5;
	[smem:$0x3FB5] =	sst s0  }
0x18: {  	s0 =	sld [smem:$0x3F98];
	_ =	swait.ge [sflag:s4], $0x0  }
0x19: {  	s7 =	sld [smem:$0x3F99]  }
0x1a: {  	s8 =	sadd.s32 $0xFFFFE003, lr  }
0x1b: {  	s9 =	sadd.s32 $0xFFFFFEF7, lr;
	s5 =	simm.s32 $0xFFFFFFFF;
	p2 =	slt.u32 s8, $0xFFFFF086  }
0x1c: {  	p1 =	slt.u32 s9, $0xF7A;
	s5 =	simm.s32 @!p2 $0x0  }
0x1d: {  	s5 =	simm.s32 @p1 $0x1;
	p0 =	seq.s32 s7, s2  }
0x1e: {  	s7 =	smul.u32 @!p0 $0xF7A, s2;
	p2 =	seq.s32 @!p0 s5, $0x0  }
0x1f: {  	s9 =	smul.u32 $0xF7A, s1;
	s8 =	simm.s32 @!p0 $0x1BF5;
	p2 =	por !p2, p0  }
0x20: {  	[sflag:s8] =	ssyncset.s32 @!p0 $0xFFFFF086;
	s6 =	sadd.s32 @!p0 s3, s7;
	s7 =	simm.s32 @!p0 $0x108  }
0x21: {  	s3 =	sadd.s32 s3, s9;
	s6 =	sadd.s32 @!p0 $0x88, s6;
	s7 =	simm.s32 @p2 $0x1082  }
0x22: {  	[simem:s7], [sflag:s8] =	dma.local @!p0 [hbm:s6], $0xF7A  }
0x23: {  	s9 =	sor.u32 $0xD0000000, s2;
	s6 =	simm.s32 $0x108;
	_ =	swait.ge @!p0 [sflag:s8], $0x0  }
0x24: {  	s3 =	sadd.s32 $0x88, s3;
	s6 =	simm.s32 @!p1 $0x1082;
	[sflag:s4] =	ssyncset.s32 $0xFFFFF086  }
0x25: {  	[simem:s6], [sflag:s4] =	dma.local [hbm:s3], $0xF7A  }
0x26: {  	[smem:$0x3F99] =	sst s1;
	(tag) =	ssettag s2;
	_ =	strace s9  }
0x27: {  	s1 =	sld [smem:$0x3FA9]  }
0x28: {  	s2 =	sld [smem:$0x3FAA]  }
0x29: {  	s4 =	sld [smem:$0x3FAC]  }
0x2a: {  	p0 =	seq.s32 s5, $0x0;
	s5 =	sld [smem:$0x3FAD]  }
0x2b: {  	s6 =	sld [smem:$0x3FAE]  }
0x2c: {  	s7 =	sld [smem:$0x3FAF]  }
0x2d: {  	s3 =	simm.s32 $0x108;
	s8 =	sld [smem:$0x3FB0]  }
0x2e: {  	s3 =	simm.s32 @!p0 $0x1082;
	s9 =	sld [smem:$0x3FB1]  }
0x2f: {  	lr =	sadd.s32 s0, s3;
	s0 =	sld [smem:$0x3FA8]  }
0x30: {  	s3 =	sld [smem:$0x3FAB]  }
0x31: {  	[smem:$0x3FB4] =	sst s10  }
0x32: {  	s10 =	sld [smem:$0x3FB2];
	_ =	sdelay $0x3  }
0x33: {  	p0 =	seq.s32 s10, $0x1;
	s10 =	sld [smem:$0x3FB4];
	_ =	sdelay $0x3  }
0x34: {  	[smem:$0x3FB4] =	sst s10  }
0x35: {  	s10 =	sld [smem:$0x3FB3];
	_ =	sdelay $0x3  }
0x36: {  	p1 =	seq.s32 s10, $0x1;
	s10 =	sld [smem:$0x3FB4];
	_ =	sdelay $0x3  }
0x37: {  	[smem:$0x3FB4] =	sst s10  }
0x38: {  	s10 =	sld [smem:$0x3FB5]  }
0x39: {  	_ = 	snop;
	(pc) =	sbr.ind lr, $3  }
0x3a: {  	_ = 	snop  }
0x3b: {  	_ = 	snop  }
0x3c: {  	p2 =	seq.s32 s10, $0x1;
	s10 =	sld [smem:$0x3FB4]  }
0x3d: {  	_ =	shalt  }
0x3e: {  	_ =	shalt  }
0x3f: {  	_ =	shalt  }
0x40: {  	_ =	shalt  }
0x41: {  	_ =	shalt  }
0x42: {  	_ =	shalt  }
0x43: {  	_ =	shalt  }
0x44: {  	_ =	shalt  }
0x45: {  	_ =	shalt  }
0x46: {  	_ =	shalt  }
0x47: {  	_ =	shalt  }
0x48: {  	_ =	shalt  }
0x49: {  	_ =	shalt  }
0x4a: {  	_ =	shalt  }
0x4b: {  	_ =	shalt  }
0x4c: {  	_ =	shalt  }
0x4d: {  	_ =	shalt  }
0x4e: {  	_ =	shalt  }
0x4f: {  	_ =	shalt  }
0x50: {  	_ =	shalt  }
0x51: {  	_ =	shalt  }
0x52: {  	_ =	shalt  }
0x53: {  	_ =	shalt  }
0x54: {  	_ =	shalt  }
0x55: {  	_ =	shalt  }
0x56: {  	_ =	shalt  }
0x57: {  	_ =	shalt  }
0x58: {  	_ =	shalt  }
0x59: {  	_ =	shalt  }
0x5a: {  	_ =	shalt  }
0x5b: {  	_ =	shalt  }
0x5c: {  	_ =	shalt  }
0x5d: {  	_ =	shalt  }
0x5e: {  	_ =	shalt  }
0x5f: {  	_ =	shalt  }
0x60: {  	_ =	shalt  }
0x61: {  	_ =	shalt  }
0x62: {  	_ =	shalt  }
0x63: {  	_ =	shalt  }
0x64: {  	_ =	shalt  }
0x65: {  	_ =	shalt  }
0x66: {  	_ =	shalt  }
0x67: {  	_ =	shalt  }
0x68: {  	_ =	shalt  }
0x69: {  	_ =	shalt  }
0x6a: {  	_ =	shalt  }
0x6b: {  	_ =	shalt  }
0x6c: {  	_ =	shalt  }
0x6d: {  	_ =	shalt  }
0x6e: {  	_ =	shalt  }
0x6f: {  	_ =	shalt  }
0x70: {  	_ =	shalt  }
0x71: {  	_ =	shalt  }
0x72: {  	_ =	shalt  }
0x73: {  	_ =	shalt  }
0x74: {  	_ =	shalt  }
0x75: {  	_ =	shalt  }
0x76: {  	_ =	shalt  }
0x77: {  	_ =	shalt  }
0x78: {  	_ =	shalt  }
0x79: {  	_ =	shalt  }
0x7a: {  	_ =	shalt  }
0x7b: {  	_ =	shalt  }
0x7c: {  	_ =	shalt  }
0x7d: {  	_ =	shalt  }
0x7e: {  	_ =	shalt  }
0x7f: {  	_ =	shalt  }
0x80: {  	_ =	shalt  }
0x81: {  	_ =	shalt  }
0x82: {  	_ =	shalt  }
0x83: {  	_ =	shalt  }
0x84: {  	_ =	shalt  }
0x85: {  	_ =	shalt  }
0x86: {  	_ =	shalt  }
0x87: {  	_ =	shalt  }
.Lfunc_end0:
.L_simem_size_0:
called_computation.1_lowered:
.L_overlay_start_0:
0x88: {  	s2 =	sld [smem:$0x3FD9]  }
0x89: {  	s3 =	sld [smem:$0x3FFE];
	_ =	sdelay $0x1  }
0x8a: {  	s1 =	srdreg.scid  }
0x8b: {  	s0 =	sand.u32 $0x1, s1  }
0x8c: {  	s17 =	sshll.u32 s0, $0xA;
	s2 =	sadd.s32 s3, s2  }
0x8d: {  	s2 =	sadd.s32 s2, s17  }
0x8e: {  	[smem:$0x3FC0] =	sst s2  }
0x8f: {  	_ = 	snop  }
0x90: {  	s18 =	sld [smem:$0x3FD0];
	(tm) =	ssettm $0x1  }
0x91: {  	s19 =	sld [smem:$0x3FFB];
	_ =	sdelay $0x3  }
0x92: {  	_ =	strace s19  }
0x93: {  	s2 =	sld [smem:$0x3FFC];
	_ =	sdelay $0x3  }
0x94: {  	_ =	strace s2  }
0x95: {  	s2 =	sld [smem:$0x3FFD];
	_ =	sdelay $0x3  }
0x96: {  	_ =	strace s2  }
0x97: {  	_ =	strace $0x8FFFFFFF  }
0x98: {  	s20 =	sld [smem:$0x3FDB];
	_ =	sdelay $0x1  }
0x99: {  	s4 =	simm.s32 $_scs_section_size  }
0x9a: {  	s5 =	simm.s32 $_size__tile_overlayer_lowered;
	s6 =	simm.s32 $_tile_overlayer_lowered  }
0x9b: {  	s7 =	simm.s32 $0x1BFF;
	s21 =	sshll.u32 s6, $0x1;
	s4 =	sadd.s32 s4, s20  }
0x9c: {  	s22 =	simm.s32 $0x0;
	s5 =	sshll.u32 s5, $0x1;
	s6 =	sadd.s32 s21, s4  }
0x9d: {  	[timem:s22], [sflag:s7] =	dma.local [hbm:s6], s5  }
0x9e: {  	_ =	swait.ge [sflag:s7], s5  }
0x9f: {  	s5 =	ssub.s32 $0x0, s5;
	[sflag:s7] =	ssyncset.done $0x0  }
0xa0: {  	[sflag:s7] =	ssyncadd.s32 s5;
	_ =	sdelay $0x1  }
0xa1: {  	s23 =	simm.s32 $0x1B8B  }
0xa2: {  	_ =	swait.ge [sflag:s23], $0x1  }
0xa3: {  	[sflag:s23] =	ssyncset.done $0x0  }
0xa4: {  	[sflag:s23] =	ssyncadd.s32 $0xFFFFFFFF  }
0xa5: {  	s5 =	sld [smem:$0x0]  }
0xa6: {  	s6 =	sand.u32 $0xFFFFFFFE, s1  }
0xa7: {  	p0 =	sne.s32 s1, s6  }
0xa8: {  	s6 =	sshll.u32 @p0 s6, $0xE  }
0xa9: {  	s6 =	sadd.s32 @p0 $0x11B8D, s6;
	s7 =	sshll.u32 @p0 s5, $0x11  }
0xaa: {  	s6 =	sor.u32 @p0 s7, s6  }
0xab: {  	[sflag:s6] =	ssyncadd.remote.s32 @p0 $0x1;
	_ =	sdelay $0x1  }
0xac: {  	s6 =	simm.s32 @p0 $0x1B8D  }
0xad: {  	_ =	swait.eq @p0 [sflag:s6], $0x1  }
0xae: {  	[sflag:s6] =	ssyncadd.s32 @p0 $0xFFFFFFFF  }
0xaf: {  	s7 =	sshll.u32 @!p0 s1, $0xE  }
0xb0: {  	s7 =	sor.u32 @!p0 $0x4000, s7;
	s6 =	simm.s32 @!p0 $0x1B8D  }
0xb1: {  	s5 =	sshll.u32 @!p0 s5, $0x11;
	s7 =	sadd.s32 @!p0 $0x11B8D, s7;
	_ =	swait.eq @!p0 [sflag:s6], $0x1  }
0xb2: {  	s5 =	sor.u32 @!p0 s5, s7;
	[sflag:s6] =	ssyncadd.s32 @!p0 $0xFFFFFFFF  }
0xb3: {  	s25 =	simm.s32 $0x1B8E;
	s24 =	sld [smem:$0x3FFE];
	[sflag:s5] =	ssyncadd.remote.s32 @!p0 $0x1  }
0xb4: {  	s26 =	simm.s32 $execute0_lowered;
	[smem:$0x3FD2] =	sst s25  }
0xb5: {  	s6 =	sshll.u32 s26, $0x1;
	_ =	strace $0x80000049;
	[dreg:$0x1] =	wrdreg $0xFFFFFFFF  }
0xb6: {  	s28 =	simm.s32 $_size_execute0_lowered;
	s4 =	sadd.s32 s4, s6;
	[dreg:$0x0] =	wrdreg $0x0  }
0xb7: {  	s6 =	sshll.u32 s28, $0x1;
	[dreg:$0x2] =	wrdreg s4  }
0xb8: {  	[dreg:$0x3] =	wrdreg s6  }
0xb9: {  	[dreg:$0x4] =	wrdreg $0xC0  }
0xba: {  	_ =	task [dreg:s22], $0x5FFFF  }
0xbb: {  	[dreg:$0x1] =	wrdreg $0xFFFFFFFF  }
0xbc: {  	[dreg:$0x0] =	wrdreg $0x60  }
0xbd: {  	[dreg:$0x2] =	wrdreg s18  }
0xbe: {  	[dreg:$0x3] =	wrdreg s24  }
0xbf: {  	[dreg:$0x4] =	wrdreg $0x9  }
0xc0: {  	_ =	task.clear_ibuf [dreg:s22], $0x5FFFF;
	_ =	strace $0x90000049  }
0xc1: {  	s29 =	simm.s32 $0x9;
	_ =	strace $0x8000004B  }
0xc2: {  	_ =	swait.ge [sflag:s29], $0x1  }
0xc3: {  	[sflag:s29] =	ssyncadd.s32 $0xFFFFFFFF  }
0xc4: {  	_ =	strace $0x9000004B  }
0xc5: {  	_ =	sfence  }
0xc6: {  	s30 =	sld [smem:$0x0];
	_ =	sdelay $0x2  }
0xc7: {  	s31 =	sshll.u32 s1, $0xD;
	s1 =	sshrl.u32 s1, $0x2  }
0xc8: {  	s4 =	sand.u32 $0x4000, s31;
	s1 =	sadd.s32 s1, s30  }
0xc9: {  	s0 =	sor.u32 s4, s0;
	s1 =	sshll.u32 s1, $0x11  }
0xca: {  	s0 =	sor.u32 s1, s0  }
0xcb: {  	s0 =	sadd.s32 $0x8F2B, s0  }
0xcc: {  	[sflag:s0] =	ssyncadd.remote.s32 $0x1  }
0xcd: {  	_ =	sfence.sel $0xFFFF  }
0xce: {  	[dreg:$0x0] =	wrdreg $0xFFFFFFFF;
	(pc) =	sbr.abs _section_cstart, $3  }
0xcf: {  	[dreg:$0x1] =	wrdreg $0xFFFFFFFF  }
0xd0: {  	_ =	task.clear_ibuf [dreg:s22], $0x2FFFF;
	_ =	strace $0x9FFFFFFF  }
0xd1: {  	(tm) =	ssettm $0x7FFFFFFF  }
tec
execute0_lowered:
.L_overlay_start_1:
0x0: {  	(tag) =	ssettag $0x1  }
0x1: {  	s1 =	rddreg [dreg:$0x0]  }
0x2: {  	s6 =	rddreg [dreg:$0x1]  }
0x3: {  	s0 =	rddreg [dreg:$0x2];
	s2 =	simm.s32 $0x0;
	s3 =	srdreg.scid  }
0x4: {  	s11 =	simm.s32 $0x300;
	s12 =	simm.s32 $0x1;
	s13 =	simm.s32 $0xC8  }
0x5: {  	s14 =	simm.s32 $0x400;
	s15 =	simm.s32 $0x6800;
	s16 =	simm.s32 $0xCC00  }
0x6: {  	s17 =	simm.s32 $0x13000;
	s18 =	simm.s32 $0x2;
	s19 =	simm.s32 $0x3  }
0x7: {  	s20 =	simm.s32 $0x4;
	s21 =	simm.s32 $0x0;
	[smem:$0x7FF] =	sst s2  }
0x8: {  	s7 =	sand.u32 $0x1, s3;
	s4 =	sadd.s32 $0x205E00, s6;
	s3 =	stileid.u32  }
0x9: {  	s5 =	sadd.s32 $0x207E00, s6;
	s6 =	sadd.s32 $0x209E00, s6;
	s8 =	ssub.s32 $0x2, s7  }
0xa: {  	_ =	strace $0x8000004A;
	s10 =	sshll.u32 s3, $0x1;
	s9 =	sshrl.u32 s8, $0x1  }
0xb: {  	s7 =	sor.u32 s7, s10;
	s10 =	simm.s32 $0x200;
	s8 =	ssub.s32 s8, s9  }
0xc: {  	s7 =	smul.u32 $0x3E8, s7;
	s9 =	simm.s32 $0x100;
	s8 =	smax.u32 s8, $0x1  }
.LBB2_1:
0xd: {  	s22 =	simm.s32 $0x0  }
.LBB2_2:
0xe: {  	s23 =	smul.u32 $0xC8, s22;
	_ =	sdelay $0x1  }
0xf: {  	s23 =	sadd.s32 s7, s23  }
0x10: {  	s24 =	sshrl.u32 s23, $0x3  }
0x11: {  	s26 =	simm.s32 $0x0;
	s25 =	sadd.s32 s4, s24  }
0x12: {  	[tilespmem:s26], [sflag:$0x1] =	stream.linear.gather [hbm4b:s25+s26], $0xC8, $0x38;
	[tilespmem:$0x19400] =	vst v63  }
0x13: {  	s30 =	sadd.s32 s5, s24;
	s24 =	sadd.s32 $0xFA0, s24  }
0x14: {  	[tilespmem:s9], [sflag:$0x1] =	stream.linear.gather [hbm4b:s30+s26], $0xC8, $0x38;
	[tilespmem:$0x19400] =	vst v63  }
0x15: {  	s31 =	sadd.s32 s4, s24  }
0x16: {  	[tilespmem:s10], [sflag:$0x1] =	stream.linear.gather [hbm4b:s31+s26], $0xC8, $0x38;
	[tilespmem:$0x19400] =	vst v63  }
0x17: {  	s24 =	sadd.s32 s5, s24  }
0x18: {  	[tilespmem:s11], [sflag:$0x1] =	stream.linear.gather [hbm4b:s24+s26], $0xC8, $0x38;
	[tilespmem:$0x19400] =	vst v63  }
0x19: {  	_ =	swait.ge [sflag:s12], $0xC8  }
0x1a: {  	[sflag:s12] =	ssyncset.done $0x0  }
0x1b: {  	[sflag:s12] =	ssyncadd.s32 $0xFFFFFF38  }
0x1c: {  	_ =	swait.ge [sflag:s12], $0xC8  }
0x1d: {  	[sflag:s12] =	ssyncset.done $0x0  }
0x1e: {  	[sflag:s12] =	ssyncadd.s32 $0xFFFFFF38  }
0x1f: {  	_ =	swait.ge [sflag:s12], $0xC8  }
0x20: {  	[sflag:s12] =	ssyncset.done $0x0  }
0x21: {  	[sflag:s12] =	ssyncadd.s32 $0xFFFFFF38  }
0x22: {  	_ =	swait.ge [sflag:s12], $0xC8  }
0x23: {  	[sflag:s12] =	ssyncset.done $0x0  }
0x24: {  	[sflag:s12] =	ssyncadd.s32 $0xFFFFFF38  }
0x25: {  	[tilespmem:s14], [sflag:$0x2] =	stream.indirect.gather [hbm4b:s1+s13], $0x80, s26, s13, $0xb8;
	[tilespmem:$0x19400] =	vst v63  }
0x26: {  	_ = 	snop  }
0x27: {  	[tilespmem:s15], [sflag:$0x2] =	stream.indirect.gather [hbm4b:s1+s13], $0x80, s9, s13, $0xb8;
	[tilespmem:$0x19400] =	vst v63  }
0x28: {  	_ = 	snop  }
0x29: {  	[tilespmem:s16], [sflag:$0x3] =	stream.indirect.gather [hbm4b:s1+s13], $0x80, s10, s13, $0xb8;
	[tilespmem:$0x19400] =	vst v63  }
0x2a: {  	_ = 	snop  }
0x2b: {  	[tilespmem:s17], [sflag:$0x3] =	stream.indirect.gather [hbm4b:s1+s13], $0x80, s11, s13, $0xb8;
	[tilespmem:$0x19400] =	vst v63  }
0x2c: {  	_ =	swait.ge [sflag:s18], $0x6400  }
0x2d: {  	[sflag:s18] =	ssyncset.done $0x0  }
0x2e: {  	[sflag:s18] =	ssyncadd.s32 $0xFFFF9C00  }
0x2f: {  	_ =	swait.ge [sflag:s18], $0x6400  }
0x30: {  	[sflag:s18] =	ssyncset.done $0x0  }
0x31: {  	s24 =	simm.s32 $0x0;
	[sflag:s18] =	ssyncadd.s32 $0xFFFF9C00  }
0x32: {  	v2 =	vld [tilespmem:s24+$0x6840]  }
0x33: {  	v3 =	vld [tilespmem:s24+$0x6850]  }
0x34: {  	v1 =	vld [tilespmem:s24+$0x6860]  }
0x35: {  	v0 =	vld [tilespmem:s24+$0x6870]  }
0x36: {  	v4 =	vld [tilespmem:s24+$0x400]  }
0x37: {  	v6 =	vld [tilespmem:s24+$0x410]  }
0x38: {  	s25 =	simm.s32 $0x200;
	v5 =	vld [tilespmem:s24+$0x420]  }
.LBB2_3:
0x39: {  	p0 =	sne.s32 s25, $0x18E00;
	v7 =	vld [tilespmem:s24+$0x430]  }
0x3a: {  	s26 =	sshra.s32 s25, $0x2  }
0x3b: {  	v4 =	vadd.f32 v2, v4;
	v2 =	vld [tilespmem:s26+$0x6840]  }
0x3c: {  	v6 =	vadd.f32 v3, v6;
	v3 =	vld [tilespmem:s26+$0x6850]  }
.Ltmp0:
0x3d: {  	v4 =	vmax.f32 v4, $0.0e+00;
	v5 =	vadd.f32 v1, v5;
	v1 =	vld [tilespmem:s26+$0x6860];
	(pc) =	sbr.rel @p0 .LBB2_3-.Ltmp0, $4  }
0x3e: {  	[tilespmem:s24+$0x400] =	vst v4;
	v6 =	vmax.f32 v6, $0.0e+00;
	v7 =	vadd.f32 v0, v7;
	v0 =	vld [tilespmem:s26+$0x6870]  }
0x3f: {  	v4 =	vld [tilespmem:s26+$0x400];
	[tilespmem:s24+$0x410] =	vst v6;
	v5 =	vmax.f32 v5, $0.0e+00  }
0x40: {  	v6 =	vld [tilespmem:s26+$0x410];
	[tilespmem:s24+$0x420] =	vst v5;
	v7 =	vmax.f32 v7, $0.0e+00  }
0x41: {  	s25 =	sadd.s32 $0x200, s25;
	v5 =	vld [tilespmem:s26+$0x420];
	[tilespmem:s24+$0x430] =	vst v7;
	s24 =	smov.u32 s26  }
0x42: {  	v7 =	vld [tilespmem:s24+$0x430];
	_ =	sdelay $0x1  }
0x43: {  	v2 =	vadd.f32 v2, v4  }
0x44: {  	v3 =	vadd.f32 v3, v6  }
0x45: {  	v2 =	vmax.f32 v2, $0.0e+00;
	v1 =	vadd.f32 v1, v5  }
0x46: {  	[tilespmem:s24+$0x400] =	vst v2;
	v2 =	vmax.f32 v3, $0.0e+00;
	v0 =	vadd.f32 v0, v7  }
0x47: {  	[tilespmem:s24+$0x410] =	vst v2;
	v1 =	vmax.f32 v1, $0.0e+00  }
0x48: {  	[tilespmem:s24+$0x420] =	vst v1;
	v0 =	vmax.f32 v0, $0.0e+00  }
0x49: {  	[tilespmem:s24+$0x430] =	vst v0  }
0x4a: {  	_ =	swait.ge [sflag:s19], $0x6400  }
0x4b: {  	[sflag:s19] =	ssyncset.done $0x0  }
0x4c: {  	[sflag:s19] =	ssyncadd.s32 $0xFFFF9C00  }
0x4d: {  	_ =	swait.ge [sflag:s19], $0x6400  }
0x4e: {  	[sflag:s19] =	ssyncset.done $0x0  }
0x4f: {  	s25 =	simm.s32 $0x0;
	[sflag:s19] =	ssyncadd.s32 $0xFFFF9C00  }
0x50: {  	v2 =	vld [tilespmem:s25+$0xCC30]  }
0x51: {  	v3 =	vld [tilespmem:s25+$0x13070]  }
0x52: {  	v5 =	vld [tilespmem:s25+$0xCC00]  }
0x53: {  	v6 =	vld [tilespmem:s25+$0x13040]  }
0x54: {  	v1 =	vld [tilespmem:s25+$0xCC10]  }
0x55: {  	v4 =	vld [tilespmem:s25+$0x13050]  }
0x56: {  	v0 =	vld [tilespmem:s25+$0xCC20];
	v7 =	vadd.f32 v3, v2  }
0x57: {  	s24 =	simm.s32 $0x80;
	v3 =	vld [tilespmem:s25+$0x13060]  }
0x58: {  	s26 =	simm.s32 $0x400;
	v2 =	vld [tilespmem:s24+$0xCC30];
	v5 =	vadd.f32 v6, v5;
	v6 =	vmax.f32 v7, $0.0e+00  }
.LBB2_5:
0x59: {  	p0 =	sne.s32 s26, $0x18E00;
	v7 =	vld [tilespmem:s24+$0x13070];
	[tilespmem:s25+$0x470] =	vst v6  }
0x5a: {  	v6 =	vld [tilespmem:s24+$0xCC00];
	v5 =	vmax.f32 v5, $0.0e+00;
	v4 =	vadd.f32 v4, v1  }
0x5b: {  	v8 =	vld [tilespmem:s24+$0x13040];
	[tilespmem:s25+$0x440] =	vst v5  }
.Ltmp1:
0x5c: {  	v1 =	vld [tilespmem:s24+$0xCC10];
	v5 =	vmax.f32 v4, $0.0e+00;
	v3 =	vadd.f32 v3, v0;
	(pc) =	sbr.rel @p0 .LBB2_5-.Ltmp1, $4  }
0x5d: {  	v4 =	vld [tilespmem:s24+$0x13050];
	[tilespmem:s25+$0x450] =	vst v5  }
0x5e: {  	v0 =	vld [tilespmem:s24+$0xCC20];
	v7 =	vadd.f32 v7, v2;
	v2 =	vmax.f32 v3, $0.0e+00  }
0x5f: {  	v3 =	vld [tilespmem:s24+$0x13060];
	[tilespmem:s25+$0x460] =	vst v2;
	s25 =	smov.u32 s24;
	s24 =	sshra.s32 s26, $0x2  }
0x60: {  	s26 =	sadd.s32 $0x200, s26;
	v2 =	vld [tilespmem:s24+$0xCC30];
	v5 =	vadd.f32 v8, v6;
	v6 =	vmax.f32 v7, $0.0e+00  }
0x61: {  	v7 =	vld [tilespmem:s24+$0x13070];
	[tilespmem:s25+$0x470] =	vst v6  }
0x62: {  	v6 =	vld [tilespmem:s24+$0xCC00];
	v5 =	vmax.f32 v5, $0.0e+00;
	v1 =	vadd.f32 v4, v1  }
0x63: {  	v8 =	vld [tilespmem:s24+$0x13040];
	[tilespmem:s25+$0x440] =	vst v5  }
0x64: {  	v57 =	vld [tilespmem:s24+$0xCC10];
	v1 =	vmax.f32 v1, $0.0e+00  }
0x65: {  	v5 =	vld [tilespmem:s24+$0x13050];
	[tilespmem:s25+$0x450] =	vst v1  }
0x66: {  	v1 =	vld [tilespmem:s24+$0xCC20]  }
0x67: {  	v9 =	vld [tilespmem:s24+$0x13060]  }
0x68: {  	v0 =	vadd.f32 v3, v0  }
0x69: {  	v2 =	vadd.f32 v7, v2  }
0x6a: {  	v0 =	vmax.f32 v0, $0.0e+00;
	v58 =	vadd.f32 v8, v6  }
0x6b: {  	[tilespmem:s25+$0x460] =	vst v0;
	v59 =	vmax.f32 v2, $0.0e+00;
	v60 =	vadd.f32 v5, v57  }
0x6c: {  	[tilespmem:s24+$0x470] =	vst v59;
	v61 =	vmax.f32 v58, $0.0e+00;
	v1 =	vadd.f32 v9, v1  }
0x6d: {  	s22 =	sadd.s32 $0x1, s22;
	[tilespmem:s24+$0x440] =	vst v61;
	v62 =	vmax.f32 v60, $0.0e+00  }
0x6e: {  	s23 =	sshll.u32 s23, $0x4;
	p0 =	sne.s32 s22, $0x5;
	[tilespmem:s24+$0x450] =	vst v62;
	v63 =	vmax.f32 v1, $0.0e+00  }
.Ltmp2:
0x6f: {  	s23 =	sadd.s32 s6, s23;
	[tilespmem:s24+$0x460] =	vst v63;
	(pc) =	sbr.rel @p0 .LBB2_2-.Ltmp2, $4  }
0x70: {  	[hbm4b:s23+s2] =	stream.linear.scatter [tilespmem:s14], [sflag:$0x4], $0x6400, $0x38;
	[tilespmem:$0x19400] =	vst v63  }
0x71: {  	_ =	swait.ge [sflag:s20], $0x6400  }
0x72: {  	[sflag:s20] =	ssyncset.done $0x0  }
0x73: {  	[sflag:s20] =	ssyncadd.s32 $0xFFFF9C00  }
0x74: {  	s21 =	sadd.s32 $0x1, s21  }
0x75: {  	p0 =	sne.s32 s21, s8  }
.Ltmp3:
0x76: {  	_ = 	snop;
	(pc) =	sbr.rel @p0 .LBB2_1-.Ltmp3, $1  }
0x77: {  	_ =	sdelay $0x3  }
0x78: {  	_ =	sfence.sel $0x180000  }
0x79: {  	[bflag:$0x0] =	sbarrier.arrive $0xFFFF  }
0x7a: {  	p0 =	sne.s32 s3, $0x0;
	_ =	strace $0x9000004A  }
0x7b: {  	s0 =	sadd.s32 @!p0 $0x100000, s0;
	[bflag:$0x2] =	sbarrier.arrive $0xFFFF  }
0x7c: {  	[sflag:s0] =	ssyncadd.tile.s32 @!p0 $0x1;
	_ =	shalt  }
.Lfunc_end2:
_tile_overlayer_lowered:
.L_overlay_start_2:
0x7d: {  	(tag) =	ssettag $0x2  }
0x7e: {  	s0 =	rddreg [dreg:$0x0];
	s2 =	stileid.u32  }
0x7f: {  	s1 =	rddreg [dreg:$0x1];
	p0 =	sne.s32 s2, $0x0  }
0x80: {  	s3 =	rddreg [dreg:$0x2];
	[bflag:$0x3] =	sbarrier.arrive $0xFFFF;
	s2 =	simm.s32 @!p0 $0x1C04  }
0x81: {  	[timem:s3], [sflag:s2] =	dma.local @!p0 [hbm:s0], s1  }
0x82: {  	s0 =	simm.s32 @!p0 $0x4  }
0x83: {  	_ =	swait.ge @!p0 [sflag:s0], s1  }
0x84: {  	s1 =	ssub.s32 @!p0 $0x0, s1;
	[sflag:s0] =	ssyncset.done @!p0 $0x0  }
0x85: {  	[sflag:s0] =	ssyncadd.s32 @!p0 s1  }
0x86: {  	[bflag:$0x3] =	sbarrier.arrive $0xFFFF  }
0x87: {  	_ =	shalt  }

// kernel: kernel.16.cloned.1.call-start
scs
__scs_entry_jumppad:
0x0: {  	(pc) =	sbr.rel $0x88, $3  }
0x1: {  	(tag) =	ssettag $0x0;
	lr =	simm.s32 $0x1  }
0x2: {  	[smem:$0x3F99] =	sst lr;
	_ =	strace $0xD0000000  }
0x3: {  	_ = 	snop  }
0x4: {  	_ = 	snop  }
0x5: {  	_ = 	snop  }
0x6: {  	_ = 	snop  }
0x7: {  	_ = 	snop  }
__scs_overlays_trampoline_lowered:
0x8: {  	[smem:$0x3FA8] =	sst s0  }
0x9: {  	[smem:$0x3FA9] =	sst s1  }
0xa: {  	[smem:$0x3FAA] =	sst s2  }
0xb: {  	[smem:$0x3FAB] =	sst s3  }
0xc: {  	[smem:$0x3FAC] =	sst s4  }
0xd: {  	[smem:$0x3FAD] =	sst s5  }
0xe: {  	[smem:$0x3FAE] =	sst s6  }
0xf: {  	[smem:$0x3FAF] =	sst s7  }
0x10: {  	[smem:$0x3FB0] =	sst s8  }
0x11: {  	[smem:$0x3FB1] =	sst s9;
	s0 =	simm.s32 @!p0 $0x0  }
0x12: {  	s1 =	sld [smem:$0x3F97];
	s0 =	simm.s32 @p0 $0x1  }
0x13: {  	[smem:$0x3FB2] =	sst s0;
	s0 =	simm.s32 @!p1 $0x0  }
0x14: {  	s2 =	sld [smem:$0x3F96];
	s0 =	simm.s32 @p1 $0x1  }
0x15: {  	[smem:$0x3FB3] =	sst s0;
	s0 =	simm.s32 @!p2 $0x0  }
0x16: {  	s3 =	sld [smem:$0x3FDB];
	s0 =	simm.s32 @p2 $0x1  }
0x17: {  	s4 =	simm.s32 $0x1BF5;
	[smem:$0x3FB5] =	sst s0  }
0x18: {  	s0 =	sld [smem:$0x3F98];
	_ =	swait.ge [sflag:s4], $0x0  }
0x19: {  	s7 =	sld [smem:$0x3F99]  }
0x1a: {  	s8 =	sadd.s32 $0xFFFFE003, lr  }
0x1b: {  	s9 =	sadd.s32 $0xFFFFFEF7, lr;
	s5 =	simm.s32 $0xFFFFFFFF;
	p2 =	slt.u32 s8, $0xFFFFF086  }
0x1c: {  	p1 =	slt.u32 s9, $0xF7A;
	s5 =	simm.s32 @!p2 $0x0  }
0x1d: {  	s5 =	simm.s32 @p1 $0x1;
	p0 =	seq.s32 s7, s2  }
0x1e: {  	s7 =	smul.u32 @!p0 $0xF7A, s2;
	p2 =	seq.s32 @!p0 s5, $0x0  }
0x1f: {  	s9 =	smul.u32 $0xF7A, s1;
	s8 =	simm.s32 @!p0 $0x1BF5;
	p2 =	por !p2, p0  }
0x20: {  	[sflag:s8] =	ssyncset.s32 @!p0 $0xFFFFF086;
	s6 =	sadd.s32 @!p0 s3, s7;
	s7 =	simm.s32 @!p0 $0x108  }
0x21: {  	s3 =	sadd.s32 s3, s9;
	s6 =	sadd.s32 @!p0 $0x88, s6;
	s7 =	simm.s32 @p2 $0x1082  }
0x22: {  	[simem:s7], [sflag:s8] =	dma.local @!p0 [hbm:s6], $0xF7A  }
0x23: {  	s9 =	sor.u32 $0xD0000000, s2;
	s6 =	simm.s32 $0x108;
	_ =	swait.ge @!p0 [sflag:s8], $0x0  }
0x24: {  	s3 =	sadd.s32 $0x88, s3;
	s6 =	simm.s32 @!p1 $0x1082;
	[sflag:s4] =	ssyncset.s32 $0xFFFFF086  }
0x25: {  	[simem:s6], [sflag:s4] =	dma.local [hbm:s3], $0xF7A  }
0x26: {  	[smem:$0x3F99] =	sst s1;
	(tag) =	ssettag s2;
	_ =	strace s9  }
0x27: {  	s1 =	sld [smem:$0x3FA9]  }
0x28: {  	s2 =	sld [smem:$0x3FAA]  }
0x29: {  	s4 =	sld [smem:$0x3FAC]  }
0x2a: {  	p0 =	seq.s32 s5, $0x0;
	s5 =	sld [smem:$0x3FAD]  }
0x2b: {  	s6 =	sld [smem:$0x3FAE]  }
0x2c: {  	s7 =	sld [smem:$0x3FAF]  }
0x2d: {  	s3 =	simm.s32 $0x108;
	s8 =	sld [smem:$0x3FB0]  }
0x2e: {  	s3 =	simm.s32 @!p0 $0x1082;
	s9 =	sld [smem:$0x3FB1]  }
0x2f: {  	lr =	sadd.s32 s0, s3;
	s0 =	sld [smem:$0x3FA8]  }
0x30: {  	s3 =	sld [smem:$0x3FAB]  }
0x31: {  	[smem:$0x3FB4] =	sst s10  }
0x32: {  	s10 =	sld [smem:$0x3FB2];
	_ =	sdelay $0x3  }
0x33: {  	p0 =	seq.s32 s10, $0x1;
	s10 =	sld [smem:$0x3FB4];
	_ =	sdelay $0x3  }
0x34: {  	[smem:$0x3FB4] =	sst s10  }
0x35: {  	s10 =	sld [smem:$0x3FB3];
	_ =	sdelay $0x3  }
0x36: {  	p1 =	seq.s32 s10, $0x1;
	s10 =	sld [smem:$0x3FB4];
	_ =	sdelay $0x3  }
0x37: {  	[smem:$0x3FB4] =	sst s10  }
0x38: {  	s10 =	sld [smem:$0x3FB5]  }
0x39: {  	_ = 	snop;
	(pc) =	sbr.ind lr, $3  }
0x3a: {  	_ = 	snop  }
0x3b: {  	_ = 	snop  }
0x3c: {  	p2 =	seq.s32 s10, $0x1;
	s10 =	sld [smem:$0x3FB4]  }
0x3d: {  	_ =	shalt  }
0x3e: {  	_ =	shalt  }
0x3f: {  	_ =	shalt  }
0x40: {  	_ =	shalt  }
0x41: {  	_ =	shalt  }
0x42: {  	_ =	shalt  }
0x43: {  	_ =	shalt  }
0x44: {  	_ =	shalt  }
0x45: {  	_ =	shalt  }
0x46: {  	_ =	shalt  }
0x47: {  	_ =	shalt  }
0x48: {  	_ =	shalt  }
0x49: {  	_ =	shalt  }
0x4a: {  	_ =	shalt  }
0x4b: {  	_ =	shalt  }
0x4c: {  	_ =	shalt  }
0x4d: {  	_ =	shalt  }
0x4e: {  	_ =	shalt  }
0x4f: {  	_ =	shalt  }
0x50: {  	_ =	shalt  }
0x51: {  	_ =	shalt  }
0x52: {  	_ =	shalt  }
0x53: {  	_ =	shalt  }
0x54: {  	_ =	shalt  }
0x55: {  	_ =	shalt  }
0x56: {  	_ =	shalt  }
0x57: {  	_ =	shalt  }
0x58: {  	_ =	shalt  }
0x59: {  	_ =	shalt  }
0x5a: {  	_ =	shalt  }
0x5b: {  	_ =	shalt  }
0x5c: {  	_ =	shalt  }
0x5d: {  	_ =	shalt  }
0x5e: {  	_ =	shalt  }
0x5f: {  	_ =	shalt  }
0x60: {  	_ =	shalt  }
0x61: {  	_ =	shalt  }
0x62: {  	_ =	shalt  }
0x63: {  	_ =	shalt  }
0x64: {  	_ =	shalt  }
0x65: {  	_ =	shalt  }
0x66: {  	_ =	shalt  }
0x67: {  	_ =	shalt  }
0x68: {  	_ =	shalt  }
0x69: {  	_ =	shalt  }
0x6a: {  	_ =	shalt  }
0x6b: {  	_ =	shalt  }
0x6c: {  	_ =	shalt  }
0x6d: {  	_ =	shalt  }
0x6e: {  	_ =	shalt  }
0x6f: {  	_ =	shalt  }
0x70: {  	_ =	shalt  }
0x71: {  	_ =	shalt  }
0x72: {  	_ =	shalt  }
0x73: {  	_ =	shalt  }
0x74: {  	_ =	shalt  }
0x75: {  	_ =	shalt  }
0x76: {  	_ =	shalt  }
0x77: {  	_ =	shalt  }
0x78: {  	_ =	shalt  }
0x79: {  	_ =	shalt  }
0x7a: {  	_ =	shalt  }
0x7b: {  	_ =	shalt  }
0x7c: {  	_ =	shalt  }
0x7d: {  	_ =	shalt  }
0x7e: {  	_ =	shalt  }
0x7f: {  	_ =	shalt  }
0x80: {  	_ =	shalt  }
0x81: {  	_ =	shalt  }
0x82: {  	_ =	shalt  }
0x83: {  	_ =	shalt  }
0x84: {  	_ =	shalt  }
0x85: {  	_ =	shalt  }
0x86: {  	_ =	shalt  }
0x87: {  	_ =	shalt  }
.Lfunc_end0:
.L_simem_size_0:
called_computation.2_lowered:
.L_overlay_start_0:
0x88: {  	s2 =	sld [smem:$0x3FD9]  }
0x89: {  	s3 =	sld [smem:$0x3FFE];
	_ =	sdelay $0x1  }
0x8a: {  	s1 =	srdreg.scid  }
0x8b: {  	s0 =	sand.u32 $0x1, s1  }
0x8c: {  	s17 =	sshll.u32 s0, $0xA;
	s2 =	sadd.s32 s3, s2  }
0x8d: {  	s2 =	sadd.s32 s2, s17  }
0x8e: {  	[smem:$0x3FC0] =	sst s2  }
0x8f: {  	_ = 	snop  }
0x90: {  	(tm) =	ssettm $0x1  }
0x91: {  	s18 =	sld [smem:$0x3FFB];
	_ =	sdelay $0x3  }
0x92: {  	_ =	strace s18  }
0x93: {  	s2 =	sld [smem:$0x3FFC];
	_ =	sdelay $0x3  }
0x94: {  	_ =	strace s2  }
0x95: {  	s2 =	sld [smem:$0x3FFD];
	_ =	sdelay $0x3  }
0x96: {  	_ =	strace s2  }
0x97: {  	_ =	strace $0x8FFFFFFF  }
0x98: {  	s19 =	sld [smem:$0x3FDB];
	_ =	sdelay $0x1  }
0x99: {  	s20 =	simm.s32 $_scs_section_size  }
0x9a: {  	s4 =	simm.s32 $_size__tile_overlayer_lowered;
	s5 =	simm.s32 $_tile_overlayer_lowered  }
0x9b: {  	s6 =	simm.s32 $0x1BFF;
	s21 =	sshll.u32 s5, $0x1;
	s3 =	sadd.s32 s20, s19  }
0x9c: {  	s22 =	simm.s32 $0x0;
	s4 =	sshll.u32 s4, $0x1;
	s5 =	sadd.s32 s21, s3  }
0x9d: {  	[timem:s22], [sflag:s6] =	dma.local [hbm:s5], s4  }
0x9e: {  	_ =	swait.ge [sflag:s6], s4  }
0x9f: {  	s4 =	ssub.s32 $0x0, s4;
	[sflag:s6] =	ssyncset.done $0x0  }
0xa0: {  	[sflag:s6] =	ssyncadd.s32 s4;
	_ =	sdelay $0x1  }
0xa1: {  	s23 =	simm.s32 $0x1B8B  }
0xa2: {  	_ =	swait.ge [sflag:s23], $0x1  }
0xa3: {  	[sflag:s23] =	ssyncset.done $0x0  }
0xa4: {  	[sflag:s23] =	ssyncadd.s32 $0xFFFFFFFF  }
0xa5: {  	s4 =	sld [smem:$0x0]  }
0xa6: {  	s5 =	sand.u32 $0xFFFFFFFE, s1  }
0xa7: {  	p0 =	sne.s32 s1, s5  }
0xa8: {  	s5 =	sshll.u32 @p0 s5, $0xE  }
0xa9: {  	s5 =	sadd.s32 @p0 $0x11B8D, s5;
	s6 =	sshll.u32 @p0 s4, $0x11  }
0xaa: {  	s5 =	sor.u32 @p0 s6, s5  }
0xab: {  	[sflag:s5] =	ssyncadd.remote.s32 @p0 $0x1;
	_ =	sdelay $0x1  }
0xac: {  	s5 =	simm.s32 @p0 $0x1B8D  }
0xad: {  	_ =	swait.eq @p0 [sflag:s5], $0x1  }
0xae: {  	[sflag:s5] =	ssyncadd.s32 @p0 $0xFFFFFFFF  }
0xaf: {  	s6 =	sshll.u32 @!p0 s1, $0xE  }
0xb0: {  	s6 =	sor.u32 @!p0 $0x4000, s6;
	s5 =	simm.s32 @!p0 $0x1B8D  }
0xb1: {  	s4 =	sshll.u32 @!p0 s4, $0x11;
	s6 =	sadd.s32 @!p0 $0x11B8D, s6;
	_ =	swait.eq @!p0 [sflag:s5], $0x1  }
0xb2: {  	s4 =	sor.u32 @!p0 s4, s6;
	[sflag:s5] =	ssyncadd.s32 @!p0 $0xFFFFFFFF  }
0xb3: {  	s25 =	simm.s32 $0x1B8E;
	s24 =	sld [smem:$0x3FFE];
	[sflag:s4] =	ssyncadd.remote.s32 @!p0 $0x1  }
0xb4: {  	s26 =	simm.s32 $execute0_lowered;
	[smem:$0x3FD2] =	sst s25  }
0xb5: {  	s5 =	sshll.u32 s26, $0x1;
	_ =	strace $0x8000004C;
	[dreg:$0x1] =	wrdreg $0xFFFFFFFF  }
0xb6: {  	s28 =	simm.s32 $_size_execute0_lowered;
	s3 =	sadd.s32 s3, s5;
	[dreg:$0x0] =	wrdreg $0x0  }
0xb7: {  	s5 =	sshll.u32 s28, $0x1;
	[dreg:$0x2] =	wrdreg s3  }
0xb8: {  	[dreg:$0x3] =	wrdreg s5  }
0xb9: {  	[dreg:$0x4] =	wrdreg $0xC0  }
0xba: {  	_ =	task [dreg:s22], $0x5FFFF  }
0xbb: {  	[dreg:$0x1] =	wrdreg $0xFFFFFFFF  }
0xbc: {  	[dreg:$0x0] =	wrdreg $0x60  }
0xbd: {  	[dreg:$0x2] =	wrdreg s24  }
0xbe: {  	[dreg:$0x3] =	wrdreg $0xA  }
0xbf: {  	_ =	task.clear_ibuf [dreg:s22], $0x4FFFF;
	_ =	strace $0x9000004C  }
0xc0: {  	s29 =	simm.s32 $0xA;
	_ =	strace $0x8000004E  }
0xc1: {  	_ =	swait.ge [sflag:s29], $0x1  }
0xc2: {  	[sflag:s29] =	ssyncadd.s32 $0xFFFFFFFF  }
0xc3: {  	_ =	strace $0x9000004E  }
0xc4: {  	_ =	sfence  }
0xc5: {  	s30 =	sld [smem:$0x0];
	_ =	sdelay $0x2  }
0xc6: {  	s31 =	sshll.u32 s1, $0xD;
	s1 =	sshrl.u32 s1, $0x2  }
0xc7: {  	s4 =	sand.u32 $0x4000, s31;
	s1 =	sadd.s32 s1, s30  }
0xc8: {  	s0 =	sor.u32 s4, s0;
	s1 =	sshll.u32 s1, $0x11  }
0xc9: {  	s0 =	sor.u32 s1, s0  }
0xca: {  	s0 =	sadd.s32 $0x8F2B, s0  }
0xcb: {  	[sflag:s0] =	ssyncadd.remote.s32 $0x1  }
0xcc: {  	_ =	sfence.sel $0xFFFF  }
0xcd: {  	[dreg:$0x0] =	wrdreg $0xFFFFFFFF;
	(pc) =	sbr.abs _section_cstart, $3  }
0xce: {  	[dreg:$0x1] =	wrdreg $0xFFFFFFFF  }
0xcf: {  	_ =	task.clear_ibuf [dreg:s22], $0x2FFFF;
	_ =	strace $0x9FFFFFFF  }
0xd0: {  	(tm) =	ssettm $0x7FFFFFFF  }
0xd1: {  	_ =	shalt  }
tec
execute0_lowered:
.L_overlay_start_1:
0x0: {  	(tag) =	ssettag $0x1  }
0x1: {  	s6 =	rddreg [dreg:$0x0];
	s1 =	srdreg.scid  }
0x2: {  	s0 =	rddreg [dreg:$0x1];
	s2 =	simm.s32 $0x0;
	s13 =	simm.s32 $0x15900  }
0x3: {  	s14 =	simm.s32 $0x1;
	s15 =	simm.s32 $0x2;
	s7 =	sand.u32 $0x1, s1  }
0x4: {  	s16 =	simm.s32 $0x3;
	s1 =	stileid.u32;
	s5 =	smul.u32 $0x140000, s7  }
0x5: {  	s17 =	simm.s32 $0x0;
	[smem:$0x7FF] =	sst s2;
	s8 =	smul.u32 $0x14000, s1  }
0x6: {  	s3 =	sadd.s32 $0x286E00, s6;
	s4 =	sadd.s32 $0xA000, s6;
	s9 =	smul.u32 $0xFA0000, s7  }
0x7: {  	_ =	strace $0x8000004D;
	s10 =	smul.u32 $0xFA000, s1;
	s28 =	ssub.s32 $0x2, s7  }
.Ltmp0:
0x8: {  	s12 =	sshrl.u32 s28, $0x1;
	s5 =	sadd.s32 s8, s5;
	(pc) =	sbr.rel .LBB2_1-.Ltmp0, $4  }
0x9: {  	s30 =	ssub.s32 s28, s12;
	s12 =	simm.s32 $0x14280;
	s11 =	sshrl.u32 s5, $0x3  }
0xa: {  	s5 =	sadd.s32 s10, s9;
	s9 =	smax.u32 s30, $0x1;
	s10 =	simm.s32 $0x14000  }
0xb: {  	s29 =	sadd.s32 s11, s6;
	s31 =	sshrl.u32 s5, $0x3;
	s6 =	smul.u32 $0x1F400, s7  }
0xc: {  	v0 =	vimm.f32 $-Inf;
	v1 =	vimm.f32 $0.0e+00;
	s11 =	simm.s32 $0x14500;
	s7 =	sadd.s32 s3, s31;
	s8 =	sadd.s32 $0x11E00, s29  }
.LBB2_45:
0xd: {  	s17 =	sadd.s32 $0x1, s17  }
0xe: {  	p0 =	sne.s32 s17, s9  }
.Ltmp1:
0xf: {  	_ = 	snop;
	(pc) =	sbr.rel @!p0 .LBB2_46-.Ltmp1, $4  }
0x10: {  	[hbm4b:s8+s2] =	stream.linear.scatter [tilespmem:s2], [sflag:$0x3], $0x14000, $0x38;
	[tilespmem:$0x16D00] =	vst v63  }
0x11: {  	_ =	swait.ge [sflag:s16], $0x14000  }
0x12: {  	[sflag:s16] =	ssyncset.done $0x0  }
0x13: {  	[sflag:s16] =	ssyncadd.s32 $0xFFFEC000  }
.LBB2_1:
0x14: {  	s18 =	sand.u32 $0x70, s2;
	s19 =	sand.u32 $0x1FC00, s2  }
0x15: {  	s18 =	sor.u32 s18, s19  }
0x16: {  	[tilespmem:s18+$0x80] =	vst v0  }
0x17: {  	[tilespmem:s18+$0x100] =	vst v0  }
0x18: {  	s22 =	sand.u32 $0x7, s2;
	[tilespmem:s18+$0x180] =	vst v0  }
0x19: {  	s20 =	simm.s32 $0x10;
	s21 =	simm.s32 $0x0;
	s19 =	simm.s32 $0x0;
	[tilespmem:s18+$0x200] =	vst v0  }
.LBB2_2:
0x1a: {  	p0 =	sne.s32 s20, $0x27F0;
	s22 =	sshll.u32 s22, $0x4;
	[tilespmem:s18+$0x280] =	vst v0  }
0x1b: {  	s22 =	sadd.s32 s22, s19;
	[tilespmem:s18+$0x300] =	vst v0;
	s19 =	sadd.s32 $0x80, s19  }
0x1c: {  	s23 =	sand.u32 $0x70, s20;
	s24 =	sand.u32 $0x1FC00, s19;
	[tilespmem:s18+$0x0] =	vst v0;
	s22 =	sor.u32 $0x380, s22  }
.Ltmp2:
0x1d: {  	s18 =	sor.u32 s23, s24;
	[tilespmem:s22+$0x0] =	vst v0;
	(pc) =	sbr.rel @p0 .LBB2_2-.Ltmp2, $4  }
0x1e: {  	[tilespmem:s18+$0x80] =	vst v0  }
0x1f: {  	[tilespmem:s18+$0x100] =	vst v0  }
0x20: {  	s21 =	sadd.s32 $0x1, s21;
	[tilespmem:s18+$0x180] =	vst v0  }
0x21: {  	s20 =	sadd.s32 $0x10, s20;
	s22 =	sand.u32 $0x7, s21;
	[tilespmem:s18+$0x200] =	vst v0  }
.Ltmp3:
0x22: {  	(pc) =	sbr.rel .LBB2_4-.Ltmp3, $4  }
0x23: {  	s20 =	sshll.u32 s22, $0x4;
	[tilespmem:s18+$0x280] =	vst v0  }
0x24: {  	[tilespmem:s18+$0x300] =	vst v0;
	s19 =	sadd.s32 s20, s19  }
0x25: {  	[tilespmem:s18+$0x0] =	vst v0;
	s31 =	sor.u32 $0x380, s19  }
0x26: {  	s18 =	simm.s32 $0x0;
	s19 =	simm.s32 $0x0;
	[tilespmem:s31+$0x0] =	vst v0  }
.LBB2_44:
0x27: {  	s19 =	sadd.s32 $0x1, s19  }
0x28: {  	p0 =	sne.s32 s19, $0x64  }
.Ltmp4:
0x29: {  	_ = 	snop;
	(pc) =	sbr.rel @!p0 .LBB2_45-.Ltmp4, $1  }
0x2a: {  	_ =	sdelay $0x3  }
.LBB2_4:
0x2b: {  	s20 =	smul.u32 $0x500, s19;
	_ =	sdelay $0x1  }
0x2c: {  	s22 =	smul.u32 $0x2800, s19;
	s21 =	sadd.s32 s6, s20  }
0x2d: {  	s21 =	sshrl.u32 s21, $0x3  }
0x2e: {  	s30 =	sadd.s32 s5, s22;
	s21 =	sadd.s32 s4, s21  }
0x2f: {  	[tilespmem:s10], [sflag:$0x1] =	stream.linear.gather [hbm4b:s21+s18], $0x280, $0x38;
	[tilespmem:$0x16D00] =	vst v63  }
0x30: {  	s20 =	sadd.s32 $0x280, s20;
	s21 =	sshrl.u32 s30, $0x3  }
0x31: {  	s31 =	sadd.s32 s6, s20;
	s21 =	sadd.s32 s3, s21  }
0x32: {  	[tilespmem:s11], [sflag:$0x1] =	stream.linear.gather [hbm4b:s21+s18], $0x1400, $0x38;
	[tilespmem:$0x16D00] =	vst v63  }
0x33: {  	s21 =	sshrl.u32 s31, $0x3  }
0x34: {  	s21 =	sadd.s32 s4, s21  }
0x35: {  	[tilespmem:s12], [sflag:$0x2] =	stream.linear.gather [hbm4b:s21+s18], $0x280, $0x38;
	[tilespmem:$0x16D00] =	vst v63  }
0x36: {  	s20 =	sadd.s32 s20, s7  }
0x37: {  	[tilespmem:s13], [sflag:$0x2] =	stream.linear.gather [hbm4b:s20+s18], $0x1400, $0x38;
	[tilespmem:$0x16D00] =	vst v63  }
0x38: {  	_ =	swait.ge [sflag:s14], $0x280  }
.Ltmp5:
0x39: {  	[sflag:s14] =	ssyncset.done $0x0;
	(pc) =	sbr.rel .LBB2_5-.Ltmp5, $4  }
0x3a: {  	[sflag:s14] =	ssyncadd.s32 $0xFFFFFD80  }
0x3b: {  	_ =	swait.ge [sflag:s14], $0x1400  }
0x3c: {  	[sflag:s14] =	ssyncset.done $0x0  }
0x3d: {  	s20 =	simm.s32 $0x0;
	[sflag:s14] =	ssyncadd.s32 $0xFFFFEC00  }
.LBB2_6:
0x3e: {  	_ =	sdelay $0x2  }
0x3f: {  	v4 =	vmax.f32 v5, v4  }
0x40: {  	[tilespmem:v2+s2+$0x0] =	vst.idx.msk $0xffff, v4  }
0x41: {  	v4 =	vld [tilespmem:s21+$0x80]  }
0x42: {  	v54 =	vld.idx.msk [tilespmem:v3+s2+$0x0], $0xffff;
	_ =	sdelay $0x2  }
0x43: {  	v6 =	vor.u32 $0x100, v2;
	_ =	sdelay $0x1  }
0x44: {  	v4 =	vmax.f32 v54, v4  }
0x45: {  	[tilespmem:v3+s2+$0x0] =	vst.idx.msk $0xffff, v4  }
0x46: {  	v3 =	vld [tilespmem:s21+$0x100]  }
0x47: {  	v4 =	vld.idx.msk [tilespmem:v6+s2+$0x0], $0xffff;
	_ =	sdelay $0x2  }
0x48: {  	v55 =	vor.u32 $0x180, v2;
	_ =	sdelay $0x1  }
0x49: {  	v3 =	vmax.f32 v4, v3  }
0x4a: {  	[tilespmem:v6+s2+$0x0] =	vst.idx.msk $0xffff, v3  }
0x4b: {  	v3 =	vld [tilespmem:s21+$0x180]  }
0x4c: {  	v56 =	vld.idx.msk [tilespmem:v55+s2+$0x0], $0xffff;
	_ =	sdelay $0x2  }
0x4d: {  	v57 =	vor.u32 $0x200, v2;
	_ =	sdelay $0x1  }
0x4e: {  	v3 =	vmax.f32 v56, v3  }
0x4f: {  	[tilespmem:v55+s2+$0x0] =	vst.idx.msk $0xffff, v3  }
0x50: {  	v3 =	vld [tilespmem:s21+$0x200]  }
0x51: {  	v58 =	vld.idx.msk [tilespmem:v57+s2+$0x0], $0xffff;
	_ =	sdelay $0x2  }
0x52: {  	v59 =	vor.u32 $0x280, v2;
	_ =	sdelay $0x1  }
0x53: {  	v3 =	vmax.f32 v58, v3  }
0x54: {  	[tilespmem:v57+s2+$0x0] =	vst.idx.msk $0xffff, v3  }
0x55: {  	v3 =	vld [tilespmem:s21+$0x280]  }
0x56: {  	v60 =	vld.idx.msk [tilespmem:v59+s2+$0x0], $0xffff;
	_ =	sdelay $0x2  }
0x57: {  	v61 =	vor.u32 $0x300, v2;
	_ =	sdelay $0x1  }
0x58: {  	v3 =	vmax.f32 v60, v3  }
0x59: {  	[tilespmem:v59+s2+$0x0] =	vst.idx.msk $0xffff, v3  }
0x5a: {  	v3 =	vld [tilespmem:s21+$0x300]  }
0x5b: {  	v62 =	vld.idx.msk [tilespmem:v61+s2+$0x0], $0xffff;
	_ =	sdelay $0x2  }
0x5c: {  	v2 =	vor.u32 $0x380, v2;
	_ =	sdelay $0x1  }
0x5d: {  	v3 =	vmax.f32 v62, v3  }
0x5e: {  	[tilespmem:v61+s2+$0x0] =	vst.idx.msk $0xffff, v3  }
0x5f: {  	v3 =	vld [tilespmem:s21+$0x380]  }
0x60: {  	v63 =	vld.idx.msk [tilespmem:v2+s2+$0x0], $0xffff;
	_ =	sdelay $0x4  }
0x61: {  	v3 =	vmax.f32 v63, v3  }
0x62: {  	[tilespmem:v2+s2+$0x0] =	vst.idx.msk $0xffff, v3  }
.LBB2_23:
0x63: {  	s20 =	sadd.s32 $0x1, s20  }
0x64: {  	p0 =	sne.s32 s20, $0x28  }
.Ltmp6:
0x65: {  	_ = 	snop;
	(pc) =	sbr.rel @!p0 .LBB2_24-.Ltmp6, $1  }
0x66: {  	_ =	sdelay $0x3  }
.LBB2_5:
0x67: {  	s21 =	sshll.u32 s20, $0x4  }
0x68: {  	v2 =	vld [tilespmem:s21+$0x14000];
	_ =	sdelay $0x4  }
0x69: {  	(xrf1) =	vunique.msk.u32 $0xffff, v2;
	_ =	sdelay $0xd  }
0x6a: {  	_, v3, vm0 =	vpop (xrf1)  }
0x6b: {  	v3 =	vsel vm0, $0x3F800000, v1  }
0x6c: {  	(xrf0) =	vmin.scan.msk.f32 $0xffff, v3;
	_ =	sdelay $0x5  }
0x6d: {  	v3, _, _ =	vpop (xrf0)  }
0x6e: {  	(v2sf) =	vpush v3, $0xF;
	_ =	sdelay $0xc  }
0x6f: {  	v3 =	vshll.u32 v2, $0x3  }
0x70: {  	v2 =	vand.u32 $0x7F, v2;
	v3 =	vand.u32 $0xFFFFFC00, v3  }
0x71: {  	v2 =	vor.u32 v2, v3;
	s23 =	spop (v2sf)  }
0x72: {  	s22 =	sshll.u32 s20, $0x7;
	p0 =	sgt.f32 s23, $0.0e+00  }
.Ltmp7:
0x73: {  	s21 =	sand.u32 $0x70, s21;
	s22 =	sand.u32 $0x1FFFFC00, s22;
	v3 =	vor.u32 $0x80, v2;
	(pc) =	sbr.rel @p0 .LBB2_6-.Ltmp7, $4  }
0x74: {  	s21 =	sor.u32 s21, s22  }
0x75: {  	v4 =	vld [tilespmem:s21+$0x14500]  }
0x76: {  	v5 =	vld.idx.msk [tilespmem:v2+s2+$0x0], $0xffff  }
0x77: {  	s21 =	sadd.s32 $0x14500, s21  }
0x78: {  	_ =	sdelay $0x2  }
0x79: {  	vm0 =	vgt.f32 v4, v5;
	_ =	sdelay $0x5  }
0x7a: {  	[tilespmem:v2+s2+$0x0] =	vst.idx.msk vm0, v4  }
0x7b: {  	v5 =	vld.idx.msk [tilespmem:v2+s2+$0x0], $0xffff;
	_ =	sdelay $0x4  }
0x7c: {  	vm15 =	vgt.f32 v4, v5  }
0x7d: {  	v5 =	vsel vm15, $0x3F800000, v1  }
0x7e: {  	(xrf0) =	vmax.scan.msk.f32 $0xffff, v5;
	_ =	sdelay $0x5  }
0x7f: {  	v5, _, _ =	vpop (xrf0)  }
0x80: {  	(v2sf) =	vpush v5, $0xF;
	_ =	sdelay $0xe  }
0x81: {  	s22 =	spop (v2sf)  }
0x82: {  	p0 =	sgt.f32 s22, $0.0e+00  }
.Ltmp8:
0x83: {  	_ = 	snop;
	(pc) =	sbr.rel @!p0 .LBB2_9-.Ltmp8, $1  }
0x84: {  	_ =	sdelay $0x3  }
.LBB2_8:
0x85: {  	v5 =	vld.idx.msk [tilespmem:v2+s2+$0x0], $0xffff;
	_ =	sdelay $0x4  }
0x86: {  	vm0 =	vgt.f32 v4, v5;
	_ =	sdelay $0x5  }
0x87: {  	[tilespmem:v2+s2+$0x0] =	vst.idx.msk vm0, v4  }
0x88: {  	v5 =	vld.idx.msk [tilespmem:v2+s2+$0x0], $0xffff;
	_ =	sdelay $0x4  }
0x89: {  	vm15 =	vgt.f32 v4, v5  }
0x8a: {  	v5 =	vsel vm15, $0x3F800000, v1  }
0x8b: {  	(xrf0) =	vmax.scan.msk.f32 $0xffff, v5;
	_ =	sdelay $0x5  }
0x8c: {  	v5, _, _ =	vpop (xrf0)  }
0x8d: {  	(v2sf) =	vpush v5, $0xF;
	_ =	sdelay $0xe  }
0x8e: {  	s22 =	spop (v2sf)  }
0x8f: {  	p0 =	sgt.f32 s22, $0.0e+00  }
.Ltmp9:
0x90: {  	_ = 	snop;
	(pc) =	sbr.rel @p0 .LBB2_8-.Ltmp9, $1  }
0x91: {  	_ =	sdelay $0x3  }
.LBB2_9:
0x92: {  	_ =	sdelay $0x2  }
0x93: {  	v4 =	vld [tilespmem:s21+$0x80]  }
0x94: {  	v5 =	vld.idx.msk [tilespmem:v3+s2+$0x0], $0xffff;
	_ =	sdelay $0x4  }
0x95: {  	vm0 =	vgt.f32 v4, v5;
	_ =	sdelay $0x5  }
0x96: {  	[tilespmem:v3+s2+$0x0] =	vst.idx.msk vm0, v4  }
0x97: {  	v5 =	vld.idx.msk [tilespmem:v3+s2+$0x0], $0xffff;
	_ =	sdelay $0x4  }
0x98: {  	vm15 =	vgt.f32 v4, v5  }
0x99: {  	v5 =	vsel vm15, $0x3F800000, v1  }
0x9a: {  	(xrf0) =	vmax.scan.msk.f32 $0xffff, v5;
	_ =	sdelay $0x5  }
0x9b: {  	v5, _, _ =	vpop (xrf0)  }
0x9c: {  	(v2sf) =	vpush v5, $0xF;
	_ =	sdelay $0xe  }
0x9d: {  	s22 =	spop (v2sf)  }
0x9e: {  	p0 =	sgt.f32 s22, $0.0e+00  }
.Ltmp10:
0x9f: {  	_ = 	snop;
	(pc) =	sbr.rel @!p0 .LBB2_11-.Ltmp10, $1  }
0xa0: {  	_ =	sdelay $0x3  }
.LBB2_10:
0xa1: {  	v5 =	vld.idx.msk [tilespmem:v3+s2+$0x0], $0xffff;
	_ =	sdelay $0x4  }
0xa2: {  	vm0 =	vgt.f32 v4, v5;
	_ =	sdelay $0x5  }
0xa3: {  	[tilespmem:v3+s2+$0x0] =	vst.idx.msk vm0, v4  }
0xa4: {  	v5 =	vld.idx.msk [tilespmem:v3+s2+$0x0], $0xffff;
	_ =	sdelay $0x4  }
0xa5: {  	vm15 =	vgt.f32 v4, v5  }
0xa6: {  	v5 =	vsel vm15, $0x3F800000, v1  }
0xa7: {  	(xrf0) =	vmax.scan.msk.f32 $0xffff, v5;
	_ =	sdelay $0x5  }
0xa8: {  	v5, _, _ =	vpop (xrf0)  }
0xa9: {  	(v2sf) =	vpush v5, $0xF;
	_ =	sdelay $0xe  }
0xaa: {  	s22 =	spop (v2sf)  }
0xab: {  	p0 =	sgt.f32 s22, $0.0e+00  }
.Ltmp11:
0xac: {  	_ = 	snop;
	(pc) =	sbr.rel @p0 .LBB2_10-.Ltmp11, $1  }
0xad: {  	_ =	sdelay $0x3  }
.LBB2_11:
0xae: {  	v3 =	vor.u32 $0x100, v2;
	_ =	sdelay $0x3  }
0xaf: {  	v4 =	vld [tilespmem:s21+$0x100]  }
0xb0: {  	v5 =	vld.idx.msk [tilespmem:v3+s2+$0x0], $0xffff;
	_ =	sdelay $0x4  }
0xb1: {  	vm0 =	vgt.f32 v4, v5;
	_ =	sdelay $0x5  }
0xb2: {  	[tilespmem:v3+s2+$0x0] =	vst.idx.msk vm0, v4  }
0xb3: {  	v5 =	vld.idx.msk [tilespmem:v3+s2+$0x0], $0xffff;
	_ =	sdelay $0x4  }
0xb4: {  	vm15 =	vgt.f32 v4, v5  }
0xb5: {  	v5 =	vsel vm15, $0x3F800000, v1  }
0xb6: {  	(xrf0) =	vmax.scan.msk.f32 $0xffff, v5;
	_ =	sdelay $0x5  }
0xb7: {  	v5, _, _ =	vpop (xrf0)  }
0xb8: {  	(v2sf) =	vpush v5, $0xF;
	_ =	sdelay $0xe  }
0xb9: {  	s22 =	spop (v2sf)  }
0xba: {  	p0 =	sgt.f32 s22, $0.0e+00  }
.Ltmp12:
0xbb: {  	_ = 	snop;
	(pc) =	sbr.rel @!p0 .LBB2_13-.Ltmp12, $1  }
0xbc: {  	_ =	sdelay $0x3  }
.LBB2_12:
0xbd: {  	v5 =	vld.idx.msk [tilespmem:v3+s2+$0x0], $0xffff;
	_ =	sdelay $0x4  }
0xbe: {  	vm0 =	vgt.f32 v4, v5;
	_ =	sdelay $0x5  }
0xbf: {  	[tilespmem:v3+s2+$0x0] =	vst.idx.msk vm0, v4  }
0xc0: {  	v5 =	vld.idx.msk [tilespmem:v3+s2+$0x0], $0xffff;
	_ =	sdelay $0x4  }
0xc1: {  	vm15 =	vgt.f32 v4, v5  }
0xc2: {  	v5 =	vsel vm15, $0x3F800000, v1  }
0xc3: {  	(xrf0) =	vmax.scan.msk.f32 $0xffff, v5;
	_ =	sdelay $0x5  }
0xc4: {  	v5, _, _ =	vpop (xrf0)  }
0xc5: {  	(v2sf) =	vpush v5, $0xF;
	_ =	sdelay $0xe  }
0xc6: {  	s22 =	spop (v2sf)  }
0xc7: {  	p0 =	sgt.f32 s22, $0.0e+00  }
.Ltmp13:
0xc8: {  	_ = 	snop;
	(pc) =	sbr.rel @p0 .LBB2_12-.Ltmp13, $1  }
0xc9: {  	_ =	sdelay $0x3  }
.LBB2_13:
0xca: {  	v3 =	vor.u32 $0x180, v2;
	_ =	sdelay $0x3  }
0xcb: {  	v4 =	vld [tilespmem:s21+$0x180]  }
0xcc: {  	v5 =	vld.idx.msk [tilespmem:v3+s2+$0x0], $0xffff;
	_ =	sdelay $0x4  }
0xcd: {  	vm0 =	vgt.f32 v4, v5;
	_ =	sdelay $0x5  }
0xce: {  	[tilespmem:v3+s2+$0x0] =	vst.idx.msk vm0, v4  }
0xcf: {  	v5 =	vld.idx.msk [tilespmem:v3+s2+$0x0], $0xffff;
	_ =	sdelay $0x4  }
0xd0: {  	vm15 =	vgt.f32 v4, v5  }
0xd1: {  	v5 =	vsel vm15, $0x3F800000, v1  }
0xd2: {  	(xrf0) =	vmax.scan.msk.f32 $0xffff, v5;
	_ =	sdelay $0x5  }
0xd3: {  	v5, _, _ =	vpop (xrf0)  }
0xd4: {  	(v2sf) =	vpush v5, $0xF;
	_ =	sdelay $0xe  }
0xd5: {  	s22 =	spop (v2sf)  }
0xd6: {  	p0 =	sgt.f32 s22, $0.0e+00  }
.Ltmp14:
0xd7: {  	_ = 	snop;
	(pc) =	sbr.rel @!p0 .LBB2_15-.Ltmp14, $1  }
0xd8: {  	_ =	sdelay $0x3  }
.LBB2_14:
0xd9: {  	v5 =	vld.idx.msk [tilespmem:v3+s2+$0x0], $0xffff;
	_ =	sdelay $0x4  }
0xda: {  	vm0 =	vgt.f32 v4, v5;
	_ =	sdelay $0x5  }
0xdb: {  	[tilespmem:v3+s2+$0x0] =	vst.idx.msk vm0, v4  }
0xdc: {  	v5 =	vld.idx.msk [tilespmem:v3+s2+$0x0], $0xffff;
	_ =	sdelay $0x4  }
0xdd: {  	vm15 =	vgt.f32 v4, v5  }
0xde: {  	v5 =	vsel vm15, $0x3F800000, v1  }
0xdf: {  	(xrf0) =	vmax.scan.msk.f32 $0xffff, v5;
	_ =	sdelay $0x5  }
0xe0: {  	v5, _, _ =	vpop (xrf0)  }
0xe1: {  	(v2sf) =	vpush v5, $0xF;
	_ =	sdelay $0xe  }
0xe2: {  	s22 =	spop (v2sf)  }
0xe3: {  	p0 =	sgt.f32 s22, $0.0e+00  }
.Ltmp15:
0xe4: {  	_ = 	snop;
	(pc) =	sbr.rel @p0 .LBB2_14-.Ltmp15, $1  }
0xe5: {  	_ =	sdelay $0x3  }
.LBB2_15:
0xe6: {  	v3 =	vor.u32 $0x200, v2;
	_ =	sdelay $0x3  }
0xe7: {  	v4 =	vld [tilespmem:s21+$0x200]  }
0xe8: {  	v5 =	vld.idx.msk [tilespmem:v3+s2+$0x0], $0xffff;
	_ =	sdelay $0x4  }
0xe9: {  	vm0 =	vgt.f32 v4, v5;
	_ =	sdelay $0x5  }
0xea: {  	[tilespmem:v3+s2+$0x0] =	vst.idx.msk vm0, v4  }
0xeb: {  	v5 =	vld.idx.msk [tilespmem:v3+s2+$0x0], $0xffff;
	_ =	sdelay $0x4  }
0xec: {  	vm15 =	vgt.f32 v4, v5  }
0xed: {  	v5 =	vsel vm15, $0x3F800000, v1  }
0xee: {  	(xrf0) =	vmax.scan.msk.f32 $0xffff, v5;
	_ =	sdelay $0x5  }
0xef: {  	v5, _, _ =	vpop (xrf0)  }
0xf0: {  	(v2sf) =	vpush v5, $0xF;
	_ =	sdelay $0xe  }
0xf1: {  	s22 =	spop (v2sf)  }
0xf2: {  	p0 =	sgt.f32 s22, $0.0e+00  }
.Ltmp16:
0xf3: {  	_ = 	snop;
	(pc) =	sbr.rel @!p0 .LBB2_17-.Ltmp16, $1  }
0xf4: {  	_ =	sdelay $0x3  }
.LBB2_16:
0xf5: {  	v5 =	vld.idx.msk [tilespmem:v3+s2+$0x0], $0xffff;
	_ =	sdelay $0x4  }
0xf6: {  	vm0 =	vgt.f32 v4, v5;
	_ =	sdelay $0x5  }
0xf7: {  	[tilespmem:v3+s2+$0x0] =	vst.idx.msk vm0, v4  }
0xf8: {  	v5 =	vld.idx.msk [tilespmem:v3+s2+$0x0], $0xffff;
	_ =	sdelay $0x4  }
0xf9: {  	vm15 =	vgt.f32 v4, v5  }
0xfa: {  	v5 =	vsel vm15, $0x3F800000, v1  }
0xfb: {  	(xrf0) =	vmax.scan.msk.f32 $0xffff, v5;
	_ =	sdelay $0x5  }
0xfc: {  	v5, _, _ =	vpop (xrf0)  }
0xfd: {  	(v2sf) =	vpush v5, $0xF;
	_ =	sdelay $0xe  }
0xfe: {  	s22 =	spop (v2sf)  }
0xff: {  	p0 =	sgt.f32 s22, $0.0e+00  }
.Ltmp17:
0x100: {  	_ = 	snop;
	(pc) =	sbr.rel @p0 .LBB2_16-.Ltmp17, $1  }
0x101: {  	_ =	sdelay $0x3  }
.LBB2_17:
0x102: {  	v3 =	vor.u32 $0x280, v2;
	_ =	sdelay $0x3  }
0x103: {  	v4 =	vld [tilespmem:s21+$0x280]  }
0x104: {  	v5 =	vld.idx.msk [tilespmem:v3+s2+$0x0], $0xffff;
	_ =	sdelay $0x4  }
0x105: {  	vm0 =	vgt.f32 v4, v5;
	_ =	sdelay $0x5  }
0x106: {  	[tilespmem:v3+s2+$0x0] =	vst.idx.msk vm0, v4  }
0x107: {  	v5 =	vld.idx.msk [tilespmem:v3+s2+$0x0], $0xffff;
	_ =	sdelay $0x4  }
0x108: {  	vm15 =	vgt.f32 v4, v5  }
0x109: {  	v5 =	vsel vm15, $0x3F800000, v1  }
0x10a: {  	(xrf0) =	vmax.scan.msk.f32 $0xffff, v5;
	_ =	sdelay $0x5  }
0x10b: {  	v5, _, _ =	vpop (xrf0)  }
0x10c: {  	(v2sf) =	vpush v5, $0xF;
	_ =	sdelay $0xe  }
0x10d: {  	s22 =	spop (v2sf)  }
0x10e: {  	p0 =	sgt.f32 s22, $0.0e+00  }
.Ltmp18:
0x10f: {  	_ = 	snop;
	(pc) =	sbr.rel @!p0 .LBB2_19-.Ltmp18, $1  }
0x110: {  	_ =	sdelay $0x3  }
.LBB2_18:
0x111: {  	v5 =	vld.idx.msk [tilespmem:v3+s2+$0x0], $0xffff;
	_ =	sdelay $0x4  }
0x112: {  	vm0 =	vgt.f32 v4, v5;
	_ =	sdelay $0x5  }
0x113: {  	[tilespmem:v3+s2+$0x0] =	vst.idx.msk vm0, v4  }
0x114: {  	v5 =	vld.idx.msk [tilespmem:v3+s2+$0x0], $0xffff;
	_ =	sdelay $0x4  }
0x115: {  	vm15 =	vgt.f32 v4, v5  }
0x116: {  	v5 =	vsel vm15, $0x3F800000, v1  }
0x117: {  	(xrf0) =	vmax.scan.msk.f32 $0xffff, v5;
	_ =	sdelay $0x5  }
0x118: {  	v5, _, _ =	vpop (xrf0)  }
0x119: {  	(v2sf) =	vpush v5, $0xF;
	_ =	sdelay $0xe  }
0x11a: {  	s22 =	spop (v2sf)  }
0x11b: {  	p0 =	sgt.f32 s22, $0.0e+00  }
.Ltmp19:
0x11c: {  	_ = 	snop;
	(pc) =	sbr.rel @p0 .LBB2_18-.Ltmp19, $1  }
0x11d: {  	_ =	sdelay $0x3  }
.LBB2_19:
0x11e: {  	v3 =	vor.u32 $0x300, v2;
	_ =	sdelay $0x3  }
0x11f: {  	v4 =	vld [tilespmem:s21+$0x300]  }
0x120: {  	v5 =	vld.idx.msk [tilespmem:v3+s2+$0x0], $0xffff;
	_ =	sdelay $0x4  }
0x121: {  	vm0 =	vgt.f32 v4, v5;
	_ =	sdelay $0x5  }
0x122: {  	[tilespmem:v3+s2+$0x0] =	vst.idx.msk vm0, v4  }
0x123: {  	v5 =	vld.idx.msk [tilespmem:v3+s2+$0x0], $0xffff;
	_ =	sdelay $0x4  }
0x124: {  	vm15 =	vgt.f32 v4, v5  }
0x125: {  	v5 =	vsel vm15, $0x3F800000, v1  }
0x126: {  	(xrf0) =	vmax.scan.msk.f32 $0xffff, v5;
	_ =	sdelay $0x5  }
0x127: {  	v5, _, _ =	vpop (xrf0)  }
0x128: {  	(v2sf) =	vpush v5, $0xF;
	_ =	sdelay $0xe  }
0x129: {  	s22 =	spop (v2sf)  }
0x12a: {  	p0 =	sgt.f32 s22, $0.0e+00  }
.Ltmp20:
0x12b: {  	_ = 	snop;
	(pc) =	sbr.rel @!p0 .LBB2_21-.Ltmp20, $1  }
0x12c: {  	_ =	sdelay $0x3  }
.LBB2_20:
0x12d: {  	v5 =	vld.idx.msk [tilespmem:v3+s2+$0x0], $0xffff;
	_ =	sdelay $0x4  }
0x12e: {  	vm0 =	vgt.f32 v4, v5;
	_ =	sdelay $0x5  }
0x12f: {  	[tilespmem:v3+s2+$0x0] =	vst.idx.msk vm0, v4  }
0x130: {  	v5 =	vld.idx.msk [tilespmem:v3+s2+$0x0], $0xffff;
	_ =	sdelay $0x4  }
0x131: {  	vm15 =	vgt.f32 v4, v5  }
0x132: {  	v5 =	vsel vm15, $0x3F800000, v1  }
0x133: {  	(xrf0) =	vmax.scan.msk.f32 $0xffff, v5;
	_ =	sdelay $0x5  }
0x134: {  	v5, _, _ =	vpop (xrf0)  }
0x135: {  	(v2sf) =	vpush v5, $0xF;
	_ =	sdelay $0xe  }
0x136: {  	s22 =	spop (v2sf)  }
0x137: {  	p0 =	sgt.f32 s22, $0.0e+00  }
.Ltmp21:
0x138: {  	_ = 	snop;
	(pc) =	sbr.rel @p0 .LBB2_20-.Ltmp21, $1  }
0x139: {  	_ =	sdelay $0x3  }
.LBB2_21:
0x13a: {  	v2 =	vor.u32 $0x380, v2;
	_ =	sdelay $0x3  }
0x13b: {  	v3 =	vld [tilespmem:s21+$0x380]  }
0x13c: {  	v4 =	vld.idx.msk [tilespmem:v2+s2+$0x0], $0xffff;
	_ =	sdelay $0x4  }
0x13d: {  	vm0 =	vgt.f32 v3, v4;
	_ =	sdelay $0x5  }
0x13e: {  	[tilespmem:v2+s2+$0x0] =	vst.idx.msk vm0, v3  }
0x13f: {  	v4 =	vld.idx.msk [tilespmem:v2+s2+$0x0], $0xffff;
	_ =	sdelay $0x4  }
0x140: {  	vm15 =	vgt.f32 v3, v4  }
0x141: {  	v4 =	vsel vm15, $0x3F800000, v1  }
0x142: {  	(xrf0) =	vmax.scan.msk.f32 $0xffff, v4;
	_ =	sdelay $0x5  }
0x143: {  	v4, _, _ =	vpop (xrf0)  }
0x144: {  	(v2sf) =	vpush v4, $0xF;
	_ =	sdelay $0xe  }
0x145: {  	s31 =	spop (v2sf)  }
0x146: {  	p0 =	sgt.f32 s31, $0.0e+00  }
.Ltmp22:
0x147: {  	_ = 	snop;
	(pc) =	sbr.rel @!p0 .LBB2_23-.Ltmp22, $1  }
0x148: {  	_ =	sdelay $0x3  }
.LBB2_22:
0x149: {  	v4 =	vld.idx.msk [tilespmem:v2+s2+$0x0], $0xffff;
	_ =	sdelay $0x4  }
0x14a: {  	vm0 =	vgt.f32 v3, v4;
	_ =	sdelay $0x5  }
0x14b: {  	[tilespmem:v2+s2+$0x0] =	vst.idx.msk vm0, v3  }
0x14c: {  	v4 =	vld.idx.msk [tilespmem:v2+s2+$0x0], $0xffff;
	_ =	sdelay $0x4  }
0x14d: {  	vm15 =	vgt.f32 v3, v4  }
0x14e: {  	v4 =	vsel vm15, $0x3F800000, v1  }
0x14f: {  	(xrf0) =	vmax.scan.msk.f32 $0xffff, v4;
	_ =	sdelay $0x5  }
0x150: {  	v4, _, _ =	vpop (xrf0)  }
0x151: {  	(v2sf) =	vpush v4, $0xF;
	_ =	sdelay $0xe  }
0x152: {  	s21 =	spop (v2sf)  }
0x153: {  	p0 =	sgt.f32 s21, $0.0e+00  }
.Ltmp23:
0x154: {  	_ = 	snop;
	(pc) =	sbr.rel @p0 .LBB2_22-.Ltmp23, $1  }
0x155: {  	_ =	sdelay $0x3  }
.Ltmp24:
0x156: {  	_ = 	snop;
	(pc) =	sbr.rel .LBB2_23-.Ltmp24, $1  }
0x157: {  	_ =	sdelay $0x3  }
.LBB2_24:
0x158: {  	_ =	swait.ge [sflag:s15], $0x280  }
.Ltmp25:
0x159: {  	[sflag:s15] =	ssyncset.done $0x0;
	(pc) =	sbr.rel .LBB2_25-.Ltmp25, $4  }
0x15a: {  	[sflag:s15] =	ssyncadd.s32 $0xFFFFFD80  }
0x15b: {  	_ =	swait.ge [sflag:s15], $0x1400  }
0x15c: {  	[sflag:s15] =	ssyncset.done $0x0  }
0x15d: {  	s20 =	simm.s32 $0x0;
	[sflag:s15] =	ssyncadd.s32 $0xFFFFEC00  }
.LBB2_26:
0x15e: {  	_ =	sdelay $0x2  }
0x15f: {  	v4 =	vmax.f32 v5, v4  }
0x160: {  	[tilespmem:v2+s2+$0x0] =	vst.idx.msk $0xffff, v4  }
0x161: {  	v4 =	vld [tilespmem:s21+$0x80]  }
0x162: {  	v54 =	vld.idx.msk [tilespmem:v3+s2+$0x0], $0xffff;
	_ =	sdelay $0x2  }
0x163: {  	v6 =	vor.u32 $0x100, v2;
	_ =	sdelay $0x1  }
0x164: {  	v4 =	vmax.f32 v54, v4  }
0x165: {  	[tilespmem:v3+s2+$0x0] =	vst.idx.msk $0xffff, v4  }
0x166: {  	v3 =	vld [tilespmem:s21+$0x100]  }
0x167: {  	v4 =	vld.idx.msk [tilespmem:v6+s2+$0x0], $0xffff;
	_ =	sdelay $0x2  }
0x168: {  	v55 =	vor.u32 $0x180, v2;
	_ =	sdelay $0x1  }
0x169: {  	v3 =	vmax.f32 v4, v3  }
0x16a: {  	[tilespmem:v6+s2+$0x0] =	vst.idx.msk $0xffff, v3  }
0x16b: {  	v3 =	vld [tilespmem:s21+$0x180]  }
0x16c: {  	v56 =	vld.idx.msk [tilespmem:v55+s2+$0x0], $0xffff;
	_ =	sdelay $0x2  }
0x16d: {  	v57 =	vor.u32 $0x200, v2;
	_ =	sdelay $0x1  }
0x16e: {  	v3 =	vmax.f32 v56, v3  }
0x16f: {  	[tilespmem:v55+s2+$0x0] =	vst.idx.msk $0xffff, v3  }
0x170: {  	v3 =	vld [tilespmem:s21+$0x200]  }
0x171: {  	v58 =	vld.idx.msk [tilespmem:v57+s2+$0x0], $0xffff;
	_ =	sdelay $0x2  }
0x172: {  	v59 =	vor.u32 $0x280, v2;
	_ =	sdelay $0x1  }
0x173: {  	v3 =	vmax.f32 v58, v3  }
0x174: {  	[tilespmem:v57+s2+$0x0] =	vst.idx.msk $0xffff, v3  }
0x175: {  	v3 =	vld [tilespmem:s21+$0x280]  }
0x176: {  	v60 =	vld.idx.msk [tilespmem:v59+s2+$0x0], $0xffff;
	_ =	sdelay $0x2  }
0x177: {  	v61 =	vor.u32 $0x300, v2;
	_ =	sdelay $0x1  }
0x178: {  	v3 =	vmax.f32 v60, v3  }
0x179: {  	[tilespmem:v59+s2+$0x0] =	vst.idx.msk $0xffff, v3  }
0x17a: {  	v3 =	vld [tilespmem:s21+$0x300]  }
0x17b: {  	v62 =	vld.idx.msk [tilespmem:v61+s2+$0x0], $0xffff;
	_ =	sdelay $0x2  }
0x17c: {  	v2 =	vor.u32 $0x380, v2;
	_ =	sdelay $0x1  }
0x17d: {  	v3 =	vmax.f32 v62, v3  }
0x17e: {  	[tilespmem:v61+s2+$0x0] =	vst.idx.msk $0xffff, v3  }
0x17f: {  	v3 =	vld [tilespmem:s21+$0x380]  }
0x180: {  	v63 =	vld.idx.msk [tilespmem:v2+s2+$0x0], $0xffff;
	_ =	sdelay $0x4  }
0x181: {  	v3 =	vmax.f32 v63, v3  }
0x182: {  	[tilespmem:v2+s2+$0x0] =	vst.idx.msk $0xffff, v3  }
.LBB2_43:
0x183: {  	s20 =	sadd.s32 $0x1, s20  }
0x184: {  	p0 =	sne.s32 s20, $0x28  }
.Ltmp26:
0x185: {  	_ = 	snop;
	(pc) =	sbr.rel @!p0 .LBB2_44-.Ltmp26, $1  }
0x186: {  	_ =	sdelay $0x3  }
.LBB2_25:
0x187: {  	s21 =	sshll.u32 s20, $0x4  }
0x188: {  	v2 =	vld [tilespmem:s21+$0x14280];
	_ =	sdelay $0x4  }
0x189: {  	(xrf1) =	vunique.msk.u32 $0xffff, v2;
	_ =	sdelay $0xd  }
0x18a: {  	_, v3, vm0 =	vpop (xrf1)  }
0x18b: {  	v3 =	vsel vm0, $0x3F800000, v1  }
0x18c: {  	(xrf0) =	vmin.scan.msk.f32 $0xffff, v3;
	_ =	sdelay $0x5  }
0x18d: {  	v3, _, _ =	vpop (xrf0)  }
0x18e: {  	(v2sf) =	vpush v3, $0xF;
	_ =	sdelay $0xc  }
0x18f: {  	v3 =	vshll.u32 v2, $0x3  }
0x190: {  	v2 =	vand.u32 $0x7F, v2;
	v3 =	vand.u32 $0xFFFFFC00, v3  }
0x191: {  	v2 =	vor.u32 v2, v3;
	s23 =	spop (v2sf)  }
0x192: {  	s22 =	sshll.u32 s20, $0x7;
	p0 =	sgt.f32 s23, $0.0e+00  }
.Ltmp27:
0x193: {  	s21 =	sand.u32 $0x70, s21;
	s22 =	sand.u32 $0x1FFFFC00, s22;
	v3 =	vor.u32 $0x80, v2;
	(pc) =	sbr.rel @p0 .LBB2_26-.Ltmp27, $4  }
0x194: {  	s21 =	sor.u32 s21, s22  }
0x195: {  	v4 =	vld [tilespmem:s21+$0x15900]  }
0x196: {  	v5 =	vld.idx.msk [tilespmem:v2+s2+$0x0], $0xffff  }
0x197: {  	s21 =	sadd.s32 $0x15900, s21  }
0x198: {  	_ =	sdelay $0x2  }
0x199: {  	vm0 =	vgt.f32 v4, v5;
	_ =	sdelay $0x5  }
0x19a: {  	[tilespmem:v2+s2+$0x0] =	vst.idx.msk vm0, v4  }
0x19b: {  	v5 =	vld.idx.msk [tilespmem:v2+s2+$0x0], $0xffff;
	_ =	sdelay $0x4  }
0x19c: {  	vm15 =	vgt.f32 v4, v5  }
0x19d: {  	v5 =	vsel vm15, $0x3F800000, v1  }
0x19e: {  	(xrf0) =	vmax.scan.msk.f32 $0xffff, v5;
	_ =	sdelay $0x5  }
0x19f: {  	v5, _, _ =	vpop (xrf0)  }
0x1a0: {  	(v2sf) =	vpush v5, $0xF;
	_ =	sdelay $0xe  }
0x1a1: {  	s22 =	spop (v2sf)  }
0x1a2: {  	p0 =	sgt.f32 s22, $0.0e+00  }
.Ltmp28:
0x1a3: {  	_ = 	snop;
	(pc) =	sbr.rel @!p0 .LBB2_29-.Ltmp28, $1  }
0x1a4: {  	_ =	sdelay $0x3  }
.LBB2_28:
0x1a5: {  	v5 =	vld.idx.msk [tilespmem:v2+s2+$0x0], $0xffff;
	_ =	sdelay $0x4  }
0x1a6: {  	vm0 =	vgt.f32 v4, v5;
	_ =	sdelay $0x5  }
0x1a7: {  	[tilespmem:v2+s2+$0x0] =	vst.idx.msk vm0, v4  }
0x1a8: {  	v5 =	vld.idx.msk [tilespmem:v2+s2+$0x0], $0xffff;
	_ =	sdelay $0x4  }
0x1a9: {  	vm15 =	vgt.f32 v4, v5  }
0x1aa: {  	v5 =	vsel vm15, $0x3F800000, v1  }
0x1ab: {  	(xrf0) =	vmax.scan.msk.f32 $0xffff, v5;
	_ =	sdelay $0x5  }
0x1ac: {  	v5, _, _ =	vpop (xrf0)  }
0x1ad: {  	(v2sf) =	vpush v5, $0xF;
	_ =	sdelay $0xe  }
0x1ae: {  	s22 =	spop (v2sf)  }
0x1af: {  	p0 =	sgt.f32 s22, $0.0e+00  }
.Ltmp29:
0x1b0: {  	_ = 	snop;
	(pc) =	sbr.rel @p0 .LBB2_28-.Ltmp29, $1  }
0x1b1: {  	_ =	sdelay $0x3  }
.LBB2_29:
0x1b2: {  	_ =	sdelay $0x2  }
0x1b3: {  	v4 =	vld [tilespmem:s21+$0x80]  }
0x1b4: {  	v5 =	vld.idx.msk [tilespmem:v3+s2+$0x0], $0xffff;
	_ =	sdelay $0x4  }
0x1b5: {  	vm0 =	vgt.f32 v4, v5;
	_ =	sdelay $0x5  }
0x1b6: {  	[tilespmem:v3+s2+$0x0] =	vst.idx.msk vm0, v4  }
0x1b7: {  	v5 =	vld.idx.msk [tilespmem:v3+s2+$0x0], $0xffff;
	_ =	sdelay $0x4  }
0x1b8: {  	vm15 =	vgt.f32 v4, v5  }
0x1b9: {  	v5 =	vsel vm15, $0x3F800000, v1  }
0x1ba: {  	(xrf0) =	vmax.scan.msk.f32 $0xffff, v5;
	_ =	sdelay $0x5  }
0x1bb: {  	v5, _, _ =	vpop (xrf0)  }
0x1bc: {  	(v2sf) =	vpush v5, $0xF;
	_ =	sdelay $0xe  }
0x1bd: {  	s22 =	spop (v2sf)  }
0x1be: {  	p0 =	sgt.f32 s22, $0.0e+00  }
.Ltmp30:
0x1bf: {  	_ = 	snop;
	(pc) =	sbr.rel @!p0 .LBB2_31-.Ltmp30, $1  }
0x1c0: {  	_ =	sdelay $0x3  }
.LBB2_30:
0x1c1: {  	v5 =	vld.idx.msk [tilespmem:v3+s2+$0x0], $0xffff;
	_ =	sdelay $0x4  }
0x1c2: {  	vm0 =	vgt.f32 v4, v5;
	_ =	sdelay $0x5  }
0x1c3: {  	[tilespmem:v3+s2+$0x0] =	vst.idx.msk vm0, v4  }
0x1c4: {  	v5 =	vld.idx.msk [tilespmem:v3+s2+$0x0], $0xffff;
	_ =	sdelay $0x4  }
0x1c5: {  	vm15 =	vgt.f32 v4, v5  }
0x1c6: {  	v5 =	vsel vm15, $0x3F800000, v1  }
0x1c7: {  	(xrf0) =	vmax.scan.msk.f32 $0xffff, v5;
	_ =	sdelay $0x5  }
0x1c8: {  	v5, _, _ =	vpop (xrf0)  }
0x1c9: {  	(v2sf) =	vpush v5, $0xF;
	_ =	sdelay $0xe  }
0x1ca: {  	s22 =	spop (v2sf)  }
0x1cb: {  	p0 =	sgt.f32 s22, $0.0e+00  }
.Ltmp31:
0x1cc: {  	_ = 	snop;
	(pc) =	sbr.rel @p0 .LBB2_30-.Ltmp31, $1  }
0x1cd: {  	_ =	sdelay $0x3  }
.LBB2_31:
0x1ce: {  	v3 =	vor.u32 $0x100, v2;
	_ =	sdelay $0x3  }
0x1cf: {  	v4 =	vld [tilespmem:s21+$0x100]  }
0x1d0: {  	v5 =	vld.idx.msk [tilespmem:v3+s2+$0x0], $0xffff;
	_ =	sdelay $0x4  }
0x1d1: {  	vm0 =	vgt.f32 v4, v5;
	_ =	sdelay $0x5  }
0x1d2: {  	[tilespmem:v3+s2+$0x0] =	vst.idx.msk vm0, v4  }
0x1d3: {  	v5 =	vld.idx.msk [tilespmem:v3+s2+$0x0], $0xffff;
	_ =	sdelay $0x4  }
0x1d4: {  	vm15 =	vgt.f32 v4, v5  }
0x1d5: {  	v5 =	vsel vm15, $0x3F800000, v1  }
0x1d6: {  	(xrf0) =	vmax.scan.msk.f32 $0xffff, v5;
	_ =	sdelay $0x5  }
0x1d7: {  	v5, _, _ =	vpop (xrf0)  }
0x1d8: {  	(v2sf) =	vpush v5, $0xF;
	_ =	sdelay $0xe  }
0x1d9: {  	s22 =	spop (v2sf)  }
0x1da: {  	p0 =	sgt.f32 s22, $0.0e+00  }
.Ltmp32:
0x1db: {  	_ = 	snop;
	(pc) =	sbr.rel @!p0 .LBB2_33-.Ltmp32, $1  }
0x1dc: {  	_ =	sdelay $0x3  }
.LBB2_32:
0x1dd: {  	v5 =	vld.idx.msk [tilespmem:v3+s2+$0x0], $0xffff;
	_ =	sdelay $0x4  }
0x1de: {  	vm0 =	vgt.f32 v4, v5;
	_ =	sdelay $0x5  }
0x1df: {  	[tilespmem:v3+s2+$0x0] =	vst.idx.msk vm0, v4  }
0x1e0: {  	v5 =	vld.idx.msk [tilespmem:v3+s2+$0x0], $0xffff;
	_ =	sdelay $0x4  }
0x1e1: {  	vm15 =	vgt.f32 v4, v5  }
0x1e2: {  	v5 =	vsel vm15, $0x3F800000, v1  }
0x1e3: {  	(xrf0) =	vmax.scan.msk.f32 $0xffff, v5;
	_ =	sdelay $0x5  }
0x1e4: {  	v5, _, _ =	vpop (xrf0)  }
0x1e5: {  	(v2sf) =	vpush v5, $0xF;
	_ =	sdelay $0xe  }
0x1e6: {  	s22 =	spop (v2sf)  }
0x1e7: {  	p0 =	sgt.f32 s22, $0.0e+00  }
.Ltmp33:
0x1e8: {  	_ = 	snop;
	(pc) =	sbr.rel @p0 .LBB2_32-.Ltmp33, $1  }
0x1e9: {  	_ =	sdelay $0x3  }
.LBB2_33:
0x1ea: {  	v3 =	vor.u32 $0x180, v2;
	_ =	sdelay $0x3  }
0x1eb: {  	v4 =	vld [tilespmem:s21+$0x180]  }
0x1ec: {  	v5 =	vld.idx.msk [tilespmem:v3+s2+$0x0], $0xffff;
	_ =	sdelay $0x4  }
0x1ed: {  	vm0 =	vgt.f32 v4, v5;
	_ =	sdelay $0x5  }
0x1ee: {  	[tilespmem:v3+s2+$0x0] =	vst.idx.msk vm0, v4  }
0x1ef: {  	v5 =	vld.idx.msk [tilespmem:v3+s2+$0x0], $0xffff;
	_ =	sdelay $0x4  }
0x1f0: {  	vm15 =	vgt.f32 v4, v5  }
0x1f1: {  	v5 =	vsel vm15, $0x3F800000, v1  }
0x1f2: {  	(xrf0) =	vmax.scan.msk.f32 $0xffff, v5;
	_ =	sdelay $0x5  }
0x1f3: {  	v5, _, _ =	vpop (xrf0)  }
0x1f4: {  	(v2sf) =	vpush v5, $0xF;
	_ =	sdelay $0xe  }
0x1f5: {  	s22 =	spop (v2sf)  }
0x1f6: {  	p0 =	sgt.f32 s22, $0.0e+00  }
.Ltmp34:
0x1f7: {  	_ = 	snop;
	(pc) =	sbr.rel @!p0 .LBB2_35-.Ltmp34, $1  }
0x1f8: {  	_ =	sdelay $0x3  }
.LBB2_34:
0x1f9: {  	v5 =	vld.idx.msk [tilespmem:v3+s2+$0x0], $0xffff;
	_ =	sdelay $0x4  }
0x1fa: {  	vm0 =	vgt.f32 v4, v5;
	_ =	sdelay $0x5  }
0x1fb: {  	[tilespmem:v3+s2+$0x0] =	vst.idx.msk vm0, v4  }
0x1fc: {  	v5 =	vld.idx.msk [tilespmem:v3+s2+$0x0], $0xffff;
	_ =	sdelay $0x4  }
0x1fd: {  	vm15 =	vgt.f32 v4, v5  }
0x1fe: {  	v5 =	vsel vm15, $0x3F800000, v1  }
0x1ff: {  	(xrf0) =	vmax.scan.msk.f32 $0xffff, v5;
	_ =	sdelay $0x5  }
0x200: {  	v5, _, _ =	vpop (xrf0)  }
0x201: {  	(v2sf) =	vpush v5, $0xF;
	_ =	sdelay $0xe  }
0x202: {  	s22 =	spop (v2sf)  }
0x203: {  	p0 =	sgt.f32 s22, $0.0e+00  }
.Ltmp35:
0x204: {  	_ = 	snop;
	(pc) =	sbr.rel @p0 .LBB2_34-.Ltmp35, $1  }
0x205: {  	_ =	sdelay $0x3  }
.LBB2_35:
0x206: {  	v3 =	vor.u32 $0x200, v2;
	_ =	sdelay $0x3  }
0x207: {  	v4 =	vld [tilespmem:s21+$0x200]  }
0x208: {  	v5 =	vld.idx.msk [tilespmem:v3+s2+$0x0], $0xffff;
	_ =	sdelay $0x4  }
0x209: {  	vm0 =	vgt.f32 v4, v5;
	_ =	sdelay $0x5  }
0x20a: {  	[tilespmem:v3+s2+$0x0] =	vst.idx.msk vm0, v4  }
0x20b: {  	v5 =	vld.idx.msk [tilespmem:v3+s2+$0x0], $0xffff;
	_ =	sdelay $0x4  }
0x20c: {  	vm15 =	vgt.f32 v4, v5  }
0x20d: {  	v5 =	vsel vm15, $0x3F800000, v1  }
0x20e: {  	(xrf0) =	vmax.scan.msk.f32 $0xffff, v5;
	_ =	sdelay $0x5  }
0x20f: {  	v5, _, _ =	vpop (xrf0)  }
0x210: {  	(v2sf) =	vpush v5, $0xF;
	_ =	sdelay $0xe  }
0x211: {  	s22 =	spop (v2sf)  }
0x212: {  	p0 =	sgt.f32 s22, $0.0e+00  }
.Ltmp36:
0x213: {  	_ = 	snop;
	(pc) =	sbr.rel @!p0 .LBB2_37-.Ltmp36, $1  }
0x214: {  	_ =	sdelay $0x3  }
.LBB2_36:
0x215: {  	v5 =	vld.idx.msk [tilespmem:v3+s2+$0x0], $0xffff;
	_ =	sdelay $0x4  }
0x216: {  	vm0 =	vgt.f32 v4, v5;
	_ =	sdelay $0x5  }
0x217: {  	[tilespmem:v3+s2+$0x0] =	vst.idx.msk vm0, v4  }
0x218: {  	v5 =	vld.idx.msk [tilespmem:v3+s2+$0x0], $0xffff;
	_ =	sdelay $0x4  }
0x219: {  	vm15 =	vgt.f32 v4, v5  }
0x21a: {  	v5 =	vsel vm15, $0x3F800000, v1  }
0x21b: {  	(xrf0) =	vmax.scan.msk.f32 $0xffff, v5;
	_ =	sdelay $0x5  }
0x21c: {  	v5, _, _ =	vpop (xrf0)  }
0x21d: {  	(v2sf) =	vpush v5, $0xF;
	_ =	sdelay $0xe  }
0x21e: {  	s22 =	spop (v2sf)  }
0x21f: {  	p0 =	sgt.f32 s22, $0.0e+00  }
.Ltmp37:
0x220: {  	_ = 	snop;
	(pc) =	sbr.rel @p0 .LBB2_36-.Ltmp37, $1  }
0x221: {  	_ =	sdelay $0x3  }
.LBB2_37:
0x222: {  	v3 =	vor.u32 $0x280, v2;
	_ =	sdelay $0x3  }
0x223: {  	v4 =	vld [tilespmem:s21+$0x280]  }
0x224: {  	v5 =	vld.idx.msk [tilespmem:v3+s2+$0x0], $0xffff;
	_ =	sdelay $0x4  }
0x225: {  	vm0 =	vgt.f32 v4, v5;
	_ =	sdelay $0x5  }
0x226: {  	[tilespmem:v3+s2+$0x0] =	vst.idx.msk vm0, v4  }
0x227: {  	v5 =	vld.idx.msk [tilespmem:v3+s2+$0x0], $0xffff;
	_ =	sdelay $0x4  }
0x228: {  	vm15 =	vgt.f32 v4, v5  }
0x229: {  	v5 =	vsel vm15, $0x3F800000, v1  }
0x22a: {  	(xrf0) =	vmax.scan.msk.f32 $0xffff, v5;
	_ =	sdelay $0x5  }
0x22b: {  	v5, _, _ =	vpop (xrf0)  }
0x22c: {  	(v2sf) =	vpush v5, $0xF;
	_ =	sdelay $0xe  }
0x22d: {  	s22 =	spop (v2sf)  }
0x22e: {  	p0 =	sgt.f32 s22, $0.0e+00  }
.Ltmp38:
0x22f: {  	_ = 	snop;
	(pc) =	sbr.rel @!p0 .LBB2_39-.Ltmp38, $1  }
0x230: {  	_ =	sdelay $0x3  }
.LBB2_38:
0x231: {  	v5 =	vld.idx.msk [tilespmem:v3+s2+$0x0], $0xffff;
	_ =	sdelay $0x4  }
0x232: {  	vm0 =	vgt.f32 v4, v5;
	_ =	sdelay $0x5  }
0x233: {  	[tilespmem:v3+s2+$0x0] =	vst.idx.msk vm0, v4  }
0x234: {  	v5 =	vld.idx.msk [tilespmem:v3+s2+$0x0], $0xffff;
	_ =	sdelay $0x4  }
0x235: {  	vm15 =	vgt.f32 v4, v5  }
0x236: {  	v5 =	vsel vm15, $0x3F800000, v1  }
0x237: {  	(xrf0) =	vmax.scan.msk.f32 $0xffff, v5;
	_ =	sdelay $0x5  }
0x238: {  	v5, _, _ =	vpop (xrf0)  }
0x239: {  	(v2sf) =	vpush v5, $0xF;
	_ =	sdelay $0xe  }
0x23a: {  	s22 =	spop (v2sf)  }
0x23b: {  	p0 =	sgt.f32 s22, $0.0e+00  }
.Ltmp39:
0x23c: {  	_ = 	snop;
	(pc) =	sbr.rel @p0 .LBB2_38-.Ltmp39, $1  }
0x23d: {  	_ =	sdelay $0x3  }
.LBB2_39:
0x23e: {  	v3 =	vor.u32 $0x300, v2;
	_ =	sdelay $0x3  }
0x23f: {  	v4 =	vld [tilespmem:s21+$0x300]  }
0x240: {  	v5 =	vld.idx.msk [tilespmem:v3+s2+$0x0], $0xffff;
	_ =	sdelay $0x4  }
0x241: {  	vm0 =	vgt.f32 v4, v5;
	_ =	sdelay $0x5  }
0x242: {  	[tilespmem:v3+s2+$0x0] =	vst.idx.msk vm0, v4  }
0x243: {  	v5 =	vld.idx.msk [tilespmem:v3+s2+$0x0], $0xffff;
	_ =	sdelay $0x4  }
0x244: {  	vm15 =	vgt.f32 v4, v5  }
0x245: {  	v5 =	vsel vm15, $0x3F800000, v1  }
0x246: {  	(xrf0) =	vmax.scan.msk.f32 $0xffff, v5;
	_ =	sdelay $0x5  }
0x247: {  	v5, _, _ =	vpop (xrf0)  }
0x248: {  	(v2sf) =	vpush v5, $0xF;
	_ =	sdelay $0xe  }
0x249: {  	s22 =	spop (v2sf)  }
0x24a: {  	p0 =	sgt.f32 s22, $0.0e+00  }
.Ltmp40:
0x24b: {  	_ = 	snop;
	(pc) =	sbr.rel @!p0 .LBB2_41-.Ltmp40, $1  }
0x24c: {  	_ =	sdelay $0x3  }
.LBB2_40:
0x24d: {  	v5 =	vld.idx.msk [tilespmem:v3+s2+$0x0], $0xffff;
	_ =	sdelay $0x4  }
0x24e: {  	vm0 =	vgt.f32 v4, v5;
	_ =	sdelay $0x5  }
0x24f: {  	[tilespmem:v3+s2+$0x0] =	vst.idx.msk vm0, v4  }
0x250: {  	v5 =	vld.idx.msk [tilespmem:v3+s2+$0x0], $0xffff;
	_ =	sdelay $0x4  }
0x251: {  	vm15 =	vgt.f32 v4, v5  }
0x252: {  	v5 =	vsel vm15, $0x3F800000, v1  }
0x253: {  	(xrf0) =	vmax.scan.msk.f32 $0xffff, v5;
	_ =	sdelay $0x5  }
0x254: {  	v5, _, _ =	vpop (xrf0)  }
0x255: {  	(v2sf) =	vpush v5, $0xF;
	_ =	sdelay $0xe  }
0x256: {  	s22 =	spop (v2sf)  }
0x257: {  	p0 =	sgt.f32 s22, $0.0e+00  }
.Ltmp41:
0x258: {  	_ = 	snop;
	(pc) =	sbr.rel @p0 .LBB2_40-.Ltmp41, $1  }
0x259: {  	_ =	sdelay $0x3  }
.LBB2_41:
0x25a: {  	v2 =	vor.u32 $0x380, v2;
	_ =	sdelay $0x3  }
0x25b: {  	v3 =	vld [tilespmem:s21+$0x380]  }
0x25c: {  	v4 =	vld.idx.msk [tilespmem:v2+s2+$0x0], $0xffff;
	_ =	sdelay $0x4  }
0x25d: {  	vm0 =	vgt.f32 v3, v4;
	_ =	sdelay $0x5  }
0x25e: {  	[tilespmem:v2+s2+$0x0] =	vst.idx.msk vm0, v3  }
0x25f: {  	v4 =	vld.idx.msk [tilespmem:v2+s2+$0x0], $0xffff;
	_ =	sdelay $0x4  }
0x260: {  	vm15 =	vgt.f32 v3, v4  }
0x261: {  	v4 =	vsel vm15, $0x3F800000, v1  }
0x262: {  	(xrf0) =	vmax.scan.msk.f32 $0xffff, v4;
	_ =	sdelay $0x5  }
0x263: {  	v4, _, _ =	vpop (xrf0)  }
0x264: {  	(v2sf) =	vpush v4, $0xF;
	_ =	sdelay $0xe  }
0x265: {  	s31 =	spop (v2sf)  }
0x266: {  	p0 =	sgt.f32 s31, $0.0e+00  }
.Ltmp42:
0x267: {  	_ = 	snop;
	(pc) =	sbr.rel @!p0 .LBB2_43-.Ltmp42, $1  }
0x268: {  	_ =	sdelay $0x3  }
.LBB2_42:
0x269: {  	v4 =	vld.idx.msk [tilespmem:v2+s2+$0x0], $0xffff;
	_ =	sdelay $0x4  }
0x26a: {  	vm0 =	vgt.f32 v3, v4;
	_ =	sdelay $0x5  }
0x26b: {  	[tilespmem:v2+s2+$0x0] =	vst.idx.msk vm0, v3  }
0x26c: {  	v4 =	vld.idx.msk [tilespmem:v2+s2+$0x0], $0xffff;
	_ =	sdelay $0x4  }
0x26d: {  	vm15 =	vgt.f32 v3, v4  }
0x26e: {  	v4 =	vsel vm15, $0x3F800000, v1  }
0x26f: {  	(xrf0) =	vmax.scan.msk.f32 $0xffff, v4;
	_ =	sdelay $0x5  }
0x270: {  	v4, _, _ =	vpop (xrf0)  }
0x271: {  	(v2sf) =	vpush v4, $0xF;
	_ =	sdelay $0xe  }
0x272: {  	s21 =	spop (v2sf)  }
0x273: {  	p0 =	sgt.f32 s21, $0.0e+00  }
.Ltmp43:
0x274: {  	_ = 	snop;
	(pc) =	sbr.rel @p0 .LBB2_42-.Ltmp43, $1  }
0x275: {  	_ =	sdelay $0x3  }
.Ltmp44:
0x276: {  	_ = 	snop;
	(pc) =	sbr.rel .LBB2_43-.Ltmp44, $1  }
0x277: {  	_ =	sdelay $0x3  }
.LBB2_46:
0x278: {  	_ =	sfence.sel $0x180000  }
0x279: {  	[bflag:$0x0] =	sbarrier.arrive $0xFFFF  }
0x27a: {  	p0 =	sne.s32 s1, $0x0;
	_ =	strace $0x9000004D  }
0x27b: {  	s0 =	sadd.s32 @!p0 $0x100000, s0;
	[bflag:$0x2] =	sbarrier.arrive $0xFFFF  }
0x27c: {  	[sflag:s0] =	ssyncadd.tile.s32 @!p0 $0x1;
	_ =	shalt  }
.Lfunc_end2:
_tile_overlayer_lowered:
.L_overlay_start_2:
0x27d: {  	(tag) =	ssettag $0x2  }
0x27e: {  	s0 =	rddreg [dreg:$0x0];
	s2 =	stileid.u32  }
0x27f: {  	s1 =	rddreg [dreg:$0x1];
	p0 =	sne.s32 s2, $0x0  }
0x280: {  	s3 =	rddreg [dreg:$0x2];
	[bflag:$0x3] =	sbarrier.arrive $0xFFFF;
	s2 =	simm.s32 @!p0 $0x1C03  }
0x281: {  	[timem:s3], [sflag:s2] =	dma.local @!p0 [hbm:s0], s1  }
0x282: {  	s0 =	simm.s32 @!p0 $0x3  }
0x283: {  	_ =	swait.ge @!p0 [sflag:s0], s1  }
0x284: {  	s1 =	ssub.s32 @!p0 $0x0, s1;
	[sflag:s0] =	ssyncset.done @!p0 $0x0  }
0x285: {  	[sflag:s0] =	ssyncadd.s32 @!p0 s1  }
0x286: {  	[bflag:$0x3] =	sbarrier.arrive $0xFFFF  }
0x287: {  	_ =	shalt  }

// kernel: kernel.19.cloned.1.call-start
scs
__scs_entry_jumppad:
0x0: {  	(pc) =	sbr.rel $0x88, $3  }
0x1: {  	(tag) =	ssettag $0x0;
	lr =	simm.s32 $0x1  }
0x2: {  	[smem:$0x3F99] =	sst lr;
	_ =	strace $0xD0000000  }
0x3: {  	_ = 	snop  }
0x4: {  	_ = 	snop  }
0x5: {  	_ = 	snop  }
0x6: {  	_ = 	snop  }
0x7: {  	_ = 	snop  }
__scs_overlays_trampoline_lowered:
0x8: {  	[smem:$0x3FA8] =	sst s0  }
0x9: {  	[smem:$0x3FA9] =	sst s1  }
0xa: {  	[smem:$0x3FAA] =	sst s2  }
0xb: {  	[smem:$0x3FAB] =	sst s3  }
0xc: {  	[smem:$0x3FAC] =	sst s4  }
0xd: {  	[smem:$0x3FAD] =	sst s5  }
0xe: {  	[smem:$0x3FAE] =	sst s6  }
0xf: {  	[smem:$0x3FAF] =	sst s7  }
0x10: {  	[smem:$0x3FB0] =	sst s8  }
0x11: {  	[smem:$0x3FB1] =	sst s9;
	s0 =	simm.s32 @!p0 $0x0  }
0x12: {  	s1 =	sld [smem:$0x3F97];
	s0 =	simm.s32 @p0 $0x1  }
0x13: {  	[smem:$0x3FB2] =	sst s0;
	s0 =	simm.s32 @!p1 $0x0  }
0x14: {  	s2 =	sld [smem:$0x3F96];
	s0 =	simm.s32 @p1 $0x1  }
0x15: {  	[smem:$0x3FB3] =	sst s0;
	s0 =	simm.s32 @!p2 $0x0  }
0x16: {  	s3 =	sld [smem:$0x3FDB];
	s0 =	simm.s32 @p2 $0x1  }
0x17: {  	s4 =	simm.s32 $0x1BF5;
	[smem:$0x3FB5] =	sst s0  }
0x18: {  	s0 =	sld [smem:$0x3F98];
	_ =	swait.ge [sflag:s4], $0x0  }
0x19: {  	s7 =	sld [smem:$0x3F99]  }
0x1a: {  	s8 =	sadd.s32 $0xFFFFE003, lr  }
0x1b: {  	s9 =	sadd.s32 $0xFFFFFEF7, lr;
	s5 =	simm.s32 $0xFFFFFFFF;
	p2 =	slt.u32 s8, $0xFFFFF086  }
0x1c: {  	p1 =	slt.u32 s9, $0xF7A;
	s5 =	simm.s32 @!p2 $0x0  }
0x1d: {  	s5 =	simm.s32 @p1 $0x1;
	p0 =	seq.s32 s7, s2  }
0x1e: {  	s7 =	smul.u32 @!p0 $0xF7A, s2;
	p2 =	seq.s32 @!p0 s5, $0x0  }
0x1f: {  	s9 =	smul.u32 $0xF7A, s1;
	s8 =	simm.s32 @!p0 $0x1BF5;
	p2 =	por !p2, p0  }
0x20: {  	[sflag:s8] =	ssyncset.s32 @!p0 $0xFFFFF086;
	s6 =	sadd.s32 @!p0 s3, s7;
	s7 =	simm.s32 @!p0 $0x108  }
0x21: {  	s3 =	sadd.s32 s3, s9;
	s6 =	sadd.s32 @!p0 $0x88, s6;
	s7 =	simm.s32 @p2 $0x1082  }
0x22: {  	[simem:s7], [sflag:s8] =	dma.local @!p0 [hbm:s6], $0xF7A  }
0x23: {  	s9 =	sor.u32 $0xD0000000, s2;
	s6 =	simm.s32 $0x108;
	_ =	swait.ge @!p0 [sflag:s8], $0x0  }
0x24: {  	s3 =	sadd.s32 $0x88, s3;
	s6 =	simm.s32 @!p1 $0x1082;
	[sflag:s4] =	ssyncset.s32 $0xFFFFF086  }
0x25: {  	[simem:s6], [sflag:s4] =	dma.local [hbm:s3], $0xF7A  }
0x26: {  	[smem:$0x3F99] =	sst s1;
	(tag) =	ssettag s2;
	_ =	strace s9  }
0x27: {  	s1 =	sld [smem:$0x3FA9]  }
0x28: {  	s2 =	sld [smem:$0x3FAA]  }
0x29: {  	s4 =	sld [smem:$0x3FAC]  }
0x2a: {  	p0 =	seq.s32 s5, $0x0;
	s5 =	sld [smem:$0x3FAD]  }
0x2b: {  	s6 =	sld [smem:$0x3FAE]  }
0x2c: {  	s7 =	sld [smem:$0x3FAF]  }
0x2d: {  	s3 =	simm.s32 $0x108;
	s8 =	sld [smem:$0x3FB0]  }
0x2e: {  	s3 =	simm.s32 @!p0 $0x1082;
	s9 =	sld [smem:$0x3FB1]  }
0x2f: {  	lr =	sadd.s32 s0, s3;
	s0 =	sld [smem:$0x3FA8]  }
0x30: {  	s3 =	sld [smem:$0x3FAB]  }
0x31: {  	[smem:$0x3FB4] =	sst s10  }
0x32: {  	s10 =	sld [smem:$0x3FB2];
	_ =	sdelay $0x3  }
0x33: {  	p0 =	seq.s32 s10, $0x1;
	s10 =	sld [smem:$0x3FB4];
	_ =	sdelay $0x3  }
0x34: {  	[smem:$0x3FB4] =	sst s10  }
0x35: {  	s10 =	sld [smem:$0x3FB3];
	_ =	sdelay $0x3  }
0x36: {  	p1 =	seq.s32 s10, $0x1;
	s10 =	sld [smem:$0x3FB4];
	_ =	sdelay $0x3  }
0x37: {  	[smem:$0x3FB4] =	sst s10  }
0x38: {  	s10 =	sld [smem:$0x3FB5]  }
0x39: {  	_ = 	snop;
	(pc) =	sbr.ind lr, $3  }
0x3a: {  	_ = 	snop  }
0x3b: {  	_ = 	snop  }
0x3c: {  	p2 =	seq.s32 s10, $0x1;
	s10 =	sld [smem:$0x3FB4]  }
0x3d: {  	_ =	shalt  }
0x3e: {  	_ =	shalt  }
0x3f: {  	_ =	shalt  }
0x40: {  	_ =	shalt  }
0x41: {  	_ =	shalt  }
0x42: {  	_ =	shalt  }
0x43: {  	_ =	shalt  }
0x44: {  	_ =	shalt  }
0x45: {  	_ =	shalt  }
0x46: {  	_ =	shalt  }
0x47: {  	_ =	shalt  }
0x48: {  	_ =	shalt  }
0x49: {  	_ =	shalt  }
0x4a: {  	_ =	shalt  }
0x4b: {  	_ =	shalt  }
0x4c: {  	_ =	shalt  }
0x4d: {  	_ =	shalt  }
0x4e: {  	_ =	shalt  }
0x4f: {  	_ =	shalt  }
0x50: {  	_ =	shalt  }
0x51: {  	_ =	shalt  }
0x52: {  	_ =	shalt  }
0x53: {  	_ =	shalt  }
0x54: {  	_ =	shalt  }
0x55: {  	_ =	shalt  }
0x56: {  	_ =	shalt  }
0x57: {  	_ =	shalt  }
0x58: {  	_ =	shalt  }
0x59: {  	_ =	shalt  }
0x5a: {  	_ =	shalt  }
0x5b: {  	_ =	shalt  }
0x5c: {  	_ =	shalt  }
0x5d: {  	_ =	shalt  }
0x5e: {  	_ =	shalt  }
0x5f: {  	_ =	shalt  }
0x60: {  	_ =	shalt  }
0x61: {  	_ =	shalt  }
0x62: {  	_ =	shalt  }
0x63: {  	_ =	shalt  }
0x64: {  	_ =	shalt  }
0x65: {  	_ =	shalt  }
0x66: {  	_ =	shalt  }
0x67: {  	_ =	shalt  }
0x68: {  	_ =	shalt  }
0x69: {  	_ =	shalt  }
0x6a: {  	_ =	shalt  }
0x6b: {  	_ =	shalt  }
0x6c: {  	_ =	shalt  }
0x6d: {  	_ =	shalt  }
0x6e: {  	_ =	shalt  }
0x6f: {  	_ =	shalt  }
0x70: {  	_ =	shalt  }
0x71: {  	_ =	shalt  }
0x72: {  	_ =	shalt  }
0x73: {  	_ =	shalt  }
0x74: {  	_ =	shalt  }
0x75: {  	_ =	shalt  }
0x76: {  	_ =	shalt  }
0x77: {  	_ =	shalt  }
0x78: {  	_ =	shalt  }
0x79: {  	_ =	shalt  }
0x7a: {  	_ =	shalt  }
0x7b: {  	_ =	shalt  }
0x7c: {  	_ =	shalt  }
0x7d: {  	_ =	shalt  }
0x7e: {  	_ =	shalt  }
0x7f: {  	_ =	shalt  }
0x80: {  	_ =	shalt  }
0x81: {  	_ =	shalt  }
0x82: {  	_ =	shalt  }
0x83: {  	_ =	shalt  }
0x84: {  	_ =	shalt  }
0x85: {  	_ =	shalt  }
0x86: {  	_ =	shalt  }
0x87: {  	_ =	shalt  }
.Lfunc_end0:
.L_simem_size_0:
called_computation.3_lowered:
.L_overlay_start_0:
0x88: {  	s2 =	sld [smem:$0x3FD9]  }
0x89: {  	s3 =	sld [smem:$0x3FFE];
	_ =	sdelay $0x1  }
0x8a: {  	s1 =	srdreg.scid  }
0x8b: {  	s0 =	sand.u32 $0x1, s1  }
0x8c: {  	s17 =	sshll.u32 s0, $0xA;
	s2 =	sadd.s32 s3, s2  }
0x8d: {  	s2 =	sadd.s32 s2, s17  }
0x8e: {  	[smem:$0x3FC0] =	sst s2  }
0x8f: {  	_ = 	snop  }
0x90: {  	(tm) =	ssettm $0x1  }
0x91: {  	s18 =	sld [smem:$0x3FFB];
	_ =	sdelay $0x3  }
0x92: {  	_ =	strace s18  }
0x93: {  	s2 =	sld [smem:$0x3FFC];
	_ =	sdelay $0x3  }
0x94: {  	_ =	strace s2  }
0x95: {  	s2 =	sld [smem:$0x3FFD];
	_ =	sdelay $0x3  }
0x96: {  	_ =	strace s2  }
0x97: {  	_ =	strace $0x8FFFFFFF  }
0x98: {  	s19 =	sld [smem:$0x3FDB];
	_ =	sdelay $0x1  }
0x99: {  	s20 =	simm.s32 $_scs_section_size  }
0x9a: {  	s4 =	simm.s32 $_size__tile_overlayer_lowered;
	s5 =	simm.s32 $_tile_overlayer_lowered  }
0x9b: {  	s6 =	simm.s32 $0x1BFF;
	s21 =	sshll.u32 s5, $0x1;
	s3 =	sadd.s32 s20, s19  }
0x9c: {  	s22 =	simm.s32 $0x0;
	s4 =	sshll.u32 s4, $0x1;
	s5 =	sadd.s32 s21, s3  }
0x9d: {  	[timem:s22], [sflag:s6] =	dma.local [hbm:s5], s4  }
0x9e: {  	_ =	swait.ge [sflag:s6], s4  }
0x9f: {  	s4 =	ssub.s32 $0x0, s4;
	[sflag:s6] =	ssyncset.done $0x0  }
0xa0: {  	[sflag:s6] =	ssyncadd.s32 s4;
	_ =	sdelay $0x1  }
0xa1: {  	s23 =	simm.s32 $0x1B8B  }
0xa2: {  	_ =	swait.ge [sflag:s23], $0x1  }
0xa3: {  	[sflag:s23] =	ssyncset.done $0x0  }
0xa4: {  	[sflag:s23] =	ssyncadd.s32 $0xFFFFFFFF  }
0xa5: {  	s4 =	sld [smem:$0x0]  }
0xa6: {  	s5 =	sand.u32 $0xFFFFFFFE, s1  }
0xa7: {  	p0 =	sne.s32 s1, s5  }
0xa8: {  	s5 =	sshll.u32 @p0 s5, $0xE  }
0xa9: {  	s5 =	sadd.s32 @p0 $0x11B8D, s5;
	s6 =	sshll.u32 @p0 s4, $0x11  }
0xaa: {  	s5 =	sor.u32 @p0 s6, s5  }
0xab: {  	[sflag:s5] =	ssyncadd.remote.s32 @p0 $0x1;
	_ =	sdelay $0x1  }
0xac: {  	s5 =	simm.s32 @p0 $0x1B8D  }
0xad: {  	_ =	swait.eq @p0 [sflag:s5], $0x1  }
0xae: {  	[sflag:s5] =	ssyncadd.s32 @p0 $0xFFFFFFFF  }
0xaf: {  	s6 =	sshll.u32 @!p0 s1, $0xE  }
0xb0: {  	s6 =	sor.u32 @!p0 $0x4000, s6;
	s5 =	simm.s32 @!p0 $0x1B8D  }
0xb1: {  	s4 =	sshll.u32 @!p0 s4, $0x11;
	s6 =	sadd.s32 @!p0 $0x11B8D, s6;
	_ =	swait.eq @!p0 [sflag:s5], $0x1  }
0xb2: {  	s4 =	sor.u32 @!p0 s4, s6;
	[sflag:s5] =	ssyncadd.s32 @!p0 $0xFFFFFFFF  }
0xb3: {  	s25 =	simm.s32 $0x1B8E;
	s24 =	sld [smem:$0x3FFE];
	[sflag:s4] =	ssyncadd.remote.s32 @!p0 $0x1  }
0xb4: {  	s26 =	simm.s32 $execute0_lowered;
	[smem:$0x3FD2] =	sst s25  }
0xb5: {  	s5 =	sshll.u32 s26, $0x1;
	_ =	strace $0x8000004F;
	[dreg:$0x1] =	wrdreg $0xFFFFFFFF  }
0xb6: {  	s28 =	simm.s32 $_size_execute0_lowered;
	s3 =	sadd.s32 s3, s5;
	[dreg:$0x0] =	wrdreg $0x0  }
0xb7: {  	s5 =	sshll.u32 s28, $0x1;
	[dreg:$0x2] =	wrdreg s3  }
0xb8: {  	[dreg:$0x3] =	wrdreg s5  }
0xb9: {  	[dreg:$0x4] =	wrdreg $0xC0  }
0xba: {  	_ =	task [dreg:s22], $0x5FFFF  }
0xbb: {  	[dreg:$0x1] =	wrdreg $0xFFFFFFFF  }
0xbc: {  	[dreg:$0x0] =	wrdreg $0x60  }
0xbd: {  	[dreg:$0x2] =	wrdreg s24  }
0xbe: {  	[dreg:$0x3] =	wrdreg $0x9  }
0xbf: {  	_ =	task.clear_ibuf [dreg:s22], $0x4FFFF;
	_ =	strace $0x9000004F  }
0xc0: {  	s29 =	simm.s32 $0x9;
	_ =	strace $0x80000051  }
0xc1: {  	_ =	swait.ge [sflag:s29], $0x1  }
0xc2: {  	[sflag:s29] =	ssyncadd.s32 $0xFFFFFFFF  }
0xc3: {  	_ =	strace $0x90000051  }
0xc4: {  	_ =	sfence  }
0xc5: {  	s30 =	sld [smem:$0x0];
	_ =	sdelay $0x2  }
0xc6: {  	s31 =	sshll.u32 s1, $0xD;
	s1 =	sshrl.u32 s1, $0x2  }
0xc7: {  	s4 =	sand.u32 $0x4000, s31;
	s1 =	sadd.s32 s1, s30  }
0xc8: {  	s0 =	sor.u32 s4, s0;
	s1 =	sshll.u32 s1, $0x11  }
0xc9: {  	s0 =	sor.u32 s1, s0  }
0xca: {  	s0 =	sadd.s32 $0x8F2B, s0  }
0xcb: {  	[sflag:s0] =	ssyncadd.remote.s32 $0x1  }
0xcc: {  	_ =	sfence.sel $0xFFFF  }
0xcd: {  	[dreg:$0x0] =	wrdreg $0xFFFFFFFF;
	(pc) =	sbr.abs _section_cstart, $3  }
0xce: {  	[dreg:$0x1] =	wrdreg $0xFFFFFFFF  }
0xcf: {  	_ =	task.clear_ibuf [dreg:s22], $0x2FFFF;
	_ =	strace $0x9FFFFFFF  }
0xd0: {  	(tm) =	ssettm $0x7FFFFFFF  }
0xd1: {  	_ =	shalt  }
tec
execute0_lowered:
.L_overlay_start_1:
0x0: {  	(tag) =	ssettag $0x1  }
0x1: {  	s0 =	srdreg.scid;
	s6 =	rddreg [dreg:$0x0]  }
0x2: {  	s1 =	stileid.u32;
	s2 =	simm.s32 $0x0;
	s13 =	simm.s32 $0x15900  }
0x3: {  	s14 =	simm.s32 $0x1;
	s15 =	simm.s32 $0x2;
	s16 =	simm.s32 $0x3  }
0x4: {  	s7 =	sand.u32 $0x1, s0;
	s0 =	rddreg [dreg:$0x1];
	s8 =	smul.u32 $0x14000, s1  }
0x5: {  	s17 =	simm.s32 $0x0;
	[smem:$0x7FF] =	sst s2;
	s10 =	smul.u32 $0x3E800, s1  }
0x6: {  	s3 =	sadd.s32 $0x61E00, s6;
	s4 =	sadd.s32 $0x205E00, s6;
	s5 =	smul.u32 $0x140000, s7  }
0x7: {  	s9 =	smul.u32 $0x3E8000, s7;
	_ =	strace $0x80000050;
	s28 =	ssub.s32 $0x2, s7  }
.Ltmp0:
0x8: {  	s12 =	sshrl.u32 s28, $0x1;
	s5 =	sadd.s32 s8, s5;
	(pc) =	sbr.rel .LBB2_1-.Ltmp0, $4  }
0x9: {  	s30 =	ssub.s32 s28, s12;
	s12 =	simm.s32 $0x14280;
	s11 =	sshrl.u32 s5, $0x3  }
0xa: {  	s5 =	sadd.s32 s10, s9;
	s9 =	smax.u32 s30, $0x1;
	s10 =	simm.s32 $0x14000  }
0xb: {  	s29 =	sadd.s32 s11, s6;
	s31 =	sshrl.u32 s5, $0x3;
	s6 =	smul.u32 $0x7D00, s7  }
0xc: {  	v0 =	vimm.f32 $-Inf;
	v1 =	vimm.f32 $0.0e+00;
	s11 =	simm.s32 $0x14500;
	s7 =	sadd.s32 s3, s31;
	s8 =	sadd.s32 $0x207E00, s29  }
.LBB2_45:
0xd: {  	s17 =	sadd.s32 $0x1, s17  }
0xe: {  	p0 =	sne.s32 s17, s9  }
.Ltmp1:
0xf: {  	_ = 	snop;
	(pc) =	sbr.rel @!p0 .LBB2_46-.Ltmp1, $4  }
0x10: {  	[hbm4b:s8+s2] =	stream.linear.scatter [tilespmem:s2], [sflag:$0x3], $0x14000, $0x38;
	[tilespmem:$0x16D00] =	vst v63  }
0x11: {  	_ =	swait.ge [sflag:s16], $0x14000  }
0x12: {  	[sflag:s16] =	ssyncset.done $0x0  }
0x13: {  	[sflag:s16] =	ssyncadd.s32 $0xFFFEC000  }
.LBB2_1:
0x14: {  	s18 =	sand.u32 $0x70, s2;
	s19 =	sand.u32 $0x1FC00, s2  }
0x15: {  	s18 =	sor.u32 s18, s19  }
0x16: {  	[tilespmem:s18+$0x80] =	vst v0  }
0x17: {  	[tilespmem:s18+$0x100] =	vst v0  }
0x18: {  	s22 =	sand.u32 $0x7, s2;
	[tilespmem:s18+$0x180] =	vst v0  }
0x19: {  	s20 =	simm.s32 $0x10;
	s21 =	simm.s32 $0x0;
	s19 =	simm.s32 $0x0;
	[tilespmem:s18+$0x200] =	vst v0  }
.LBB2_2:
0x1a: {  	p0 =	sne.s32 s20, $0x27F0;
	s22 =	sshll.u32 s22, $0x4;
	[tilespmem:s18+$0x280] =	vst v0  }
0x1b: {  	s22 =	sadd.s32 s22, s19;
	[tilespmem:s18+$0x300] =	vst v0;
	s19 =	sadd.s32 $0x80, s19  }
0x1c: {  	s23 =	sand.u32 $0x70, s20;
	s24 =	sand.u32 $0x1FC00, s19;
	[tilespmem:s18+$0x0] =	vst v0;
	s22 =	sor.u32 $0x380, s22  }
.Ltmp2:
0x1d: {  	s18 =	sor.u32 s23, s24;
	[tilespmem:s22+$0x0] =	vst v0;
	(pc) =	sbr.rel @p0 .LBB2_2-.Ltmp2, $4  }
0x1e: {  	[tilespmem:s18+$0x80] =	vst v0  }
0x1f: {  	[tilespmem:s18+$0x100] =	vst v0  }
0x20: {  	s21 =	sadd.s32 $0x1, s21;
	[tilespmem:s18+$0x180] =	vst v0  }
0x21: {  	s20 =	sadd.s32 $0x10, s20;
	s22 =	sand.u32 $0x7, s21;
	[tilespmem:s18+$0x200] =	vst v0  }
.Ltmp3:
0x22: {  	(pc) =	sbr.rel .LBB2_4-.Ltmp3, $4  }
0x23: {  	s20 =	sshll.u32 s22, $0x4;
	[tilespmem:s18+$0x280] =	vst v0  }
0x24: {  	[tilespmem:s18+$0x300] =	vst v0;
	s19 =	sadd.s32 s20, s19  }
0x25: {  	[tilespmem:s18+$0x0] =	vst v0;
	s31 =	sor.u32 $0x380, s19  }
0x26: {  	s18 =	simm.s32 $0x0;
	s19 =	simm.s32 $0x0;
	[tilespmem:s31+$0x0] =	vst v0  }
.LBB2_44:
0x27: {  	s19 =	sadd.s32 $0x1, s19  }
0x28: {  	p0 =	sne.s32 s19, $0x19  }
.Ltmp4:
0x29: {  	_ = 	snop;
	(pc) =	sbr.rel @!p0 .LBB2_45-.Ltmp4, $1  }
0x2a: {  	_ =	sdelay $0x3  }
.LBB2_4:
0x2b: {  	s20 =	smul.u32 $0x500, s19;
	_ =	sdelay $0x1  }
0x2c: {  	s22 =	smul.u32 $0x2800, s19;
	s21 =	sadd.s32 s6, s20  }
0x2d: {  	s21 =	sshrl.u32 s21, $0x3  }
0x2e: {  	s30 =	sadd.s32 s5, s22;
	s21 =	sadd.s32 s4, s21  }
0x2f: {  	[tilespmem:s10], [sflag:$0x1] =	stream.linear.gather [hbm4b:s21+s18], $0x280, $0x38;
	[tilespmem:$0x16D00] =	vst v63  }
0x30: {  	s20 =	sadd.s32 $0x280, s20;
	s21 =	sshrl.u32 s30, $0x3  }
0x31: {  	s31 =	sadd.s32 s6, s20;
	s21 =	sadd.s32 s3, s21  }
0x32: {  	[tilespmem:s11], [sflag:$0x1] =	stream.linear.gather [hbm4b:s21+s18], $0x1400, $0x38;
	[tilespmem:$0x16D00] =	vst v63  }
0x33: {  	s21 =	sshrl.u32 s31, $0x3  }
0x34: {  	s21 =	sadd.s32 s4, s21  }
0x35: {  	[tilespmem:s12], [sflag:$0x2] =	stream.linear.gather [hbm4b:s21+s18], $0x280, $0x38;
	[tilespmem:$0x16D00] =	vst v63  }
0x36: {  	s20 =	sadd.s32 s20, s7  }
0x37: {  	[tilespmem:s13], [sflag:$0x2] =	stream.linear.gather [hbm4b:s20+s18], $0x1400, $0x38;
	[tilespmem:$0x16D00] =	vst v63  }
0x38: {  	_ =	swait.ge [sflag:s14], $0x280  }
.Ltmp5:
0x39: {  	[sflag:s14] =	ssyncset.done $0x0;
	(pc) =	sbr.rel .LBB2_5-.Ltmp5, $4  }
0x3a: {  	[sflag:s14] =	ssyncadd.s32 $0xFFFFFD80  }
0x3b: {  	_ =	swait.ge [sflag:s14], $0x1400  }
0x3c: {  	[sflag:s14] =	ssyncset.done $0x0  }
0x3d: {  	s20 =	simm.s32 $0x0;
	[sflag:s14] =	ssyncadd.s32 $0xFFFFEC00  }
.LBB2_6:
0x3e: {  	_ =	sdelay $0x2  }
0x3f: {  	v4 =	vmax.f32 v5, v4  }
0x40: {  	[tilespmem:v2+s2+$0x0] =	vst.idx.msk $0xffff, v4  }
0x41: {  	v4 =	vld [tilespmem:s21+$0x80]  }
0x42: {  	v54 =	vld.idx.msk [tilespmem:v3+s2+$0x0], $0xffff;
	_ =	sdelay $0x2  }
0x43: {  	v6 =	vor.u32 $0x100, v2;
	_ =	sdelay $0x1  }
0x44: {  	v4 =	vmax.f32 v54, v4  }
0x45: {  	[tilespmem:v3+s2+$0x0] =	vst.idx.msk $0xffff, v4  }
0x46: {  	v3 =	vld [tilespmem:s21+$0x100]  }
0x47: {  	v4 =	vld.idx.msk [tilespmem:v6+s2+$0x0], $0xffff;
	_ =	sdelay $0x2  }
0x48: {  	v55 =	vor.u32 $0x180, v2;
	_ =	sdelay $0x1  }
0x49: {  	v3 =	vmax.f32 v4, v3  }
0x4a: {  	[tilespmem:v6+s2+$0x0] =	vst.idx.msk $0xffff, v3  }
0x4b: {  	v3 =	vld [tilespmem:s21+$0x180]  }
0x4c: {  	v56 =	vld.idx.msk [tilespmem:v55+s2+$0x0], $0xffff;
	_ =	sdelay $0x2  }
0x4d: {  	v57 =	vor.u32 $0x200, v2;
	_ =	sdelay $0x1  }
0x4e: {  	v3 =	vmax.f32 v56, v3  }
0x4f: {  	[tilespmem:v55+s2+$0x0] =	vst.idx.msk $0xffff, v3  }
0x50: {  	v3 =	vld [tilespmem:s21+$0x200]  }
0x51: {  	v58 =	vld.idx.msk [tilespmem:v57+s2+$0x0], $0xffff;
	_ =	sdelay $0x2  }
0x52: {  	v59 =	vor.u32 $0x280, v2;
	_ =	sdelay $0x1  }
0x53: {  	v3 =	vmax.f32 v58, v3  }
0x54: {  	[tilespmem:v57+s2+$0x0] =	vst.idx.msk $0xffff, v3  }
0x55: {  	v3 =	vld [tilespmem:s21+$0x280]  }
0x56: {  	v60 =	vld.idx.msk [tilespmem:v59+s2+$0x0], $0xffff;
	_ =	sdelay $0x2  }
0x57: {  	v61 =	vor.u32 $0x300, v2;
	_ =	sdelay $0x1  }
0x58: {  	v3 =	vmax.f32 v60, v3  }
0x59: {  	[tilespmem:v59+s2+$0x0] =	vst.idx.msk $0xffff, v3  }
0x5a: {  	v3 =	vld [tilespmem:s21+$0x300]  }
0x5b: {  	v62 =	vld.idx.msk [tilespmem:v61+s2+$0x0], $0xffff;
	_ =	sdelay $0x2  }
0x5c: {  	v2 =	vor.u32 $0x380, v2;
	_ =	sdelay $0x1  }
0x5d: {  	v3 =	vmax.f32 v62, v3  }
0x5e: {  	[tilespmem:v61+s2+$0x0] =	vst.idx.msk $0xffff, v3  }
0x5f: {  	v3 =	vld [tilespmem:s21+$0x380]  }
0x60: {  	v63 =	vld.idx.msk [tilespmem:v2+s2+$0x0], $0xffff;
	_ =	sdelay $0x4  }
0x61: {  	v3 =	vmax.f32 v63, v3  }
0x62: {  	[tilespmem:v2+s2+$0x0] =	vst.idx.msk $0xffff, v3  }
.LBB2_23:
0x63: {  	s20 =	sadd.s32 $0x1, s20  }
0x64: {  	p0 =	sne.s32 s20, $0x28  }
.Ltmp6:
0x65: {  	_ = 	snop;
	(pc) =	sbr.rel @!p0 .LBB2_24-.Ltmp6, $1  }
0x66: {  	_ =	sdelay $0x3  }
.LBB2_5:
0x67: {  	s21 =	sshll.u32 s20, $0x4  }
0x68: {  	v2 =	vld [tilespmem:s21+$0x14000];
	_ =	sdelay $0x4  }
0x69: {  	(xrf1) =	vunique.msk.u32 $0xffff, v2;
	_ =	sdelay $0xd  }
0x6a: {  	_, v3, vm0 =	vpop (xrf1)  }
0x6b: {  	v3 =	vsel vm0, $0x3F800000, v1  }
0x6c: {  	(xrf0) =	vmin.scan.msk.f32 $0xffff, v3;
	_ =	sdelay $0x5  }
0x6d: {  	v3, _, _ =	vpop (xrf0)  }
0x6e: {  	(v2sf) =	vpush v3, $0xF;
	_ =	sdelay $0xc  }
0x6f: {  	v3 =	vshll.u32 v2, $0x3  }
0x70: {  	v2 =	vand.u32 $0x7F, v2;
	v3 =	vand.u32 $0xFFFFFC00, v3  }
0x71: {  	v2 =	vor.u32 v2, v3;
	s23 =	spop (v2sf)  }
0x72: {  	s22 =	sshll.u32 s20, $0x7;
	p0 =	sgt.f32 s23, $0.0e+00  }
.Ltmp7:
0x73: {  	s21 =	sand.u32 $0x70, s21;
	s22 =	sand.u32 $0x1FFFFC00, s22;
	v3 =	vor.u32 $0x80, v2;
	(pc) =	sbr.rel @p0 .LBB2_6-.Ltmp7, $4  }
0x74: {  	s21 =	sor.u32 s21, s22  }
0x75: {  	v4 =	vld [tilespmem:s21+$0x14500]  }
0x76: {  	v5 =	vld.idx.msk [tilespmem:v2+s2+$0x0], $0xffff  }
0x77: {  	s21 =	sadd.s32 $0x14500, s21  }
0x78: {  	_ =	sdelay $0x2  }
0x79: {  	vm0 =	vgt.f32 v4, v5;
	_ =	sdelay $0x5  }
0x7a: {  	[tilespmem:v2+s2+$0x0] =	vst.idx.msk vm0, v4  }
0x7b: {  	v5 =	vld.idx.msk [tilespmem:v2+s2+$0x0], $0xffff;
	_ =	sdelay $0x4  }
0x7c: {  	vm15 =	vgt.f32 v4, v5  }
0x7d: {  	v5 =	vsel vm15, $0x3F800000, v1  }
0x7e: {  	(xrf0) =	vmax.scan.msk.f32 $0xffff, v5;
	_ =	sdelay $0x5  }
0x7f: {  	v5, _, _ =	vpop (xrf0)  }
0x80: {  	(v2sf) =	vpush v5, $0xF;
	_ =	sdelay $0xe  }
0x81: {  	s22 =	spop (v2sf)  }
0x82: {  	p0 =	sgt.f32 s22, $0.0e+00  }
.Ltmp8:
0x83: {  	_ = 	snop;
	(pc) =	sbr.rel @!p0 .LBB2_9-.Ltmp8, $1  }
0x84: {  	_ =	sdelay $0x3  }
.LBB2_8:
0x85: {  	v5 =	vld.idx.msk [tilespmem:v2+s2+$0x0], $0xffff;
	_ =	sdelay $0x4  }
0x86: {  	vm0 =	vgt.f32 v4, v5;
	_ =	sdelay $0x5  }
0x87: {  	[tilespmem:v2+s2+$0x0] =	vst.idx.msk vm0, v4  }
0x88: {  	v5 =	vld.idx.msk [tilespmem:v2+s2+$0x0], $0xffff;
	_ =	sdelay $0x4  }
0x89: {  	vm15 =	vgt.f32 v4, v5  }
0x8a: {  	v5 =	vsel vm15, $0x3F800000, v1  }
0x8b: {  	(xrf0) =	vmax.scan.msk.f32 $0xffff, v5;
	_ =	sdelay $0x5  }
0x8c: {  	v5, _, _ =	vpop (xrf0)  }
0x8d: {  	(v2sf) =	vpush v5, $0xF;
	_ =	sdelay $0xe  }
0x8e: {  	s22 =	spop (v2sf)  }
0x8f: {  	p0 =	sgt.f32 s22, $0.0e+00  }
.Ltmp9:
0x90: {  	_ = 	snop;
	(pc) =	sbr.rel @p0 .LBB2_8-.Ltmp9, $1  }
0x91: {  	_ =	sdelay $0x3  }
.LBB2_9:
0x92: {  	_ =	sdelay $0x2  }
0x93: {  	v4 =	vld [tilespmem:s21+$0x80]  }
0x94: {  	v5 =	vld.idx.msk [tilespmem:v3+s2+$0x0], $0xffff;
	_ =	sdelay $0x4  }
0x95: {  	vm0 =	vgt.f32 v4, v5;
	_ =	sdelay $0x5  }
0x96: {  	[tilespmem:v3+s2+$0x0] =	vst.idx.msk vm0, v4  }
0x97: {  	v5 =	vld.idx.msk [tilespmem:v3+s2+$0x0], $0xffff;
	_ =	sdelay $0x4  }
0x98: {  	vm15 =	vgt.f32 v4, v5  }
0x99: {  	v5 =	vsel vm15, $0x3F800000, v1  }
0x9a: {  	(xrf0) =	vmax.scan.msk.f32 $0xffff, v5;
	_ =	sdelay $0x5  }
0x9b: {  	v5, _, _ =	vpop (xrf0)  }
0x9c: {  	(v2sf) =	vpush v5, $0xF;
	_ =	sdelay $0xe  }
0x9d: {  	s22 =	spop (v2sf)  }
0x9e: {  	p0 =	sgt.f32 s22, $0.0e+00  }
.Ltmp10:
0x9f: {  	_ = 	snop;
	(pc) =	sbr.rel @!p0 .LBB2_11-.Ltmp10, $1  }
0xa0: {  	_ =	sdelay $0x3  }
.LBB2_10:
0xa1: {  	v5 =	vld.idx.msk [tilespmem:v3+s2+$0x0], $0xffff;
	_ =	sdelay $0x4  }
0xa2: {  	vm0 =	vgt.f32 v4, v5;
	_ =	sdelay $0x5  }
0xa3: {  	[tilespmem:v3+s2+$0x0] =	vst.idx.msk vm0, v4  }
0xa4: {  	v5 =	vld.idx.msk [tilespmem:v3+s2+$0x0], $0xffff;
	_ =	sdelay $0x4  }
0xa5: {  	vm15 =	vgt.f32 v4, v5  }
0xa6: {  	v5 =	vsel vm15, $0x3F800000, v1  }
0xa7: {  	(xrf0) =	vmax.scan.msk.f32 $0xffff, v5;
	_ =	sdelay $0x5  }
0xa8: {  	v5, _, _ =	vpop (xrf0)  }
0xa9: {  	(v2sf) =	vpush v5, $0xF;
	_ =	sdelay $0xe  }
0xaa: {  	s22 =	spop (v2sf)  }
0xab: {  	p0 =	sgt.f32 s22, $0.0e+00  }
.Ltmp11:
0xac: {  	_ = 	snop;
	(pc) =	sbr.rel @p0 .LBB2_10-.Ltmp11, $1  }
0xad: {  	_ =	sdelay $0x3  }
.LBB2_11:
0xae: {  	v3 =	vor.u32 $0x100, v2;
	_ =	sdelay $0x3  }
0xaf: {  	v4 =	vld [tilespmem:s21+$0x100]  }
0xb0: {  	v5 =	vld.idx.msk [tilespmem:v3+s2+$0x0], $0xffff;
	_ =	sdelay $0x4  }
0xb1: {  	vm0 =	vgt.f32 v4, v5;
	_ =	sdelay $0x5  }
0xb2: {  	[tilespmem:v3+s2+$0x0] =	vst.idx.msk vm0, v4  }
0xb3: {  	v5 =	vld.idx.msk [tilespmem:v3+s2+$0x0], $0xffff;
	_ =	sdelay $0x4  }
0xb4: {  	vm15 =	vgt.f32 v4, v5  }
0xb5: {  	v5 =	vsel vm15, $0x3F800000, v1  }
0xb6: {  	(xrf0) =	vmax.scan.msk.f32 $0xffff, v5;
	_ =	sdelay $0x5  }
0xb7: {  	v5, _, _ =	vpop (xrf0)  }
0xb8: {  	(v2sf) =	vpush v5, $0xF;
	_ =	sdelay $0xe  }
0xb9: {  	s22 =	spop (v2sf)  }
0xba: {  	p0 =	sgt.f32 s22, $0.0e+00  }
.Ltmp12:
0xbb: {  	_ = 	snop;
	(pc) =	sbr.rel @!p0 .LBB2_13-.Ltmp12, $1  }
0xbc: {  	_ =	sdelay $0x3  }
.LBB2_12:
0xbd: {  	v5 =	vld.idx.msk [tilespmem:v3+s2+$0x0], $0xffff;
	_ =	sdelay $0x4  }
0xbe: {  	vm0 =	vgt.f32 v4, v5;
	_ =	sdelay $0x5  }
0xbf: {  	[tilespmem:v3+s2+$0x0] =	vst.idx.msk vm0, v4  }
0xc0: {  	v5 =	vld.idx.msk [tilespmem:v3+s2+$0x0], $0xffff;
	_ =	sdelay $0x4  }
0xc1: {  	vm15 =	vgt.f32 v4, v5  }
0xc2: {  	v5 =	vsel vm15, $0x3F800000, v1  }
0xc3: {  	(xrf0) =	vmax.scan.msk.f32 $0xffff, v5;
	_ =	sdelay $0x5  }
0xc4: {  	v5, _, _ =	vpop (xrf0)  }
0xc5: {  	(v2sf) =	vpush v5, $0xF;
	_ =	sdelay $0xe  }
0xc6: {  	s22 =	spop (v2sf)  }
0xc7: {  	p0 =	sgt.f32 s22, $0.0e+00  }
.Ltmp13:
0xc8: {  	_ = 	snop;
	(pc) =	sbr.rel @p0 .LBB2_12-.Ltmp13, $1  }
0xc9: {  	_ =	sdelay $0x3  }
.LBB2_13:
0xca: {  	v3 =	vor.u32 $0x180, v2;
	_ =	sdelay $0x3  }
0xcb: {  	v4 =	vld [tilespmem:s21+$0x180]  }
0xcc: {  	v5 =	vld.idx.msk [tilespmem:v3+s2+$0x0], $0xffff;
	_ =	sdelay $0x4  }
0xcd: {  	vm0 =	vgt.f32 v4, v5;
	_ =	sdelay $0x5  }
0xce: {  	[tilespmem:v3+s2+$0x0] =	vst.idx.msk vm0, v4  }
0xcf: {  	v5 =	vld.idx.msk [tilespmem:v3+s2+$0x0], $0xffff;
	_ =	sdelay $0x4  }
0xd0: {  	vm15 =	vgt.f32 v4, v5  }
0xd1: {  	v5 =	vsel vm15, $0x3F800000, v1  }
0xd2: {  	(xrf0) =	vmax.scan.msk.f32 $0xffff, v5;
	_ =	sdelay $0x5  }
0xd3: {  	v5, _, _ =	vpop (xrf0)  }
0xd4: {  	(v2sf) =	vpush v5, $0xF;
	_ =	sdelay $0xe  }
0xd5: {  	s22 =	spop (v2sf)  }
0xd6: {  	p0 =	sgt.f32 s22, $0.0e+00  }
.Ltmp14:
0xd7: {  	_ = 	snop;
	(pc) =	sbr.rel @!p0 .LBB2_15-.Ltmp14, $1  }
0xd8: {  	_ =	sdelay $0x3  }
.LBB2_14:
0xd9: {  	v5 =	vld.idx.msk [tilespmem:v3+s2+$0x0], $0xffff;
	_ =	sdelay $0x4  }
0xda: {  	vm0 =	vgt.f32 v4, v5;
	_ =	sdelay $0x5  }
0xdb: {  	[tilespmem:v3+s2+$0x0] =	vst.idx.msk vm0, v4  }
0xdc: {  	v5 =	vld.idx.msk [tilespmem:v3+s2+$0x0], $0xffff;
	_ =	sdelay $0x4  }
0xdd: {  	vm15 =	vgt.f32 v4, v5  }
0xde: {  	v5 =	vsel vm15, $0x3F800000, v1  }
0xdf: {  	(xrf0) =	vmax.scan.msk.f32 $0xffff, v5;
	_ =	sdelay $0x5  }
0xe0: {  	v5, _, _ =	vpop (xrf0)  }
0xe1: {  	(v2sf) =	vpush v5, $0xF;
	_ =	sdelay $0xe  }
0xe2: {  	s22 =	spop (v2sf)  }
0xe3: {  	p0 =	sgt.f32 s22, $0.0e+00  }
.Ltmp15:
0xe4: {  	_ = 	snop;
	(pc) =	sbr.rel @p0 .LBB2_14-.Ltmp15, $1  }
0xe5: {  	_ =	sdelay $0x3  }
.LBB2_15:
0xe6: {  	v3 =	vor.u32 $0x200, v2;
	_ =	sdelay $0x3  }
0xe7: {  	v4 =	vld [tilespmem:s21+$0x200]  }
0xe8: {  	v5 =	vld.idx.msk [tilespmem:v3+s2+$0x0], $0xffff;
	_ =	sdelay $0x4  }
0xe9: {  	vm0 =	vgt.f32 v4, v5;
	_ =	sdelay $0x5  }
0xea: {  	[tilespmem:v3+s2+$0x0] =	vst.idx.msk vm0, v4  }
0xeb: {  	v5 =	vld.idx.msk [tilespmem:v3+s2+$0x0], $0xffff;
	_ =	sdelay $0x4  }
0xec: {  	vm15 =	vgt.f32 v4, v5  }
0xed: {  	v5 =	vsel vm15, $0x3F800000, v1  }
0xee: {  	(xrf0) =	vmax.scan.msk.f32 $0xffff, v5;
	_ =	sdelay $0x5  }
0xef: {  	v5, _, _ =	vpop (xrf0)  }
0xf0: {  	(v2sf) =	vpush v5, $0xF;
	_ =	sdelay $0xe  }
0xf1: {  	s22 =	spop (v2sf)  }
0xf2: {  	p0 =	sgt.f32 s22, $0.0e+00  }
.Ltmp16:
0xf3: {  	_ = 	snop;
	(pc) =	sbr.rel @!p0 .LBB2_17-.Ltmp16, $1  }
0xf4: {  	_ =	sdelay $0x3  }
.LBB2_16:
0xf5: {  	v5 =	vld.idx.msk [tilespmem:v3+s2+$0x0], $0xffff;
	_ =	sdelay $0x4  }
0xf6: {  	vm0 =	vgt.f32 v4, v5;
	_ =	sdelay $0x5  }
0xf7: {  	[tilespmem:v3+s2+$0x0] =	vst.idx.msk vm0, v4  }
0xf8: {  	v5 =	vld.idx.msk [tilespmem:v3+s2+$0x0], $0xffff;
	_ =	sdelay $0x4  }
0xf9: {  	vm15 =	vgt.f32 v4, v5  }
0xfa: {  	v5 =	vsel vm15, $0x3F800000, v1  }
0xfb: {  	(xrf0) =	vmax.scan.msk.f32 $0xffff, v5;
	_ =	sdelay $0x5  }
0xfc: {  	v5, _, _ =	vpop (xrf0)  }
0xfd: {  	(v2sf) =	vpush v5, $0xF;
	_ =	sdelay $0xe  }
0xfe: {  	s22 =	spop (v2sf)  }
0xff: {  	p0 =	sgt.f32 s22, $0.0e+00  }
.Ltmp17:
0x100: {  	_ = 	snop;
	(pc) =	sbr.rel @p0 .LBB2_16-.Ltmp17, $1  }
0x101: {  	_ =	sdelay $0x3  }
.LBB2_17:
0x102: {  	v3 =	vor.u32 $0x280, v2;
	_ =	sdelay $0x3  }
0x103: {  	v4 =	vld [tilespmem:s21+$0x280]  }
0x104: {  	v5 =	vld.idx.msk [tilespmem:v3+s2+$0x0], $0xffff;
	_ =	sdelay $0x4  }
0x105: {  	vm0 =	vgt.f32 v4, v5;
	_ =	sdelay $0x5  }
0x106: {  	[tilespmem:v3+s2+$0x0] =	vst.idx.msk vm0, v4  }
0x107: {  	v5 =	vld.idx.msk [tilespmem:v3+s2+$0x0], $0xffff;
	_ =	sdelay $0x4  }
0x108: {  	vm15 =	vgt.f32 v4, v5  }
0x109: {  	v5 =	vsel vm15, $0x3F800000, v1  }
0x10a: {  	(xrf0) =	vmax.scan.msk.f32 $0xffff, v5;
	_ =	sdelay $0x5  }
0x10b: {  	v5, _, _ =	vpop (xrf0)  }
0x10c: {  	(v2sf) =	vpush v5, $0xF;
	_ =	sdelay $0xe  }
0x10d: {  	s22 =	spop (v2sf)  }
0x10e: {  	p0 =	sgt.f32 s22, $0.0e+00  }
.Ltmp18:
0x10f: {  	_ = 	snop;
	(pc) =	sbr.rel @!p0 .LBB2_19-.Ltmp18, $1  }
0x110: {  	_ =	sdelay $0x3  }
.LBB2_18:
0x111: {  	v5 =	vld.idx.msk [tilespmem:v3+s2+$0x0], $0xffff;
	_ =	sdelay $0x4  }
0x112: {  	vm0 =	vgt.f32 v4, v5;
	_ =	sdelay $0x5  }
0x113: {  	[tilespmem:v3+s2+$0x0] =	vst.idx.msk vm0, v4  }
0x114: {  	v5 =	vld.idx.msk [tilespmem:v3+s2+$0x0], $0xffff;
	_ =	sdelay $0x4  }
0x115: {  	vm15 =	vgt.f32 v4, v5  }
0x116: {  	v5 =	vsel vm15, $0x3F800000, v1  }
0x117: {  	(xrf0) =	vmax.scan.msk.f32 $0xffff, v5;
	_ =	sdelay $0x5  }
0x118: {  	v5, _, _ =	vpop (xrf0)  }
0x119: {  	(v2sf) =	vpush v5, $0xF;
	_ =	sdelay $0xe  }
0x11a: {  	s22 =	spop (v2sf)  }
0x11b: {  	p0 =	sgt.f32 s22, $0.0e+00  }
.Ltmp19:
0x11c: {  	_ = 	snop;
	(pc) =	sbr.rel @p0 .LBB2_18-.Ltmp19, $1  }
0x11d: {  	_ =	sdelay $0x3  }
.LBB2_19:
0x11e: {  	v3 =	vor.u32 $0x300, v2;
	_ =	sdelay $0x3  }
0x11f: {  	v4 =	vld [tilespmem:s21+$0x300]  }
0x120: {  	v5 =	vld.idx.msk [tilespmem:v3+s2+$0x0], $0xffff;
	_ =	sdelay $0x4  }
0x121: {  	vm0 =	vgt.f32 v4, v5;
	_ =	sdelay $0x5  }
0x122: {  	[tilespmem:v3+s2+$0x0] =	vst.idx.msk vm0, v4  }
0x123: {  	v5 =	vld.idx.msk [tilespmem:v3+s2+$0x0], $0xffff;
	_ =	sdelay $0x4  }
0x124: {  	vm15 =	vgt.f32 v4, v5  }
0x125: {  	v5 =	vsel vm15, $0x3F800000, v1  }
0x126: {  	(xrf0) =	vmax.scan.msk.f32 $0xffff, v5;
	_ =	sdelay $0x5  }
0x127: {  	v5, _, _ =	vpop (xrf0)  }
0x128: {  	(v2sf) =	vpush v5, $0xF;
	_ =	sdelay $0xe  }
0x129: {  	s22 =	spop (v2sf)  }
0x12a: {  	p0 =	sgt.f32 s22, $0.0e+00  }
.Ltmp20:
0x12b: {  	_ = 	snop;
	(pc) =	sbr.rel @!p0 .LBB2_21-.Ltmp20, $1  }
0x12c: {  	_ =	sdelay $0x3  }
.LBB2_20:
0x12d: {  	v5 =	vld.idx.msk [tilespmem:v3+s2+$0x0], $0xffff;
	_ =	sdelay $0x4  }
0x12e: {  	vm0 =	vgt.f32 v4, v5;
	_ =	sdelay $0x5  }
0x12f: {  	[tilespmem:v3+s2+$0x0] =	vst.idx.msk vm0, v4  }
0x130: {  	v5 =	vld.idx.msk [tilespmem:v3+s2+$0x0], $0xffff;
	_ =	sdelay $0x4  }
0x131: {  	vm15 =	vgt.f32 v4, v5  }
0x132: {  	v5 =	vsel vm15, $0x3F800000, v1  }
0x133: {  	(xrf0) =	vmax.scan.msk.f32 $0xffff, v5;
	_ =	sdelay $0x5  }
0x134: {  	v5, _, _ =	vpop (xrf0)  }
0x135: {  	(v2sf) =	vpush v5, $0xF;
	_ =	sdelay $0xe  }
0x136: {  	s22 =	spop (v2sf)  }
0x137: {  	p0 =	sgt.f32 s22, $0.0e+00  }
.Ltmp21:
0x138: {  	_ = 	snop;
	(pc) =	sbr.rel @p0 .LBB2_20-.Ltmp21, $1  }
0x139: {  	_ =	sdelay $0x3  }
.LBB2_21:
0x13a: {  	v2 =	vor.u32 $0x380, v2;
	_ =	sdelay $0x3  }
0x13b: {  	v3 =	vld [tilespmem:s21+$0x380]  }
0x13c: {  	v4 =	vld.idx.msk [tilespmem:v2+s2+$0x0], $0xffff;
	_ =	sdelay $0x4  }
0x13d: {  	vm0 =	vgt.f32 v3, v4;
	_ =	sdelay $0x5  }
0x13e: {  	[tilespmem:v2+s2+$0x0] =	vst.idx.msk vm0, v3  }
0x13f: {  	v4 =	vld.idx.msk [tilespmem:v2+s2+$0x0], $0xffff;
	_ =	sdelay $0x4  }
0x140: {  	vm15 =	vgt.f32 v3, v4  }
0x141: {  	v4 =	vsel vm15, $0x3F800000, v1  }
0x142: {  	(xrf0) =	vmax.scan.msk.f32 $0xffff, v4;
	_ =	sdelay $0x5  }
0x143: {  	v4, _, _ =	vpop (xrf0)  }
0x144: {  	(v2sf) =	vpush v4, $0xF;
	_ =	sdelay $0xe  }
0x145: {  	s31 =	spop (v2sf)  }
0x146: {  	p0 =	sgt.f32 s31, $0.0e+00  }
.Ltmp22:
0x147: {  	_ = 	snop;
	(pc) =	sbr.rel @!p0 .LBB2_23-.Ltmp22, $1  }
0x148: {  	_ =	sdelay $0x3  }
.LBB2_22:
0x149: {  	v4 =	vld.idx.msk [tilespmem:v2+s2+$0x0], $0xffff;
	_ =	sdelay $0x4  }
0x14a: {  	vm0 =	vgt.f32 v3, v4;
	_ =	sdelay $0x5  }
0x14b: {  	[tilespmem:v2+s2+$0x0] =	vst.idx.msk vm0, v3  }
0x14c: {  	v4 =	vld.idx.msk [tilespmem:v2+s2+$0x0], $0xffff;
	_ =	sdelay $0x4  }
0x14d: {  	vm15 =	vgt.f32 v3, v4  }
0x14e: {  	v4 =	vsel vm15, $0x3F800000, v1  }
0x14f: {  	(xrf0) =	vmax.scan.msk.f32 $0xffff, v4;
	_ =	sdelay $0x5  }
0x150: {  	v4, _, _ =	vpop (xrf0)  }
0x151: {  	(v2sf) =	vpush v4, $0xF;
	_ =	sdelay $0xe  }
0x152: {  	s21 =	spop (v2sf)  }
0x153: {  	p0 =	sgt.f32 s21, $0.0e+00  }
.Ltmp23:
0x154: {  	_ = 	snop;
	(pc) =	sbr.rel @p0 .LBB2_22-.Ltmp23, $1  }
0x155: {  	_ =	sdelay $0x3  }
.Ltmp24:
0x156: {  	_ = 	snop;
	(pc) =	sbr.rel .LBB2_23-.Ltmp24, $1  }
0x157: {  	_ =	sdelay $0x3  }
.LBB2_24:
0x158: {  	_ =	swait.ge [sflag:s15], $0x280  }
.Ltmp25:
0x159: {  	[sflag:s15] =	ssyncset.done $0x0;
	(pc) =	sbr.rel .LBB2_25-.Ltmp25, $4  }
0x15a: {  	[sflag:s15] =	ssyncadd.s32 $0xFFFFFD80  }
0x15b: {  	_ =	swait.ge [sflag:s15], $0x1400  }
0x15c: {  	[sflag:s15] =	ssyncset.done $0x0  }
0x15d: {  	s20 =	simm.s32 $0x0;
	[sflag:s15] =	ssyncadd.s32 $0xFFFFEC00  }
.LBB2_26:
0x15e: {  	_ =	sdelay $0x2  }
0x15f: {  	v4 =	vmax.f32 v5, v4  }
0x160: {  	[tilespmem:v2+s2+$0x0] =	vst.idx.msk $0xffff, v4  }
0x161: {  	v4 =	vld [tilespmem:s21+$0x80]  }
0x162: {  	v54 =	vld.idx.msk [tilespmem:v3+s2+$0x0], $0xffff;
	_ =	sdelay $0x2  }
0x163: {  	v6 =	vor.u32 $0x100, v2;
	_ =	sdelay $0x1  }
0x164: {  	v4 =	vmax.f32 v54, v4  }
0x165: {  	[tilespmem:v3+s2+$0x0] =	vst.idx.msk $0xffff, v4  }
0x166: {  	v3 =	vld [tilespmem:s21+$0x100]  }
0x167: {  	v4 =	vld.idx.msk [tilespmem:v6+s2+$0x0], $0xffff;
	_ =	sdelay $0x2  }
0x168: {  	v55 =	vor.u32 $0x180, v2;
	_ =	sdelay $0x1  }
0x169: {  	v3 =	vmax.f32 v4, v3  }
0x16a: {  	[tilespmem:v6+s2+$0x0] =	vst.idx.msk $0xffff, v3  }
0x16b: {  	v3 =	vld [tilespmem:s21+$0x180]  }
0x16c: {  	v56 =	vld.idx.msk [tilespmem:v55+s2+$0x0], $0xffff;
	_ =	sdelay $0x2  }
0x16d: {  	v57 =	vor.u32 $0x200, v2;
	_ =	sdelay $0x1  }
0x16e: {  	v3 =	vmax.f32 v56, v3  }
0x16f: {  	[tilespmem:v55+s2+$0x0] =	vst.idx.msk $0xffff, v3  }
0x170: {  	v3 =	vld [tilespmem:s21+$0x200]  }
0x171: {  	v58 =	vld.idx.msk [tilespmem:v57+s2+$0x0], $0xffff;
	_ =	sdelay $0x2  }
0x172: {  	v59 =	vor.u32 $0x280, v2;
	_ =	sdelay $0x1  }
0x173: {  	v3 =	vmax.f32 v58, v3  }
0x174: {  	[tilespmem:v57+s2+$0x0] =	vst.idx.msk $0xffff, v3  }
0x175: {  	v3 =	vld [tilespmem:s21+$0x280]  }
0x176: {  	v60 =	vld.idx.msk [tilespmem:v59+s2+$0x0], $0xffff;
	_ =	sdelay $0x2  }
0x177: {  	v61 =	vor.u32 $0x300, v2;
	_ =	sdelay $0x1  }
0x178: {  	v3 =	vmax.f32 v60, v3  }
0x179: {  	[tilespmem:v59+s2+$0x0] =	vst.idx.msk $0xffff, v3  }
0x17a: {  	v3 =	vld [tilespmem:s21+$0x300]  }
0x17b: {  	v62 =	vld.idx.msk [tilespmem:v61+s2+$0x0], $0xffff;
	_ =	sdelay $0x2  }
0x17c: {  	v2 =	vor.u32 $0x380, v2;
	_ =	sdelay $0x1  }
0x17d: {  	v3 =	vmax.f32 v62, v3  }
0x17e: {  	[tilespmem:v61+s2+$0x0] =	vst.idx.msk $0xffff, v3  }
0x17f: {  	v3 =	vld [tilespmem:s21+$0x380]  }
0x180: {  	v63 =	vld.idx.msk [tilespmem:v2+s2+$0x0], $0xffff;
	_ =	sdelay $0x4  }
0x181: {  	v3 =	vmax.f32 v63, v3  }
0x182: {  	[tilespmem:v2+s2+$0x0] =	vst.idx.msk $0xffff, v3  }
.LBB2_43:
0x183: {  	s20 =	sadd.s32 $0x1, s20  }
0x184: {  	p0 =	sne.s32 s20, $0x28  }
.Ltmp26:
0x185: {  	_ = 	snop;
	(pc) =	sbr.rel @!p0 .LBB2_44-.Ltmp26, $1  }
0x186: {  	_ =	sdelay $0x3  }
.LBB2_25:
0x187: {  	s21 =	sshll.u32 s20, $0x4  }
0x188: {  	v2 =	vld [tilespmem:s21+$0x14280];
	_ =	sdelay $0x4  }
0x189: {  	(xrf1) =	vunique.msk.u32 $0xffff, v2;
	_ =	sdelay $0xd  }
0x18a: {  	_, v3, vm0 =	vpop (xrf1)  }
0x18b: {  	v3 =	vsel vm0, $0x3F800000, v1  }
0x18c: {  	(xrf0) =	vmin.scan.msk.f32 $0xffff, v3;
	_ =	sdelay $0x5  }
0x18d: {  	v3, _, _ =	vpop (xrf0)  }
0x18e: {  	(v2sf) =	vpush v3, $0xF;
	_ =	sdelay $0xc  }
0x18f: {  	v3 =	vshll.u32 v2, $0x3  }
0x190: {  	v2 =	vand.u32 $0x7F, v2;
	v3 =	vand.u32 $0xFFFFFC00, v3  }
0x191: {  	v2 =	vor.u32 v2, v3;
	s23 =	spop (v2sf)  }
0x192: {  	s22 =	sshll.u32 s20, $0x7;
	p0 =	sgt.f32 s23, $0.0e+00  }
.Ltmp27:
0x193: {  	s21 =	sand.u32 $0x70, s21;
	s22 =	sand.u32 $0x1FFFFC00, s22;
	v3 =	vor.u32 $0x80, v2;
	(pc) =	sbr.rel @p0 .LBB2_26-.Ltmp27, $4  }
0x194: {  	s21 =	sor.u32 s21, s22  }
0x195: {  	v4 =	vld [tilespmem:s21+$0x15900]  }
0x196: {  	v5 =	vld.idx.msk [tilespmem:v2+s2+$0x0], $0xffff  }
0x197: {  	s21 =	sadd.s32 $0x15900, s21  }
0x198: {  	_ =	sdelay $0x2  }
0x199: {  	vm0 =	vgt.f32 v4, v5;
	_ =	sdelay $0x5  }
0x19a: {  	[tilespmem:v2+s2+$0x0] =	vst.idx.msk vm0, v4  }
0x19b: {  	v5 =	vld.idx.msk [tilespmem:v2+s2+$0x0], $0xffff;
	_ =	sdelay $0x4  }
0x19c: {  	vm15 =	vgt.f32 v4, v5  }
0x19d: {  	v5 =	vsel vm15, $0x3F800000, v1  }
0x19e: {  	(xrf0) =	vmax.scan.msk.f32 $0xffff, v5;
	_ =	sdelay $0x5  }
0x19f: {  	v5, _, _ =	vpop (xrf0)  }
0x1a0: {  	(v2sf) =	vpush v5, $0xF;
	_ =	sdelay $0xe  }
0x1a1: {  	s22 =	spop (v2sf)  }
0x1a2: {  	p0 =	sgt.f32 s22, $0.0e+00  }
.Ltmp28:
0x1a3: {  	_ = 	snop;
	(pc) =	sbr.rel @!p0 .LBB2_29-.Ltmp28, $1  }
0x1a4: {  	_ =	sdelay $0x3  }
.LBB2_28:
0x1a5: {  	v5 =	vld.idx.msk [tilespmem:v2+s2+$0x0], $0xffff;
	_ =	sdelay $0x4  }
0x1a6: {  	vm0 =	vgt.f32 v4, v5;
	_ =	sdelay $0x5  }
0x1a7: {  	[tilespmem:v2+s2+$0x0] =	vst.idx.msk vm0, v4  }
0x1a8: {  	v5 =	vld.idx.msk [tilespmem:v2+s2+$0x0], $0xffff;
	_ =	sdelay $0x4  }
0x1a9: {  	vm15 =	vgt.f32 v4, v5  }
0x1aa: {  	v5 =	vsel vm15, $0x3F800000, v1  }
0x1ab: {  	(xrf0) =	vmax.scan.msk.f32 $0xffff, v5;
	_ =	sdelay $0x5  }
0x1ac: {  	v5, _, _ =	vpop (xrf0)  }
0x1ad: {  	(v2sf) =	vpush v5, $0xF;
	_ =	sdelay $0xe  }
0x1ae: {  	s22 =	spop (v2sf)  }
0x1af: {  	p0 =	sgt.f32 s22, $0.0e+00  }
.Ltmp29:
0x1b0: {  	_ = 	snop;
	(pc) =	sbr.rel @p0 .LBB2_28-.Ltmp29, $1  }
0x1b1: {  	_ =	sdelay $0x3  }
.LBB2_29:
0x1b2: {  	_ =	sdelay $0x2  }
0x1b3: {  	v4 =	vld [tilespmem:s21+$0x80]  }
0x1b4: {  	v5 =	vld.idx.msk [tilespmem:v3+s2+$0x0], $0xffff;
	_ =	sdelay $0x4  }
0x1b5: {  	vm0 =	vgt.f32 v4, v5;
	_ =	sdelay $0x5  }
0x1b6: {  	[tilespmem:v3+s2+$0x0] =	vst.idx.msk vm0, v4  }
0x1b7: {  	v5 =	vld.idx.msk [tilespmem:v3+s2+$0x0], $0xffff;
	_ =	sdelay $0x4  }
0x1b8: {  	vm15 =	vgt.f32 v4, v5  }
0x1b9: {  	v5 =	vsel vm15, $0x3F800000, v1  }
0x1ba: {  	(xrf0) =	vmax.scan.msk.f32 $0xffff, v5;
	_ =	sdelay $0x5  }
0x1bb: {  	v5, _, _ =	vpop (xrf0)  }
0x1bc: {  	(v2sf) =	vpush v5, $0xF;
	_ =	sdelay $0xe  }
0x1bd: {  	s22 =	spop (v2sf)  }
0x1be: {  	p0 =	sgt.f32 s22, $0.0e+00  }
.Ltmp30:
0x1bf: {  	_ = 	snop;
	(pc) =	sbr.rel @!p0 .LBB2_31-.Ltmp30, $1  }
0x1c0: {  	_ =	sdelay $0x3  }
.LBB2_30:
0x1c1: {  	v5 =	vld.idx.msk [tilespmem:v3+s2+$0x0], $0xffff;
	_ =	sdelay $0x4  }
0x1c2: {  	vm0 =	vgt.f32 v4, v5;
	_ =	sdelay $0x5  }
0x1c3: {  	[tilespmem:v3+s2+$0x0] =	vst.idx.msk vm0, v4  }
0x1c4: {  	v5 =	vld.idx.msk [tilespmem:v3+s2+$0x0], $0xffff;
	_ =	sdelay $0x4  }
0x1c5: {  	vm15 =	vgt.f32 v4, v5  }
0x1c6: {  	v5 =	vsel vm15, $0x3F800000, v1  }
0x1c7: {  	(xrf0) =	vmax.scan.msk.f32 $0xffff, v5;
	_ =	sdelay $0x5  }
0x1c8: {  	v5, _, _ =	vpop (xrf0)  }
0x1c9: {  	(v2sf) =	vpush v5, $0xF;
	_ =	sdelay $0xe  }
0x1ca: {  	s22 =	spop (v2sf)  }
0x1cb: {  	p0 =	sgt.f32 s22, $0.0e+00  }
.Ltmp31:
0x1cc: {  	_ = 	snop;
	(pc) =	sbr.rel @p0 .LBB2_30-.Ltmp31, $1  }
0x1cd: {  	_ =	sdelay $0x3  }
.LBB2_31:
0x1ce: {  	v3 =	vor.u32 $0x100, v2;
	_ =	sdelay $0x3  }
0x1cf: {  	v4 =	vld [tilespmem:s21+$0x100]  }
0x1d0: {  	v5 =	vld.idx.msk [tilespmem:v3+s2+$0x0], $0xffff;
	_ =	sdelay $0x4  }
0x1d1: {  	vm0 =	vgt.f32 v4, v5;
	_ =	sdelay $0x5  }
0x1d2: {  	[tilespmem:v3+s2+$0x0] =	vst.idx.msk vm0, v4  }
0x1d3: {  	v5 =	vld.idx.msk [tilespmem:v3+s2+$0x0], $0xffff;
	_ =	sdelay $0x4  }
0x1d4: {  	vm15 =	vgt.f32 v4, v5  }
0x1d5: {  	v5 =	vsel vm15, $0x3F800000, v1  }
0x1d6: {  	(xrf0) =	vmax.scan.msk.f32 $0xffff, v5;
	_ =	sdelay $0x5  }
0x1d7: {  	v5, _, _ =	vpop (xrf0)  }
0x1d8: {  	(v2sf) =	vpush v5, $0xF;
	_ =	sdelay $0xe  }
0x1d9: {  	s22 =	spop (v2sf)  }
0x1da: {  	p0 =	sgt.f32 s22, $0.0e+00  }
.Ltmp32:
0x1db: {  	_ = 	snop;
	(pc) =	sbr.rel @!p0 .LBB2_33-.Ltmp32, $1  }
0x1dc: {  	_ =	sdelay $0x3  }
.LBB2_32:
0x1dd: {  	v5 =	vld.idx.msk [tilespmem:v3+s2+$0x0], $0xffff;
	_ =	sdelay $0x4  }
0x1de: {  	vm0 =	vgt.f32 v4, v5;
	_ =	sdelay $0x5  }
0x1df: {  	[tilespmem:v3+s2+$0x0] =	vst.idx.msk vm0, v4  }
0x1e0: {  	v5 =	vld.idx.msk [tilespmem:v3+s2+$0x0], $0xffff;
	_ =	sdelay $0x4  }
0x1e1: {  	vm15 =	vgt.f32 v4, v5  }
0x1e2: {  	v5 =	vsel vm15, $0x3F800000, v1  }
0x1e3: {  	(xrf0) =	vmax.scan.msk.f32 $0xffff, v5;
	_ =	sdelay $0x5  }
0x1e4: {  	v5, _, _ =	vpop (xrf0)  }
0x1e5: {  	(v2sf) =	vpush v5, $0xF;
	_ =	sdelay $0xe  }
0x1e6: {  	s22 =	spop (v2sf)  }
0x1e7: {  	p0 =	sgt.f32 s22, $0.0e+00  }
.Ltmp33:
0x1e8: {  	_ = 	snop;
	(pc) =	sbr.rel @p0 .LBB2_32-.Ltmp33, $1  }
0x1e9: {  	_ =	sdelay $0x3  }
.LBB2_33:
0x1ea: {  	v3 =	vor.u32 $0x180, v2;
	_ =	sdelay $0x3  }
0x1eb: {  	v4 =	vld [tilespmem:s21+$0x180]  }
0x1ec: {  	v5 =	vld.idx.msk [tilespmem:v3+s2+$0x0], $0xffff;
	_ =	sdelay $0x4  }
0x1ed: {  	vm0 =	vgt.f32 v4, v5;
	_ =	sdelay $0x5  }
0x1ee: {  	[tilespmem:v3+s2+$0x0] =	vst.idx.msk vm0, v4  }
0x1ef: {  	v5 =	vld.idx.msk [tilespmem:v3+s2+$0x0], $0xffff;
	_ =	sdelay $0x4  }
0x1f0: {  	vm15 =	vgt.f32 v4, v5  }
0x1f1: {  	v5 =	vsel vm15, $0x3F800000, v1  }
0x1f2: {  	(xrf0) =	vmax.scan.msk.f32 $0xffff, v5;
	_ =	sdelay $0x5  }
0x1f3: {  	v5, _, _ =	vpop (xrf0)  }
0x1f4: {  	(v2sf) =	vpush v5, $0xF;
	_ =	sdelay $0xe  }
0x1f5: {  	s22 =	spop (v2sf)  }
0x1f6: {  	p0 =	sgt.f32 s22, $0.0e+00  }
.Ltmp34:
0x1f7: {  	_ = 	snop;
	(pc) =	sbr.rel @!p0 .LBB2_35-.Ltmp34, $1  }
0x1f8: {  	_ =	sdelay $0x3  }
.LBB2_34:
0x1f9: {  	v5 =	vld.idx.msk [tilespmem:v3+s2+$0x0], $0xffff;
	_ =	sdelay $0x4  }
0x1fa: {  	vm0 =	vgt.f32 v4, v5;
	_ =	sdelay $0x5  }
0x1fb: {  	[tilespmem:v3+s2+$0x0] =	vst.idx.msk vm0, v4  }
0x1fc: {  	v5 =	vld.idx.msk [tilespmem:v3+s2+$0x0], $0xffff;
	_ =	sdelay $0x4  }
0x1fd: {  	vm15 =	vgt.f32 v4, v5  }
0x1fe: {  	v5 =	vsel vm15, $0x3F800000, v1  }
0x1ff: {  	(xrf0) =	vmax.scan.msk.f32 $0xffff, v5;
	_ =	sdelay $0x5  }
0x200: {  	v5, _, _ =	vpop (xrf0)  }
0x201: {  	(v2sf) =	vpush v5, $0xF;
	_ =	sdelay $0xe  }
0x202: {  	s22 =	spop (v2sf)  }
0x203: {  	p0 =	sgt.f32 s22, $0.0e+00  }
.Ltmp35:
0x204: {  	_ = 	snop;
	(pc) =	sbr.rel @p0 .LBB2_34-.Ltmp35, $1  }
0x205: {  	_ =	sdelay $0x3  }
.LBB2_35:
0x206: {  	v3 =	vor.u32 $0x200, v2;
	_ =	sdelay $0x3  }
0x207: {  	v4 =	vld [tilespmem:s21+$0x200]  }
0x208: {  	v5 =	vld.idx.msk [tilespmem:v3+s2+$0x0], $0xffff;
	_ =	sdelay $0x4  }
0x209: {  	vm0 =	vgt.f32 v4, v5;
	_ =	sdelay $0x5  }
0x20a: {  	[tilespmem:v3+s2+$0x0] =	vst.idx.msk vm0, v4  }
0x20b: {  	v5 =	vld.idx.msk [tilespmem:v3+s2+$0x0], $0xffff;
	_ =	sdelay $0x4  }
0x20c: {  	vm15 =	vgt.f32 v4, v5  }
0x20d: {  	v5 =	vsel vm15, $0x3F800000, v1  }
0x20e: {  	(xrf0) =	vmax.scan.msk.f32 $0xffff, v5;
	_ =	sdelay $0x5  }
0x20f: {  	v5, _, _ =	vpop (xrf0)  }
0x210: {  	(v2sf) =	vpush v5, $0xF;
	_ =	sdelay $0xe  }
0x211: {  	s22 =	spop (v2sf)  }
0x212: {  	p0 =	sgt.f32 s22, $0.0e+00  }
.Ltmp36:
0x213: {  	_ = 	snop;
	(pc) =	sbr.rel @!p0 .LBB2_37-.Ltmp36, $1  }
0x214: {  	_ =	sdelay $0x3  }
.LBB2_36:
0x215: {  	v5 =	vld.idx.msk [tilespmem:v3+s2+$0x0], $0xffff;
	_ =	sdelay $0x4  }
0x216: {  	vm0 =	vgt.f32 v4, v5;
	_ =	sdelay $0x5  }
0x217: {  	[tilespmem:v3+s2+$0x0] =	vst.idx.msk vm0, v4  }
0x218: {  	v5 =	vld.idx.msk [tilespmem:v3+s2+$0x0], $0xffff;
	_ =	sdelay $0x4  }
0x219: {  	vm15 =	vgt.f32 v4, v5  }
0x21a: {  	v5 =	vsel vm15, $0x3F800000, v1  }
0x21b: {  	(xrf0) =	vmax.scan.msk.f32 $0xffff, v5;
	_ =	sdelay $0x5  }
0x21c: {  	v5, _, _ =	vpop (xrf0)  }
0x21d: {  	(v2sf) =	vpush v5, $0xF;
	_ =	sdelay $0xe  }
0x21e: {  	s22 =	spop (v2sf)  }
0x21f: {  	p0 =	sgt.f32 s22, $0.0e+00  }
.Ltmp37:
0x220: {  	_ = 	snop;
	(pc) =	sbr.rel @p0 .LBB2_36-.Ltmp37, $1  }
0x221: {  	_ =	sdelay $0x3  }
.LBB2_37:
0x222: {  	v3 =	vor.u32 $0x280, v2;
	_ =	sdelay $0x3  }
0x223: {  	v4 =	vld [tilespmem:s21+$0x280]  }
0x224: {  	v5 =	vld.idx.msk [tilespmem:v3+s2+$0x0], $0xffff;
	_ =	sdelay $0x4  }
0x225: {  	vm0 =	vgt.f32 v4, v5;
	_ =	sdelay $0x5  }
0x226: {  	[tilespmem:v3+s2+$0x0] =	vst.idx.msk vm0, v4  }
0x227: {  	v5 =	vld.idx.msk [tilespmem:v3+s2+$0x0], $0xffff;
	_ =	sdelay $0x4  }
0x228: {  	vm15 =	vgt.f32 v4, v5  }
0x229: {  	v5 =	vsel vm15, $0x3F800000, v1  }
0x22a: {  	(xrf0) =	vmax.scan.msk.f32 $0xffff, v5;
	_ =	sdelay $0x5  }
0x22b: {  	v5, _, _ =	vpop (xrf0)  }
0x22c: {  	(v2sf) =	vpush v5, $0xF;
	_ =	sdelay $0xe  }
0x22d: {  	s22 =	spop (v2sf)  }
0x22e: {  	p0 =	sgt.f32 s22, $0.0e+00  }
.Ltmp38:
0x22f: {  	_ = 	snop;
	(pc) =	sbr.rel @!p0 .LBB2_39-.Ltmp38, $1  }
0x230: {  	_ =	sdelay $0x3  }
.LBB2_38:
0x231: {  	v5 =	vld.idx.msk [tilespmem:v3+s2+$0x0], $0xffff;
	_ =	sdelay $0x4  }
0x232: {  	vm0 =	vgt.f32 v4, v5;
	_ =	sdelay $0x5  }
0x233: {  	[tilespmem:v3+s2+$0x0] =	vst.idx.msk vm0, v4  }
0x234: {  	v5 =	vld.idx.msk [tilespmem:v3+s2+$0x0], $0xffff;
	_ =	sdelay $0x4  }
0x235: {  	vm15 =	vgt.f32 v4, v5  }
0x236: {  	v5 =	vsel vm15, $0x3F800000, v1  }
0x237: {  	(xrf0) =	vmax.scan.msk.f32 $0xffff, v5;
	_ =	sdelay $0x5  }
0x238: {  	v5, _, _ =	vpop (xrf0)  }
0x239: {  	(v2sf) =	vpush v5, $0xF;
	_ =	sdelay $0xe  }
0x23a: {  	s22 =	spop (v2sf)  }
0x23b: {  	p0 =	sgt.f32 s22, $0.0e+00  }
.Ltmp39:
0x23c: {  	_ = 	snop;
	(pc) =	sbr.rel @p0 .LBB2_38-.Ltmp39, $1  }
0x23d: {  	_ =	sdelay $0x3  }
.LBB2_39:
0x23e: {  	v3 =	vor.u32 $0x300, v2;
	_ =	sdelay $0x3  }
0x23f: {  	v4 =	vld [tilespmem:s21+$0x300]  }
0x240: {  	v5 =	vld.idx.msk [tilespmem:v3+s2+$0x0], $0xffff;
	_ =	sdelay $0x4  }
0x241: {  	vm0 =	vgt.f32 v4, v5;
	_ =	sdelay $0x5  }
0x242: {  	[tilespmem:v3+s2+$0x0] =	vst.idx.msk vm0, v4  }
0x243: {  	v5 =	vld.idx.msk [tilespmem:v3+s2+$0x0], $0xffff;
	_ =	sdelay $0x4  }
0x244: {  	vm15 =	vgt.f32 v4, v5  }
0x245: {  	v5 =	vsel vm15, $0x3F800000, v1  }
0x246: {  	(xrf0) =	vmax.scan.msk.f32 $0xffff, v5;
	_ =	sdelay $0x5  }
0x247: {  	v5, _, _ =	vpop (xrf0)  }
0x248: {  	(v2sf) =	vpush v5, $0xF;
	_ =	sdelay $0xe  }
0x249: {  	s22 =	spop (v2sf)  }
0x24a: {  	p0 =	sgt.f32 s22, $0.0e+00  }
.Ltmp40:
0x24b: {  	_ = 	snop;
	(pc) =	sbr.rel @!p0 .LBB2_41-.Ltmp40, $1  }
0x24c: {  	_ =	sdelay $0x3  }
.LBB2_40:
0x24d: {  	v5 =	vld.idx.msk [tilespmem:v3+s2+$0x0], $0xffff;
	_ =	sdelay $0x4  }
0x24e: {  	vm0 =	vgt.f32 v4, v5;
	_ =	sdelay $0x5  }
0x24f: {  	[tilespmem:v3+s2+$0x0] =	vst.idx.msk vm0, v4  }
0x250: {  	v5 =	vld.idx.msk [tilespmem:v3+s2+$0x0], $0xffff;
	_ =	sdelay $0x4  }
0x251: {  	vm15 =	vgt.f32 v4, v5  }
0x252: {  	v5 =	vsel vm15, $0x3F800000, v1  }
0x253: {  	(xrf0) =	vmax.scan.msk.f32 $0xffff, v5;
	_ =	sdelay $0x5  }
0x254: {  	v5, _, _ =	vpop (xrf0)  }
0x255: {  	(v2sf) =	vpush v5, $0xF;
	_ =	sdelay $0xe  }
0x256: {  	s22 =	spop (v2sf)  }
0x257: {  	p0 =	sgt.f32 s22, $0.0e+00  }
.Ltmp41:
0x258: {  	_ = 	snop;
	(pc) =	sbr.rel @p0 .LBB2_40-.Ltmp41, $1  }
0x259: {  	_ =	sdelay $0x3  }
.LBB2_41:
0x25a: {  	v2 =	vor.u32 $0x380, v2;
	_ =	sdelay $0x3  }
0x25b: {  	v3 =	vld [tilespmem:s21+$0x380]  }
0x25c: {  	v4 =	vld.idx.msk [tilespmem:v2+s2+$0x0], $0xffff;
	_ =	sdelay $0x4  }
0x25d: {  	vm0 =	vgt.f32 v3, v4;
	_ =	sdelay $0x5  }
0x25e: {  	[tilespmem:v2+s2+$0x0] =	vst.idx.msk vm0, v3  }
0x25f: {  	v4 =	vld.idx.msk [tilespmem:v2+s2+$0x0], $0xffff;
	_ =	sdelay $0x4  }
0x260: {  	vm15 =	vgt.f32 v3, v4  }
0x261: {  	v4 =	vsel vm15, $0x3F800000, v1  }
0x262: {  	(xrf0) =	vmax.scan.msk.f32 $0xffff, v4;
	_ =	sdelay $0x5  }
0x263: {  	v4, _, _ =	vpop (xrf0)  }
0x264: {  	(v2sf) =	vpush v4, $0xF;
	_ =	sdelay $0xe  }
0x265: {  	s31 =	spop (v2sf)  }
0x266: {  	p0 =	sgt.f32 s31, $0.0e+00  }
.Ltmp42:
0x267: {  	_ = 	snop;
	(pc) =	sbr.rel @!p0 .LBB2_43-.Ltmp42, $1  }
0x268: {  	_ =	sdelay $0x3  }
.LBB2_42:
0x269: {  	v4 =	vld.idx.msk [tilespmem:v2+s2+$0x0], $0xffff;
	_ =	sdelay $0x4  }
0x26a: {  	vm0 =	vgt.f32 v3, v4;
	_ =	sdelay $0x5  }
0x26b: {  	[tilespmem:v2+s2+$0x0] =	vst.idx.msk vm0, v3  }
0x26c: {  	v4 =	vld.idx.msk [tilespmem:v2+s2+$0x0], $0xffff;
	_ =	sdelay $0x4  }
0x26d: {  	vm15 =	vgt.f32 v3, v4  }
0x26e: {  	v4 =	vsel vm15, $0x3F800000, v1  }
0x26f: {  	(xrf0) =	vmax.scan.msk.f32 $0xffff, v4;
	_ =	sdelay $0x5  }
0x270: {  	v4, _, _ =	vpop (xrf0)  }
0x271: {  	(v2sf) =	vpush v4, $0xF;
	_ =	sdelay $0xe  }
0x272: {  	s21 =	spop (v2sf)  }
0x273: {  	p0 =	sgt.f32 s21, $0.0e+00  }
.Ltmp43:
0x274: {  	_ = 	snop;
	(pc) =	sbr.rel @p0 .LBB2_42-.Ltmp43, $1  }
0x275: {  	_ =	sdelay $0x3  }
.Ltmp44:
0x276: {  	_ = 	snop;
	(pc) =	sbr.rel .LBB2_43-.Ltmp44, $1  }
0x277: {  	_ =	sdelay $0x3  }
.LBB2_46:
0x278: {  	_ =	sfence.sel $0x180000  }
0x279: {  	[bflag:$0x0] =	sbarrier.arrive $0xFFFF  }
0x27a: {  	p0 =	sne.s32 s1, $0x0;
	_ =	strace $0x90000050  }
0x27b: {  	s0 =	sadd.s32 @!p0 $0x100000, s0;
	[bflag:$0x2] =	sbarrier.arrive $0xFFFF  }
0x27c: {  	[sflag:s0] =	ssyncadd.tile.s32 @!p0 $0x1;
	_ =	shalt  }
.Lfunc_end2:
_tile_overlayer_lowered:
.L_overlay_start_2:
0x27d: {  	(tag) =	ssettag $0x2  }
0x27e: {  	s0 =	rddreg [dreg:$0x0];
	s2 =	stileid.u32  }
0x27f: {  	s1 =	rddreg [dreg:$0x1];
	p0 =	sne.s32 s2, $0x0  }
0x280: {  	s3 =	rddreg [dreg:$0x2];
	[bflag:$0x3] =	sbarrier.arrive $0xFFFF;
	s2 =	simm.s32 @!p0 $0x1C03  }
0x281: {  	[timem:s3], [sflag:s2] =	dma.local @!p0 [hbm:s0], s1  }
0x282: {  	s0 =	simm.s32 @!p0 $0x3  }
0x283: {  	_ =	swait.ge @!p0 [sflag:s0], s1  }
0x284: {  	s1 =	ssub.s32 @!p0 $0x0, s1;
	[sflag:s0] =	ssyncset.done @!p0 $0x0  }
0x285: {  	[sflag:s0] =	ssyncadd.s32 @!p0 s1  }
0x286: {  	[bflag:$0x3] =	sbarrier.arrive $0xFFFF  }
0x287: {  	_ =	shalt  }

</sc_bundles>
